<compile_context>
chip_gen: v7x
topology: tpu7x:2x2x1
jax: 0.10.2.dev20260603
libtpu: 0.0.44.dev20260713+nightly
codegen_flags: <defaults>
</compile_context>

<pallas_src>
import jax
import jax.numpy as jnp
from jax import lax
from jax.experimental import pallas as pl
from jax.experimental.pallas import tpu as pltpu
from jax.experimental.pallas import tpu_sc as plsc

N = 10000
E = 320000
D = 128

NC = 2
NS = 16
NW = NC * NS
C = 128
CPW = 80
CPW0 = 104
CPW1 = 56
E_PAD = NW * CPW * C
N_PAD = 10112
RPT = N_PAD // NS

_MESH = plsc.VectorSubcoreMesh(core_axis_name="c", subcore_axis_name="s")


def _zero_fill(ref, val):
  rows, cols = ref.shape
  def body(i, carry):
    ref[i // (cols // 16), pl.ds((i % (cols // 16)) * 16, 16)] = (
        jnp.full((16,), val, jnp.float32))
    return carry
  lax.fori_loop(0, rows * (cols // 16), body, 0)


def _zero_spmem_slice(zsrc_v, sp, base):
  for k in range(RPT // C):
    pltpu.sync_copy(zsrc_v, sp.at[pl.ds(base + k * C, C)])
  rem = RPT % C
  if rem:
    pltpu.sync_copy(zsrc_v.at[pl.ds(0, rem)],
                    sp.at[pl.ds(base + (RPT // C) * C, rem)])


def _sc_segsum_body(table_hbm, iv_hbm, out_sum,
                    ib0, ib1, rows_a, rows_b,
                    psum_sp, gs_a, gs_b, ss_a, ss_b, is0, is1):
  cid = lax.axis_index("c")
  sid = lax.axis_index("s")
  base = sid * RPT

  _zero_fill(rows_a, 0.0)
  _zero_spmem_slice(rows_a, psum_sp, base)

  plsc.subcore_barrier()

  nq = jnp.where(cid == 0, CPW0 // 4, CPW1 // 4)
  qbase = jnp.where(cid == 0, sid * (CPW0 // 4),
                    NS * (CPW0 // 4) + sid * (CPW1 // 4))

  pltpu.sync_copy(iv_hbm.at[qbase], ib0)
  pltpu.async_copy(table_hbm.at[ib0.at[0]], rows_a, gs_a)

  def quad(q, ib, ib_nxt, is_nxt):
    not_last = q < nq - 1
    @pl.when(q > 0)
    def _():
      pltpu.make_async_copy(rows_b, psum_sp.at[ib.at[7]], ss_b).wait()
    @pl.when(not_last)
    def _():
      pltpu.async_copy(iv_hbm.at[qbase + q + 1], ib_nxt, is_nxt)
    pltpu.async_copy(table_hbm.at[ib.at[2]], rows_b, gs_b)
    pltpu.make_async_copy(table_hbm.at[ib.at[0]], rows_a, gs_a).wait()
    pltpu.async_copy(rows_a, psum_sp.at[ib.at[1]], ss_a, add=True)
    pltpu.make_async_copy(rows_a, psum_sp.at[ib.at[1]], ss_a).wait()
    pltpu.async_copy(table_hbm.at[ib.at[4]], rows_a, gs_a)
    pltpu.make_async_copy(table_hbm.at[ib.at[2]], rows_b, gs_b).wait()
    pltpu.async_copy(rows_b, psum_sp.at[ib.at[3]], ss_b, add=True)
    pltpu.make_async_copy(rows_b, psum_sp.at[ib.at[3]], ss_b).wait()
    pltpu.async_copy(table_hbm.at[ib.at[6]], rows_b, gs_b)
    pltpu.make_async_copy(table_hbm.at[ib.at[4]], rows_a, gs_a).wait()
    pltpu.async_copy(rows_a, psum_sp.at[ib.at[5]], ss_a, add=True)
    pltpu.make_async_copy(rows_a, psum_sp.at[ib.at[5]], ss_a).wait()
    @pl.when(not_last)
    def _():
      pltpu.make_async_copy(iv_hbm.at[qbase + q + 1], ib_nxt, is_nxt).wait()
      pltpu.async_copy(table_hbm.at[ib_nxt.at[0]], rows_a, gs_a)
    pltpu.make_async_copy(table_hbm.at[ib.at[6]], rows_b, gs_b).wait()
    pltpu.async_copy(rows_b, psum_sp.at[ib.at[7]], ss_b, add=True)

  def two_quads(h, carry):
    quad(2 * h, ib0, ib1, is1)
    @pl.when(2 * h + 1 < nq)
    def _():
      quad(2 * h + 1, ib1, ib0, is0)
    return carry
  lax.fori_loop(0, (nq + 1) // 2, two_quads, 0)

  last_ib = jnp.where(nq % 2 == 0, 0, 1)
  @pl.when(last_ib == 0)
  def _():
    pltpu.make_async_copy(rows_b, psum_sp.at[ib1.at[7]], ss_b).wait()
  @pl.when(last_ib == 1)
  def _():
    pltpu.make_async_copy(rows_b, psum_sp.at[ib0.at[7]], ss_b).wait()

  plsc.subcore_barrier()

  pltpu.sync_copy(psum_sp.at[pl.ds(base, RPT)],
                  out_sum.at[cid].at[pl.ds(base, RPT)])


_sc_segsum_call = pl.kernel(
    _sc_segsum_body, mesh=_MESH,
    out_type=jax.ShapeDtypeStruct((NC, N_PAD, D), jnp.float32),
    scratch_types=[
        pltpu.VMEM((8, C), jnp.int32),
        pltpu.VMEM((8, C), jnp.int32),
        pltpu.VMEM((C, D), jnp.float32),
        pltpu.VMEM((C, D), jnp.float32),
        pltpu.VMEM_SHARED((N_PAD, D), jnp.float32),
        pltpu.SemaphoreType.DMA,
        pltpu.SemaphoreType.DMA,
        pltpu.SemaphoreType.DMA,
        pltpu.SemaphoreType.DMA,
        pltpu.SemaphoreType.DMA,
        pltpu.SemaphoreType.DMA,
    ])


def _sc_count_body(dst_hbm, out_cnt, dst_a, dst_b, ones_v, cnt_sp,
                   ss_a, ss_b, is_a, is_b):
  cid = lax.axis_index("c")
  sid = lax.axis_index("s")
  wid = cid * NS + sid
  base = sid * RPT

  _zero_fill(ones_v, 0.0)
  _zero_spmem_slice(ones_v, cnt_sp, base)
  _zero_fill(ones_v, 1.0)

  plsc.subcore_barrier()

  ebase = wid * (CPW * C)
  npair = CPW // 2

  pltpu.async_copy(dst_hbm.at[pl.ds(ebase, C)], dst_a, is_a)

  def pair(g, carry):
    @pl.when(g > 0)
    def _():
      pltpu.make_async_copy(ones_v, cnt_sp.at[dst_b], ss_b).wait()
    pltpu.async_copy(dst_hbm.at[pl.ds(ebase + (2 * g + 1) * C, C)],
                     dst_b, is_b)
    pltpu.make_async_copy(dst_hbm.at[pl.ds(ebase, C)], dst_a, is_a).wait()
    pltpu.async_copy(ones_v, cnt_sp.at[dst_a], ss_a, add=True)
    pltpu.make_async_copy(dst_hbm.at[pl.ds(ebase, C)], dst_b, is_b).wait()
    pltpu.async_copy(ones_v, cnt_sp.at[dst_b], ss_b, add=True)
    pltpu.make_async_copy(ones_v, cnt_sp.at[dst_a], ss_a).wait()
    @pl.when(g < npair - 1)
    def _():
      pltpu.async_copy(dst_hbm.at[pl.ds(ebase + (2 * g + 2) * C, C)],
                       dst_a, is_a)
    return carry
  lax.fori_loop(0, npair, pair, 0)

  pltpu.make_async_copy(ones_v, cnt_sp.at[dst_b], ss_b).wait()

  plsc.subcore_barrier()

  pltpu.sync_copy(cnt_sp.at[pl.ds(base, RPT)],
                  out_cnt.at[cid].at[pl.ds(base, RPT)])


_sc_count_call = pl.kernel(
    _sc_count_body, mesh=_MESH,
    out_type=jax.ShapeDtypeStruct((NC, N_PAD, D), jnp.float32),
    scratch_types=[
        pltpu.VMEM((C,), jnp.int32),
        pltpu.VMEM((C,), jnp.int32),
        pltpu.VMEM((C, D), jnp.float32),
        pltpu.VMEM_SHARED((N_PAD, D), jnp.float32),
        pltpu.SemaphoreType.DMA,
        pltpu.SemaphoreType.DMA,
        pltpu.SemaphoreType.DMA,
        pltpu.SemaphoreType.DMA,
    ])

BR = 1000


def _tc_layer(p, cnt2, xin, w_rel, w_root, b, relu):
  def tc_body(p_ref, c_ref, x_ref, wr_ref, wt_ref, b_ref, o_ref):
    s = p_ref[0] + p_ref[1]
    cnt = c_ref[0, :, 0:1] + c_ref[1, :, 0:1]
    agg = s * (1.0 / jnp.maximum(cnt, 1.0))
    y = (jnp.dot(agg, wr_ref[...], preferred_element_type=jnp.float32)
         + jnp.dot(x_ref[...], wt_ref[...], preferred_element_type=jnp.float32)
         + b_ref[...])
    o_ref[...] = jnp.maximum(y, 0.0) if relu else y

  return pl.pallas_call(
      tc_body,
      grid=(N // BR,),
      in_specs=[
          pl.BlockSpec((NC, BR, D), lambda i: (0, i, 0)),
          pl.BlockSpec((NC, BR, D), lambda i: (0, i, 0)),
          pl.BlockSpec((BR, D), lambda i: (i, 0)),
          pl.BlockSpec((D, D), lambda i: (0, 0)),
          pl.BlockSpec((D, D), lambda i: (0, 0)),
          pl.BlockSpec((1, D), lambda i: (0, 0)),
      ],
      out_specs=pl.BlockSpec((BR, D), lambda i: (i, 0)),
      out_shape=jax.ShapeDtypeStruct((N, D), jnp.float32),
  )(p, cnt2, xin, w_rel, w_root, b)


@jax.jit
def kernel(x, edge_index, W1_rel, W1_root, b1, W2_rel, W2_root, b2):
  src = edge_index[0]
  dst = edge_index[1]
  pad = E_PAD - E
  src_p = jnp.concatenate([src, jnp.zeros((pad,), jnp.int32)])
  dst_p = jnp.concatenate([dst, jnp.full((pad,), N, jnp.int32)])

  s4 = src_p.reshape(-1, 4, C)
  d4 = dst_p.reshape(-1, 4, C)
  iv = jnp.stack([s4[:, 0], d4[:, 0], s4[:, 1], d4[:, 1],
                  s4[:, 2], d4[:, 2], s4[:, 3], d4[:, 3]], axis=1)

  cnt2 = _sc_count_call(dst_p)
  psum1 = _sc_segsum_call(x, iv)
  h = _tc_layer(psum1, cnt2, x, W1_rel, W1_root, b1.reshape(1, D), relu=True)
  psum2 = _sc_segsum_call(h, iv)
  out = _tc_layer(psum2, cnt2, h, W2_rel, W2_root, b2.reshape(1, D), relu=False)
  return out

# --- scband reference (transcript-rebuilt; emitter-appended) ---
"""Pipeline reference for scband-rgcn-1812476199285 (READ-ONLY COPY).

The authoritative reference and input builder live on the scoring server;
editing this copy changes nothing except your own understanding.
"""

import jax, jax.numpy as jnp
import numpy as np

N = 10000
E = 320000
D_IN = 128
D_HID = 128
D_OUT = 128


def _glorot(key, fan_in, fan_out):
    scale = jnp.sqrt(6.0 / (fan_in + fan_out))
    return jax.random.uniform(key, (fan_in, fan_out), dtype=jnp.float32, minval=-scale, maxval=scale)


def setup_inputs(seed: int = 0) -> dict:
    key = jax.random.key(seed)
    ks = jax.random.split(key, 8)
    x = jax.random.normal(ks[0], (N, D_IN), dtype=jnp.float32)
    edge_index = jax.random.randint(ks[1], (2, E), 0, N, dtype=jnp.int32)
    # RGCNConv params: per-relation weight (num_relations=1), root weight, bias
    W1_rel = _glorot(ks[2], D_IN, D_HID)
    W1_root = _glorot(ks[3], D_IN, D_HID)
    b1 = jnp.zeros((D_HID,), dtype=jnp.float32)
    W2_rel = _glorot(ks[4], D_HID, D_OUT)
    W2_root = _glorot(ks[5], D_HID, D_OUT)
    b2 = jnp.zeros((D_OUT,), dtype=jnp.float32)
    return {"x": x, "edge_index": edge_index, "W1_rel": W1_rel, "W1_root": W1_root, "b1": b1, "W2_rel": W2_rel, "W2_root": W2_root, "b2": b2}


def _rgcn_conv(x, edge_index, w_rel, w_root, b):
    # PyG RGCNConv with num_relations=1, edge_type all zeros, aggr='mean':
    # out = mean_{j in N(i)} (x_j) @ W_rel + x_i @ W_root + bias
    src = edge_index[0]
    dst = edge_index[1]
    msg = jnp.take(x, src, axis=0)
    agg_sum = jax.ops.segment_sum(msg, dst, num_segments=N)
    cnt = jax.ops.segment_sum(jnp.ones((edge_index.shape[1], 1), dtype=x.dtype), dst, num_segments=N)
    agg_mean = agg_sum / jnp.clip(cnt, 1.0, None)
    return agg_mean @ w_rel + x @ w_root + b


def reference(x, edge_index, W1_rel, W1_root, b1, W2_rel, W2_root, b2):
    h = jax.nn.relu(_rgcn_conv(x, edge_index, W1_rel, W1_root, b1))
    # F.dropout with training=False is identity (eval-mode reference)
    out = _rgcn_conv(h, edge_index, W2_rel, W2_root, b2)
    return out

if __name__ == "__main__":
    import jax
    _d = setup_inputs()
    print(jax.jit(kernel)(*tuple(_d.values())))

</pallas_src>

<mosaic_0001>
#map = affine_map<(d0, d1) -> (0, 0)>
#map1 = affine_map<(d0, d1) -> (0, 0, 0)>
module attributes {stable_mosaic.version = 14 : i64} {
  func.func @_sc_segsum_body(%arg0: i32, %arg1: i32, %arg2: memref<10000x128xf32, #tpu.memory_space<hbm>>, %arg3: memref<640x8x128xi32, #tpu.memory_space<hbm>>, %arg4: memref<2x10112x128xf32, #tpu.memory_space<hbm>>, %arg5: memref<8x128xi32, #tpu.memory_space<vmem>>, %arg6: memref<8x128xi32, #tpu.memory_space<vmem>>, %arg7: memref<128x128xf32, #tpu.memory_space<vmem>>, %arg8: memref<128x128xf32, #tpu.memory_space<vmem>>, %arg9: memref<10112x128xf32, #tpu.memory_space<vmem_shared>>, %arg10: memref<!tpu.dma_semaphore, #tpu.memory_space<semaphore_mem>>, %arg11: memref<!tpu.dma_semaphore, #tpu.memory_space<semaphore_mem>>, %arg12: memref<!tpu.dma_semaphore, #tpu.memory_space<semaphore_mem>>, %arg13: memref<!tpu.dma_semaphore, #tpu.memory_space<semaphore_mem>>, %arg14: memref<!tpu.dma_semaphore, #tpu.memory_space<semaphore_mem>>, %arg15: memref<!tpu.dma_semaphore, #tpu.memory_space<semaphore_mem>>) attributes {dimension_semantics = [#tpu.dimension_semantics<core_parallel>, #tpu.dimension_semantics<subcore_parallel>], iteration_bounds = array<i64: 2, 16>, scalar_prefetch = 0 : i64, scratch_operands = 11 : i64, tpu.core_type = #tpu.core_type<sc_vector_subcore>, window_params = [{transform_indices = #map}, {transform_indices = #map1}, {transform_indices = #map1}]} {
    %mul3A = arith.constant 632 : i32
    %mul3A_0 = arith.muli %arg1, %mul3A : i32
    %scan3A = arith.constant 0 : i32
    %scan3A_1 = arith.constant 0 : i32
    %scan3A_2 = arith.constant 1024 : i32
    %scan3A_3 = arith.addi %scan3A_1, %scan3A_2 : i32
    %scan3A_4 = arith.constant 1 : i32
    scf.for %scan3A_90 = %scan3A_1 to %scan3A_3 step %scan3A_4  : i32 {
      %broadcast_in_dim3A = arith.constant 0.000000e+00 : f32
      %broadcast_in_dim3A_91 = vector.broadcast %broadcast_in_dim3A : f32 to vector<16xf32>
      %jit3A_92 = arith.constant 8 : i32
      %div3A_93 = arith.divsi %scan3A_90, %jit3A_92 : i32
      %sign3A_94 = arith.constant 0 : i32
      %sign3A_95 = arith.cmpi sgt, %scan3A_90, %sign3A_94 : i32
      %sign3A_96 = arith.extui %sign3A_95 : i1 to i32
      %sign3A_97 = arith.constant 0 : i32
      %sign3A_98 = arith.cmpi slt, %scan3A_90, %sign3A_97 : i32
      %sign3A_99 = arith.extui %sign3A_98 : i1 to i32
      %sign3A_100 = arith.subi %sign3A_96, %sign3A_99 : i32
      %sign3A_101 = arith.constant 0 : i32
      %sign3A_102 = arith.cmpi sgt, %jit3A_92, %sign3A_101 : i32
      %sign3A_103 = arith.extui %sign3A_102 : i1 to i32
      %sign3A_104 = arith.constant 0 : i32
      %sign3A_105 = arith.cmpi slt, %jit3A_92, %sign3A_104 : i32
      %sign3A_106 = arith.extui %sign3A_105 : i1 to i32
      %sign3A_107 = arith.subi %sign3A_103, %sign3A_106 : i32
      %ne3A_108 = arith.cmpi ne, %sign3A_100, %sign3A_107 : i32
      %rem3A_109 = arith.remsi %scan3A_90, %jit3A_92 : i32
      %ne3A_110 = arith.constant 0 : i32
      %ne3A_111 = arith.cmpi ne, %rem3A_109, %ne3A_110 : i32
      %and3A_112 = arith.andi %ne3A_108, %ne3A_111 : i1
      %sub3A_113 = arith.constant 1 : i32
      %sub3A_114 = arith.subi %div3A_93, %sub3A_113 : i32
      %select_n3A_115 = arith.select %and3A_112, %sub3A_114, %div3A_93 : i32
      %jit3A_116 = arith.constant 8 : i32
      %eq3A_117 = arith.constant 0 : i32
      %eq3A_118 = arith.cmpi eq, %jit3A_116, %eq3A_117 : i32
      %jit3A_119 = arith.constant 1 : i32
      %select_n3A_120 = arith.select %eq3A_118, %jit3A_119, %jit3A_116 : i32
      %rem3A_121 = arith.remsi %scan3A_90, %select_n3A_120 : i32
      %ne3A_122 = arith.constant 0 : i32
      %ne3A_123 = arith.cmpi ne, %rem3A_121, %ne3A_122 : i32
      %lt3A_124 = arith.constant 0 : i32
      %lt3A_125 = arith.cmpi slt, %rem3A_121, %lt3A_124 : i32
      %lt3A_126 = arith.constant 0 : i32
      %lt3A_127 = arith.cmpi slt, %select_n3A_120, %lt3A_126 : i32
      %ne3A_128 = arith.xori %lt3A_125, %lt3A_127 : i1
      %and3A_129 = arith.andi %ne3A_128, %ne3A_123 : i1
      %add3A_130 = arith.addi %rem3A_121, %select_n3A_120 : i32
      %select_n3A_131 = arith.select %and3A_129, %add3A_130, %rem3A_121 : i32
      %mul3A_132 = arith.constant 16 : i32
      %mul3A_133 = arith.muli %select_n3A_131, %mul3A_132 : i32
      %swap3A = arith.index_cast %select_n3A_115 : i32 to index
      %swap3A_134 = arith.index_cast %mul3A_133 : i32 to index
      %swap3A_135 = tpu.vector_load %arg7[%swap3A, %swap3A_134] {strides = array<i32>} : memref<128x128xf32, #tpu.memory_space<vmem>>, vector<1x16xf32>,
      %swap3A_136 = vector.shape_cast %swap3A_135 : vector<1x16xf32> to vector<16xf32>
      %swap3A_137 = vector.shape_cast %broadcast_in_dim3A_91 : vector<16xf32> to vector<1x16xf32>
      tpu.vector_store %arg7[%swap3A, %swap3A_134], %swap3A_137 {strides = array<i32>} : memref<128x128xf32, #tpu.memory_space<vmem>>, vector<1x16xf32>,
    }
    %scan3A_5 = arith.constant 1024 : i32
    %add3A = arith.constant 0 : i32
    %add3A_6 = arith.addi %mul3A_0, %add3A : i32
    "tpu.region"() ({
      %run_scoped3A = tpu.sem_alloc : memref<!tpu.dma_semaphore, #tpu.memory_space<semaphore_mem>>
      %dma_start3A_90 = arith.constant 0 : i32
      %dma_start3A_91 = tpu.memref_slice %arg9[%add3A_6, %dma_start3A_90] : memref<10112x128xf32, #tpu.memory_space<vmem_shared>> -> memref<128x128xf32, #tpu.memory_space<vmem_shared>>
      %dma_start3A_92 = arith.constant 0 : i32
      %dma_start3A_93 = tpu.memref_slice %arg9[%add3A_6, %dma_start3A_92] : memref<10112x128xf32, #tpu.memory_space<vmem_shared>> -> memref<128x128xf32, #tpu.memory_space<vmem_shared>>
      tpu.enqueue_dma source(%arg7 : memref<128x128xf32, #tpu.memory_space<vmem>>) target(%dma_start3A_93 : memref<128x128xf32, #tpu.memory_space<vmem_shared>>) target_semaphore(%run_scoped3A : memref<!tpu.dma_semaphore, #tpu.memory_space<semaphore_mem>>)
      %dma_wait3A = arith.constant 0 : i32
      %dma_wait3A_94 = tpu.memref_slice %arg9[%add3A_6, %dma_wait3A] : memref<10112x128xf32, #tpu.memory_space<vmem_shared>> -> memref<128x128xf32, #tpu.memory_space<vmem_shared>>
      %dma_wait3A_95 = arith.constant 0 : i32
      %dma_wait3A_96 = tpu.memref_slice %arg9[%add3A_6, %dma_wait3A_95] : memref<10112x128xf32, #tpu.memory_space<vmem_shared>> -> memref<128x128xf32, #tpu.memory_space<vmem_shared>>
      tpu.wait_dma2 semaphore(%run_scoped3A : memref<!tpu.dma_semaphore, #tpu.memory_space<semaphore_mem>>) src(%arg7 : memref<128x128xf32, #tpu.memory_space<vmem>>) dst(%dma_wait3A_96 : memref<128x128xf32, #tpu.memory_space<vmem_shared>>)
      tpu.yield
    }) : () -> ()
    %add3A_7 = arith.constant 128 : i32
    %add3A_8 = arith.addi %mul3A_0, %add3A_7 : i32
    "tpu.region"() ({
      %run_scoped3A = tpu.sem_alloc : memref<!tpu.dma_semaphore, #tpu.memory_space<semaphore_mem>>
      %dma_start3A_90 = arith.constant 0 : i32
      %dma_start3A_91 = tpu.memref_slice %arg9[%add3A_8, %dma_start3A_90] : memref<10112x128xf32, #tpu.memory_space<vmem_shared>> -> memref<128x128xf32, #tpu.memory_space<vmem_shared>>
      %dma_start3A_92 = arith.constant 0 : i32
      %dma_start3A_93 = tpu.memref_slice %arg9[%add3A_8, %dma_start3A_92] : memref<10112x128xf32, #tpu.memory_space<vmem_shared>> -> memref<128x128xf32, #tpu.memory_space<vmem_shared>>
      tpu.enqueue_dma source(%arg7 : memref<128x128xf32, #tpu.memory_space<vmem>>) target(%dma_start3A_93 : memref<128x128xf32, #tpu.memory_space<vmem_shared>>) target_semaphore(%run_scoped3A : memref<!tpu.dma_semaphore, #tpu.memory_space<semaphore_mem>>)
      %dma_wait3A = arith.constant 0 : i32
      %dma_wait3A_94 = tpu.memref_slice %arg9[%add3A_8, %dma_wait3A] : memref<10112x128xf32, #tpu.memory_space<vmem_shared>> -> memref<128x128xf32, #tpu.memory_space<vmem_shared>>
      %dma_wait3A_95 = arith.constant 0 : i32
      %dma_wait3A_96 = tpu.memref_slice %arg9[%add3A_8, %dma_wait3A_95] : memref<10112x128xf32, #tpu.memory_space<vmem_shared>> -> memref<128x128xf32, #tpu.memory_space<vmem_shared>>
      tpu.wait_dma2 semaphore(%run_scoped3A : memref<!tpu.dma_semaphore, #tpu.memory_space<semaphore_mem>>) src(%arg7 : memref<128x128xf32, #tpu.memory_space<vmem>>) dst(%dma_wait3A_96 : memref<128x128xf32, #tpu.memory_space<vmem_shared>>)
      tpu.yield
    }) : () -> ()
    %add3A_9 = arith.constant 256 : i32
    %add3A_10 = arith.addi %mul3A_0, %add3A_9 : i32
    "tpu.region"() ({
      %run_scoped3A = tpu.sem_alloc : memref<!tpu.dma_semaphore, #tpu.memory_space<semaphore_mem>>
      %dma_start3A_90 = arith.constant 0 : i32
      %dma_start3A_91 = tpu.memref_slice %arg9[%add3A_10, %dma_start3A_90] : memref<10112x128xf32, #tpu.memory_space<vmem_shared>> -> memref<128x128xf32, #tpu.memory_space<vmem_shared>>
      %dma_start3A_92 = arith.constant 0 : i32
      %dma_start3A_93 = tpu.memref_slice %arg9[%add3A_10, %dma_start3A_92] : memref<10112x128xf32, #tpu.memory_space<vmem_shared>> -> memref<128x128xf32, #tpu.memory_space<vmem_shared>>
      tpu.enqueue_dma source(%arg7 : memref<128x128xf32, #tpu.memory_space<vmem>>) target(%dma_start3A_93 : memref<128x128xf32, #tpu.memory_space<vmem_shared>>) target_semaphore(%run_scoped3A : memref<!tpu.dma_semaphore, #tpu.memory_space<semaphore_mem>>)
      %dma_wait3A = arith.constant 0 : i32
      %dma_wait3A_94 = tpu.memref_slice %arg9[%add3A_10, %dma_wait3A] : memref<10112x128xf32, #tpu.memory_space<vmem_shared>> -> memref<128x128xf32, #tpu.memory_space<vmem_shared>>
      %dma_wait3A_95 = arith.constant 0 : i32
      %dma_wait3A_96 = tpu.memref_slice %arg9[%add3A_10, %dma_wait3A_95] : memref<10112x128xf32, #tpu.memory_space<vmem_shared>> -> memref<128x128xf32, #tpu.memory_space<vmem_shared>>
      tpu.wait_dma2 semaphore(%run_scoped3A : memref<!tpu.dma_semaphore, #tpu.memory_space<semaphore_mem>>) src(%arg7 : memref<128x128xf32, #tpu.memory_space<vmem>>) dst(%dma_wait3A_96 : memref<128x128xf32, #tpu.memory_space<vmem_shared>>)
      tpu.yield
    }) : () -> ()
    %add3A_11 = arith.constant 384 : i32
    %add3A_12 = arith.addi %mul3A_0, %add3A_11 : i32
    "tpu.region"() ({
      %run_scoped3A = tpu.sem_alloc : memref<!tpu.dma_semaphore, #tpu.memory_space<semaphore_mem>>
      %dma_start3A_90 = arith.constant 0 : i32
      %dma_start3A_91 = tpu.memref_slice %arg9[%add3A_12, %dma_start3A_90] : memref<10112x128xf32, #tpu.memory_space<vmem_shared>> -> memref<128x128xf32, #tpu.memory_space<vmem_shared>>
      %dma_start3A_92 = arith.constant 0 : i32
      %dma_start3A_93 = tpu.memref_slice %arg9[%add3A_12, %dma_start3A_92] : memref<10112x128xf32, #tpu.memory_space<vmem_shared>> -> memref<128x128xf32, #tpu.memory_space<vmem_shared>>
      tpu.enqueue_dma source(%arg7 : memref<128x128xf32, #tpu.memory_space<vmem>>) target(%dma_start3A_93 : memref<128x128xf32, #tpu.memory_space<vmem_shared>>) target_semaphore(%run_scoped3A : memref<!tpu.dma_semaphore, #tpu.memory_space<semaphore_mem>>)
      %dma_wait3A = arith.constant 0 : i32
      %dma_wait3A_94 = tpu.memref_slice %arg9[%add3A_12, %dma_wait3A] : memref<10112x128xf32, #tpu.memory_space<vmem_shared>> -> memref<128x128xf32, #tpu.memory_space<vmem_shared>>
      %dma_wait3A_95 = arith.constant 0 : i32
      %dma_wait3A_96 = tpu.memref_slice %arg9[%add3A_12, %dma_wait3A_95] : memref<10112x128xf32, #tpu.memory_space<vmem_shared>> -> memref<128x128xf32, #tpu.memory_space<vmem_shared>>
      tpu.wait_dma2 semaphore(%run_scoped3A : memref<!tpu.dma_semaphore, #tpu.memory_space<semaphore_mem>>) src(%arg7 : memref<128x128xf32, #tpu.memory_space<vmem>>) dst(%dma_wait3A_96 : memref<128x128xf32, #tpu.memory_space<vmem_shared>>)
      tpu.yield
    }) : () -> ()
    %add3A_13 = arith.constant 512 : i32
    %add3A_14 = arith.addi %mul3A_0, %add3A_13 : i32
    "tpu.region"() ({
      %run_scoped3A = tpu.sem_alloc : memref<!tpu.dma_semaphore, #tpu.memory_space<semaphore_mem>>
      %dma_start3A_90 = arith.constant 0 : i32
      %dma_start3A_91 = arith.constant 0 : i32
      %dma_start3A_92 = tpu.memref_slice %arg7[%dma_start3A_90, %dma_start3A_91] : memref<128x128xf32, #tpu.memory_space<vmem>> -> memref<120x128xf32, #tpu.memory_space<vmem>>
      %dma_start3A_93 = arith.constant 0 : i32
      %dma_start3A_94 = tpu.memref_slice %arg9[%add3A_14, %dma_start3A_93] : memref<10112x128xf32, #tpu.memory_space<vmem_shared>> -> memref<120x128xf32, #tpu.memory_space<vmem_shared>>
      %dma_start3A_95 = arith.constant 0 : i32
      %dma_start3A_96 = tpu.memref_slice %arg9[%add3A_14, %dma_start3A_95] : memref<10112x128xf32, #tpu.memory_space<vmem_shared>> -> memref<120x128xf32, #tpu.memory_space<vmem_shared>>
      %dma_start3A_97 = arith.constant 0 : i32
      %dma_start3A_98 = arith.constant 0 : i32
      %dma_start3A_99 = tpu.memref_slice %arg7[%dma_start3A_97, %dma_start3A_98] : memref<128x128xf32, #tpu.memory_space<vmem>> -> memref<120x128xf32, #tpu.memory_space<vmem>>
      tpu.enqueue_dma source(%dma_start3A_99 : memref<120x128xf32, #tpu.memory_space<vmem>>) target(%dma_start3A_96 : memref<120x128xf32, #tpu.memory_space<vmem_shared>>) target_semaphore(%run_scoped3A : memref<!tpu.dma_semaphore, #tpu.memory_space<semaphore_mem>>)
      %dma_wait3A = arith.constant 0 : i32
      %dma_wait3A_100 = arith.constant 0 : i32
      %dma_wait3A_101 = tpu.memref_slice %arg7[%dma_wait3A, %dma_wait3A_100] : memref<128x128xf32, #tpu.memory_space<vmem>> -> memref<120x128xf32, #tpu.memory_space<vmem>>
      %dma_wait3A_102 = arith.constant 0 : i32
      %dma_wait3A_103 = tpu.memref_slice %arg9[%add3A_14, %dma_wait3A_102] : memref<10112x128xf32, #tpu.memory_space<vmem_shared>> -> memref<120x128xf32, #tpu.memory_space<vmem_shared>>
      %dma_wait3A_104 = arith.constant 0 : i32
      %dma_wait3A_105 = tpu.memref_slice %arg9[%add3A_14, %dma_wait3A_104] : memref<10112x128xf32, #tpu.memory_space<vmem_shared>> -> memref<120x128xf32, #tpu.memory_space<vmem_shared>>
      %dma_wait3A_106 = arith.constant 0 : i32
      %dma_wait3A_107 = arith.constant 0 : i32
      %dma_wait3A_108 = tpu.memref_slice %arg7[%dma_wait3A_106, %dma_wait3A_107] : memref<128x128xf32, #tpu.memory_space<vmem>> -> memref<120x128xf32, #tpu.memory_space<vmem>>
      tpu.wait_dma2 semaphore(%run_scoped3A : memref<!tpu.dma_semaphore, #tpu.memory_space<semaphore_mem>>) src(%dma_wait3A_108 : memref<120x128xf32, #tpu.memory_space<vmem>>) dst(%dma_wait3A_105 : memref<120x128xf32, #tpu.memory_space<vmem_shared>>)
      tpu.yield
    }) : () -> ()
    %barrier3A = arith.constant 0 : index
    tpu.barrier barrier_id(%barrier3A)
    %eq3A = arith.constant 0 : i32
    %eq3A_15 = arith.cmpi eq, %arg0, %eq3A : i32
    %jit3A = arith.constant 26 : i32
    %jit3A_16 = arith.constant 14 : i32
    %select_n3A = arith.select %eq3A_15, %jit3A, %jit3A_16 : i32
    %eq3A_17 = arith.constant 0 : i32
    %eq3A_18 = arith.cmpi eq, %arg0, %eq3A_17 : i32
    %mul3A_19 = arith.constant 26 : i32
    %mul3A_20 = arith.muli %arg1, %mul3A_19 : i32
    %mul3A_21 = arith.constant 14 : i32
    %mul3A_22 = arith.muli %arg1, %mul3A_21 : i32
    %add3A_23 = arith.constant 416 : i32
    %add3A_24 = arith.addi %add3A_23, %mul3A_22 : i32
    %select_n3A_25 = arith.select %eq3A_18, %mul3A_20, %add3A_24 : i32
    "tpu.region"() ({
      %run_scoped3A = tpu.sem_alloc : memref<!tpu.dma_semaphore, #tpu.memory_space<semaphore_mem>>
      %dma_start3A_90 = arith.constant 0 : i32
      %dma_start3A_91 = arith.constant 0 : i32
      %dma_start3A_92 = tpu.memref_slice %arg3[%select_n3A_25, %dma_start3A_90, %dma_start3A_91] : memref<640x8x128xi32, #tpu.memory_space<hbm>> -> memref<1x8x128xi32, #tpu.memory_space<hbm>>
      %dma_start3A_93 = tpu.memref_squeeze %dma_start3A_92 : memref<1x8x128xi32, #tpu.memory_space<hbm>> -> memref<8x128xi32, #tpu.memory_space<hbm>>
      %dma_start3A_94 = arith.constant 0 : i32
      %dma_start3A_95 = arith.constant 0 : i32
      %dma_start3A_96 = tpu.memref_slice %arg3[%select_n3A_25, %dma_start3A_94, %dma_start3A_95] : memref<640x8x128xi32, #tpu.memory_space<hbm>> -> memref<1x8x128xi32, #tpu.memory_space<hbm>>
      %dma_start3A_97 = tpu.memref_squeeze %dma_start3A_96 : memref<1x8x128xi32, #tpu.memory_space<hbm>> -> memref<8x128xi32, #tpu.memory_space<hbm>>
      tpu.enqueue_dma source(%dma_start3A_97 : memref<8x128xi32, #tpu.memory_space<hbm>>) target(%arg5 : memref<8x128xi32, #tpu.memory_space<vmem>>) target_semaphore(%run_scoped3A : memref<!tpu.dma_semaphore, #tpu.memory_space<semaphore_mem>>)
      %dma_wait3A = arith.constant 0 : i32
      %dma_wait3A_98 = arith.constant 0 : i32
      %dma_wait3A_99 = tpu.memref_slice %arg3[%select_n3A_25, %dma_wait3A, %dma_wait3A_98] : memref<640x8x128xi32, #tpu.memory_space<hbm>> -> memref<1x8x128xi32, #tpu.memory_space<hbm>>
      %dma_wait3A_100 = tpu.memref_squeeze %dma_wait3A_99 : memref<1x8x128xi32, #tpu.memory_space<hbm>> -> memref<8x128xi32, #tpu.memory_space<hbm>>
      %dma_wait3A_101 = arith.constant 0 : i32
      %dma_wait3A_102 = arith.constant 0 : i32
      %dma_wait3A_103 = tpu.memref_slice %arg3[%select_n3A_25, %dma_wait3A_101, %dma_wait3A_102] : memref<640x8x128xi32, #tpu.memory_space<hbm>> -> memref<1x8x128xi32, #tpu.memory_space<hbm>>
      %dma_wait3A_104 = tpu.memref_squeeze %dma_wait3A_103 : memref<1x8x128xi32, #tpu.memory_space<hbm>> -> memref<8x128xi32, #tpu.memory_space<hbm>>
      tpu.wait_dma2 semaphore(%run_scoped3A : memref<!tpu.dma_semaphore, #tpu.memory_space<semaphore_mem>>) src(%dma_wait3A_104 : memref<8x128xi32, #tpu.memory_space<hbm>>) dst(%arg5 : memref<8x128xi32, #tpu.memory_space<vmem>>)
      tpu.yield
    }) : () -> ()
    %dma_start3A = arith.constant 0 : i32
    %dma_start3A_26 = arith.constant 0 : i32
    %dma_start3A_27 = tpu.memref_slice %arg5[%dma_start3A, %dma_start3A_26] : memref<8x128xi32, #tpu.memory_space<vmem>> -> memref<1x128xi32, #tpu.memory_space<vmem>>
    %dma_start3A_28 = tpu.memref_squeeze %dma_start3A_27 : memref<1x128xi32, #tpu.memory_space<vmem>> -> memref<128xi32, #tpu.memory_space<vmem>>
    %dma_start3A_29 = arith.constant 0 : i32
    %dma_start3A_30 = arith.constant 0 : i32
    %dma_start3A_31 = tpu.memref_slice %arg2[%dma_start3A_29, %dma_start3A_30] : memref<10000x128xf32, #tpu.memory_space<hbm>> -> memref<10000x128xf32, #tpu.memory_space<hbm>>
    tpu.enqueue_indirect_dma source(%dma_start3A_31 : memref<10000x128xf32, #tpu.memory_space<hbm>>) target(%arg7 : memref<128x128xf32, #tpu.memory_space<vmem>>) offsets(%dma_start3A_28 : memref<128xi32, #tpu.memory_space<vmem>>) semaphore(%arg10 : memref<!tpu.dma_semaphore, #tpu.memory_space<semaphore_mem>>)
    %add3A_32 = arith.constant 1 : i32
    %add3A_33 = arith.addi %select_n3A, %add3A_32 : i32
    %jit3A_34 = arith.constant 2 : i32
    %div3A = arith.divsi %add3A_33, %jit3A_34 : i32
    %sign3A = arith.constant 0 : i32
    %sign3A_35 = arith.cmpi sgt, %add3A_33, %sign3A : i32
    %sign3A_36 = arith.extui %sign3A_35 : i1 to i32
    %sign3A_37 = arith.constant 0 : i32
    %sign3A_38 = arith.cmpi slt, %add3A_33, %sign3A_37 : i32
    %sign3A_39 = arith.extui %sign3A_38 : i1 to i32
    %sign3A_40 = arith.subi %sign3A_36, %sign3A_39 : i32
    %sign3A_41 = arith.constant 0 : i32
    %sign3A_42 = arith.cmpi sgt, %jit3A_34, %sign3A_41 : i32
    %sign3A_43 = arith.extui %sign3A_42 : i1 to i32
    %sign3A_44 = arith.constant 0 : i32
    %sign3A_45 = arith.cmpi slt, %jit3A_34, %sign3A_44 : i32
    %sign3A_46 = arith.extui %sign3A_45 : i1 to i32
    %sign3A_47 = arith.subi %sign3A_43, %sign3A_46 : i32
    %ne3A = arith.cmpi ne, %sign3A_40, %sign3A_47 : i32
    %rem3A = arith.remsi %add3A_33, %jit3A_34 : i32
    %ne3A_48 = arith.constant 0 : i32
    %ne3A_49 = arith.cmpi ne, %rem3A, %ne3A_48 : i32
    %and3A = arith.andi %ne3A, %ne3A_49 : i1
    %sub3A = arith.constant 1 : i32
    %sub3A_50 = arith.subi %div3A, %sub3A : i32
    %select_n3A_51 = arith.select %and3A, %sub3A_50, %div3A : i32
    %while3A = arith.constant 0 : i32
    %while3A_52 = arith.constant 0 : i32
    %while3A_53 = arith.subi %select_n3A_51, %while3A_52 : i32
    %while3A_54 = arith.addi %while3A_52, %while3A_53 : i32
    %while3A_55 = arith.constant 1 : i32
    %while3A_56 = arith.divsi %while3A_53, %while3A_55 : i32
    %while3A_57 = arith.muli %while3A_56, %while3A_55 : i32
    %while3A_58 = arith.addi %while3A_52, %while3A_57 : i32
    %while3A_59 = arith.constant 1 : i32
    scf.for %while3A_90 = %while3A_52 to %while3A_58 step %while3A_59  : i32 {
      %mul3A_91 = arith.constant 2 : i32
      %mul3A_92 = arith.muli %mul3A_91, %while3A_90 : i32
      %sub3A_93 = arith.constant 1 : i32
      %sub3A_94 = arith.subi %select_n3A, %sub3A_93 : i32
      %lt3A_95 = arith.cmpi slt, %mul3A_92, %sub3A_94 : i32
      %gt3A = arith.constant 0 : i32
      %gt3A_96 = arith.cmpi sgt, %mul3A_92, %gt3A : i32
      %convert_element_type3A_97 = arith.extui %gt3A_96 : i1 to i32
      %cond3A_98 = arith.constant 0 : i32
      %cond3A_99 = arith.cmpi ne, %convert_element_type3A_97, %cond3A_98 : i32
      scf.if %cond3A_99 {
        %dma_wait3A_211 = arith.constant 7 : i32
        %dma_wait3A_212 = arith.constant 0 : i32
        %dma_wait3A_213 = tpu.memref_slice %arg5[%dma_wait3A_211, %dma_wait3A_212] : memref<8x128xi32, #tpu.memory_space<vmem>> -> memref<1x128xi32, #tpu.memory_space<vmem>>
        %dma_wait3A_214 = tpu.memref_squeeze %dma_wait3A_213 : memref<1x128xi32, #tpu.memory_space<vmem>> -> memref<128xi32, #tpu.memory_space<vmem>>
        %dma_wait3A_215 = arith.constant 0 : i32
        %dma_wait3A_216 = arith.constant 0 : i32
        %dma_wait3A_217 = tpu.memref_slice %arg9[%dma_wait3A_215, %dma_wait3A_216] : memref<10112x128xf32, #tpu.memory_space<vmem_shared>> -> memref<10112x128xf32, #tpu.memory_space<vmem_shared>>
        tpu.wait_indirect_dma semaphore(%arg13 : memref<!tpu.dma_semaphore, #tpu.memory_space<semaphore_mem>>) src(%arg8 : memref<128x128xf32, #tpu.memory_space<vmem>>) dst(%dma_wait3A_217 : memref<10112x128xf32, #tpu.memory_space<vmem_shared>>)
      } else {
      }
      %convert_element_type3A_100 = arith.extui %lt3A_95 : i1 to i32
      %cond3A_101 = arith.constant 0 : i32
      %cond3A_102 = arith.cmpi ne, %convert_element_type3A_100, %cond3A_101 : i32
      scf.if %cond3A_102 {
        %add3A_211 = arith.addi %select_n3A_25, %mul3A_92 : i32
        %add3A_212 = arith.constant 1 : i32
        %add3A_213 = arith.addi %add3A_211, %add3A_212 : i32
        %dma_start3A_214 = arith.constant 0 : i32
        %dma_start3A_215 = arith.constant 0 : i32
        %dma_start3A_216 = tpu.memref_slice %arg3[%add3A_213, %dma_start3A_214, %dma_start3A_215] : memref<640x8x128xi32, #tpu.memory_space<hbm>> -> memref<1x8x128xi32, #tpu.memory_space<hbm>>
        %dma_start3A_217 = tpu.memref_squeeze %dma_start3A_216 : memref<1x8x128xi32, #tpu.memory_space<hbm>> -> memref<8x128xi32, #tpu.memory_space<hbm>>
        %dma_start3A_218 = arith.constant 0 : i32
        %dma_start3A_219 = arith.constant 0 : i32
        %dma_start3A_220 = tpu.memref_slice %arg3[%add3A_213, %dma_start3A_218, %dma_start3A_219] : memref<640x8x128xi32, #tpu.memory_space<hbm>> -> memref<1x8x128xi32, #tpu.memory_space<hbm>>
        %dma_start3A_221 = tpu.memref_squeeze %dma_start3A_220 : memref<1x8x128xi32, #tpu.memory_space<hbm>> -> memref<8x128xi32, #tpu.memory_space<hbm>>
        tpu.enqueue_dma source(%dma_start3A_221 : memref<8x128xi32, #tpu.memory_space<hbm>>) target(%arg6 : memref<8x128xi32, #tpu.memory_space<vmem>>) target_semaphore(%arg15 : memref<!tpu.dma_semaphore, #tpu.memory_space<semaphore_mem>>)
      } else {
      }
      %dma_start3A_103 = arith.constant 2 : i32
      %dma_start3A_104 = arith.constant 0 : i32
      %dma_start3A_105 = tpu.memref_slice %arg5[%dma_start3A_103, %dma_start3A_104] : memref<8x128xi32, #tpu.memory_space<vmem>> -> memref<1x128xi32, #tpu.memory_space<vmem>>
      %dma_start3A_106 = tpu.memref_squeeze %dma_start3A_105 : memref<1x128xi32, #tpu.memory_space<vmem>> -> memref<128xi32, #tpu.memory_space<vmem>>
      %dma_start3A_107 = arith.constant 0 : i32
      %dma_start3A_108 = arith.constant 0 : i32
      %dma_start3A_109 = tpu.memref_slice %arg2[%dma_start3A_107, %dma_start3A_108] : memref<10000x128xf32, #tpu.memory_space<hbm>> -> memref<10000x128xf32, #tpu.memory_space<hbm>>
      tpu.enqueue_indirect_dma source(%dma_start3A_109 : memref<10000x128xf32, #tpu.memory_space<hbm>>) target(%arg8 : memref<128x128xf32, #tpu.memory_space<vmem>>) offsets(%dma_start3A_106 : memref<128xi32, #tpu.memory_space<vmem>>) semaphore(%arg11 : memref<!tpu.dma_semaphore, #tpu.memory_space<semaphore_mem>>)
      %dma_wait3A = arith.constant 0 : i32
      %dma_wait3A_110 = arith.constant 0 : i32
      %dma_wait3A_111 = tpu.memref_slice %arg5[%dma_wait3A, %dma_wait3A_110] : memref<8x128xi32, #tpu.memory_space<vmem>> -> memref<1x128xi32, #tpu.memory_space<vmem>>
      %dma_wait3A_112 = tpu.memref_squeeze %dma_wait3A_111 : memref<1x128xi32, #tpu.memory_space<vmem>> -> memref<128xi32, #tpu.memory_space<vmem>>
      %dma_wait3A_113 = arith.constant 0 : i32
      %dma_wait3A_114 = arith.constant 0 : i32
      %dma_wait3A_115 = tpu.memref_slice %arg2[%dma_wait3A_113, %dma_wait3A_114] : memref<10000x128xf32, #tpu.memory_space<hbm>> -> memref<10000x128xf32, #tpu.memory_space<hbm>>
      tpu.wait_indirect_dma semaphore(%arg10 : memref<!tpu.dma_semaphore, #tpu.memory_space<semaphore_mem>>) src(%dma_wait3A_115 : memref<10000x128xf32, #tpu.memory_space<hbm>>) dst(%arg7 : memref<128x128xf32, #tpu.memory_space<vmem>>)
      %dma_start3A_116 = arith.constant 1 : i32
      %dma_start3A_117 = arith.constant 0 : i32
      %dma_start3A_118 = tpu.memref_slice %arg5[%dma_start3A_116, %dma_start3A_117] : memref<8x128xi32, #tpu.memory_space<vmem>> -> memref<1x128xi32, #tpu.memory_space<vmem>>
      %dma_start3A_119 = tpu.memref_squeeze %dma_start3A_118 : memref<1x128xi32, #tpu.memory_space<vmem>> -> memref<128xi32, #tpu.memory_space<vmem>>
      %dma_start3A_120 = arith.constant 0 : i32
      %dma_start3A_121 = arith.constant 0 : i32
      %dma_start3A_122 = tpu.memref_slice %arg9[%dma_start3A_120, %dma_start3A_121] : memref<10112x128xf32, #tpu.memory_space<vmem_shared>> -> memref<10112x128xf32, #tpu.memory_space<vmem_shared>>
      tpu.enqueue_indirect_dma source(%arg7 : memref<128x128xf32, #tpu.memory_space<vmem>>) target(%dma_start3A_122 : memref<10112x128xf32, #tpu.memory_space<vmem_shared>>) offsets(%dma_start3A_119 : memref<128xi32, #tpu.memory_space<vmem>>) semaphore(%arg12 : memref<!tpu.dma_semaphore, #tpu.memory_space<semaphore_mem>>) {add = true}
      %dma_wait3A_123 = arith.constant 1 : i32
      %dma_wait3A_124 = arith.constant 0 : i32
      %dma_wait3A_125 = tpu.memref_slice %arg5[%dma_wait3A_123, %dma_wait3A_124] : memref<8x128xi32, #tpu.memory_space<vmem>> -> memref<1x128xi32, #tpu.memory_space<vmem>>
      %dma_wait3A_126 = tpu.memref_squeeze %dma_wait3A_125 : memref<1x128xi32, #tpu.memory_space<vmem>> -> memref<128xi32, #tpu.memory_space<vmem>>
      %dma_wait3A_127 = arith.constant 0 : i32
      %dma_wait3A_128 = arith.constant 0 : i32
      %dma_wait3A_129 = tpu.memref_slice %arg9[%dma_wait3A_127, %dma_wait3A_128] : memref<10112x128xf32, #tpu.memory_space<vmem_shared>> -> memref<10112x128xf32, #tpu.memory_space<vmem_shared>>
      tpu.wait_indirect_dma semaphore(%arg12 : memref<!tpu.dma_semaphore, #tpu.memory_space<semaphore_mem>>) src(%arg7 : memref<128x128xf32, #tpu.memory_space<vmem>>) dst(%dma_wait3A_129 : memref<10112x128xf32, #tpu.memory_space<vmem_shared>>)
      %dma_start3A_130 = arith.constant 4 : i32
      %dma_start3A_131 = arith.constant 0 : i32
      %dma_start3A_132 = tpu.memref_slice %arg5[%dma_start3A_130, %dma_start3A_131] : memref<8x128xi32, #tpu.memory_space<vmem>> -> memref<1x128xi32, #tpu.memory_space<vmem>>
      %dma_start3A_133 = tpu.memref_squeeze %dma_start3A_132 : memref<1x128xi32, #tpu.memory_space<vmem>> -> memref<128xi32, #tpu.memory_space<vmem>>
      %dma_start3A_134 = arith.constant 0 : i32
      %dma_start3A_135 = arith.constant 0 : i32
      %dma_start3A_136 = tpu.memref_slice %arg2[%dma_start3A_134, %dma_start3A_135] : memref<10000x128xf32, #tpu.memory_space<hbm>> -> memref<10000x128xf32, #tpu.memory_space<hbm>>
      tpu.enqueue_indirect_dma source(%dma_start3A_136 : memref<10000x128xf32, #tpu.memory_space<hbm>>) target(%arg7 : memref<128x128xf32, #tpu.memory_space<vmem>>) offsets(%dma_start3A_133 : memref<128xi32, #tpu.memory_space<vmem>>) semaphore(%arg10 : memref<!tpu.dma_semaphore, #tpu.memory_space<semaphore_mem>>)
      %dma_wait3A_137 = arith.constant 2 : i32
      %dma_wait3A_138 = arith.constant 0 : i32
      %dma_wait3A_139 = tpu.memref_slice %arg5[%dma_wait3A_137, %dma_wait3A_138] : memref<8x128xi32, #tpu.memory_space<vmem>> -> memref<1x128xi32, #tpu.memory_space<vmem>>
      %dma_wait3A_140 = tpu.memref_squeeze %dma_wait3A_139 : memref<1x128xi32, #tpu.memory_space<vmem>> -> memref<128xi32, #tpu.memory_space<vmem>>
      %dma_wait3A_141 = arith.constant 0 : i32
      %dma_wait3A_142 = arith.constant 0 : i32
      %dma_wait3A_143 = tpu.memref_slice %arg2[%dma_wait3A_141, %dma_wait3A_142] : memref<10000x128xf32, #tpu.memory_space<hbm>> -> memref<10000x128xf32, #tpu.memory_space<hbm>>
      tpu.wait_indirect_dma semaphore(%arg11 : memref<!tpu.dma_semaphore, #tpu.memory_space<semaphore_mem>>) src(%dma_wait3A_143 : memref<10000x128xf32, #tpu.memory_space<hbm>>) dst(%arg8 : memref<128x128xf32, #tpu.memory_space<vmem>>)
      %dma_start3A_144 = arith.constant 3 : i32
      %dma_start3A_145 = arith.constant 0 : i32
      %dma_start3A_146 = tpu.memref_slice %arg5[%dma_start3A_144, %dma_start3A_145] : memref<8x128xi32, #tpu.memory_space<vmem>> -> memref<1x128xi32, #tpu.memory_space<vmem>>
      %dma_start3A_147 = tpu.memref_squeeze %dma_start3A_146 : memref<1x128xi32, #tpu.memory_space<vmem>> -> memref<128xi32, #tpu.memory_space<vmem>>
      %dma_start3A_148 = arith.constant 0 : i32
      %dma_start3A_149 = arith.constant 0 : i32
      %dma_start3A_150 = tpu.memref_slice %arg9[%dma_start3A_148, %dma_start3A_149] : memref<10112x128xf32, #tpu.memory_space<vmem_shared>> -> memref<10112x128xf32, #tpu.memory_space<vmem_shared>>
      tpu.enqueue_indirect_dma source(%arg8 : memref<128x128xf32, #tpu.memory_space<vmem>>) target(%dma_start3A_150 : memref<10112x128xf32, #tpu.memory_space<vmem_shared>>) offsets(%dma_start3A_147 : memref<128xi32, #tpu.memory_space<vmem>>) semaphore(%arg13 : memref<!tpu.dma_semaphore, #tpu.memory_space<semaphore_mem>>) {add = true}
      %dma_wait3A_151 = arith.constant 3 : i32
      %dma_wait3A_152 = arith.constant 0 : i32
      %dma_wait3A_153 = tpu.memref_slice %arg5[%dma_wait3A_151, %dma_wait3A_152] : memref<8x128xi32, #tpu.memory_space<vmem>> -> memref<1x128xi32, #tpu.memory_space<vmem>>
      %dma_wait3A_154 = tpu.memref_squeeze %dma_wait3A_153 : memref<1x128xi32, #tpu.memory_space<vmem>> -> memref<128xi32, #tpu.memory_space<vmem>>
      %dma_wait3A_155 = arith.constant 0 : i32
      %dma_wait3A_156 = arith.constant 0 : i32
      %dma_wait3A_157 = tpu.memref_slice %arg9[%dma_wait3A_155, %dma_wait3A_156] : memref<10112x128xf32, #tpu.memory_space<vmem_shared>> -> memref<10112x128xf32, #tpu.memory_space<vmem_shared>>
      tpu.wait_indirect_dma semaphore(%arg13 : memref<!tpu.dma_semaphore, #tpu.memory_space<semaphore_mem>>) src(%arg8 : memref<128x128xf32, #tpu.memory_space<vmem>>) dst(%dma_wait3A_157 : memref<10112x128xf32, #tpu.memory_space<vmem_shared>>)
      %dma_start3A_158 = arith.constant 6 : i32
      %dma_start3A_159 = arith.constant 0 : i32
      %dma_start3A_160 = tpu.memref_slice %arg5[%dma_start3A_158, %dma_start3A_159] : memref<8x128xi32, #tpu.memory_space<vmem>> -> memref<1x128xi32, #tpu.memory_space<vmem>>
      %dma_start3A_161 = tpu.memref_squeeze %dma_start3A_160 : memref<1x128xi32, #tpu.memory_space<vmem>> -> memref<128xi32, #tpu.memory_space<vmem>>
      %dma_start3A_162 = arith.constant 0 : i32
      %dma_start3A_163 = arith.constant 0 : i32
      %dma_start3A_164 = tpu.memref_slice %arg2[%dma_start3A_162, %dma_start3A_163] : memref<10000x128xf32, #tpu.memory_space<hbm>> -> memref<10000x128xf32, #tpu.memory_space<hbm>>
      tpu.enqueue_indirect_dma source(%dma_start3A_164 : memref<10000x128xf32, #tpu.memory_space<hbm>>) target(%arg8 : memref<128x128xf32, #tpu.memory_space<vmem>>) offsets(%dma_start3A_161 : memref<128xi32, #tpu.memory_space<vmem>>) semaphore(%arg11 : memref<!tpu.dma_semaphore, #tpu.memory_space<semaphore_mem>>)
      %dma_wait3A_165 = arith.constant 4 : i32
      %dma_wait3A_166 = arith.constant 0 : i32
      %dma_wait3A_167 = tpu.memref_slice %arg5[%dma_wait3A_165, %dma_wait3A_166] : memref<8x128xi32, #tpu.memory_space<vmem>> -> memref<1x128xi32, #tpu.memory_space<vmem>>
      %dma_wait3A_168 = tpu.memref_squeeze %dma_wait3A_167 : memref<1x128xi32, #tpu.memory_space<vmem>> -> memref<128xi32, #tpu.memory_space<vmem>>
      %dma_wait3A_169 = arith.constant 0 : i32
      %dma_wait3A_170 = arith.constant 0 : i32
      %dma_wait3A_171 = tpu.memref_slice %arg2[%dma_wait3A_169, %dma_wait3A_170] : memref<10000x128xf32, #tpu.memory_space<hbm>> -> memref<10000x128xf32, #tpu.memory_space<hbm>>
      tpu.wait_indirect_dma semaphore(%arg10 : memref<!tpu.dma_semaphore, #tpu.memory_space<semaphore_mem>>) src(%dma_wait3A_171 : memref<10000x128xf32, #tpu.memory_space<hbm>>) dst(%arg7 : memref<128x128xf32, #tpu.memory_space<vmem>>)
      %dma_start3A_172 = arith.constant 5 : i32
      %dma_start3A_173 = arith.constant 0 : i32
      %dma_start3A_174 = tpu.memref_slice %arg5[%dma_start3A_172, %dma_start3A_173] : memref<8x128xi32, #tpu.memory_space<vmem>> -> memref<1x128xi32, #tpu.memory_space<vmem>>
      %dma_start3A_175 = tpu.memref_squeeze %dma_start3A_174 : memref<1x128xi32, #tpu.memory_space<vmem>> -> memref<128xi32, #tpu.memory_space<vmem>>
      %dma_start3A_176 = arith.constant 0 : i32
      %dma_start3A_177 = arith.constant 0 : i32
      %dma_start3A_178 = tpu.memref_slice %arg9[%dma_start3A_176, %dma_start3A_177] : memref<10112x128xf32, #tpu.memory_space<vmem_shared>> -> memref<10112x128xf32, #tpu.memory_space<vmem_shared>>
      tpu.enqueue_indirect_dma source(%arg7 : memref<128x128xf32, #tpu.memory_space<vmem>>) target(%dma_start3A_178 : memref<10112x128xf32, #tpu.memory_space<vmem_shared>>) offsets(%dma_start3A_175 : memref<128xi32, #tpu.memory_space<vmem>>) semaphore(%arg12 : memref<!tpu.dma_semaphore, #tpu.memory_space<semaphore_mem>>) {add = true}
      %dma_wait3A_179 = arith.constant 5 : i32
      %dma_wait3A_180 = arith.constant 0 : i32
      %dma_wait3A_181 = tpu.memref_slice %arg5[%dma_wait3A_179, %dma_wait3A_180] : memref<8x128xi32, #tpu.memory_space<vmem>> -> memref<1x128xi32, #tpu.memory_space<vmem>>
      %dma_wait3A_182 = tpu.memref_squeeze %dma_wait3A_181 : memref<1x128xi32, #tpu.memory_space<vmem>> -> memref<128xi32, #tpu.memory_space<vmem>>
      %dma_wait3A_183 = arith.constant 0 : i32
      %dma_wait3A_184 = arith.constant 0 : i32
      %dma_wait3A_185 = tpu.memref_slice %arg9[%dma_wait3A_183, %dma_wait3A_184] : memref<10112x128xf32, #tpu.memory_space<vmem_shared>> -> memref<10112x128xf32, #tpu.memory_space<vmem_shared>>
      tpu.wait_indirect_dma semaphore(%arg12 : memref<!tpu.dma_semaphore, #tpu.memory_space<semaphore_mem>>) src(%arg7 : memref<128x128xf32, #tpu.memory_space<vmem>>) dst(%dma_wait3A_185 : memref<10112x128xf32, #tpu.memory_space<vmem_shared>>)
      %convert_element_type3A_186 = arith.extui %lt3A_95 : i1 to i32
      %cond3A_187 = arith.constant 0 : i32
      %cond3A_188 = arith.cmpi ne, %convert_element_type3A_186, %cond3A_187 : i32
      scf.if %cond3A_188 {
        %add3A_211 = arith.addi %select_n3A_25, %mul3A_92 : i32
        %add3A_212 = arith.constant 1 : i32
        %add3A_213 = arith.addi %add3A_211, %add3A_212 : i32
        %dma_wait3A_214 = arith.constant 0 : i32
        %dma_wait3A_215 = arith.constant 0 : i32
        %dma_wait3A_216 = tpu.memref_slice %arg3[%add3A_213, %dma_wait3A_214, %dma_wait3A_215] : memref<640x8x128xi32, #tpu.memory_space<hbm>> -> memref<1x8x128xi32, #tpu.memory_space<hbm>>
        %dma_wait3A_217 = tpu.memref_squeeze %dma_wait3A_216 : memref<1x8x128xi32, #tpu.memory_space<hbm>> -> memref<8x128xi32, #tpu.memory_space<hbm>>
        %dma_wait3A_218 = arith.constant 0 : i32
        %dma_wait3A_219 = arith.constant 0 : i32
        %dma_wait3A_220 = tpu.memref_slice %arg3[%add3A_213, %dma_wait3A_218, %dma_wait3A_219] : memref<640x8x128xi32, #tpu.memory_space<hbm>> -> memref<1x8x128xi32, #tpu.memory_space<hbm>>
        %dma_wait3A_221 = tpu.memref_squeeze %dma_wait3A_220 : memref<1x8x128xi32, #tpu.memory_space<hbm>> -> memref<8x128xi32, #tpu.memory_space<hbm>>
        tpu.wait_dma2 semaphore(%arg15 : memref<!tpu.dma_semaphore, #tpu.memory_space<semaphore_mem>>) src(%dma_wait3A_221 : memref<8x128xi32, #tpu.memory_space<hbm>>) dst(%arg6 : memref<8x128xi32, #tpu.memory_space<vmem>>)
        %dma_start3A_222 = arith.constant 0 : i32
        %dma_start3A_223 = arith.constant 0 : i32
        %dma_start3A_224 = tpu.memref_slice %arg6[%dma_start3A_222, %dma_start3A_223] : memref<8x128xi32, #tpu.memory_space<vmem>> -> memref<1x128xi32, #tpu.memory_space<vmem>>
        %dma_start3A_225 = tpu.memref_squeeze %dma_start3A_224 : memref<1x128xi32, #tpu.memory_space<vmem>> -> memref<128xi32, #tpu.memory_space<vmem>>
        %dma_start3A_226 = arith.constant 0 : i32
        %dma_start3A_227 = arith.constant 0 : i32
        %dma_start3A_228 = tpu.memref_slice %arg2[%dma_start3A_226, %dma_start3A_227] : memref<10000x128xf32, #tpu.memory_space<hbm>> -> memref<10000x128xf32, #tpu.memory_space<hbm>>
        tpu.enqueue_indirect_dma source(%dma_start3A_228 : memref<10000x128xf32, #tpu.memory_space<hbm>>) target(%arg7 : memref<128x128xf32, #tpu.memory_space<vmem>>) offsets(%dma_start3A_225 : memref<128xi32, #tpu.memory_space<vmem>>) semaphore(%arg10 : memref<!tpu.dma_semaphore, #tpu.memory_space<semaphore_mem>>)
      } else {
      }
      %dma_wait3A_189 = arith.constant 6 : i32
      %dma_wait3A_190 = arith.constant 0 : i32
      %dma_wait3A_191 = tpu.memref_slice %arg5[%dma_wait3A_189, %dma_wait3A_190] : memref<8x128xi32, #tpu.memory_space<vmem>> -> memref<1x128xi32, #tpu.memory_space<vmem>>
      %dma_wait3A_192 = tpu.memref_squeeze %dma_wait3A_191 : memref<1x128xi32, #tpu.memory_space<vmem>> -> memref<128xi32, #tpu.memory_space<vmem>>
      %dma_wait3A_193 = arith.constant 0 : i32
      %dma_wait3A_194 = arith.constant 0 : i32
      %dma_wait3A_195 = tpu.memref_slice %arg2[%dma_wait3A_193, %dma_wait3A_194] : memref<10000x128xf32, #tpu.memory_space<hbm>> -> memref<10000x128xf32, #tpu.memory_space<hbm>>
      tpu.wait_indirect_dma semaphore(%arg11 : memref<!tpu.dma_semaphore, #tpu.memory_space<semaphore_mem>>) src(%dma_wait3A_195 : memref<10000x128xf32, #tpu.memory_space<hbm>>) dst(%arg8 : memref<128x128xf32, #tpu.memory_space<vmem>>)
      %dma_start3A_196 = arith.constant 7 : i32
      %dma_start3A_197 = arith.constant 0 : i32
      %dma_start3A_198 = tpu.memref_slice %arg5[%dma_start3A_196, %dma_start3A_197] : memref<8x128xi32, #tpu.memory_space<vmem>> -> memref<1x128xi32, #tpu.memory_space<vmem>>
      %dma_start3A_199 = tpu.memref_squeeze %dma_start3A_198 : memref<1x128xi32, #tpu.memory_space<vmem>> -> memref<128xi32, #tpu.memory_space<vmem>>
      %dma_start3A_200 = arith.constant 0 : i32
      %dma_start3A_201 = arith.constant 0 : i32
      %dma_start3A_202 = tpu.memref_slice %arg9[%dma_start3A_200, %dma_start3A_201] : memref<10112x128xf32, #tpu.memory_space<vmem_shared>> -> memref<10112x128xf32, #tpu.memory_space<vmem_shared>>
      tpu.enqueue_indirect_dma source(%arg8 : memref<128x128xf32, #tpu.memory_space<vmem>>) target(%dma_start3A_202 : memref<10112x128xf32, #tpu.memory_space<vmem_shared>>) offsets(%dma_start3A_199 : memref<128xi32, #tpu.memory_space<vmem>>) semaphore(%arg13 : memref<!tpu.dma_semaphore, #tpu.memory_space<semaphore_mem>>) {add = true}
      %mul3A_203 = arith.constant 2 : i32
      %mul3A_204 = arith.muli %mul3A_203, %while3A_90 : i32
      %add3A_205 = arith.constant 1 : i32
      %add3A_206 = arith.addi %mul3A_204, %add3A_205 : i32
      %lt3A_207 = arith.cmpi slt, %add3A_206, %select_n3A : i32
      %convert_element_type3A_208 = arith.extui %lt3A_207 : i1 to i32
      %cond3A_209 = arith.constant 0 : i32
      %cond3A_210 = arith.cmpi ne, %convert_element_type3A_208, %cond3A_209 : i32
      scf.if %cond3A_210 {
        %mul3A_211 = arith.constant 2 : i32
        %mul3A_212 = arith.muli %mul3A_211, %while3A_90 : i32
        %add3A_213 = arith.constant 1 : i32
        %add3A_214 = arith.addi %mul3A_212, %add3A_213 : i32
        %sub3A_215 = arith.constant 1 : i32
        %sub3A_216 = arith.subi %select_n3A, %sub3A_215 : i32
        %lt3A_217 = arith.cmpi slt, %add3A_214, %sub3A_216 : i32
        %gt3A_218 = arith.constant 0 : i32
        %gt3A_219 = arith.cmpi sgt, %add3A_214, %gt3A_218 : i32
        %convert_element_type3A_220 = arith.extui %gt3A_219 : i1 to i32
        %cond3A_221 = arith.constant 0 : i32
        %cond3A_222 = arith.cmpi ne, %convert_element_type3A_220, %cond3A_221 : i32
        scf.if %cond3A_222 {
          %dma_wait3A_327 = arith.constant 7 : i32
          %dma_wait3A_328 = arith.constant 0 : i32
          %dma_wait3A_329 = tpu.memref_slice %arg6[%dma_wait3A_327, %dma_wait3A_328] : memref<8x128xi32, #tpu.memory_space<vmem>> -> memref<1x128xi32, #tpu.memory_space<vmem>>
          %dma_wait3A_330 = tpu.memref_squeeze %dma_wait3A_329 : memref<1x128xi32, #tpu.memory_space<vmem>> -> memref<128xi32, #tpu.memory_space<vmem>>
          %dma_wait3A_331 = arith.constant 0 : i32
          %dma_wait3A_332 = arith.constant 0 : i32
          %dma_wait3A_333 = tpu.memref_slice %arg9[%dma_wait3A_331, %dma_wait3A_332] : memref<10112x128xf32, #tpu.memory_space<vmem_shared>> -> memref<10112x128xf32, #tpu.memory_space<vmem_shared>>
          tpu.wait_indirect_dma semaphore(%arg13 : memref<!tpu.dma_semaphore, #tpu.memory_space<semaphore_mem>>) src(%arg8 : memref<128x128xf32, #tpu.memory_space<vmem>>) dst(%dma_wait3A_333 : memref<10112x128xf32, #tpu.memory_space<vmem_shared>>)
        } else {
        }
        %convert_element_type3A_223 = arith.extui %lt3A_217 : i1 to i32
        %cond3A_224 = arith.constant 0 : i32
        %cond3A_225 = arith.cmpi ne, %convert_element_type3A_223, %cond3A_224 : i32
        scf.if %cond3A_225 {
          %add3A_327 = arith.addi %select_n3A_25, %add3A_214 : i32
          %add3A_328 = arith.constant 1 : i32
          %add3A_329 = arith.addi %add3A_327, %add3A_328 : i32
          %dma_start3A_330 = arith.constant 0 : i32
          %dma_start3A_331 = arith.constant 0 : i32
          %dma_start3A_332 = tpu.memref_slice %arg3[%add3A_329, %dma_start3A_330, %dma_start3A_331] : memref<640x8x128xi32, #tpu.memory_space<hbm>> -> memref<1x8x128xi32, #tpu.memory_space<hbm>>
          %dma_start3A_333 = tpu.memref_squeeze %dma_start3A_332 : memref<1x8x128xi32, #tpu.memory_space<hbm>> -> memref<8x128xi32, #tpu.memory_space<hbm>>
          %dma_start3A_334 = arith.constant 0 : i32
          %dma_start3A_335 = arith.constant 0 : i32
          %dma_start3A_336 = tpu.memref_slice %arg3[%add3A_329, %dma_start3A_334, %dma_start3A_335] : memref<640x8x128xi32, #tpu.memory_space<hbm>> -> memref<1x8x128xi32, #tpu.memory_space<hbm>>
          %dma_start3A_337 = tpu.memref_squeeze %dma_start3A_336 : memref<1x8x128xi32, #tpu.memory_space<hbm>> -> memref<8x128xi32, #tpu.memory_space<hbm>>
          tpu.enqueue_dma source(%dma_start3A_337 : memref<8x128xi32, #tpu.memory_space<hbm>>) target(%arg5 : memref<8x128xi32, #tpu.memory_space<vmem>>) target_semaphore(%arg14 : memref<!tpu.dma_semaphore, #tpu.memory_space<semaphore_mem>>)
        } else {
        }
        %dma_start3A_226 = arith.constant 2 : i32
        %dma_start3A_227 = arith.constant 0 : i32
        %dma_start3A_228 = tpu.memref_slice %arg6[%dma_start3A_226, %dma_start3A_227] : memref<8x128xi32, #tpu.memory_space<vmem>> -> memref<1x128xi32, #tpu.memory_space<vmem>>
        %dma_start3A_229 = tpu.memref_squeeze %dma_start3A_228 : memref<1x128xi32, #tpu.memory_space<vmem>> -> memref<128xi32, #tpu.memory_space<vmem>>
        %dma_start3A_230 = arith.constant 0 : i32
        %dma_start3A_231 = arith.constant 0 : i32
        %dma_start3A_232 = tpu.memref_slice %arg2[%dma_start3A_230, %dma_start3A_231] : memref<10000x128xf32, #tpu.memory_space<hbm>> -> memref<10000x128xf32, #tpu.memory_space<hbm>>
        tpu.enqueue_indirect_dma source(%dma_start3A_232 : memref<10000x128xf32, #tpu.memory_space<hbm>>) target(%arg8 : memref<128x128xf32, #tpu.memory_space<vmem>>) offsets(%dma_start3A_229 : memref<128xi32, #tpu.memory_space<vmem>>) semaphore(%arg11 : memref<!tpu.dma_semaphore, #tpu.memory_space<semaphore_mem>>)
        %dma_wait3A_233 = arith.constant 0 : i32
        %dma_wait3A_234 = arith.constant 0 : i32
        %dma_wait3A_235 = tpu.memref_slice %arg6[%dma_wait3A_233, %dma_wait3A_234] : memref<8x128xi32, #tpu.memory_space<vmem>> -> memref<1x128xi32, #tpu.memory_space<vmem>>
        %dma_wait3A_236 = tpu.memref_squeeze %dma_wait3A_235 : memref<1x128xi32, #tpu.memory_space<vmem>> -> memref<128xi32, #tpu.memory_space<vmem>>
        %dma_wait3A_237 = arith.constant 0 : i32
        %dma_wait3A_238 = arith.constant 0 : i32
        %dma_wait3A_239 = tpu.memref_slice %arg2[%dma_wait3A_237, %dma_wait3A_238] : memref<10000x128xf32, #tpu.memory_space<hbm>> -> memref<10000x128xf32, #tpu.memory_space<hbm>>
        tpu.wait_indirect_dma semaphore(%arg10 : memref<!tpu.dma_semaphore, #tpu.memory_space<semaphore_mem>>) src(%dma_wait3A_239 : memref<10000x128xf32, #tpu.memory_space<hbm>>) dst(%arg7 : memref<128x128xf32, #tpu.memory_space<vmem>>)
        %dma_start3A_240 = arith.constant 1 : i32
        %dma_start3A_241 = arith.constant 0 : i32
        %dma_start3A_242 = tpu.memref_slice %arg6[%dma_start3A_240, %dma_start3A_241] : memref<8x128xi32, #tpu.memory_space<vmem>> -> memref<1x128xi32, #tpu.memory_space<vmem>>
        %dma_start3A_243 = tpu.memref_squeeze %dma_start3A_242 : memref<1x128xi32, #tpu.memory_space<vmem>> -> memref<128xi32, #tpu.memory_space<vmem>>
        %dma_start3A_244 = arith.constant 0 : i32
        %dma_start3A_245 = arith.constant 0 : i32
        %dma_start3A_246 = tpu.memref_slice %arg9[%dma_start3A_244, %dma_start3A_245] : memref<10112x128xf32, #tpu.memory_space<vmem_shared>> -> memref<10112x128xf32, #tpu.memory_space<vmem_shared>>
        tpu.enqueue_indirect_dma source(%arg7 : memref<128x128xf32, #tpu.memory_space<vmem>>) target(%dma_start3A_246 : memref<10112x128xf32, #tpu.memory_space<vmem_shared>>) offsets(%dma_start3A_243 : memref<128xi32, #tpu.memory_space<vmem>>) semaphore(%arg12 : memref<!tpu.dma_semaphore, #tpu.memory_space<semaphore_mem>>) {add = true}
        %dma_wait3A_247 = arith.constant 1 : i32
        %dma_wait3A_248 = arith.constant 0 : i32
        %dma_wait3A_249 = tpu.memref_slice %arg6[%dma_wait3A_247, %dma_wait3A_248] : memref<8x128xi32, #tpu.memory_space<vmem>> -> memref<1x128xi32, #tpu.memory_space<vmem>>
        %dma_wait3A_250 = tpu.memref_squeeze %dma_wait3A_249 : memref<1x128xi32, #tpu.memory_space<vmem>> -> memref<128xi32, #tpu.memory_space<vmem>>
        %dma_wait3A_251 = arith.constant 0 : i32
        %dma_wait3A_252 = arith.constant 0 : i32
        %dma_wait3A_253 = tpu.memref_slice %arg9[%dma_wait3A_251, %dma_wait3A_252] : memref<10112x128xf32, #tpu.memory_space<vmem_shared>> -> memref<10112x128xf32, #tpu.memory_space<vmem_shared>>
        tpu.wait_indirect_dma semaphore(%arg12 : memref<!tpu.dma_semaphore, #tpu.memory_space<semaphore_mem>>) src(%arg7 : memref<128x128xf32, #tpu.memory_space<vmem>>) dst(%dma_wait3A_253 : memref<10112x128xf32, #tpu.memory_space<vmem_shared>>)
        %dma_start3A_254 = arith.constant 4 : i32
        %dma_start3A_255 = arith.constant 0 : i32
        %dma_start3A_256 = tpu.memref_slice %arg6[%dma_start3A_254, %dma_start3A_255] : memref<8x128xi32, #tpu.memory_space<vmem>> -> memref<1x128xi32, #tpu.memory_space<vmem>>
        %dma_start3A_257 = tpu.memref_squeeze %dma_start3A_256 : memref<1x128xi32, #tpu.memory_space<vmem>> -> memref<128xi32, #tpu.memory_space<vmem>>
        %dma_start3A_258 = arith.constant 0 : i32
        %dma_start3A_259 = arith.constant 0 : i32
        %dma_start3A_260 = tpu.memref_slice %arg2[%dma_start3A_258, %dma_start3A_259] : memref<10000x128xf32, #tpu.memory_space<hbm>> -> memref<10000x128xf32, #tpu.memory_space<hbm>>
        tpu.enqueue_indirect_dma source(%dma_start3A_260 : memref<10000x128xf32, #tpu.memory_space<hbm>>) target(%arg7 : memref<128x128xf32, #tpu.memory_space<vmem>>) offsets(%dma_start3A_257 : memref<128xi32, #tpu.memory_space<vmem>>) semaphore(%arg10 : memref<!tpu.dma_semaphore, #tpu.memory_space<semaphore_mem>>)
        %dma_wait3A_261 = arith.constant 2 : i32
        %dma_wait3A_262 = arith.constant 0 : i32
        %dma_wait3A_263 = tpu.memref_slice %arg6[%dma_wait3A_261, %dma_wait3A_262] : memref<8x128xi32, #tpu.memory_space<vmem>> -> memref<1x128xi32, #tpu.memory_space<vmem>>
        %dma_wait3A_264 = tpu.memref_squeeze %dma_wait3A_263 : memref<1x128xi32, #tpu.memory_space<vmem>> -> memref<128xi32, #tpu.memory_space<vmem>>
        %dma_wait3A_265 = arith.constant 0 : i32
        %dma_wait3A_266 = arith.constant 0 : i32
        %dma_wait3A_267 = tpu.memref_slice %arg2[%dma_wait3A_265, %dma_wait3A_266] : memref<10000x128xf32, #tpu.memory_space<hbm>> -> memref<10000x128xf32, #tpu.memory_space<hbm>>
        tpu.wait_indirect_dma semaphore(%arg11 : memref<!tpu.dma_semaphore, #tpu.memory_space<semaphore_mem>>) src(%dma_wait3A_267 : memref<10000x128xf32, #tpu.memory_space<hbm>>) dst(%arg8 : memref<128x128xf32, #tpu.memory_space<vmem>>)
        %dma_start3A_268 = arith.constant 3 : i32
        %dma_start3A_269 = arith.constant 0 : i32
        %dma_start3A_270 = tpu.memref_slice %arg6[%dma_start3A_268, %dma_start3A_269] : memref<8x128xi32, #tpu.memory_space<vmem>> -> memref<1x128xi32, #tpu.memory_space<vmem>>
        %dma_start3A_271 = tpu.memref_squeeze %dma_start3A_270 : memref<1x128xi32, #tpu.memory_space<vmem>> -> memref<128xi32, #tpu.memory_space<vmem>>
        %dma_start3A_272 = arith.constant 0 : i32
        %dma_start3A_273 = arith.constant 0 : i32
        %dma_start3A_274 = tpu.memref_slice %arg9[%dma_start3A_272, %dma_start3A_273] : memref<10112x128xf32, #tpu.memory_space<vmem_shared>> -> memref<10112x128xf32, #tpu.memory_space<vmem_shared>>
        tpu.enqueue_indirect_dma source(%arg8 : memref<128x128xf32, #tpu.memory_space<vmem>>) target(%dma_start3A_274 : memref<10112x128xf32, #tpu.memory_space<vmem_shared>>) offsets(%dma_start3A_271 : memref<128xi32, #tpu.memory_space<vmem>>) semaphore(%arg13 : memref<!tpu.dma_semaphore, #tpu.memory_space<semaphore_mem>>) {add = true}
        %dma_wait3A_275 = arith.constant 3 : i32
        %dma_wait3A_276 = arith.constant 0 : i32
        %dma_wait3A_277 = tpu.memref_slice %arg6[%dma_wait3A_275, %dma_wait3A_276] : memref<8x128xi32, #tpu.memory_space<vmem>> -> memref<1x128xi32, #tpu.memory_space<vmem>>
        %dma_wait3A_278 = tpu.memref_squeeze %dma_wait3A_277 : memref<1x128xi32, #tpu.memory_space<vmem>> -> memref<128xi32, #tpu.memory_space<vmem>>
        %dma_wait3A_279 = arith.constant 0 : i32
        %dma_wait3A_280 = arith.constant 0 : i32
        %dma_wait3A_281 = tpu.memref_slice %arg9[%dma_wait3A_279, %dma_wait3A_280] : memref<10112x128xf32, #tpu.memory_space<vmem_shared>> -> memref<10112x128xf32, #tpu.memory_space<vmem_shared>>
        tpu.wait_indirect_dma semaphore(%arg13 : memref<!tpu.dma_semaphore, #tpu.memory_space<semaphore_mem>>) src(%arg8 : memref<128x128xf32, #tpu.memory_space<vmem>>) dst(%dma_wait3A_281 : memref<10112x128xf32, #tpu.memory_space<vmem_shared>>)
        %dma_start3A_282 = arith.constant 6 : i32
        %dma_start3A_283 = arith.constant 0 : i32
        %dma_start3A_284 = tpu.memref_slice %arg6[%dma_start3A_282, %dma_start3A_283] : memref<8x128xi32, #tpu.memory_space<vmem>> -> memref<1x128xi32, #tpu.memory_space<vmem>>
        %dma_start3A_285 = tpu.memref_squeeze %dma_start3A_284 : memref<1x128xi32, #tpu.memory_space<vmem>> -> memref<128xi32, #tpu.memory_space<vmem>>
        %dma_start3A_286 = arith.constant 0 : i32
        %dma_start3A_287 = arith.constant 0 : i32
        %dma_start3A_288 = tpu.memref_slice %arg2[%dma_start3A_286, %dma_start3A_287] : memref<10000x128xf32, #tpu.memory_space<hbm>> -> memref<10000x128xf32, #tpu.memory_space<hbm>>
        tpu.enqueue_indirect_dma source(%dma_start3A_288 : memref<10000x128xf32, #tpu.memory_space<hbm>>) target(%arg8 : memref<128x128xf32, #tpu.memory_space<vmem>>) offsets(%dma_start3A_285 : memref<128xi32, #tpu.memory_space<vmem>>) semaphore(%arg11 : memref<!tpu.dma_semaphore, #tpu.memory_space<semaphore_mem>>)
        %dma_wait3A_289 = arith.constant 4 : i32
        %dma_wait3A_290 = arith.constant 0 : i32
        %dma_wait3A_291 = tpu.memref_slice %arg6[%dma_wait3A_289, %dma_wait3A_290] : memref<8x128xi32, #tpu.memory_space<vmem>> -> memref<1x128xi32, #tpu.memory_space<vmem>>
        %dma_wait3A_292 = tpu.memref_squeeze %dma_wait3A_291 : memref<1x128xi32, #tpu.memory_space<vmem>> -> memref<128xi32, #tpu.memory_space<vmem>>
        %dma_wait3A_293 = arith.constant 0 : i32
        %dma_wait3A_294 = arith.constant 0 : i32
        %dma_wait3A_295 = tpu.memref_slice %arg2[%dma_wait3A_293, %dma_wait3A_294] : memref<10000x128xf32, #tpu.memory_space<hbm>> -> memref<10000x128xf32, #tpu.memory_space<hbm>>
        tpu.wait_indirect_dma semaphore(%arg10 : memref<!tpu.dma_semaphore, #tpu.memory_space<semaphore_mem>>) src(%dma_wait3A_295 : memref<10000x128xf32, #tpu.memory_space<hbm>>) dst(%arg7 : memref<128x128xf32, #tpu.memory_space<vmem>>)
        %dma_start3A_296 = arith.constant 5 : i32
        %dma_start3A_297 = arith.constant 0 : i32
        %dma_start3A_298 = tpu.memref_slice %arg6[%dma_start3A_296, %dma_start3A_297] : memref<8x128xi32, #tpu.memory_space<vmem>> -> memref<1x128xi32, #tpu.memory_space<vmem>>
        %dma_start3A_299 = tpu.memref_squeeze %dma_start3A_298 : memref<1x128xi32, #tpu.memory_space<vmem>> -> memref<128xi32, #tpu.memory_space<vmem>>
        %dma_start3A_300 = arith.constant 0 : i32
        %dma_start3A_301 = arith.constant 0 : i32
        %dma_start3A_302 = tpu.memref_slice %arg9[%dma_start3A_300, %dma_start3A_301] : memref<10112x128xf32, #tpu.memory_space<vmem_shared>> -> memref<10112x128xf32, #tpu.memory_space<vmem_shared>>
        tpu.enqueue_indirect_dma source(%arg7 : memref<128x128xf32, #tpu.memory_space<vmem>>) target(%dma_start3A_302 : memref<10112x128xf32, #tpu.memory_space<vmem_shared>>) offsets(%dma_start3A_299 : memref<128xi32, #tpu.memory_space<vmem>>) semaphore(%arg12 : memref<!tpu.dma_semaphore, #tpu.memory_space<semaphore_mem>>) {add = true}
        %dma_wait3A_303 = arith.constant 5 : i32
        %dma_wait3A_304 = arith.constant 0 : i32
        %dma_wait3A_305 = tpu.memref_slice %arg6[%dma_wait3A_303, %dma_wait3A_304] : memref<8x128xi32, #tpu.memory_space<vmem>> -> memref<1x128xi32, #tpu.memory_space<vmem>>
        %dma_wait3A_306 = tpu.memref_squeeze %dma_wait3A_305 : memref<1x128xi32, #tpu.memory_space<vmem>> -> memref<128xi32, #tpu.memory_space<vmem>>
        %dma_wait3A_307 = arith.constant 0 : i32
        %dma_wait3A_308 = arith.constant 0 : i32
        %dma_wait3A_309 = tpu.memref_slice %arg9[%dma_wait3A_307, %dma_wait3A_308] : memref<10112x128xf32, #tpu.memory_space<vmem_shared>> -> memref<10112x128xf32, #tpu.memory_space<vmem_shared>>
        tpu.wait_indirect_dma semaphore(%arg12 : memref<!tpu.dma_semaphore, #tpu.memory_space<semaphore_mem>>) src(%arg7 : memref<128x128xf32, #tpu.memory_space<vmem>>) dst(%dma_wait3A_309 : memref<10112x128xf32, #tpu.memory_space<vmem_shared>>)
        %convert_element_type3A_310 = arith.extui %lt3A_217 : i1 to i32
        %cond3A_311 = arith.constant 0 : i32
        %cond3A_312 = arith.cmpi ne, %convert_element_type3A_310, %cond3A_311 : i32
        scf.if %cond3A_312 {
          %add3A_327 = arith.addi %select_n3A_25, %add3A_214 : i32
          %add3A_328 = arith.constant 1 : i32
          %add3A_329 = arith.addi %add3A_327, %add3A_328 : i32
          %dma_wait3A_330 = arith.constant 0 : i32
          %dma_wait3A_331 = arith.constant 0 : i32
          %dma_wait3A_332 = tpu.memref_slice %arg3[%add3A_329, %dma_wait3A_330, %dma_wait3A_331] : memref<640x8x128xi32, #tpu.memory_space<hbm>> -> memref<1x8x128xi32, #tpu.memory_space<hbm>>
          %dma_wait3A_333 = tpu.memref_squeeze %dma_wait3A_332 : memref<1x8x128xi32, #tpu.memory_space<hbm>> -> memref<8x128xi32, #tpu.memory_space<hbm>>
          %dma_wait3A_334 = arith.constant 0 : i32
          %dma_wait3A_335 = arith.constant 0 : i32
          %dma_wait3A_336 = tpu.memref_slice %arg3[%add3A_329, %dma_wait3A_334, %dma_wait3A_335] : memref<640x8x128xi32, #tpu.memory_space<hbm>> -> memref<1x8x128xi32, #tpu.memory_space<hbm>>
          %dma_wait3A_337 = tpu.memref_squeeze %dma_wait3A_336 : memref<1x8x128xi32, #tpu.memory_space<hbm>> -> memref<8x128xi32, #tpu.memory_space<hbm>>
          tpu.wait_dma2 semaphore(%arg14 : memref<!tpu.dma_semaphore, #tpu.memory_space<semaphore_mem>>) src(%dma_wait3A_337 : memref<8x128xi32, #tpu.memory_space<hbm>>) dst(%arg5 : memref<8x128xi32, #tpu.memory_space<vmem>>)
          %dma_start3A_338 = arith.constant 0 : i32
          %dma_start3A_339 = arith.constant 0 : i32
          %dma_start3A_340 = tpu.memref_slice %arg5[%dma_start3A_338, %dma_start3A_339] : memref<8x128xi32, #tpu.memory_space<vmem>> -> memref<1x128xi32, #tpu.memory_space<vmem>>
          %dma_start3A_341 = tpu.memref_squeeze %dma_start3A_340 : memref<1x128xi32, #tpu.memory_space<vmem>> -> memref<128xi32, #tpu.memory_space<vmem>>
          %dma_start3A_342 = arith.constant 0 : i32
          %dma_start3A_343 = arith.constant 0 : i32
          %dma_start3A_344 = tpu.memref_slice %arg2[%dma_start3A_342, %dma_start3A_343] : memref<10000x128xf32, #tpu.memory_space<hbm>> -> memref<10000x128xf32, #tpu.memory_space<hbm>>
          tpu.enqueue_indirect_dma source(%dma_start3A_344 : memref<10000x128xf32, #tpu.memory_space<hbm>>) target(%arg7 : memref<128x128xf32, #tpu.memory_space<vmem>>) offsets(%dma_start3A_341 : memref<128xi32, #tpu.memory_space<vmem>>) semaphore(%arg10 : memref<!tpu.dma_semaphore, #tpu.memory_space<semaphore_mem>>)
        } else {
        }
        %dma_wait3A_313 = arith.constant 6 : i32
        %dma_wait3A_314 = arith.constant 0 : i32
        %dma_wait3A_315 = tpu.memref_slice %arg6[%dma_wait3A_313, %dma_wait3A_314] : memref<8x128xi32, #tpu.memory_space<vmem>> -> memref<1x128xi32, #tpu.memory_space<vmem>>
        %dma_wait3A_316 = tpu.memref_squeeze %dma_wait3A_315 : memref<1x128xi32, #tpu.memory_space<vmem>> -> memref<128xi32, #tpu.memory_space<vmem>>
        %dma_wait3A_317 = arith.constant 0 : i32
        %dma_wait3A_318 = arith.constant 0 : i32
        %dma_wait3A_319 = tpu.memref_slice %arg2[%dma_wait3A_317, %dma_wait3A_318] : memref<10000x128xf32, #tpu.memory_space<hbm>> -> memref<10000x128xf32, #tpu.memory_space<hbm>>
        tpu.wait_indirect_dma semaphore(%arg11 : memref<!tpu.dma_semaphore, #tpu.memory_space<semaphore_mem>>) src(%dma_wait3A_319 : memref<10000x128xf32, #tpu.memory_space<hbm>>) dst(%arg8 : memref<128x128xf32, #tpu.memory_space<vmem>>)
        %dma_start3A_320 = arith.constant 7 : i32
        %dma_start3A_321 = arith.constant 0 : i32
        %dma_start3A_322 = tpu.memref_slice %arg6[%dma_start3A_320, %dma_start3A_321] : memref<8x128xi32, #tpu.memory_space<vmem>> -> memref<1x128xi32, #tpu.memory_space<vmem>>
        %dma_start3A_323 = tpu.memref_squeeze %dma_start3A_322 : memref<1x128xi32, #tpu.memory_space<vmem>> -> memref<128xi32, #tpu.memory_space<vmem>>
        %dma_start3A_324 = arith.constant 0 : i32
        %dma_start3A_325 = arith.constant 0 : i32
        %dma_start3A_326 = tpu.memref_slice %arg9[%dma_start3A_324, %dma_start3A_325] : memref<10112x128xf32, #tpu.memory_space<vmem_shared>> -> memref<10112x128xf32, #tpu.memory_space<vmem_shared>>
        tpu.enqueue_indirect_dma source(%arg8 : memref<128x128xf32, #tpu.memory_space<vmem>>) target(%dma_start3A_326 : memref<10112x128xf32, #tpu.memory_space<vmem_shared>>) offsets(%dma_start3A_323 : memref<128xi32, #tpu.memory_space<vmem>>) semaphore(%arg13 : memref<!tpu.dma_semaphore, #tpu.memory_space<semaphore_mem>>) {add = true}
      } else {
      }
    }
    %while3A_60 = arith.constant 1 : i32
    scf.for %while3A_90 = %while3A_58 to %while3A_54 step %while3A_60  : i32 {
      %mul3A_91 = arith.constant 2 : i32
      %mul3A_92 = arith.muli %mul3A_91, %while3A_90 : i32
      %sub3A_93 = arith.constant 1 : i32
      %sub3A_94 = arith.subi %select_n3A, %sub3A_93 : i32
      %lt3A_95 = arith.cmpi slt, %mul3A_92, %sub3A_94 : i32
      %gt3A = arith.constant 0 : i32
      %gt3A_96 = arith.cmpi sgt, %mul3A_92, %gt3A : i32
      %convert_element_type3A_97 = arith.extui %gt3A_96 : i1 to i32
      %cond3A_98 = arith.constant 0 : i32
      %cond3A_99 = arith.cmpi ne, %convert_element_type3A_97, %cond3A_98 : i32
      scf.if %cond3A_99 {
        %dma_wait3A_211 = arith.constant 7 : i32
        %dma_wait3A_212 = arith.constant 0 : i32
        %dma_wait3A_213 = tpu.memref_slice %arg5[%dma_wait3A_211, %dma_wait3A_212] : memref<8x128xi32, #tpu.memory_space<vmem>> -> memref<1x128xi32, #tpu.memory_space<vmem>>
        %dma_wait3A_214 = tpu.memref_squeeze %dma_wait3A_213 : memref<1x128xi32, #tpu.memory_space<vmem>> -> memref<128xi32, #tpu.memory_space<vmem>>
        %dma_wait3A_215 = arith.constant 0 : i32
        %dma_wait3A_216 = arith.constant 0 : i32
        %dma_wait3A_217 = tpu.memref_slice %arg9[%dma_wait3A_215, %dma_wait3A_216] : memref<10112x128xf32, #tpu.memory_space<vmem_shared>> -> memref<10112x128xf32, #tpu.memory_space<vmem_shared>>
        tpu.wait_indirect_dma semaphore(%arg13 : memref<!tpu.dma_semaphore, #tpu.memory_space<semaphore_mem>>) src(%arg8 : memref<128x128xf32, #tpu.memory_space<vmem>>) dst(%dma_wait3A_217 : memref<10112x128xf32, #tpu.memory_space<vmem_shared>>)
      } else {
      }
      %convert_element_type3A_100 = arith.extui %lt3A_95 : i1 to i32
      %cond3A_101 = arith.constant 0 : i32
      %cond3A_102 = arith.cmpi ne, %convert_element_type3A_100, %cond3A_101 : i32
      scf.if %cond3A_102 {
        %add3A_211 = arith.addi %select_n3A_25, %mul3A_92 : i32
        %add3A_212 = arith.constant 1 : i32
        %add3A_213 = arith.addi %add3A_211, %add3A_212 : i32
        %dma_start3A_214 = arith.constant 0 : i32
        %dma_start3A_215 = arith.constant 0 : i32
        %dma_start3A_216 = tpu.memref_slice %arg3[%add3A_213, %dma_start3A_214, %dma_start3A_215] : memref<640x8x128xi32, #tpu.memory_space<hbm>> -> memref<1x8x128xi32, #tpu.memory_space<hbm>>
        %dma_start3A_217 = tpu.memref_squeeze %dma_start3A_216 : memref<1x8x128xi32, #tpu.memory_space<hbm>> -> memref<8x128xi32, #tpu.memory_space<hbm>>
        %dma_start3A_218 = arith.constant 0 : i32
        %dma_start3A_219 = arith.constant 0 : i32
        %dma_start3A_220 = tpu.memref_slice %arg3[%add3A_213, %dma_start3A_218, %dma_start3A_219] : memref<640x8x128xi32, #tpu.memory_space<hbm>> -> memref<1x8x128xi32, #tpu.memory_space<hbm>>
        %dma_start3A_221 = tpu.memref_squeeze %dma_start3A_220 : memref<1x8x128xi32, #tpu.memory_space<hbm>> -> memref<8x128xi32, #tpu.memory_space<hbm>>
        tpu.enqueue_dma source(%dma_start3A_221 : memref<8x128xi32, #tpu.memory_space<hbm>>) target(%arg6 : memref<8x128xi32, #tpu.memory_space<vmem>>) target_semaphore(%arg15 : memref<!tpu.dma_semaphore, #tpu.memory_space<semaphore_mem>>)
      } else {
      }
      %dma_start3A_103 = arith.constant 2 : i32
      %dma_start3A_104 = arith.constant 0 : i32
      %dma_start3A_105 = tpu.memref_slice %arg5[%dma_start3A_103, %dma_start3A_104] : memref<8x128xi32, #tpu.memory_space<vmem>> -> memref<1x128xi32, #tpu.memory_space<vmem>>
      %dma_start3A_106 = tpu.memref_squeeze %dma_start3A_105 : memref<1x128xi32, #tpu.memory_space<vmem>> -> memref<128xi32, #tpu.memory_space<vmem>>
      %dma_start3A_107 = arith.constant 0 : i32
      %dma_start3A_108 = arith.constant 0 : i32
      %dma_start3A_109 = tpu.memref_slice %arg2[%dma_start3A_107, %dma_start3A_108] : memref<10000x128xf32, #tpu.memory_space<hbm>> -> memref<10000x128xf32, #tpu.memory_space<hbm>>
      tpu.enqueue_indirect_dma source(%dma_start3A_109 : memref<10000x128xf32, #tpu.memory_space<hbm>>) target(%arg8 : memref<128x128xf32, #tpu.memory_space<vmem>>) offsets(%dma_start3A_106 : memref<128xi32, #tpu.memory_space<vmem>>) semaphore(%arg11 : memref<!tpu.dma_semaphore, #tpu.memory_space<semaphore_mem>>)
      %dma_wait3A = arith.constant 0 : i32
      %dma_wait3A_110 = arith.constant 0 : i32
      %dma_wait3A_111 = tpu.memref_slice %arg5[%dma_wait3A, %dma_wait3A_110] : memref<8x128xi32, #tpu.memory_space<vmem>> -> memref<1x128xi32, #tpu.memory_space<vmem>>
      %dma_wait3A_112 = tpu.memref_squeeze %dma_wait3A_111 : memref<1x128xi32, #tpu.memory_space<vmem>> -> memref<128xi32, #tpu.memory_space<vmem>>
      %dma_wait3A_113 = arith.constant 0 : i32
      %dma_wait3A_114 = arith.constant 0 : i32
      %dma_wait3A_115 = tpu.memref_slice %arg2[%dma_wait3A_113, %dma_wait3A_114] : memref<10000x128xf32, #tpu.memory_space<hbm>> -> memref<10000x128xf32, #tpu.memory_space<hbm>>
      tpu.wait_indirect_dma semaphore(%arg10 : memref<!tpu.dma_semaphore, #tpu.memory_space<semaphore_mem>>) src(%dma_wait3A_115 : memref<10000x128xf32, #tpu.memory_space<hbm>>) dst(%arg7 : memref<128x128xf32, #tpu.memory_space<vmem>>)
      %dma_start3A_116 = arith.constant 1 : i32
      %dma_start3A_117 = arith.constant 0 : i32
      %dma_start3A_118 = tpu.memref_slice %arg5[%dma_start3A_116, %dma_start3A_117] : memref<8x128xi32, #tpu.memory_space<vmem>> -> memref<1x128xi32, #tpu.memory_space<vmem>>
      %dma_start3A_119 = tpu.memref_squeeze %dma_start3A_118 : memref<1x128xi32, #tpu.memory_space<vmem>> -> memref<128xi32, #tpu.memory_space<vmem>>
      %dma_start3A_120 = arith.constant 0 : i32
      %dma_start3A_121 = arith.constant 0 : i32
      %dma_start3A_122 = tpu.memref_slice %arg9[%dma_start3A_120, %dma_start3A_121] : memref<10112x128xf32, #tpu.memory_space<vmem_shared>> -> memref<10112x128xf32, #tpu.memory_space<vmem_shared>>
      tpu.enqueue_indirect_dma source(%arg7 : memref<128x128xf32, #tpu.memory_space<vmem>>) target(%dma_start3A_122 : memref<10112x128xf32, #tpu.memory_space<vmem_shared>>) offsets(%dma_start3A_119 : memref<128xi32, #tpu.memory_space<vmem>>) semaphore(%arg12 : memref<!tpu.dma_semaphore, #tpu.memory_space<semaphore_mem>>) {add = true}
      %dma_wait3A_123 = arith.constant 1 : i32
      %dma_wait3A_124 = arith.constant 0 : i32
      %dma_wait3A_125 = tpu.memref_slice %arg5[%dma_wait3A_123, %dma_wait3A_124] : memref<8x128xi32, #tpu.memory_space<vmem>> -> memref<1x128xi32, #tpu.memory_space<vmem>>
      %dma_wait3A_126 = tpu.memref_squeeze %dma_wait3A_125 : memref<1x128xi32, #tpu.memory_space<vmem>> -> memref<128xi32, #tpu.memory_space<vmem>>
      %dma_wait3A_127 = arith.constant 0 : i32
      %dma_wait3A_128 = arith.constant 0 : i32
      %dma_wait3A_129 = tpu.memref_slice %arg9[%dma_wait3A_127, %dma_wait3A_128] : memref<10112x128xf32, #tpu.memory_space<vmem_shared>> -> memref<10112x128xf32, #tpu.memory_space<vmem_shared>>
      tpu.wait_indirect_dma semaphore(%arg12 : memref<!tpu.dma_semaphore, #tpu.memory_space<semaphore_mem>>) src(%arg7 : memref<128x128xf32, #tpu.memory_space<vmem>>) dst(%dma_wait3A_129 : memref<10112x128xf32, #tpu.memory_space<vmem_shared>>)
      %dma_start3A_130 = arith.constant 4 : i32
      %dma_start3A_131 = arith.constant 0 : i32
      %dma_start3A_132 = tpu.memref_slice %arg5[%dma_start3A_130, %dma_start3A_131] : memref<8x128xi32, #tpu.memory_space<vmem>> -> memref<1x128xi32, #tpu.memory_space<vmem>>
      %dma_start3A_133 = tpu.memref_squeeze %dma_start3A_132 : memref<1x128xi32, #tpu.memory_space<vmem>> -> memref<128xi32, #tpu.memory_space<vmem>>
      %dma_start3A_134 = arith.constant 0 : i32
      %dma_start3A_135 = arith.constant 0 : i32
      %dma_start3A_136 = tpu.memref_slice %arg2[%dma_start3A_134, %dma_start3A_135] : memref<10000x128xf32, #tpu.memory_space<hbm>> -> memref<10000x128xf32, #tpu.memory_space<hbm>>
      tpu.enqueue_indirect_dma source(%dma_start3A_136 : memref<10000x128xf32, #tpu.memory_space<hbm>>) target(%arg7 : memref<128x128xf32, #tpu.memory_space<vmem>>) offsets(%dma_start3A_133 : memref<128xi32, #tpu.memory_space<vmem>>) semaphore(%arg10 : memref<!tpu.dma_semaphore, #tpu.memory_space<semaphore_mem>>)
      %dma_wait3A_137 = arith.constant 2 : i32
      %dma_wait3A_138 = arith.constant 0 : i32
      %dma_wait3A_139 = tpu.memref_slice %arg5[%dma_wait3A_137, %dma_wait3A_138] : memref<8x128xi32, #tpu.memory_space<vmem>> -> memref<1x128xi32, #tpu.memory_space<vmem>>
      %dma_wait3A_140 = tpu.memref_squeeze %dma_wait3A_139 : memref<1x128xi32, #tpu.memory_space<vmem>> -> memref<128xi32, #tpu.memory_space<vmem>>
      %dma_wait3A_141 = arith.constant 0 : i32
      %dma_wait3A_142 = arith.constant 0 : i32
      %dma_wait3A_143 = tpu.memref_slice %arg2[%dma_wait3A_141, %dma_wait3A_142] : memref<10000x128xf32, #tpu.memory_space<hbm>> -> memref<10000x128xf32, #tpu.memory_space<hbm>>
      tpu.wait_indirect_dma semaphore(%arg11 : memref<!tpu.dma_semaphore, #tpu.memory_space<semaphore_mem>>) src(%dma_wait3A_143 : memref<10000x128xf32, #tpu.memory_space<hbm>>) dst(%arg8 : memref<128x128xf32, #tpu.memory_space<vmem>>)
      %dma_start3A_144 = arith.constant 3 : i32
      %dma_start3A_145 = arith.constant 0 : i32
      %dma_start3A_146 = tpu.memref_slice %arg5[%dma_start3A_144, %dma_start3A_145] : memref<8x128xi32, #tpu.memory_space<vmem>> -> memref<1x128xi32, #tpu.memory_space<vmem>>
      %dma_start3A_147 = tpu.memref_squeeze %dma_start3A_146 : memref<1x128xi32, #tpu.memory_space<vmem>> -> memref<128xi32, #tpu.memory_space<vmem>>
      %dma_start3A_148 = arith.constant 0 : i32
      %dma_start3A_149 = arith.constant 0 : i32
      %dma_start3A_150 = tpu.memref_slice %arg9[%dma_start3A_148, %dma_start3A_149] : memref<10112x128xf32, #tpu.memory_space<vmem_shared>> -> memref<10112x128xf32, #tpu.memory_space<vmem_shared>>
      tpu.enqueue_indirect_dma source(%arg8 : memref<128x128xf32, #tpu.memory_space<vmem>>) target(%dma_start3A_150 : memref<10112x128xf32, #tpu.memory_space<vmem_shared>>) offsets(%dma_start3A_147 : memref<128xi32, #tpu.memory_space<vmem>>) semaphore(%arg13 : memref<!tpu.dma_semaphore, #tpu.memory_space<semaphore_mem>>) {add = true}
      %dma_wait3A_151 = arith.constant 3 : i32
      %dma_wait3A_152 = arith.constant 0 : i32
      %dma_wait3A_153 = tpu.memref_slice %arg5[%dma_wait3A_151, %dma_wait3A_152] : memref<8x128xi32, #tpu.memory_space<vmem>> -> memref<1x128xi32, #tpu.memory_space<vmem>>
      %dma_wait3A_154 = tpu.memref_squeeze %dma_wait3A_153 : memref<1x128xi32, #tpu.memory_space<vmem>> -> memref<128xi32, #tpu.memory_space<vmem>>
      %dma_wait3A_155 = arith.constant 0 : i32
      %dma_wait3A_156 = arith.constant 0 : i32
      %dma_wait3A_157 = tpu.memref_slice %arg9[%dma_wait3A_155, %dma_wait3A_156] : memref<10112x128xf32, #tpu.memory_space<vmem_shared>> -> memref<10112x128xf32, #tpu.memory_space<vmem_shared>>
      tpu.wait_indirect_dma semaphore(%arg13 : memref<!tpu.dma_semaphore, #tpu.memory_space<semaphore_mem>>) src(%arg8 : memref<128x128xf32, #tpu.memory_space<vmem>>) dst(%dma_wait3A_157 : memref<10112x128xf32, #tpu.memory_space<vmem_shared>>)
      %dma_start3A_158 = arith.constant 6 : i32
      %dma_start3A_159 = arith.constant 0 : i32
      %dma_start3A_160 = tpu.memref_slice %arg5[%dma_start3A_158, %dma_start3A_159] : memref<8x128xi32, #tpu.memory_space<vmem>> -> memref<1x128xi32, #tpu.memory_space<vmem>>
      %dma_start3A_161 = tpu.memref_squeeze %dma_start3A_160 : memref<1x128xi32, #tpu.memory_space<vmem>> -> memref<128xi32, #tpu.memory_space<vmem>>
      %dma_start3A_162 = arith.constant 0 : i32
      %dma_start3A_163 = arith.constant 0 : i32
      %dma_start3A_164 = tpu.memref_slice %arg2[%dma_start3A_162, %dma_start3A_163] : memref<10000x128xf32, #tpu.memory_space<hbm>> -> memref<10000x128xf32, #tpu.memory_space<hbm>>
      tpu.enqueue_indirect_dma source(%dma_start3A_164 : memref<10000x128xf32, #tpu.memory_space<hbm>>) target(%arg8 : memref<128x128xf32, #tpu.memory_space<vmem>>) offsets(%dma_start3A_161 : memref<128xi32, #tpu.memory_space<vmem>>) semaphore(%arg11 : memref<!tpu.dma_semaphore, #tpu.memory_space<semaphore_mem>>)
      %dma_wait3A_165 = arith.constant 4 : i32
      %dma_wait3A_166 = arith.constant 0 : i32
      %dma_wait3A_167 = tpu.memref_slice %arg5[%dma_wait3A_165, %dma_wait3A_166] : memref<8x128xi32, #tpu.memory_space<vmem>> -> memref<1x128xi32, #tpu.memory_space<vmem>>
      %dma_wait3A_168 = tpu.memref_squeeze %dma_wait3A_167 : memref<1x128xi32, #tpu.memory_space<vmem>> -> memref<128xi32, #tpu.memory_space<vmem>>
      %dma_wait3A_169 = arith.constant 0 : i32
      %dma_wait3A_170 = arith.constant 0 : i32
      %dma_wait3A_171 = tpu.memref_slice %arg2[%dma_wait3A_169, %dma_wait3A_170] : memref<10000x128xf32, #tpu.memory_space<hbm>> -> memref<10000x128xf32, #tpu.memory_space<hbm>>
      tpu.wait_indirect_dma semaphore(%arg10 : memref<!tpu.dma_semaphore, #tpu.memory_space<semaphore_mem>>) src(%dma_wait3A_171 : memref<10000x128xf32, #tpu.memory_space<hbm>>) dst(%arg7 : memref<128x128xf32, #tpu.memory_space<vmem>>)
      %dma_start3A_172 = arith.constant 5 : i32
      %dma_start3A_173 = arith.constant 0 : i32
      %dma_start3A_174 = tpu.memref_slice %arg5[%dma_start3A_172, %dma_start3A_173] : memref<8x128xi32, #tpu.memory_space<vmem>> -> memref<1x128xi32, #tpu.memory_space<vmem>>
      %dma_start3A_175 = tpu.memref_squeeze %dma_start3A_174 : memref<1x128xi32, #tpu.memory_space<vmem>> -> memref<128xi32, #tpu.memory_space<vmem>>
      %dma_start3A_176 = arith.constant 0 : i32
      %dma_start3A_177 = arith.constant 0 : i32
      %dma_start3A_178 = tpu.memref_slice %arg9[%dma_start3A_176, %dma_start3A_177] : memref<10112x128xf32, #tpu.memory_space<vmem_shared>> -> memref<10112x128xf32, #tpu.memory_space<vmem_shared>>
      tpu.enqueue_indirect_dma source(%arg7 : memref<128x128xf32, #tpu.memory_space<vmem>>) target(%dma_start3A_178 : memref<10112x128xf32, #tpu.memory_space<vmem_shared>>) offsets(%dma_start3A_175 : memref<128xi32, #tpu.memory_space<vmem>>) semaphore(%arg12 : memref<!tpu.dma_semaphore, #tpu.memory_space<semaphore_mem>>) {add = true}
      %dma_wait3A_179 = arith.constant 5 : i32
      %dma_wait3A_180 = arith.constant 0 : i32
      %dma_wait3A_181 = tpu.memref_slice %arg5[%dma_wait3A_179, %dma_wait3A_180] : memref<8x128xi32, #tpu.memory_space<vmem>> -> memref<1x128xi32, #tpu.memory_space<vmem>>
      %dma_wait3A_182 = tpu.memref_squeeze %dma_wait3A_181 : memref<1x128xi32, #tpu.memory_space<vmem>> -> memref<128xi32, #tpu.memory_space<vmem>>
      %dma_wait3A_183 = arith.constant 0 : i32
      %dma_wait3A_184 = arith.constant 0 : i32
      %dma_wait3A_185 = tpu.memref_slice %arg9[%dma_wait3A_183, %dma_wait3A_184] : memref<10112x128xf32, #tpu.memory_space<vmem_shared>> -> memref<10112x128xf32, #tpu.memory_space<vmem_shared>>
      tpu.wait_indirect_dma semaphore(%arg12 : memref<!tpu.dma_semaphore, #tpu.memory_space<semaphore_mem>>) src(%arg7 : memref<128x128xf32, #tpu.memory_space<vmem>>) dst(%dma_wait3A_185 : memref<10112x128xf32, #tpu.memory_space<vmem_shared>>)
      %convert_element_type3A_186 = arith.extui %lt3A_95 : i1 to i32
      %cond3A_187 = arith.constant 0 : i32
      %cond3A_188 = arith.cmpi ne, %convert_element_type3A_186, %cond3A_187 : i32
      scf.if %cond3A_188 {
        %add3A_211 = arith.addi %select_n3A_25, %mul3A_92 : i32
        %add3A_212 = arith.constant 1 : i32
        %add3A_213 = arith.addi %add3A_211, %add3A_212 : i32
        %dma_wait3A_214 = arith.constant 0 : i32
        %dma_wait3A_215 = arith.constant 0 : i32
        %dma_wait3A_216 = tpu.memref_slice %arg3[%add3A_213, %dma_wait3A_214, %dma_wait3A_215] : memref<640x8x128xi32, #tpu.memory_space<hbm>> -> memref<1x8x128xi32, #tpu.memory_space<hbm>>
        %dma_wait3A_217 = tpu.memref_squeeze %dma_wait3A_216 : memref<1x8x128xi32, #tpu.memory_space<hbm>> -> memref<8x128xi32, #tpu.memory_space<hbm>>
        %dma_wait3A_218 = arith.constant 0 : i32
        %dma_wait3A_219 = arith.constant 0 : i32
        %dma_wait3A_220 = tpu.memref_slice %arg3[%add3A_213, %dma_wait3A_218, %dma_wait3A_219] : memref<640x8x128xi32, #tpu.memory_space<hbm>> -> memref<1x8x128xi32, #tpu.memory_space<hbm>>
        %dma_wait3A_221 = tpu.memref_squeeze %dma_wait3A_220 : memref<1x8x128xi32, #tpu.memory_space<hbm>> -> memref<8x128xi32, #tpu.memory_space<hbm>>
        tpu.wait_dma2 semaphore(%arg15 : memref<!tpu.dma_semaphore, #tpu.memory_space<semaphore_mem>>) src(%dma_wait3A_221 : memref<8x128xi32, #tpu.memory_space<hbm>>) dst(%arg6 : memref<8x128xi32, #tpu.memory_space<vmem>>)
        %dma_start3A_222 = arith.constant 0 : i32
        %dma_start3A_223 = arith.constant 0 : i32
        %dma_start3A_224 = tpu.memref_slice %arg6[%dma_start3A_222, %dma_start3A_223] : memref<8x128xi32, #tpu.memory_space<vmem>> -> memref<1x128xi32, #tpu.memory_space<vmem>>
        %dma_start3A_225 = tpu.memref_squeeze %dma_start3A_224 : memref<1x128xi32, #tpu.memory_space<vmem>> -> memref<128xi32, #tpu.memory_space<vmem>>
        %dma_start3A_226 = arith.constant 0 : i32
        %dma_start3A_227 = arith.constant 0 : i32
        %dma_start3A_228 = tpu.memref_slice %arg2[%dma_start3A_226, %dma_start3A_227] : memref<10000x128xf32, #tpu.memory_space<hbm>> -> memref<10000x128xf32, #tpu.memory_space<hbm>>
        tpu.enqueue_indirect_dma source(%dma_start3A_228 : memref<10000x128xf32, #tpu.memory_space<hbm>>) target(%arg7 : memref<128x128xf32, #tpu.memory_space<vmem>>) offsets(%dma_start3A_225 : memref<128xi32, #tpu.memory_space<vmem>>) semaphore(%arg10 : memref<!tpu.dma_semaphore, #tpu.memory_space<semaphore_mem>>)
      } else {
      }
      %dma_wait3A_189 = arith.constant 6 : i32
      %dma_wait3A_190 = arith.constant 0 : i32
      %dma_wait3A_191 = tpu.memref_slice %arg5[%dma_wait3A_189, %dma_wait3A_190] : memref<8x128xi32, #tpu.memory_space<vmem>> -> memref<1x128xi32, #tpu.memory_space<vmem>>
      %dma_wait3A_192 = tpu.memref_squeeze %dma_wait3A_191 : memref<1x128xi32, #tpu.memory_space<vmem>> -> memref<128xi32, #tpu.memory_space<vmem>>
      %dma_wait3A_193 = arith.constant 0 : i32
      %dma_wait3A_194 = arith.constant 0 : i32
      %dma_wait3A_195 = tpu.memref_slice %arg2[%dma_wait3A_193, %dma_wait3A_194] : memref<10000x128xf32, #tpu.memory_space<hbm>> -> memref<10000x128xf32, #tpu.memory_space<hbm>>
      tpu.wait_indirect_dma semaphore(%arg11 : memref<!tpu.dma_semaphore, #tpu.memory_space<semaphore_mem>>) src(%dma_wait3A_195 : memref<10000x128xf32, #tpu.memory_space<hbm>>) dst(%arg8 : memref<128x128xf32, #tpu.memory_space<vmem>>)
      %dma_start3A_196 = arith.constant 7 : i32
      %dma_start3A_197 = arith.constant 0 : i32
      %dma_start3A_198 = tpu.memref_slice %arg5[%dma_start3A_196, %dma_start3A_197] : memref<8x128xi32, #tpu.memory_space<vmem>> -> memref<1x128xi32, #tpu.memory_space<vmem>>
      %dma_start3A_199 = tpu.memref_squeeze %dma_start3A_198 : memref<1x128xi32, #tpu.memory_space<vmem>> -> memref<128xi32, #tpu.memory_space<vmem>>
      %dma_start3A_200 = arith.constant 0 : i32
      %dma_start3A_201 = arith.constant 0 : i32
      %dma_start3A_202 = tpu.memref_slice %arg9[%dma_start3A_200, %dma_start3A_201] : memref<10112x128xf32, #tpu.memory_space<vmem_shared>> -> memref<10112x128xf32, #tpu.memory_space<vmem_shared>>
      tpu.enqueue_indirect_dma source(%arg8 : memref<128x128xf32, #tpu.memory_space<vmem>>) target(%dma_start3A_202 : memref<10112x128xf32, #tpu.memory_space<vmem_shared>>) offsets(%dma_start3A_199 : memref<128xi32, #tpu.memory_space<vmem>>) semaphore(%arg13 : memref<!tpu.dma_semaphore, #tpu.memory_space<semaphore_mem>>) {add = true}
      %mul3A_203 = arith.constant 2 : i32
      %mul3A_204 = arith.muli %mul3A_203, %while3A_90 : i32
      %add3A_205 = arith.constant 1 : i32
      %add3A_206 = arith.addi %mul3A_204, %add3A_205 : i32
      %lt3A_207 = arith.cmpi slt, %add3A_206, %select_n3A : i32
      %convert_element_type3A_208 = arith.extui %lt3A_207 : i1 to i32
      %cond3A_209 = arith.constant 0 : i32
      %cond3A_210 = arith.cmpi ne, %convert_element_type3A_208, %cond3A_209 : i32
      scf.if %cond3A_210 {
        %mul3A_211 = arith.constant 2 : i32
        %mul3A_212 = arith.muli %mul3A_211, %while3A_90 : i32
        %add3A_213 = arith.constant 1 : i32
        %add3A_214 = arith.addi %mul3A_212, %add3A_213 : i32
        %sub3A_215 = arith.constant 1 : i32
        %sub3A_216 = arith.subi %select_n3A, %sub3A_215 : i32
        %lt3A_217 = arith.cmpi slt, %add3A_214, %sub3A_216 : i32
        %gt3A_218 = arith.constant 0 : i32
        %gt3A_219 = arith.cmpi sgt, %add3A_214, %gt3A_218 : i32
        %convert_element_type3A_220 = arith.extui %gt3A_219 : i1 to i32
        %cond3A_221 = arith.constant 0 : i32
        %cond3A_222 = arith.cmpi ne, %convert_element_type3A_220, %cond3A_221 : i32
        scf.if %cond3A_222 {
          %dma_wait3A_327 = arith.constant 7 : i32
          %dma_wait3A_328 = arith.constant 0 : i32
          %dma_wait3A_329 = tpu.memref_slice %arg6[%dma_wait3A_327, %dma_wait3A_328] : memref<8x128xi32, #tpu.memory_space<vmem>> -> memref<1x128xi32, #tpu.memory_space<vmem>>
          %dma_wait3A_330 = tpu.memref_squeeze %dma_wait3A_329 : memref<1x128xi32, #tpu.memory_space<vmem>> -> memref<128xi32, #tpu.memory_space<vmem>>
          %dma_wait3A_331 = arith.constant 0 : i32
          %dma_wait3A_332 = arith.constant 0 : i32
          %dma_wait3A_333 = tpu.memref_slice %arg9[%dma_wait3A_331, %dma_wait3A_332] : memref<10112x128xf32, #tpu.memory_space<vmem_shared>> -> memref<10112x128xf32, #tpu.memory_space<vmem_shared>>
          tpu.wait_indirect_dma semaphore(%arg13 : memref<!tpu.dma_semaphore, #tpu.memory_space<semaphore_mem>>) src(%arg8 : memref<128x128xf32, #tpu.memory_space<vmem>>) dst(%dma_wait3A_333 : memref<10112x128xf32, #tpu.memory_space<vmem_shared>>)
        } else {
        }
        %convert_element_type3A_223 = arith.extui %lt3A_217 : i1 to i32
        %cond3A_224 = arith.constant 0 : i32
        %cond3A_225 = arith.cmpi ne, %convert_element_type3A_223, %cond3A_224 : i32
        scf.if %cond3A_225 {
          %add3A_327 = arith.addi %select_n3A_25, %add3A_214 : i32
          %add3A_328 = arith.constant 1 : i32
          %add3A_329 = arith.addi %add3A_327, %add3A_328 : i32
          %dma_start3A_330 = arith.constant 0 : i32
          %dma_start3A_331 = arith.constant 0 : i32
          %dma_start3A_332 = tpu.memref_slice %arg3[%add3A_329, %dma_start3A_330, %dma_start3A_331] : memref<640x8x128xi32, #tpu.memory_space<hbm>> -> memref<1x8x128xi32, #tpu.memory_space<hbm>>
          %dma_start3A_333 = tpu.memref_squeeze %dma_start3A_332 : memref<1x8x128xi32, #tpu.memory_space<hbm>> -> memref<8x128xi32, #tpu.memory_space<hbm>>
          %dma_start3A_334 = arith.constant 0 : i32
          %dma_start3A_335 = arith.constant 0 : i32
          %dma_start3A_336 = tpu.memref_slice %arg3[%add3A_329, %dma_start3A_334, %dma_start3A_335] : memref<640x8x128xi32, #tpu.memory_space<hbm>> -> memref<1x8x128xi32, #tpu.memory_space<hbm>>
          %dma_start3A_337 = tpu.memref_squeeze %dma_start3A_336 : memref<1x8x128xi32, #tpu.memory_space<hbm>> -> memref<8x128xi32, #tpu.memory_space<hbm>>
          tpu.enqueue_dma source(%dma_start3A_337 : memref<8x128xi32, #tpu.memory_space<hbm>>) target(%arg5 : memref<8x128xi32, #tpu.memory_space<vmem>>) target_semaphore(%arg14 : memref<!tpu.dma_semaphore, #tpu.memory_space<semaphore_mem>>)
        } else {
        }
        %dma_start3A_226 = arith.constant 2 : i32
        %dma_start3A_227 = arith.constant 0 : i32
        %dma_start3A_228 = tpu.memref_slice %arg6[%dma_start3A_226, %dma_start3A_227] : memref<8x128xi32, #tpu.memory_space<vmem>> -> memref<1x128xi32, #tpu.memory_space<vmem>>
        %dma_start3A_229 = tpu.memref_squeeze %dma_start3A_228 : memref<1x128xi32, #tpu.memory_space<vmem>> -> memref<128xi32, #tpu.memory_space<vmem>>
        %dma_start3A_230 = arith.constant 0 : i32
        %dma_start3A_231 = arith.constant 0 : i32
        %dma_start3A_232 = tpu.memref_slice %arg2[%dma_start3A_230, %dma_start3A_231] : memref<10000x128xf32, #tpu.memory_space<hbm>> -> memref<10000x128xf32, #tpu.memory_space<hbm>>
        tpu.enqueue_indirect_dma source(%dma_start3A_232 : memref<10000x128xf32, #tpu.memory_space<hbm>>) target(%arg8 : memref<128x128xf32, #tpu.memory_space<vmem>>) offsets(%dma_start3A_229 : memref<128xi32, #tpu.memory_space<vmem>>) semaphore(%arg11 : memref<!tpu.dma_semaphore, #tpu.memory_space<semaphore_mem>>)
        %dma_wait3A_233 = arith.constant 0 : i32
        %dma_wait3A_234 = arith.constant 0 : i32
        %dma_wait3A_235 = tpu.memref_slice %arg6[%dma_wait3A_233, %dma_wait3A_234] : memref<8x128xi32, #tpu.memory_space<vmem>> -> memref<1x128xi32, #tpu.memory_space<vmem>>
        %dma_wait3A_236 = tpu.memref_squeeze %dma_wait3A_235 : memref<1x128xi32, #tpu.memory_space<vmem>> -> memref<128xi32, #tpu.memory_space<vmem>>
        %dma_wait3A_237 = arith.constant 0 : i32
        %dma_wait3A_238 = arith.constant 0 : i32
        %dma_wait3A_239 = tpu.memref_slice %arg2[%dma_wait3A_237, %dma_wait3A_238] : memref<10000x128xf32, #tpu.memory_space<hbm>> -> memref<10000x128xf32, #tpu.memory_space<hbm>>
        tpu.wait_indirect_dma semaphore(%arg10 : memref<!tpu.dma_semaphore, #tpu.memory_space<semaphore_mem>>) src(%dma_wait3A_239 : memref<10000x128xf32, #tpu.memory_space<hbm>>) dst(%arg7 : memref<128x128xf32, #tpu.memory_space<vmem>>)
        %dma_start3A_240 = arith.constant 1 : i32
        %dma_start3A_241 = arith.constant 0 : i32
        %dma_start3A_242 = tpu.memref_slice %arg6[%dma_start3A_240, %dma_start3A_241] : memref<8x128xi32, #tpu.memory_space<vmem>> -> memref<1x128xi32, #tpu.memory_space<vmem>>
        %dma_start3A_243 = tpu.memref_squeeze %dma_start3A_242 : memref<1x128xi32, #tpu.memory_space<vmem>> -> memref<128xi32, #tpu.memory_space<vmem>>
        %dma_start3A_244 = arith.constant 0 : i32
        %dma_start3A_245 = arith.constant 0 : i32
        %dma_start3A_246 = tpu.memref_slice %arg9[%dma_start3A_244, %dma_start3A_245] : memref<10112x128xf32, #tpu.memory_space<vmem_shared>> -> memref<10112x128xf32, #tpu.memory_space<vmem_shared>>
        tpu.enqueue_indirect_dma source(%arg7 : memref<128x128xf32, #tpu.memory_space<vmem>>) target(%dma_start3A_246 : memref<10112x128xf32, #tpu.memory_space<vmem_shared>>) offsets(%dma_start3A_243 : memref<128xi32, #tpu.memory_space<vmem>>) semaphore(%arg12 : memref<!tpu.dma_semaphore, #tpu.memory_space<semaphore_mem>>) {add = true}
        %dma_wait3A_247 = arith.constant 1 : i32
        %dma_wait3A_248 = arith.constant 0 : i32
        %dma_wait3A_249 = tpu.memref_slice %arg6[%dma_wait3A_247, %dma_wait3A_248] : memref<8x128xi32, #tpu.memory_space<vmem>> -> memref<1x128xi32, #tpu.memory_space<vmem>>
        %dma_wait3A_250 = tpu.memref_squeeze %dma_wait3A_249 : memref<1x128xi32, #tpu.memory_space<vmem>> -> memref<128xi32, #tpu.memory_space<vmem>>
        %dma_wait3A_251 = arith.constant 0 : i32
        %dma_wait3A_252 = arith.constant 0 : i32
        %dma_wait3A_253 = tpu.memref_slice %arg9[%dma_wait3A_251, %dma_wait3A_252] : memref<10112x128xf32, #tpu.memory_space<vmem_shared>> -> memref<10112x128xf32, #tpu.memory_space<vmem_shared>>
        tpu.wait_indirect_dma semaphore(%arg12 : memref<!tpu.dma_semaphore, #tpu.memory_space<semaphore_mem>>) src(%arg7 : memref<128x128xf32, #tpu.memory_space<vmem>>) dst(%dma_wait3A_253 : memref<10112x128xf32, #tpu.memory_space<vmem_shared>>)
        %dma_start3A_254 = arith.constant 4 : i32
        %dma_start3A_255 = arith.constant 0 : i32
        %dma_start3A_256 = tpu.memref_slice %arg6[%dma_start3A_254, %dma_start3A_255] : memref<8x128xi32, #tpu.memory_space<vmem>> -> memref<1x128xi32, #tpu.memory_space<vmem>>
        %dma_start3A_257 = tpu.memref_squeeze %dma_start3A_256 : memref<1x128xi32, #tpu.memory_space<vmem>> -> memref<128xi32, #tpu.memory_space<vmem>>
        %dma_start3A_258 = arith.constant 0 : i32
        %dma_start3A_259 = arith.constant 0 : i32
        %dma_start3A_260 = tpu.memref_slice %arg2[%dma_start3A_258, %dma_start3A_259] : memref<10000x128xf32, #tpu.memory_space<hbm>> -> memref<10000x128xf32, #tpu.memory_space<hbm>>
        tpu.enqueue_indirect_dma source(%dma_start3A_260 : memref<10000x128xf32, #tpu.memory_space<hbm>>) target(%arg7 : memref<128x128xf32, #tpu.memory_space<vmem>>) offsets(%dma_start3A_257 : memref<128xi32, #tpu.memory_space<vmem>>) semaphore(%arg10 : memref<!tpu.dma_semaphore, #tpu.memory_space<semaphore_mem>>)
        %dma_wait3A_261 = arith.constant 2 : i32
        %dma_wait3A_262 = arith.constant 0 : i32
        %dma_wait3A_263 = tpu.memref_slice %arg6[%dma_wait3A_261, %dma_wait3A_262] : memref<8x128xi32, #tpu.memory_space<vmem>> -> memref<1x128xi32, #tpu.memory_space<vmem>>
        %dma_wait3A_264 = tpu.memref_squeeze %dma_wait3A_263 : memref<1x128xi32, #tpu.memory_space<vmem>> -> memref<128xi32, #tpu.memory_space<vmem>>
        %dma_wait3A_265 = arith.constant 0 : i32
        %dma_wait3A_266 = arith.constant 0 : i32
        %dma_wait3A_267 = tpu.memref_slice %arg2[%dma_wait3A_265, %dma_wait3A_266] : memref<10000x128xf32, #tpu.memory_space<hbm>> -> memref<10000x128xf32, #tpu.memory_space<hbm>>
        tpu.wait_indirect_dma semaphore(%arg11 : memref<!tpu.dma_semaphore, #tpu.memory_space<semaphore_mem>>) src(%dma_wait3A_267 : memref<10000x128xf32, #tpu.memory_space<hbm>>) dst(%arg8 : memref<128x128xf32, #tpu.memory_space<vmem>>)
        %dma_start3A_268 = arith.constant 3 : i32
        %dma_start3A_269 = arith.constant 0 : i32
        %dma_start3A_270 = tpu.memref_slice %arg6[%dma_start3A_268, %dma_start3A_269] : memref<8x128xi32, #tpu.memory_space<vmem>> -> memref<1x128xi32, #tpu.memory_space<vmem>>
        %dma_start3A_271 = tpu.memref_squeeze %dma_start3A_270 : memref<1x128xi32, #tpu.memory_space<vmem>> -> memref<128xi32, #tpu.memory_space<vmem>>
        %dma_start3A_272 = arith.constant 0 : i32
        %dma_start3A_273 = arith.constant 0 : i32
        %dma_start3A_274 = tpu.memref_slice %arg9[%dma_start3A_272, %dma_start3A_273] : memref<10112x128xf32, #tpu.memory_space<vmem_shared>> -> memref<10112x128xf32, #tpu.memory_space<vmem_shared>>
        tpu.enqueue_indirect_dma source(%arg8 : memref<128x128xf32, #tpu.memory_space<vmem>>) target(%dma_start3A_274 : memref<10112x128xf32, #tpu.memory_space<vmem_shared>>) offsets(%dma_start3A_271 : memref<128xi32, #tpu.memory_space<vmem>>) semaphore(%arg13 : memref<!tpu.dma_semaphore, #tpu.memory_space<semaphore_mem>>) {add = true}
        %dma_wait3A_275 = arith.constant 3 : i32
        %dma_wait3A_276 = arith.constant 0 : i32
        %dma_wait3A_277 = tpu.memref_slice %arg6[%dma_wait3A_275, %dma_wait3A_276] : memref<8x128xi32, #tpu.memory_space<vmem>> -> memref<1x128xi32, #tpu.memory_space<vmem>>
        %dma_wait3A_278 = tpu.memref_squeeze %dma_wait3A_277 : memref<1x128xi32, #tpu.memory_space<vmem>> -> memref<128xi32, #tpu.memory_space<vmem>>
        %dma_wait3A_279 = arith.constant 0 : i32
        %dma_wait3A_280 = arith.constant 0 : i32
        %dma_wait3A_281 = tpu.memref_slice %arg9[%dma_wait3A_279, %dma_wait3A_280] : memref<10112x128xf32, #tpu.memory_space<vmem_shared>> -> memref<10112x128xf32, #tpu.memory_space<vmem_shared>>
        tpu.wait_indirect_dma semaphore(%arg13 : memref<!tpu.dma_semaphore, #tpu.memory_space<semaphore_mem>>) src(%arg8 : memref<128x128xf32, #tpu.memory_space<vmem>>) dst(%dma_wait3A_281 : memref<10112x128xf32, #tpu.memory_space<vmem_shared>>)
        %dma_start3A_282 = arith.constant 6 : i32
        %dma_start3A_283 = arith.constant 0 : i32
        %dma_start3A_284 = tpu.memref_slice %arg6[%dma_start3A_282, %dma_start3A_283] : memref<8x128xi32, #tpu.memory_space<vmem>> -> memref<1x128xi32, #tpu.memory_space<vmem>>
        %dma_start3A_285 = tpu.memref_squeeze %dma_start3A_284 : memref<1x128xi32, #tpu.memory_space<vmem>> -> memref<128xi32, #tpu.memory_space<vmem>>
        %dma_start3A_286 = arith.constant 0 : i32
        %dma_start3A_287 = arith.constant 0 : i32
        %dma_start3A_288 = tpu.memref_slice %arg2[%dma_start3A_286, %dma_start3A_287] : memref<10000x128xf32, #tpu.memory_space<hbm>> -> memref<10000x128xf32, #tpu.memory_space<hbm>>
        tpu.enqueue_indirect_dma source(%dma_start3A_288 : memref<10000x128xf32, #tpu.memory_space<hbm>>) target(%arg8 : memref<128x128xf32, #tpu.memory_space<vmem>>) offsets(%dma_start3A_285 : memref<128xi32, #tpu.memory_space<vmem>>) semaphore(%arg11 : memref<!tpu.dma_semaphore, #tpu.memory_space<semaphore_mem>>)
        %dma_wait3A_289 = arith.constant 4 : i32
        %dma_wait3A_290 = arith.constant 0 : i32
        %dma_wait3A_291 = tpu.memref_slice %arg6[%dma_wait3A_289, %dma_wait3A_290] : memref<8x128xi32, #tpu.memory_space<vmem>> -> memref<1x128xi32, #tpu.memory_space<vmem>>
        %dma_wait3A_292 = tpu.memref_squeeze %dma_wait3A_291 : memref<1x128xi32, #tpu.memory_space<vmem>> -> memref<128xi32, #tpu.memory_space<vmem>>
        %dma_wait3A_293 = arith.constant 0 : i32
        %dma_wait3A_294 = arith.constant 0 : i32
        %dma_wait3A_295 = tpu.memref_slice %arg2[%dma_wait3A_293, %dma_wait3A_294] : memref<10000x128xf32, #tpu.memory_space<hbm>> -> memref<10000x128xf32, #tpu.memory_space<hbm>>
        tpu.wait_indirect_dma semaphore(%arg10 : memref<!tpu.dma_semaphore, #tpu.memory_space<semaphore_mem>>) src(%dma_wait3A_295 : memref<10000x128xf32, #tpu.memory_space<hbm>>) dst(%arg7 : memref<128x128xf32, #tpu.memory_space<vmem>>)
        %dma_start3A_296 = arith.constant 5 : i32
        %dma_start3A_297 = arith.constant 0 : i32
        %dma_start3A_298 = tpu.memref_slice %arg6[%dma_start3A_296, %dma_start3A_297] : memref<8x128xi32, #tpu.memory_space<vmem>> -> memref<1x128xi32, #tpu.memory_space<vmem>>
        %dma_start3A_299 = tpu.memref_squeeze %dma_start3A_298 : memref<1x128xi32, #tpu.memory_space<vmem>> -> memref<128xi32, #tpu.memory_space<vmem>>
        %dma_start3A_300 = arith.constant 0 : i32
        %dma_start3A_301 = arith.constant 0 : i32
        %dma_start3A_302 = tpu.memref_slice %arg9[%dma_start3A_300, %dma_start3A_301] : memref<10112x128xf32, #tpu.memory_space<vmem_shared>> -> memref<10112x128xf32, #tpu.memory_space<vmem_shared>>
        tpu.enqueue_indirect_dma source(%arg7 : memref<128x128xf32, #tpu.memory_space<vmem>>) target(%dma_start3A_302 : memref<10112x128xf32, #tpu.memory_space<vmem_shared>>) offsets(%dma_start3A_299 : memref<128xi32, #tpu.memory_space<vmem>>) semaphore(%arg12 : memref<!tpu.dma_semaphore, #tpu.memory_space<semaphore_mem>>) {add = true}
        %dma_wait3A_303 = arith.constant 5 : i32
        %dma_wait3A_304 = arith.constant 0 : i32
        %dma_wait3A_305 = tpu.memref_slice %arg6[%dma_wait3A_303, %dma_wait3A_304] : memref<8x128xi32, #tpu.memory_space<vmem>> -> memref<1x128xi32, #tpu.memory_space<vmem>>
        %dma_wait3A_306 = tpu.memref_squeeze %dma_wait3A_305 : memref<1x128xi32, #tpu.memory_space<vmem>> -> memref<128xi32, #tpu.memory_space<vmem>>
        %dma_wait3A_307 = arith.constant 0 : i32
        %dma_wait3A_308 = arith.constant 0 : i32
        %dma_wait3A_309 = tpu.memref_slice %arg9[%dma_wait3A_307, %dma_wait3A_308] : memref<10112x128xf32, #tpu.memory_space<vmem_shared>> -> memref<10112x128xf32, #tpu.memory_space<vmem_shared>>
        tpu.wait_indirect_dma semaphore(%arg12 : memref<!tpu.dma_semaphore, #tpu.memory_space<semaphore_mem>>) src(%arg7 : memref<128x128xf32, #tpu.memory_space<vmem>>) dst(%dma_wait3A_309 : memref<10112x128xf32, #tpu.memory_space<vmem_shared>>)
        %convert_element_type3A_310 = arith.extui %lt3A_217 : i1 to i32
        %cond3A_311 = arith.constant 0 : i32
        %cond3A_312 = arith.cmpi ne, %convert_element_type3A_310, %cond3A_311 : i32
        scf.if %cond3A_312 {
          %add3A_327 = arith.addi %select_n3A_25, %add3A_214 : i32
          %add3A_328 = arith.constant 1 : i32
          %add3A_329 = arith.addi %add3A_327, %add3A_328 : i32
          %dma_wait3A_330 = arith.constant 0 : i32
          %dma_wait3A_331 = arith.constant 0 : i32
          %dma_wait3A_332 = tpu.memref_slice %arg3[%add3A_329, %dma_wait3A_330, %dma_wait3A_331] : memref<640x8x128xi32, #tpu.memory_space<hbm>> -> memref<1x8x128xi32, #tpu.memory_space<hbm>>
          %dma_wait3A_333 = tpu.memref_squeeze %dma_wait3A_332 : memref<1x8x128xi32, #tpu.memory_space<hbm>> -> memref<8x128xi32, #tpu.memory_space<hbm>>
          %dma_wait3A_334 = arith.constant 0 : i32
          %dma_wait3A_335 = arith.constant 0 : i32
          %dma_wait3A_336 = tpu.memref_slice %arg3[%add3A_329, %dma_wait3A_334, %dma_wait3A_335] : memref<640x8x128xi32, #tpu.memory_space<hbm>> -> memref<1x8x128xi32, #tpu.memory_space<hbm>>
          %dma_wait3A_337 = tpu.memref_squeeze %dma_wait3A_336 : memref<1x8x128xi32, #tpu.memory_space<hbm>> -> memref<8x128xi32, #tpu.memory_space<hbm>>
          tpu.wait_dma2 semaphore(%arg14 : memref<!tpu.dma_semaphore, #tpu.memory_space<semaphore_mem>>) src(%dma_wait3A_337 : memref<8x128xi32, #tpu.memory_space<hbm>>) dst(%arg5 : memref<8x128xi32, #tpu.memory_space<vmem>>)
          %dma_start3A_338 = arith.constant 0 : i32
          %dma_start3A_339 = arith.constant 0 : i32
          %dma_start3A_340 = tpu.memref_slice %arg5[%dma_start3A_338, %dma_start3A_339] : memref<8x128xi32, #tpu.memory_space<vmem>> -> memref<1x128xi32, #tpu.memory_space<vmem>>
          %dma_start3A_341 = tpu.memref_squeeze %dma_start3A_340 : memref<1x128xi32, #tpu.memory_space<vmem>> -> memref<128xi32, #tpu.memory_space<vmem>>
          %dma_start3A_342 = arith.constant 0 : i32
          %dma_start3A_343 = arith.constant 0 : i32
          %dma_start3A_344 = tpu.memref_slice %arg2[%dma_start3A_342, %dma_start3A_343] : memref<10000x128xf32, #tpu.memory_space<hbm>> -> memref<10000x128xf32, #tpu.memory_space<hbm>>
          tpu.enqueue_indirect_dma source(%dma_start3A_344 : memref<10000x128xf32, #tpu.memory_space<hbm>>) target(%arg7 : memref<128x128xf32, #tpu.memory_space<vmem>>) offsets(%dma_start3A_341 : memref<128xi32, #tpu.memory_space<vmem>>) semaphore(%arg10 : memref<!tpu.dma_semaphore, #tpu.memory_space<semaphore_mem>>)
        } else {
        }
        %dma_wait3A_313 = arith.constant 6 : i32
        %dma_wait3A_314 = arith.constant 0 : i32
        %dma_wait3A_315 = tpu.memref_slice %arg6[%dma_wait3A_313, %dma_wait3A_314] : memref<8x128xi32, #tpu.memory_space<vmem>> -> memref<1x128xi32, #tpu.memory_space<vmem>>
        %dma_wait3A_316 = tpu.memref_squeeze %dma_wait3A_315 : memref<1x128xi32, #tpu.memory_space<vmem>> -> memref<128xi32, #tpu.memory_space<vmem>>
        %dma_wait3A_317 = arith.constant 0 : i32
        %dma_wait3A_318 = arith.constant 0 : i32
        %dma_wait3A_319 = tpu.memref_slice %arg2[%dma_wait3A_317, %dma_wait3A_318] : memref<10000x128xf32, #tpu.memory_space<hbm>> -> memref<10000x128xf32, #tpu.memory_space<hbm>>
        tpu.wait_indirect_dma semaphore(%arg11 : memref<!tpu.dma_semaphore, #tpu.memory_space<semaphore_mem>>) src(%dma_wait3A_319 : memref<10000x128xf32, #tpu.memory_space<hbm>>) dst(%arg8 : memref<128x128xf32, #tpu.memory_space<vmem>>)
        %dma_start3A_320 = arith.constant 7 : i32
        %dma_start3A_321 = arith.constant 0 : i32
        %dma_start3A_322 = tpu.memref_slice %arg6[%dma_start3A_320, %dma_start3A_321] : memref<8x128xi32, #tpu.memory_space<vmem>> -> memref<1x128xi32, #tpu.memory_space<vmem>>
        %dma_start3A_323 = tpu.memref_squeeze %dma_start3A_322 : memref<1x128xi32, #tpu.memory_space<vmem>> -> memref<128xi32, #tpu.memory_space<vmem>>
        %dma_start3A_324 = arith.constant 0 : i32
        %dma_start3A_325 = arith.constant 0 : i32
        %dma_start3A_326 = tpu.memref_slice %arg9[%dma_start3A_324, %dma_start3A_325] : memref<10112x128xf32, #tpu.memory_space<vmem_shared>> -> memref<10112x128xf32, #tpu.memory_space<vmem_shared>>
        tpu.enqueue_indirect_dma source(%arg8 : memref<128x128xf32, #tpu.memory_space<vmem>>) target(%dma_start3A_326 : memref<10112x128xf32, #tpu.memory_space<vmem_shared>>) offsets(%dma_start3A_323 : memref<128xi32, #tpu.memory_space<vmem>>) semaphore(%arg13 : memref<!tpu.dma_semaphore, #tpu.memory_space<semaphore_mem>>) {add = true}
      } else {
      }
    }
    %jit3A_61 = arith.constant 2 : i32
    %eq3A_62 = arith.constant 0 : i32
    %eq3A_63 = arith.cmpi eq, %jit3A_61, %eq3A_62 : i32
    %jit3A_64 = arith.constant 1 : i32
    %select_n3A_65 = arith.select %eq3A_63, %jit3A_64, %jit3A_61 : i32
    %rem3A_66 = arith.remsi %select_n3A, %select_n3A_65 : i32
    %ne3A_67 = arith.constant 0 : i32
    %ne3A_68 = arith.cmpi ne, %rem3A_66, %ne3A_67 : i32
    %lt3A = arith.constant 0 : i32
    %lt3A_69 = arith.cmpi slt, %rem3A_66, %lt3A : i32
    %lt3A_70 = arith.constant 0 : i32
    %lt3A_71 = arith.cmpi slt, %select_n3A_65, %lt3A_70 : i32
    %ne3A_72 = arith.xori %lt3A_69, %lt3A_71 : i1
    %and3A_73 = arith.andi %ne3A_72, %ne3A_68 : i1
    %add3A_74 = arith.addi %rem3A_66, %select_n3A_65 : i32
    %select_n3A_75 = arith.select %and3A_73, %add3A_74, %rem3A_66 : i32
    %eq3A_76 = arith.constant 0 : i32
    %eq3A_77 = arith.cmpi eq, %select_n3A_75, %eq3A_76 : i32
    %jit3A_78 = arith.constant 0 : i32
    %jit3A_79 = arith.constant 1 : i32
    %select_n3A_80 = arith.select %eq3A_77, %jit3A_78, %jit3A_79 : i32
    %eq3A_81 = arith.constant 0 : i32
    %eq3A_82 = arith.cmpi eq, %select_n3A_80, %eq3A_81 : i32
    %convert_element_type3A = arith.extui %eq3A_82 : i1 to i32
    %cond3A = arith.constant 0 : i32
    %cond3A_83 = arith.cmpi ne, %convert_element_type3A, %cond3A : i32
    scf.if %cond3A_83 {
      %dma_wait3A = arith.constant 7 : i32
      %dma_wait3A_90 = arith.constant 0 : i32
      %dma_wait3A_91 = tpu.memref_slice %arg6[%dma_wait3A, %dma_wait3A_90] : memref<8x128xi32, #tpu.memory_space<vmem>> -> memref<1x128xi32, #tpu.memory_space<vmem>>
      %dma_wait3A_92 = tpu.memref_squeeze %dma_wait3A_91 : memref<1x128xi32, #tpu.memory_space<vmem>> -> memref<128xi32, #tpu.memory_space<vmem>>
      %dma_wait3A_93 = arith.constant 0 : i32
      %dma_wait3A_94 = arith.constant 0 : i32
      %dma_wait3A_95 = tpu.memref_slice %arg9[%dma_wait3A_93, %dma_wait3A_94] : memref<10112x128xf32, #tpu.memory_space<vmem_shared>> -> memref<10112x128xf32, #tpu.memory_space<vmem_shared>>
      tpu.wait_indirect_dma semaphore(%arg13 : memref<!tpu.dma_semaphore, #tpu.memory_space<semaphore_mem>>) src(%arg8 : memref<128x128xf32, #tpu.memory_space<vmem>>) dst(%dma_wait3A_95 : memref<10112x128xf32, #tpu.memory_space<vmem_shared>>)
    } else {
    }
    %eq3A_84 = arith.constant 1 : i32
    %eq3A_85 = arith.cmpi eq, %select_n3A_80, %eq3A_84 : i32
    %convert_element_type3A_86 = arith.extui %eq3A_85 : i1 to i32
    %cond3A_87 = arith.constant 0 : i32
    %cond3A_88 = arith.cmpi ne, %convert_element_type3A_86, %cond3A_87 : i32
    scf.if %cond3A_88 {
      %dma_wait3A = arith.constant 7 : i32
      %dma_wait3A_90 = arith.constant 0 : i32
      %dma_wait3A_91 = tpu.memref_slice %arg5[%dma_wait3A, %dma_wait3A_90] : memref<8x128xi32, #tpu.memory_space<vmem>> -> memref<1x128xi32, #tpu.memory_space<vmem>>
      %dma_wait3A_92 = tpu.memref_squeeze %dma_wait3A_91 : memref<1x128xi32, #tpu.memory_space<vmem>> -> memref<128xi32, #tpu.memory_space<vmem>>
      %dma_wait3A_93 = arith.constant 0 : i32
      %dma_wait3A_94 = arith.constant 0 : i32
      %dma_wait3A_95 = tpu.memref_slice %arg9[%dma_wait3A_93, %dma_wait3A_94] : memref<10112x128xf32, #tpu.memory_space<vmem_shared>> -> memref<10112x128xf32, #tpu.memory_space<vmem_shared>>
      tpu.wait_indirect_dma semaphore(%arg13 : memref<!tpu.dma_semaphore, #tpu.memory_space<semaphore_mem>>) src(%arg8 : memref<128x128xf32, #tpu.memory_space<vmem>>) dst(%dma_wait3A_95 : memref<10112x128xf32, #tpu.memory_space<vmem_shared>>)
    } else {
    }
    %barrier3A_89 = arith.constant 0 : index
    tpu.barrier barrier_id(%barrier3A_89)
    "tpu.region"() ({
      %run_scoped3A = tpu.sem_alloc : memref<!tpu.dma_semaphore, #tpu.memory_space<semaphore_mem>>
      %dma_start3A_90 = arith.constant 0 : i32
      %dma_start3A_91 = arith.constant 0 : i32
      %dma_start3A_92 = tpu.memref_slice %arg4[%arg0, %dma_start3A_90, %dma_start3A_91] : memref<2x10112x128xf32, #tpu.memory_space<hbm>> -> memref<1x10112x128xf32, #tpu.memory_space<hbm>>
      %dma_start3A_93 = tpu.memref_squeeze %dma_start3A_92 : memref<1x10112x128xf32, #tpu.memory_space<hbm>> -> memref<10112x128xf32, #tpu.memory_space<hbm>>
      %dma_start3A_94 = arith.constant 0 : i32
      %dma_start3A_95 = tpu.memref_slice %dma_start3A_93[%mul3A_0, %dma_start3A_94] : memref<10112x128xf32, #tpu.memory_space<hbm>> -> memref<632x128xf32, #tpu.memory_space<hbm>>
      %dma_start3A_96 = arith.constant 0 : i32
      %dma_start3A_97 = tpu.memref_slice %arg9[%mul3A_0, %dma_start3A_96] : memref<10112x128xf32, #tpu.memory_space<vmem_shared>> -> memref<632x128xf32, #tpu.memory_space<vmem_shared>>
      tpu.enqueue_dma source(%dma_start3A_97 : memref<632x128xf32, #tpu.memory_space<vmem_shared>>) target(%dma_start3A_95 : memref<632x128xf32, #tpu.memory_space<hbm>>) target_semaphore(%run_scoped3A : memref<!tpu.dma_semaphore, #tpu.memory_space<semaphore_mem>>)
      %dma_wait3A = arith.constant 0 : i32
      %dma_wait3A_98 = arith.constant 0 : i32
      %dma_wait3A_99 = tpu.memref_slice %arg4[%arg0, %dma_wait3A, %dma_wait3A_98] : memref<2x10112x128xf32, #tpu.memory_space<hbm>> -> memref<1x10112x128xf32, #tpu.memory_space<hbm>>
      %dma_wait3A_100 = tpu.memref_squeeze %dma_wait3A_99 : memref<1x10112x128xf32, #tpu.memory_space<hbm>> -> memref<10112x128xf32, #tpu.memory_space<hbm>>
      %dma_wait3A_101 = arith.constant 0 : i32
      %dma_wait3A_102 = tpu.memref_slice %dma_wait3A_100[%mul3A_0, %dma_wait3A_101] : memref<10112x128xf32, #tpu.memory_space<hbm>> -> memref<632x128xf32, #tpu.memory_space<hbm>>
      %dma_wait3A_103 = arith.constant 0 : i32
      %dma_wait3A_104 = tpu.memref_slice %arg9[%mul3A_0, %dma_wait3A_103] : memref<10112x128xf32, #tpu.memory_space<vmem_shared>> -> memref<632x128xf32, #tpu.memory_space<vmem_shared>>
      tpu.wait_dma2 semaphore(%run_scoped3A : memref<!tpu.dma_semaphore, #tpu.memory_space<semaphore_mem>>) src(%dma_wait3A_104 : memref<632x128xf32, #tpu.memory_space<vmem_shared>>) dst(%dma_wait3A_102 : memref<632x128xf32, #tpu.memory_space<hbm>>)
      tpu.yield
    }) : () -> ()
    return
  }
}

#map = affine_map<(d0, d1) -> (0, 0)>
#map1 = affine_map<(d0, d1) -> (0, 0, 0)>
module attributes {stable_mosaic.version = 14 : i64} {
  func.func @_sc_segsum_body(%arg0: i32, %arg1: i32, %arg2: memref<10000x128xf32, #tpu.memory_space<hbm>>, %arg3: memref<640x8x128xi32, #tpu.memory_space<hbm>>, %arg4: memref<2x10112x128xf32, #tpu.memory_space<hbm>>, %arg5: memref<8x128xi32, #tpu.memory_space<vmem>>, %arg6: memref<8x128xi32, #tpu.memory_space<vmem>>, %arg7: memref<128x128xf32, #tpu.memory_space<vmem>>, %arg8: memref<128x128xf32, #tpu.memory_space<vmem>>, %arg9: memref<10112x128xf32, #tpu.memory_space<vmem_shared>>, %arg10: memref<!tpu.dma_semaphore, #tpu.memory_space<semaphore_mem>>, %arg11: memref<!tpu.dma_semaphore, #tpu.memory_space<semaphore_mem>>, %arg12: memref<!tpu.dma_semaphore, #tpu.memory_space<semaphore_mem>>, %arg13: memref<!tpu.dma_semaphore, #tpu.memory_space<semaphore_mem>>, %arg14: memref<!tpu.dma_semaphore, #tpu.memory_space<semaphore_mem>>, %arg15: memref<!tpu.dma_semaphore, #tpu.memory_space<semaphore_mem>>) attributes {dimension_semantics = [#tpu.dimension_semantics<core_parallel>, #tpu.dimension_semantics<subcore_parallel>], iteration_bounds = array<i64: 2, 16>, scalar_prefetch = 0 : i64, scratch_operands = 11 : i64, tpu.core_type = #tpu.core_type<sc_vector_subcore>, window_params = [{transform_indices = #map}, {transform_indices = #map1}, {transform_indices = #map1}]} {
    %mul3A = arith.constant 632 : i32
    %mul3A_0 = arith.muli %arg1, %mul3A : i32
    %scan3A = arith.constant 0 : i32
    %scan3A_1 = arith.constant 0 : i32
    %scan3A_2 = arith.constant 1024 : i32
    %scan3A_3 = arith.addi %scan3A_1, %scan3A_2 : i32
    %scan3A_4 = arith.constant 1 : i32
    scf.for %scan3A_90 = %scan3A_1 to %scan3A_3 step %scan3A_4  : i32 {
      %broadcast_in_dim3A = arith.constant 0.000000e+00 : f32
      %broadcast_in_dim3A_91 = vector.broadcast %broadcast_in_dim3A : f32 to vector<16xf32>
      %jit3A_92 = arith.constant 8 : i32
      %div3A_93 = arith.divsi %scan3A_90, %jit3A_92 : i32
      %sign3A_94 = arith.constant 0 : i32
      %sign3A_95 = arith.cmpi sgt, %scan3A_90, %sign3A_94 : i32
      %sign3A_96 = arith.extui %sign3A_95 : i1 to i32
      %sign3A_97 = arith.constant 0 : i32
      %sign3A_98 = arith.cmpi slt, %scan3A_90, %sign3A_97 : i32
      %sign3A_99 = arith.extui %sign3A_98 : i1 to i32
      %sign3A_100 = arith.subi %sign3A_96, %sign3A_99 : i32
      %sign3A_101 = arith.constant 0 : i32
      %sign3A_102 = arith.cmpi sgt, %jit3A_92, %sign3A_101 : i32
      %sign3A_103 = arith.extui %sign3A_102 : i1 to i32
      %sign3A_104 = arith.constant 0 : i32
      %sign3A_105 = arith.cmpi slt, %jit3A_92, %sign3A_104 : i32
      %sign3A_106 = arith.extui %sign3A_105 : i1 to i32
      %sign3A_107 = arith.subi %sign3A_103, %sign3A_106 : i32
      %ne3A_108 = arith.cmpi ne, %sign3A_100, %sign3A_107 : i32
      %rem3A_109 = arith.remsi %scan3A_90, %jit3A_92 : i32
      %ne3A_110 = arith.constant 0 : i32
      %ne3A_111 = arith.cmpi ne, %rem3A_109, %ne3A_110 : i32
      %and3A_112 = arith.andi %ne3A_108, %ne3A_111 : i1
      %sub3A_113 = arith.constant 1 : i32
      %sub3A_114 = arith.subi %div3A_93, %sub3A_113 : i32
      %select_n3A_115 = arith.select %and3A_112, %sub3A_114, %div3A_93 : i32
      %jit3A_116 = arith.constant 8 : i32
      %eq3A_117 = arith.constant 0 : i32
      %eq3A_118 = arith.cmpi eq, %jit3A_116, %eq3A_117 : i32
      %jit3A_119 = arith.constant 1 : i32
      %select_n3A_120 = arith.select %eq3A_118, %jit3A_119, %jit3A_116 : i32
      %rem3A_121 = arith.remsi %scan3A_90, %select_n3A_120 : i32
      %ne3A_122 = arith.constant 0 : i32
      %ne3A_123 = arith.cmpi ne, %rem3A_121, %ne3A_122 : i32
      %lt3A_124 = arith.constant 0 : i32
      %lt3A_125 = arith.cmpi slt, %rem3A_121, %lt3A_124 : i32
      %lt3A_126 = arith.constant 0 : i32
      %lt3A_127 = arith.cmpi slt, %select_n3A_120, %lt3A_126 : i32
      %ne3A_128 = arith.xori %lt3A_125, %lt3A_127 : i1
      %and3A_129 = arith.andi %ne3A_128, %ne3A_123 : i1
      %add3A_130 = arith.addi %rem3A_121, %select_n3A_120 : i32
      %select_n3A_131 = arith.select %and3A_129, %add3A_130, %rem3A_121 : i32
      %mul3A_132 = arith.constant 16 : i32
      %mul3A_133 = arith.muli %select_n3A_131, %mul3A_132 : i32
      %swap3A = arith.index_cast %select_n3A_115 : i32 to index
      %swap3A_134 = arith.index_cast %mul3A_133 : i32 to index
      %swap3A_135 = tpu.vector_load %arg7[%swap3A, %swap3A_134] {strides = array<i32>} : memref<128x128xf32, #tpu.memory_space<vmem>>, vector<1x16xf32>,
      %swap3A_136 = vector.shape_cast %swap3A_135 : vector<1x16xf32> to vector<16xf32>
      %swap3A_137 = vector.shape_cast %broadcast_in_dim3A_91 : vector<16xf32> to vector<1x16xf32>
      tpu.vector_store %arg7[%swap3A, %swap3A_134], %swap3A_137 {strides = array<i32>} : memref<128x128xf32, #tpu.memory_space<vmem>>, vector<1x16xf32>,
    }
    %scan3A_5 = arith.constant 1024 : i32
    %add3A = arith.constant 0 : i32
    %add3A_6 = arith.addi %mul3A_0, %add3A : i32
    "tpu.region"() ({
      %run_scoped3A = tpu.sem_alloc : memref<!tpu.dma_semaphore, #tpu.memory_space<semaphore_mem>>
      %dma_start3A_90 = arith.constant 0 : i32
      %dma_start3A_91 = tpu.memref_slice %arg9[%add3A_6, %dma_start3A_90] : memref<10112x128xf32, #tpu.memory_space<vmem_shared>> -> memref<128x128xf32, #tpu.memory_space<vmem_shared>>
      %dma_start3A_92 = arith.constant 0 : i32
      %dma_start3A_93 = tpu.memref_slice %arg9[%add3A_6, %dma_start3A_92] : memref<10112x128xf32, #tpu.memory_space<vmem_shared>> -> memref<128x128xf32, #tpu.memory_space<vmem_shared>>
      tpu.enqueue_dma source(%arg7 : memref<128x128xf32, #tpu.memory_space<vmem>>) target(%dma_start3A_93 : memref<128x128xf32, #tpu.memory_space<vmem_shared>>) target_semaphore(%run_scoped3A : memref<!tpu.dma_semaphore, #tpu.memory_space<semaphore_mem>>)
      %dma_wait3A = arith.constant 0 : i32
      %dma_wait3A_94 = tpu.memref_slice %arg9[%add3A_6, %dma_wait3A] : memref<10112x128xf32, #tpu.memory_space<vmem_shared>> -> memref<128x128xf32, #tpu.memory_space<vmem_shared>>
      %dma_wait3A_95 = arith.constant 0 : i32
      %dma_wait3A_96 = tpu.memref_slice %arg9[%add3A_6, %dma_wait3A_95] : memref<10112x128xf32, #tpu.memory_space<vmem_shared>> -> memref<128x128xf32, #tpu.memory_space<vmem_shared>>
      tpu.wait_dma2 semaphore(%run_scoped3A : memref<!tpu.dma_semaphore, #tpu.memory_space<semaphore_mem>>) src(%arg7 : memref<128x128xf32, #tpu.memory_space<vmem>>) dst(%dma_wait3A_96 : memref<128x128xf32, #tpu.memory_space<vmem_shared>>)
      tpu.yield
    }) : () -> ()
    %add3A_7 = arith.constant 128 : i32
    %add3A_8 = arith.addi %mul3A_0, %add3A_7 : i32
    "tpu.region"() ({
      %run_scoped3A = tpu.sem_alloc : memref<!tpu.dma_semaphore, #tpu.memory_space<semaphore_mem>>
      %dma_start3A_90 = arith.constant 0 : i32
      %dma_start3A_91 = tpu.memref_slice %arg9[%add3A_8, %dma_start3A_90] : memref<10112x128xf32, #tpu.memory_space<vmem_shared>> -> memref<128x128xf32, #tpu.memory_space<vmem_shared>>
      %dma_start3A_92 = arith.constant 0 : i32
      %dma_start3A_93 = tpu.memref_slice %arg9[%add3A_8, %dma_start3A_92] : memref<10112x128xf32, #tpu.memory_space<vmem_shared>> -> memref<128x128xf32, #tpu.memory_space<vmem_shared>>
      tpu.enqueue_dma source(%arg7 : memref<128x128xf32, #tpu.memory_space<vmem>>) target(%dma_start3A_93 : memref<128x128xf32, #tpu.memory_space<vmem_shared>>) target_semaphore(%run_scoped3A : memref<!tpu.dma_semaphore, #tpu.memory_space<semaphore_mem>>)
      %dma_wait3A = arith.constant 0 : i32
      %dma_wait3A_94 = tpu.memref_slice %arg9[%add3A_8, %dma_wait3A] : memref<10112x128xf32, #tpu.memory_space<vmem_shared>> -> memref<128x128xf32, #tpu.memory_space<vmem_shared>>
      %dma_wait3A_95 = arith.constant 0 : i32
      %dma_wait3A_96 = tpu.memref_slice %arg9[%add3A_8, %dma_wait3A_95] : memref<10112x128xf32, #tpu.memory_space<vmem_shared>> -> memref<128x128xf32, #tpu.memory_space<vmem_shared>>
      tpu.wait_dma2 semaphore(%run_scoped3A : memref<!tpu.dma_semaphore, #tpu.memory_space<semaphore_mem>>) src(%arg7 : memref<128x128xf32, #tpu.memory_space<vmem>>) dst(%dma_wait3A_96 : memref<128x128xf32, #tpu.memory_space<vmem_shared>>)
      tpu.yield
    }) : () -> ()
    %add3A_9 = arith.constant 256 : i32
    %add3A_10 = arith.addi %mul3A_0, %add3A_9 : i32
    "tpu.region"() ({
      %run_scoped3A = tpu.sem_alloc : memref<!tpu.dma_semaphore, #tpu.memory_space<semaphore_mem>>
      %dma_start3A_90 = arith.constant 0 : i32
      %dma_start3A_91 = tpu.memref_slice %arg9[%add3A_10, %dma_start3A_90] : memref<10112x128xf32, #tpu.memory_space<vmem_shared>> -> memref<128x128xf32, #tpu.memory_space<vmem_shared>>
      %dma_start3A_92 = arith.constant 0 : i32
      %dma_start3A_93 = tpu.memref_slice %arg9[%add3A_10, %dma_start3A_92] : memref<10112x128xf32, #tpu.memory_space<vmem_shared>> -> memref<128x128xf32, #tpu.memory_space<vmem_shared>>
      tpu.enqueue_dma source(%arg7 : memref<128x128xf32, #tpu.memory_space<vmem>>) target(%dma_start3A_93 : memref<128x128xf32, #tpu.memory_space<vmem_shared>>) target_semaphore(%run_scoped3A : memref<!tpu.dma_semaphore, #tpu.memory_space<semaphore_mem>>)
      %dma_wait3A = arith.constant 0 : i32
      %dma_wait3A_94 = tpu.memref_slice %arg9[%add3A_10, %dma_wait3A] : memref<10112x128xf32, #tpu.memory_space<vmem_shared>> -> memref<128x128xf32, #tpu.memory_space<vmem_shared>>
      %dma_wait3A_95 = arith.constant 0 : i32
      %dma_wait3A_96 = tpu.memref_slice %arg9[%add3A_10, %dma_wait3A_95] : memref<10112x128xf32, #tpu.memory_space<vmem_shared>> -> memref<128x128xf32, #tpu.memory_space<vmem_shared>>
      tpu.wait_dma2 semaphore(%run_scoped3A : memref<!tpu.dma_semaphore, #tpu.memory_space<semaphore_mem>>) src(%arg7 : memref<128x128xf32, #tpu.memory_space<vmem>>) dst(%dma_wait3A_96 : memref<128x128xf32, #tpu.memory_space<vmem_shared>>)
      tpu.yield
    }) : () -> ()
    %add3A_11 = arith.constant 384 : i32
    %add3A_12 = arith.addi %mul3A_0, %add3A_11 : i32
    "tpu.region"() ({
      %run_scoped3A = tpu.sem_alloc : memref<!tpu.dma_semaphore, #tpu.memory_space<semaphore_mem>>
      %dma_start3A_90 = arith.constant 0 : i32
      %dma_start3A_91 = tpu.memref_slice %arg9[%add3A_12, %dma_start3A_90] : memref<10112x128xf32, #tpu.memory_space<vmem_shared>> -> memref<128x128xf32, #tpu.memory_space<vmem_shared>>
      %dma_start3A_92 = arith.constant 0 : i32
      %dma_start3A_93 = tpu.memref_slice %arg9[%add3A_12, %dma_start3A_92] : memref<10112x128xf32, #tpu.memory_space<vmem_shared>> -> memref<128x128xf32, #tpu.memory_space<vmem_shared>>
      tpu.enqueue_dma source(%arg7 : memref<128x128xf32, #tpu.memory_space<vmem>>) target(%dma_start3A_93 : memref<128x128xf32, #tpu.memory_space<vmem_shared>>) target_semaphore(%run_scoped3A : memref<!tpu.dma_semaphore, #tpu.memory_space<semaphore_mem>>)
      %dma_wait3A = arith.constant 0 : i32
      %dma_wait3A_94 = tpu.memref_slice %arg9[%add3A_12, %dma_wait3A] : memref<10112x128xf32, #tpu.memory_space<vmem_shared>> -> memref<128x128xf32, #tpu.memory_space<vmem_shared>>
      %dma_wait3A_95 = arith.constant 0 : i32
      %dma_wait3A_96 = tpu.memref_slice %arg9[%add3A_12, %dma_wait3A_95] : memref<10112x128xf32, #tpu.memory_space<vmem_shared>> -> memref<128x128xf32, #tpu.memory_space<vmem_shared>>
      tpu.wait_dma2 semaphore(%run_scoped3A : memref<!tpu.dma_semaphore, #tpu.memory_space<semaphore_mem>>) src(%arg7 : memref<128x128xf32, #tpu.memory_space<vmem>>) dst(%dma_wait3A_96 : memref<128x128xf32, #tpu.memory_space<vmem_shared>>)
      tpu.yield
    }) : () -> ()
    %add3A_13 = arith.constant 512 : i32
    %add3A_14 = arith.addi %mul3A_0, %add3A_13 : i32
    "tpu.region"() ({
      %run_scoped3A = tpu.sem_alloc : memref<!tpu.dma_semaphore, #tpu.memory_space<semaphore_mem>>
      %dma_start3A_90 = arith.constant 0 : i32
      %dma_start3A_91 = arith.constant 0 : i32
      %dma_start3A_92 = tpu.memref_slice %arg7[%dma_start3A_90, %dma_start3A_91] : memref<128x128xf32, #tpu.memory_space<vmem>> -> memref<120x128xf32, #tpu.memory_space<vmem>>
      %dma_start3A_93 = arith.constant 0 : i32
      %dma_start3A_94 = tpu.memref_slice %arg9[%add3A_14, %dma_start3A_93] : memref<10112x128xf32, #tpu.memory_space<vmem_shared>> -> memref<120x128xf32, #tpu.memory_space<vmem_shared>>
      %dma_start3A_95 = arith.constant 0 : i32
      %dma_start3A_96 = tpu.memref_slice %arg9[%add3A_14, %dma_start3A_95] : memref<10112x128xf32, #tpu.memory_space<vmem_shared>> -> memref<120x128xf32, #tpu.memory_space<vmem_shared>>
      %dma_start3A_97 = arith.constant 0 : i32
      %dma_start3A_98 = arith.constant 0 : i32
      %dma_start3A_99 = tpu.memref_slice %arg7[%dma_start3A_97, %dma_start3A_98] : memref<128x128xf32, #tpu.memory_space<vmem>> -> memref<120x128xf32, #tpu.memory_space<vmem>>
      tpu.enqueue_dma source(%dma_start3A_99 : memref<120x128xf32, #tpu.memory_space<vmem>>) target(%dma_start3A_96 : memref<120x128xf32, #tpu.memory_space<vmem_shared>>) target_semaphore(%run_scoped3A : memref<!tpu.dma_semaphore, #tpu.memory_space<semaphore_mem>>)
      %dma_wait3A = arith.constant 0 : i32
      %dma_wait3A_100 = arith.constant 0 : i32
      %dma_wait3A_101 = tpu.memref_slice %arg7[%dma_wait3A, %dma_wait3A_100] : memref<128x128xf32, #tpu.memory_space<vmem>> -> memref<120x128xf32, #tpu.memory_space<vmem>>
      %dma_wait3A_102 = arith.constant 0 : i32
      %dma_wait3A_103 = tpu.memref_slice %arg9[%add3A_14, %dma_wait3A_102] : memref<10112x128xf32, #tpu.memory_space<vmem_shared>> -> memref<120x128xf32, #tpu.memory_space<vmem_shared>>
      %dma_wait3A_104 = arith.constant 0 : i32
      %dma_wait3A_105 = tpu.memref_slice %arg9[%add3A_14, %dma_wait3A_104] : memref<10112x128xf32, #tpu.memory_space<vmem_shared>> -> memref<120x128xf32, #tpu.memory_space<vmem_shared>>
      %dma_wait3A_106 = arith.constant 0 : i32
      %dma_wait3A_107 = arith.constant 0 : i32
      %dma_wait3A_108 = tpu.memref_slice %arg7[%dma_wait3A_106, %dma_wait3A_107] : memref<128x128xf32, #tpu.memory_space<vmem>> -> memref<120x128xf32, #tpu.memory_space<vmem>>
      tpu.wait_dma2 semaphore(%run_scoped3A : memref<!tpu.dma_semaphore, #tpu.memory_space<semaphore_mem>>) src(%dma_wait3A_108 : memref<120x128xf32, #tpu.memory_space<vmem>>) dst(%dma_wait3A_105 : memref<120x128xf32, #tpu.memory_space<vmem_shared>>)
      tpu.yield
    }) : () -> ()
    %barrier3A = arith.constant 0 : index
    tpu.barrier barrier_id(%barrier3A)
    %eq3A = arith.constant 0 : i32
    %eq3A_15 = arith.cmpi eq, %arg0, %eq3A : i32
    %jit3A = arith.constant 26 : i32
    %jit3A_16 = arith.constant 14 : i32
    %select_n3A = arith.select %eq3A_15, %jit3A, %jit3A_16 : i32
    %eq3A_17 = arith.constant 0 : i32
    %eq3A_18 = arith.cmpi eq, %arg0, %eq3A_17 : i32
    %mul3A_19 = arith.constant 26 : i32
    %mul3A_20 = arith.muli %arg1, %mul3A_19 : i32
    %mul3A_21 = arith.constant 14 : i32
    %mul3A_22 = arith.muli %arg1, %mul3A_21 : i32
    %add3A_23 = arith.constant 416 : i32
    %add3A_24 = arith.addi %add3A_23, %mul3A_22 : i32
    %select_n3A_25 = arith.select %eq3A_18, %mul3A_20, %add3A_24 : i32
    "tpu.region"() ({
      %run_scoped3A = tpu.sem_alloc : memref<!tpu.dma_semaphore, #tpu.memory_space<semaphore_mem>>
      %dma_start3A_90 = arith.constant 0 : i32
      %dma_start3A_91 = arith.constant 0 : i32
      %dma_start3A_92 = tpu.memref_slice %arg3[%select_n3A_25, %dma_start3A_90, %dma_start3A_91] : memref<640x8x128xi32, #tpu.memory_space<hbm>> -> memref<1x8x128xi32, #tpu.memory_space<hbm>>
      %dma_start3A_93 = tpu.memref_squeeze %dma_start3A_92 : memref<1x8x128xi32, #tpu.memory_space<hbm>> -> memref<8x128xi32, #tpu.memory_space<hbm>>
      %dma_start3A_94 = arith.constant 0 : i32
      %dma_start3A_95 = arith.constant 0 : i32
      %dma_start3A_96 = tpu.memref_slice %arg3[%select_n3A_25, %dma_start3A_94, %dma_start3A_95] : memref<640x8x128xi32, #tpu.memory_space<hbm>> -> memref<1x8x128xi32, #tpu.memory_space<hbm>>
      %dma_start3A_97 = tpu.memref_squeeze %dma_start3A_96 : memref<1x8x128xi32, #tpu.memory_space<hbm>> -> memref<8x128xi32, #tpu.memory_space<hbm>>
      tpu.enqueue_dma source(%dma_start3A_97 : memref<8x128xi32, #tpu.memory_space<hbm>>) target(%arg5 : memref<8x128xi32, #tpu.memory_space<vmem>>) target_semaphore(%run_scoped3A : memref<!tpu.dma_semaphore, #tpu.memory_space<semaphore_mem>>)
      %dma_wait3A = arith.constant 0 : i32
      %dma_wait3A_98 = arith.constant 0 : i32
      %dma_wait3A_99 = tpu.memref_slice %arg3[%select_n3A_25, %dma_wait3A, %dma_wait3A_98] : memref<640x8x128xi32, #tpu.memory_space<hbm>> -> memref<1x8x128xi32, #tpu.memory_space<hbm>>
      %dma_wait3A_100 = tpu.memref_squeeze %dma_wait3A_99 : memref<1x8x128xi32, #tpu.memory_space<hbm>> -> memref<8x128xi32, #tpu.memory_space<hbm>>
      %dma_wait3A_101 = arith.constant 0 : i32
      %dma_wait3A_102 = arith.constant 0 : i32
      %dma_wait3A_103 = tpu.memref_slice %arg3[%select_n3A_25, %dma_wait3A_101, %dma_wait3A_102] : memref<640x8x128xi32, #tpu.memory_space<hbm>> -> memref<1x8x128xi32, #tpu.memory_space<hbm>>
      %dma_wait3A_104 = tpu.memref_squeeze %dma_wait3A_103 : memref<1x8x128xi32, #tpu.memory_space<hbm>> -> memref<8x128xi32, #tpu.memory_space<hbm>>
      tpu.wait_dma2 semaphore(%run_scoped3A : memref<!tpu.dma_semaphore, #tpu.memory_space<semaphore_mem>>) src(%dma_wait3A_104 : memref<8x128xi32, #tpu.memory_space<hbm>>) dst(%arg5 : memref<8x128xi32, #tpu.memory_space<vmem>>)
      tpu.yield
    }) : () -> ()
    %dma_start3A = arith.constant 0 : i32
    %dma_start3A_26 = arith.constant 0 : i32
    %dma_start3A_27 = tpu.memref_slice %arg5[%dma_start3A, %dma_start3A_26] : memref<8x128xi32, #tpu.memory_space<vmem>> -> memref<1x128xi32, #tpu.memory_space<vmem>>
    %dma_start3A_28 = tpu.memref_squeeze %dma_start3A_27 : memref<1x128xi32, #tpu.memory_space<vmem>> -> memref<128xi32, #tpu.memory_space<vmem>>
    %dma_start3A_29 = arith.constant 0 : i32
    %dma_start3A_30 = arith.constant 0 : i32
    %dma_start3A_31 = tpu.memref_slice %arg2[%dma_start3A_29, %dma_start3A_30] : memref<10000x128xf32, #tpu.memory_space<hbm>> -> memref<10000x128xf32, #tpu.memory_space<hbm>>
    tpu.enqueue_indirect_dma source(%dma_start3A_31 : memref<10000x128xf32, #tpu.memory_space<hbm>>) target(%arg7 : memref<128x128xf32, #tpu.memory_space<vmem>>) offsets(%dma_start3A_28 : memref<128xi32, #tpu.memory_space<vmem>>) semaphore(%arg10 : memref<!tpu.dma_semaphore, #tpu.memory_space<semaphore_mem>>)
    %add3A_32 = arith.constant 1 : i32
    %add3A_33 = arith.addi %select_n3A, %add3A_32 : i32
    %jit3A_34 = arith.constant 2 : i32
    %div3A = arith.divsi %add3A_33, %jit3A_34 : i32
    %sign3A = arith.constant 0 : i32
    %sign3A_35 = arith.cmpi sgt, %add3A_33, %sign3A : i32
    %sign3A_36 = arith.extui %sign3A_35 : i1 to i32
    %sign3A_37 = arith.constant 0 : i32
    %sign3A_38 = arith.cmpi slt, %add3A_33, %sign3A_37 : i32
    %sign3A_39 = arith.extui %sign3A_38 : i1 to i32
    %sign3A_40 = arith.subi %sign3A_36, %sign3A_39 : i32
    %sign3A_41 = arith.constant 0 : i32
    %sign3A_42 = arith.cmpi sgt, %jit3A_34, %sign3A_41 : i32
    %sign3A_43 = arith.extui %sign3A_42 : i1 to i32
    %sign3A_44 = arith.constant 0 : i32
    %sign3A_45 = arith.cmpi slt, %jit3A_34, %sign3A_44 : i32
    %sign3A_46 = arith.extui %sign3A_45 : i1 to i32
    %sign3A_47 = arith.subi %sign3A_43, %sign3A_46 : i32
    %ne3A = arith.cmpi ne, %sign3A_40, %sign3A_47 : i32
    %rem3A = arith.remsi %add3A_33, %jit3A_34 : i32
    %ne3A_48 = arith.constant 0 : i32
    %ne3A_49 = arith.cmpi ne, %rem3A, %ne3A_48 : i32
    %and3A = arith.andi %ne3A, %ne3A_49 : i1
    %sub3A = arith.constant 1 : i32
    %sub3A_50 = arith.subi %div3A, %sub3A : i32
    %select_n3A_51 = arith.select %and3A, %sub3A_50, %div3A : i32
    %while3A = arith.constant 0 : i32
    %while3A_52 = arith.constant 0 : i32
    %while3A_53 = arith.subi %select_n3A_51, %while3A_52 : i32
    %while3A_54 = arith.addi %while3A_52, %while3A_53 : i32
    %while3A_55 = arith.constant 1 : i32
    %while3A_56 = arith.divsi %while3A_53, %while3A_55 : i32
    %while3A_57 = arith.muli %while3A_56, %while3A_55 : i32
    %while3A_58 = arith.addi %while3A_52, %while3A_57 : i32
    %while3A_59 = arith.constant 1 : i32
    scf.for %while3A_90 = %while3A_52 to %while3A_58 step %while3A_59  : i32 {
      %mul3A_91 = arith.constant 2 : i32
      %mul3A_92 = arith.muli %mul3A_91, %while3A_90 : i32
      %sub3A_93 = arith.constant 1 : i32
      %sub3A_94 = arith.subi %select_n3A, %sub3A_93 : i32
      %lt3A_95 = arith.cmpi slt, %mul3A_92, %sub3A_94 : i32
      %gt3A = arith.constant 0 : i32
      %gt3A_96 = arith.cmpi sgt, %mul3A_92, %gt3A : i32
      %convert_element_type3A_97 = arith.extui %gt3A_96 : i1 to i32
      %cond3A_98 = arith.constant 0 : i32
      %cond3A_99 = arith.cmpi ne, %convert_element_type3A_97, %cond3A_98 : i32
      scf.if %cond3A_99 {
        %dma_wait3A_211 = arith.constant 7 : i32
        %dma_wait3A_212 = arith.constant 0 : i32
        %dma_wait3A_213 = tpu.memref_slice %arg5[%dma_wait3A_211, %dma_wait3A_212] : memref<8x128xi32, #tpu.memory_space<vmem>> -> memref<1x128xi32, #tpu.memory_space<vmem>>
        %dma_wait3A_214 = tpu.memref_squeeze %dma_wait3A_213 : memref<1x128xi32, #tpu.memory_space<vmem>> -> memref<128xi32, #tpu.memory_space<vmem>>
        %dma_wait3A_215 = arith.constant 0 : i32
        %dma_wait3A_216 = arith.constant 0 : i32
        %dma_wait3A_217 = tpu.memref_slice %arg9[%dma_wait3A_215, %dma_wait3A_216] : memref<10112x128xf32, #tpu.memory_space<vmem_shared>> -> memref<10112x128xf32, #tpu.memory_space<vmem_shared>>
        tpu.wait_indirect_dma semaphore(%arg13 : memref<!tpu.dma_semaphore, #tpu.memory_space<semaphore_mem>>) src(%arg8 : memref<128x128xf32, #tpu.memory_space<vmem>>) dst(%dma_wait3A_217 : memref<10112x128xf32, #tpu.memory_space<vmem_shared>>)
      } else {
      }
      %convert_element_type3A_100 = arith.extui %lt3A_95 : i1 to i32
      %cond3A_101 = arith.constant 0 : i32
      %cond3A_102 = arith.cmpi ne, %convert_element_type3A_100, %cond3A_101 : i32
      scf.if %cond3A_102 {
        %add3A_211 = arith.addi %select_n3A_25, %mul3A_92 : i32
        %add3A_212 = arith.constant 1 : i32
        %add3A_213 = arith.addi %add3A_211, %add3A_212 : i32
        %dma_start3A_214 = arith.constant 0 : i32
        %dma_start3A_215 = arith.constant 0 : i32
        %dma_start3A_216 = tpu.memref_slice %arg3[%add3A_213, %dma_start3A_214, %dma_start3A_215] : memref<640x8x128xi32, #tpu.memory_space<hbm>> -> memref<1x8x128xi32, #tpu.memory_space<hbm>>
        %dma_start3A_217 = tpu.memref_squeeze %dma_start3A_216 : memref<1x8x128xi32, #tpu.memory_space<hbm>> -> memref<8x128xi32, #tpu.memory_space<hbm>>
        %dma_start3A_218 = arith.constant 0 : i32
        %dma_start3A_219 = arith.constant 0 : i32
        %dma_start3A_220 = tpu.memref_slice %arg3[%add3A_213, %dma_start3A_218, %dma_start3A_219] : memref<640x8x128xi32, #tpu.memory_space<hbm>> -> memref<1x8x128xi32, #tpu.memory_space<hbm>>
        %dma_start3A_221 = tpu.memref_squeeze %dma_start3A_220 : memref<1x8x128xi32, #tpu.memory_space<hbm>> -> memref<8x128xi32, #tpu.memory_space<hbm>>
        tpu.enqueue_dma source(%dma_start3A_221 : memref<8x128xi32, #tpu.memory_space<hbm>>) target(%arg6 : memref<8x128xi32, #tpu.memory_space<vmem>>) target_semaphore(%arg15 : memref<!tpu.dma_semaphore, #tpu.memory_space<semaphore_mem>>)
      } else {
      }
      %dma_start3A_103 = arith.constant 2 : i32
      %dma_start3A_104 = arith.constant 0 : i32
      %dma_start3A_105 = tpu.memref_slice %arg5[%dma_start3A_103, %dma_start3A_104] : memref<8x128xi32, #tpu.memory_space<vmem>> -> memref<1x128xi32, #tpu.memory_space<vmem>>
      %dma_start3A_106 = tpu.memref_squeeze %dma_start3A_105 : memref<1x128xi32, #tpu.memory_space<vmem>> -> memref<128xi32, #tpu.memory_space<vmem>>
      %dma_start3A_107 = arith.constant 0 : i32
      %dma_start3A_108 = arith.constant 0 : i32
      %dma_start3A_109 = tpu.memref_slice %arg2[%dma_start3A_107, %dma_start3A_108] : memref<10000x128xf32, #tpu.memory_space<hbm>> -> memref<10000x128xf32, #tpu.memory_space<hbm>>
      tpu.enqueue_indirect_dma source(%dma_start3A_109 : memref<10000x128xf32, #tpu.memory_space<hbm>>) target(%arg8 : memref<128x128xf32, #tpu.memory_space<vmem>>) offsets(%dma_start3A_106 : memref<128xi32, #tpu.memory_space<vmem>>) semaphore(%arg11 : memref<!tpu.dma_semaphore, #tpu.memory_space<semaphore_mem>>)
      %dma_wait3A = arith.constant 0 : i32
      %dma_wait3A_110 = arith.constant 0 : i32
      %dma_wait3A_111 = tpu.memref_slice %arg5[%dma_wait3A, %dma_wait3A_110] : memref<8x128xi32, #tpu.memory_space<vmem>> -> memref<1x128xi32, #tpu.memory_space<vmem>>
      %dma_wait3A_112 = tpu.memref_squeeze %dma_wait3A_111 : memref<1x128xi32, #tpu.memory_space<vmem>> -> memref<128xi32, #tpu.memory_space<vmem>>
      %dma_wait3A_113 = arith.constant 0 : i32
      %dma_wait3A_114 = arith.constant 0 : i32
      %dma_wait3A_115 = tpu.memref_slice %arg2[%dma_wait3A_113, %dma_wait3A_114] : memref<10000x128xf32, #tpu.memory_space<hbm>> -> memref<10000x128xf32, #tpu.memory_space<hbm>>
      tpu.wait_indirect_dma semaphore(%arg10 : memref<!tpu.dma_semaphore, #tpu.memory_space<semaphore_mem>>) src(%dma_wait3A_115 : memref<10000x128xf32, #tpu.memory_space<hbm>>) dst(%arg7 : memref<128x128xf32, #tpu.memory_space<vmem>>)
      %dma_start3A_116 = arith.constant 1 : i32
      %dma_start3A_117 = arith.constant 0 : i32
      %dma_start3A_118 = tpu.memref_slice %arg5[%dma_start3A_116, %dma_start3A_117] : memref<8x128xi32, #tpu.memory_space<vmem>> -> memref<1x128xi32, #tpu.memory_space<vmem>>
      %dma_start3A_119 = tpu.memref_squeeze %dma_start3A_118 : memref<1x128xi32, #tpu.memory_space<vmem>> -> memref<128xi32, #tpu.memory_space<vmem>>
      %dma_start3A_120 = arith.constant 0 : i32
      %dma_start3A_121 = arith.constant 0 : i32
      %dma_start3A_122 = tpu.memref_slice %arg9[%dma_start3A_120, %dma_start3A_121] : memref<10112x128xf32, #tpu.memory_space<vmem_shared>> -> memref<10112x128xf32, #tpu.memory_space<vmem_shared>>
      tpu.enqueue_indirect_dma source(%arg7 : memref<128x128xf32, #tpu.memory_space<vmem>>) target(%dma_start3A_122 : memref<10112x128xf32, #tpu.memory_space<vmem_shared>>) offsets(%dma_start3A_119 : memref<128xi32, #tpu.memory_space<vmem>>) semaphore(%arg12 : memref<!tpu.dma_semaphore, #tpu.memory_space<semaphore_mem>>) {add = true}
      %dma_wait3A_123 = arith.constant 1 : i32
      %dma_wait3A_124 = arith.constant 0 : i32
      %dma_wait3A_125 = tpu.memref_slice %arg5[%dma_wait3A_123, %dma_wait3A_124] : memref<8x128xi32, #tpu.memory_space<vmem>> -> memref<1x128xi32, #tpu.memory_space<vmem>>
      %dma_wait3A_126 = tpu.memref_squeeze %dma_wait3A_125 : memref<1x128xi32, #tpu.memory_space<vmem>> -> memref<128xi32, #tpu.memory_space<vmem>>
      %dma_wait3A_127 = arith.constant 0 : i32
      %dma_wait3A_128 = arith.constant 0 : i32
      %dma_wait3A_129 = tpu.memref_slice %arg9[%dma_wait3A_127, %dma_wait3A_128] : memref<10112x128xf32, #tpu.memory_space<vmem_shared>> -> memref<10112x128xf32, #tpu.memory_space<vmem_shared>>
      tpu.wait_indirect_dma semaphore(%arg12 : memref<!tpu.dma_semaphore, #tpu.memory_space<semaphore_mem>>) src(%arg7 : memref<128x128xf32, #tpu.memory_space<vmem>>) dst(%dma_wait3A_129 : memref<10112x128xf32, #tpu.memory_space<vmem_shared>>)
      %dma_start3A_130 = arith.constant 4 : i32
      %dma_start3A_131 = arith.constant 0 : i32
      %dma_start3A_132 = tpu.memref_slice %arg5[%dma_start3A_130, %dma_start3A_131] : memref<8x128xi32, #tpu.memory_space<vmem>> -> memref<1x128xi32, #tpu.memory_space<vmem>>
      %dma_start3A_133 = tpu.memref_squeeze %dma_start3A_132 : memref<1x128xi32, #tpu.memory_space<vmem>> -> memref<128xi32, #tpu.memory_space<vmem>>
      %dma_start3A_134 = arith.constant 0 : i32
      %dma_start3A_135 = arith.constant 0 : i32
      %dma_start3A_136 = tpu.memref_slice %arg2[%dma_start3A_134, %dma_start3A_135] : memref<10000x128xf32, #tpu.memory_space<hbm>> -> memref<10000x128xf32, #tpu.memory_space<hbm>>
      tpu.enqueue_indirect_dma source(%dma_start3A_136 : memref<10000x128xf32, #tpu.memory_space<hbm>>) target(%arg7 : memref<128x128xf32, #tpu.memory_space<vmem>>) offsets(%dma_start3A_133 : memref<128xi32, #tpu.memory_space<vmem>>) semaphore(%arg10 : memref<!tpu.dma_semaphore, #tpu.memory_space<semaphore_mem>>)
      %dma_wait3A_137 = arith.constant 2 : i32
      %dma_wait3A_138 = arith.constant 0 : i32
      %dma_wait3A_139 = tpu.memref_slice %arg5[%dma_wait3A_137, %dma_wait3A_138] : memref<8x128xi32, #tpu.memory_space<vmem>> -> memref<1x128xi32, #tpu.memory_space<vmem>>
      %dma_wait3A_140 = tpu.memref_squeeze %dma_wait3A_139 : memref<1x128xi32, #tpu.memory_space<vmem>> -> memref<128xi32, #tpu.memory_space<vmem>>
      %dma_wait3A_141 = arith.constant 0 : i32
      %dma_wait3A_142 = arith.constant 0 : i32
      %dma_wait3A_143 = tpu.memref_slice %arg2[%dma_wait3A_141, %dma_wait3A_142] : memref<10000x128xf32, #tpu.memory_space<hbm>> -> memref<10000x128xf32, #tpu.memory_space<hbm>>
      tpu.wait_indirect_dma semaphore(%arg11 : memref<!tpu.dma_semaphore, #tpu.memory_space<semaphore_mem>>) src(%dma_wait3A_143 : memref<10000x128xf32, #tpu.memory_space<hbm>>) dst(%arg8 : memref<128x128xf32, #tpu.memory_space<vmem>>)
      %dma_start3A_144 = arith.constant 3 : i32
      %dma_start3A_145 = arith.constant 0 : i32
      %dma_start3A_146 = tpu.memref_slice %arg5[%dma_start3A_144, %dma_start3A_145] : memref<8x128xi32, #tpu.memory_space<vmem>> -> memref<1x128xi32, #tpu.memory_space<vmem>>
      %dma_start3A_147 = tpu.memref_squeeze %dma_start3A_146 : memref<1x128xi32, #tpu.memory_space<vmem>> -> memref<128xi32, #tpu.memory_space<vmem>>
      %dma_start3A_148 = arith.constant 0 : i32
      %dma_start3A_149 = arith.constant 0 : i32
      %dma_start3A_150 = tpu.memref_slice %arg9[%dma_start3A_148, %dma_start3A_149] : memref<10112x128xf32, #tpu.memory_space<vmem_shared>> -> memref<10112x128xf32, #tpu.memory_space<vmem_shared>>
      tpu.enqueue_indirect_dma source(%arg8 : memref<128x128xf32, #tpu.memory_space<vmem>>) target(%dma_start3A_150 : memref<10112x128xf32, #tpu.memory_space<vmem_shared>>) offsets(%dma_start3A_147 : memref<128xi32, #tpu.memory_space<vmem>>) semaphore(%arg13 : memref<!tpu.dma_semaphore, #tpu.memory_space<semaphore_mem>>) {add = true}
      %dma_wait3A_151 = arith.constant 3 : i32
      %dma_wait3A_152 = arith.constant 0 : i32
      %dma_wait3A_153 = tpu.memref_slice %arg5[%dma_wait3A_151, %dma_wait3A_152] : memref<8x128xi32, #tpu.memory_space<vmem>> -> memref<1x128xi32, #tpu.memory_space<vmem>>
      %dma_wait3A_154 = tpu.memref_squeeze %dma_wait3A_153 : memref<1x128xi32, #tpu.memory_space<vmem>> -> memref<128xi32, #tpu.memory_space<vmem>>
      %dma_wait3A_155 = arith.constant 0 : i32
      %dma_wait3A_156 = arith.constant 0 : i32
      %dma_wait3A_157 = tpu.memref_slice %arg9[%dma_wait3A_155, %dma_wait3A_156] : memref<10112x128xf32, #tpu.memory_space<vmem_shared>> -> memref<10112x128xf32, #tpu.memory_space<vmem_shared>>
      tpu.wait_indirect_dma semaphore(%arg13 : memref<!tpu.dma_semaphore, #tpu.memory_space<semaphore_mem>>) src(%arg8 : memref<128x128xf32, #tpu.memory_space<vmem>>) dst(%dma_wait3A_157 : memref<10112x128xf32, #tpu.memory_space<vmem_shared>>)
      %dma_start3A_158 = arith.constant 6 : i32
      %dma_start3A_159 = arith.constant 0 : i32
      %dma_start3A_160 = tpu.memref_slice %arg5[%dma_start3A_158, %dma_start3A_159] : memref<8x128xi32, #tpu.memory_space<vmem>> -> memref<1x128xi32, #tpu.memory_space<vmem>>
      %dma_start3A_161 = tpu.memref_squeeze %dma_start3A_160 : memref<1x128xi32, #tpu.memory_space<vmem>> -> memref<128xi32, #tpu.memory_space<vmem>>
      %dma_start3A_162 = arith.constant 0 : i32
      %dma_start3A_163 = arith.constant 0 : i32
      %dma_start3A_164 = tpu.memref_slice %arg2[%dma_start3A_162, %dma_start3A_163] : memref<10000x128xf32, #tpu.memory_space<hbm>> -> memref<10000x128xf32, #tpu.memory_space<hbm>>
      tpu.enqueue_indirect_dma source(%dma_start3A_164 : memref<10000x128xf32, #tpu.memory_space<hbm>>) target(%arg8 : memref<128x128xf32, #tpu.memory_space<vmem>>) offsets(%dma_start3A_161 : memref<128xi32, #tpu.memory_space<vmem>>) semaphore(%arg11 : memref<!tpu.dma_semaphore, #tpu.memory_space<semaphore_mem>>)
      %dma_wait3A_165 = arith.constant 4 : i32
      %dma_wait3A_166 = arith.constant 0 : i32
      %dma_wait3A_167 = tpu.memref_slice %arg5[%dma_wait3A_165, %dma_wait3A_166] : memref<8x128xi32, #tpu.memory_space<vmem>> -> memref<1x128xi32, #tpu.memory_space<vmem>>
      %dma_wait3A_168 = tpu.memref_squeeze %dma_wait3A_167 : memref<1x128xi32, #tpu.memory_space<vmem>> -> memref<128xi32, #tpu.memory_space<vmem>>
      %dma_wait3A_169 = arith.constant 0 : i32
      %dma_wait3A_170 = arith.constant 0 : i32
      %dma_wait3A_171 = tpu.memref_slice %arg2[%dma_wait3A_169, %dma_wait3A_170] : memref<10000x128xf32, #tpu.memory_space<hbm>> -> memref<10000x128xf32, #tpu.memory_space<hbm>>
      tpu.wait_indirect_dma semaphore(%arg10 : memref<!tpu.dma_semaphore, #tpu.memory_space<semaphore_mem>>) src(%dma_wait3A_171 : memref<10000x128xf32, #tpu.memory_space<hbm>>) dst(%arg7 : memref<128x128xf32, #tpu.memory_space<vmem>>)
      %dma_start3A_172 = arith.constant 5 : i32
      %dma_start3A_173 = arith.constant 0 : i32
      %dma_start3A_174 = tpu.memref_slice %arg5[%dma_start3A_172, %dma_start3A_173] : memref<8x128xi32, #tpu.memory_space<vmem>> -> memref<1x128xi32, #tpu.memory_space<vmem>>
      %dma_start3A_175 = tpu.memref_squeeze %dma_start3A_174 : memref<1x128xi32, #tpu.memory_space<vmem>> -> memref<128xi32, #tpu.memory_space<vmem>>
      %dma_start3A_176 = arith.constant 0 : i32
      %dma_start3A_177 = arith.constant 0 : i32
      %dma_start3A_178 = tpu.memref_slice %arg9[%dma_start3A_176, %dma_start3A_177] : memref<10112x128xf32, #tpu.memory_space<vmem_shared>> -> memref<10112x128xf32, #tpu.memory_space<vmem_shared>>
      tpu.enqueue_indirect_dma source(%arg7 : memref<128x128xf32, #tpu.memory_space<vmem>>) target(%dma_start3A_178 : memref<10112x128xf32, #tpu.memory_space<vmem_shared>>) offsets(%dma_start3A_175 : memref<128xi32, #tpu.memory_space<vmem>>) semaphore(%arg12 : memref<!tpu.dma_semaphore, #tpu.memory_space<semaphore_mem>>) {add = true}
      %dma_wait3A_179 = arith.constant 5 : i32
      %dma_wait3A_180 = arith.constant 0 : i32
      %dma_wait3A_181 = tpu.memref_slice %arg5[%dma_wait3A_179, %dma_wait3A_180] : memref<8x128xi32, #tpu.memory_space<vmem>> -> memref<1x128xi32, #tpu.memory_space<vmem>>
      %dma_wait3A_182 = tpu.memref_squeeze %dma_wait3A_181 : memref<1x128xi32, #tpu.memory_space<vmem>> -> memref<128xi32, #tpu.memory_space<vmem>>
      %dma_wait3A_183 = arith.constant 0 : i32
      %dma_wait3A_184 = arith.constant 0 : i32
      %dma_wait3A_185 = tpu.memref_slice %arg9[%dma_wait3A_183, %dma_wait3A_184] : memref<10112x128xf32, #tpu.memory_space<vmem_shared>> -> memref<10112x128xf32, #tpu.memory_space<vmem_shared>>
      tpu.wait_indirect_dma semaphore(%arg12 : memref<!tpu.dma_semaphore, #tpu.memory_space<semaphore_mem>>) src(%arg7 : memref<128x128xf32, #tpu.memory_space<vmem>>) dst(%dma_wait3A_185 : memref<10112x128xf32, #tpu.memory_space<vmem_shared>>)
      %convert_element_type3A_186 = arith.extui %lt3A_95 : i1 to i32
      %cond3A_187 = arith.constant 0 : i32
      %cond3A_188 = arith.cmpi ne, %convert_element_type3A_186, %cond3A_187 : i32
      scf.if %cond3A_188 {
        %add3A_211 = arith.addi %select_n3A_25, %mul3A_92 : i32
        %add3A_212 = arith.constant 1 : i32
        %add3A_213 = arith.addi %add3A_211, %add3A_212 : i32
        %dma_wait3A_214 = arith.constant 0 : i32
        %dma_wait3A_215 = arith.constant 0 : i32
        %dma_wait3A_216 = tpu.memref_slice %arg3[%add3A_213, %dma_wait3A_214, %dma_wait3A_215] : memref<640x8x128xi32, #tpu.memory_space<hbm>> -> memref<1x8x128xi32, #tpu.memory_space<hbm>>
        %dma_wait3A_217 = tpu.memref_squeeze %dma_wait3A_216 : memref<1x8x128xi32, #tpu.memory_space<hbm>> -> memref<8x128xi32, #tpu.memory_space<hbm>>
        %dma_wait3A_218 = arith.constant 0 : i32
        %dma_wait3A_219 = arith.constant 0 : i32
        %dma_wait3A_220 = tpu.memref_slice %arg3[%add3A_213, %dma_wait3A_218, %dma_wait3A_219] : memref<640x8x128xi32, #tpu.memory_space<hbm>> -> memref<1x8x128xi32, #tpu.memory_space<hbm>>
        %dma_wait3A_221 = tpu.memref_squeeze %dma_wait3A_220 : memref<1x8x128xi32, #tpu.memory_space<hbm>> -> memref<8x128xi32, #tpu.memory_space<hbm>>
        tpu.wait_dma2 semaphore(%arg15 : memref<!tpu.dma_semaphore, #tpu.memory_space<semaphore_mem>>) src(%dma_wait3A_221 : memref<8x128xi32, #tpu.memory_space<hbm>>) dst(%arg6 : memref<8x128xi32, #tpu.memory_space<vmem>>)
        %dma_start3A_222 = arith.constant 0 : i32
        %dma_start3A_223 = arith.constant 0 : i32
        %dma_start3A_224 = tpu.memref_slice %arg6[%dma_start3A_222, %dma_start3A_223] : memref<8x128xi32, #tpu.memory_space<vmem>> -> memref<1x128xi32, #tpu.memory_space<vmem>>
        %dma_start3A_225 = tpu.memref_squeeze %dma_start3A_224 : memref<1x128xi32, #tpu.memory_space<vmem>> -> memref<128xi32, #tpu.memory_space<vmem>>
        %dma_start3A_226 = arith.constant 0 : i32
        %dma_start3A_227 = arith.constant 0 : i32
        %dma_start3A_228 = tpu.memref_slice %arg2[%dma_start3A_226, %dma_start3A_227] : memref<10000x128xf32, #tpu.memory_space<hbm>> -> memref<10000x128xf32, #tpu.memory_space<hbm>>
        tpu.enqueue_indirect_dma source(%dma_start3A_228 : memref<10000x128xf32, #tpu.memory_space<hbm>>) target(%arg7 : memref<128x128xf32, #tpu.memory_space<vmem>>) offsets(%dma_start3A_225 : memref<128xi32, #tpu.memory_space<vmem>>) semaphore(%arg10 : memref<!tpu.dma_semaphore, #tpu.memory_space<semaphore_mem>>)
      } else {
      }
      %dma_wait3A_189 = arith.constant 6 : i32
      %dma_wait3A_190 = arith.constant 0 : i32
      %dma_wait3A_191 = tpu.memref_slice %arg5[%dma_wait3A_189, %dma_wait3A_190] : memref<8x128xi32, #tpu.memory_space<vmem>> -> memref<1x128xi32, #tpu.memory_space<vmem>>
      %dma_wait3A_192 = tpu.memref_squeeze %dma_wait3A_191 : memref<1x128xi32, #tpu.memory_space<vmem>> -> memref<128xi32, #tpu.memory_space<vmem>>
      %dma_wait3A_193 = arith.constant 0 : i32
      %dma_wait3A_194 = arith.constant 0 : i32
      %dma_wait3A_195 = tpu.memref_slice %arg2[%dma_wait3A_193, %dma_wait3A_194] : memref<10000x128xf32, #tpu.memory_space<hbm>> -> memref<10000x128xf32, #tpu.memory_space<hbm>>
      tpu.wait_indirect_dma semaphore(%arg11 : memref<!tpu.dma_semaphore, #tpu.memory_space<semaphore_mem>>) src(%dma_wait3A_195 : memref<10000x128xf32, #tpu.memory_space<hbm>>) dst(%arg8 : memref<128x128xf32, #tpu.memory_space<vmem>>)
      %dma_start3A_196 = arith.constant 7 : i32
      %dma_start3A_197 = arith.constant 0 : i32
      %dma_start3A_198 = tpu.memref_slice %arg5[%dma_start3A_196, %dma_start3A_197] : memref<8x128xi32, #tpu.memory_space<vmem>> -> memref<1x128xi32, #tpu.memory_space<vmem>>
      %dma_start3A_199 = tpu.memref_squeeze %dma_start3A_198 : memref<1x128xi32, #tpu.memory_space<vmem>> -> memref<128xi32, #tpu.memory_space<vmem>>
      %dma_start3A_200 = arith.constant 0 : i32
      %dma_start3A_201 = arith.constant 0 : i32
      %dma_start3A_202 = tpu.memref_slice %arg9[%dma_start3A_200, %dma_start3A_201] : memref<10112x128xf32, #tpu.memory_space<vmem_shared>> -> memref<10112x128xf32, #tpu.memory_space<vmem_shared>>
      tpu.enqueue_indirect_dma source(%arg8 : memref<128x128xf32, #tpu.memory_space<vmem>>) target(%dma_start3A_202 : memref<10112x128xf32, #tpu.memory_space<vmem_shared>>) offsets(%dma_start3A_199 : memref<128xi32, #tpu.memory_space<vmem>>) semaphore(%arg13 : memref<!tpu.dma_semaphore, #tpu.memory_space<semaphore_mem>>) {add = true}
      %mul3A_203 = arith.constant 2 : i32
      %mul3A_204 = arith.muli %mul3A_203, %while3A_90 : i32
      %add3A_205 = arith.constant 1 : i32
      %add3A_206 = arith.addi %mul3A_204, %add3A_205 : i32
      %lt3A_207 = arith.cmpi slt, %add3A_206, %select_n3A : i32
      %convert_element_type3A_208 = arith.extui %lt3A_207 : i1 to i32
      %cond3A_209 = arith.constant 0 : i32
      %cond3A_210 = arith.cmpi ne, %convert_element_type3A_208, %cond3A_209 : i32
      scf.if %cond3A_210 {
        %mul3A_211 = arith.constant 2 : i32
        %mul3A_212 = arith.muli %mul3A_211, %while3A_90 : i32
        %add3A_213 = arith.constant 1 : i32
        %add3A_214 = arith.addi %mul3A_212, %add3A_213 : i32
        %sub3A_215 = arith.constant 1 : i32
        %sub3A_216 = arith.subi %select_n3A, %sub3A_215 : i32
        %lt3A_217 = arith.cmpi slt, %add3A_214, %sub3A_216 : i32
        %gt3A_218 = arith.constant 0 : i32
        %gt3A_219 = arith.cmpi sgt, %add3A_214, %gt3A_218 : i32
        %convert_element_type3A_220 = arith.extui %gt3A_219 : i1 to i32
        %cond3A_221 = arith.constant 0 : i32
        %cond3A_222 = arith.cmpi ne, %convert_element_type3A_220, %cond3A_221 : i32
        scf.if %cond3A_222 {
          %dma_wait3A_327 = arith.constant 7 : i32
          %dma_wait3A_328 = arith.constant 0 : i32
          %dma_wait3A_329 = tpu.memref_slice %arg6[%dma_wait3A_327, %dma_wait3A_328] : memref<8x128xi32, #tpu.memory_space<vmem>> -> memref<1x128xi32, #tpu.memory_space<vmem>>
          %dma_wait3A_330 = tpu.memref_squeeze %dma_wait3A_329 : memref<1x128xi32, #tpu.memory_space<vmem>> -> memref<128xi32, #tpu.memory_space<vmem>>
          %dma_wait3A_331 = arith.constant 0 : i32
          %dma_wait3A_332 = arith.constant 0 : i32
          %dma_wait3A_333 = tpu.memref_slice %arg9[%dma_wait3A_331, %dma_wait3A_332] : memref<10112x128xf32, #tpu.memory_space<vmem_shared>> -> memref<10112x128xf32, #tpu.memory_space<vmem_shared>>
          tpu.wait_indirect_dma semaphore(%arg13 : memref<!tpu.dma_semaphore, #tpu.memory_space<semaphore_mem>>) src(%arg8 : memref<128x128xf32, #tpu.memory_space<vmem>>) dst(%dma_wait3A_333 : memref<10112x128xf32, #tpu.memory_space<vmem_shared>>)
        } else {
        }
        %convert_element_type3A_223 = arith.extui %lt3A_217 : i1 to i32
        %cond3A_224 = arith.constant 0 : i32
        %cond3A_225 = arith.cmpi ne, %convert_element_type3A_223, %cond3A_224 : i32
        scf.if %cond3A_225 {
          %add3A_327 = arith.addi %select_n3A_25, %add3A_214 : i32
          %add3A_328 = arith.constant 1 : i32
          %add3A_329 = arith.addi %add3A_327, %add3A_328 : i32
          %dma_start3A_330 = arith.constant 0 : i32
          %dma_start3A_331 = arith.constant 0 : i32
          %dma_start3A_332 = tpu.memref_slice %arg3[%add3A_329, %dma_start3A_330, %dma_start3A_331] : memref<640x8x128xi32, #tpu.memory_space<hbm>> -> memref<1x8x128xi32, #tpu.memory_space<hbm>>
          %dma_start3A_333 = tpu.memref_squeeze %dma_start3A_332 : memref<1x8x128xi32, #tpu.memory_space<hbm>> -> memref<8x128xi32, #tpu.memory_space<hbm>>
          %dma_start3A_334 = arith.constant 0 : i32
          %dma_start3A_335 = arith.constant 0 : i32
          %dma_start3A_336 = tpu.memref_slice %arg3[%add3A_329, %dma_start3A_334, %dma_start3A_335] : memref<640x8x128xi32, #tpu.memory_space<hbm>> -> memref<1x8x128xi32, #tpu.memory_space<hbm>>
          %dma_start3A_337 = tpu.memref_squeeze %dma_start3A_336 : memref<1x8x128xi32, #tpu.memory_space<hbm>> -> memref<8x128xi32, #tpu.memory_space<hbm>>
          tpu.enqueue_dma source(%dma_start3A_337 : memref<8x128xi32, #tpu.memory_space<hbm>>) target(%arg5 : memref<8x128xi32, #tpu.memory_space<vmem>>) target_semaphore(%arg14 : memref<!tpu.dma_semaphore, #tpu.memory_space<semaphore_mem>>)
        } else {
        }
        %dma_start3A_226 = arith.constant 2 : i32
        %dma_start3A_227 = arith.constant 0 : i32
        %dma_start3A_228 = tpu.memref_slice %arg6[%dma_start3A_226, %dma_start3A_227] : memref<8x128xi32, #tpu.memory_space<vmem>> -> memref<1x128xi32, #tpu.memory_space<vmem>>
        %dma_start3A_229 = tpu.memref_squeeze %dma_start3A_228 : memref<1x128xi32, #tpu.memory_space<vmem>> -> memref<128xi32, #tpu.memory_space<vmem>>
        %dma_start3A_230 = arith.constant 0 : i32
        %dma_start3A_231 = arith.constant 0 : i32
        %dma_start3A_232 = tpu.memref_slice %arg2[%dma_start3A_230, %dma_start3A_231] : memref<10000x128xf32, #tpu.memory_space<hbm>> -> memref<10000x128xf32, #tpu.memory_space<hbm>>
        tpu.enqueue_indirect_dma source(%dma_start3A_232 : memref<10000x128xf32, #tpu.memory_space<hbm>>) target(%arg8 : memref<128x128xf32, #tpu.memory_space<vmem>>) offsets(%dma_start3A_229 : memref<128xi32, #tpu.memory_space<vmem>>) semaphore(%arg11 : memref<!tpu.dma_semaphore, #tpu.memory_space<semaphore_mem>>)
        %dma_wait3A_233 = arith.constant 0 : i32
        %dma_wait3A_234 = arith.constant 0 : i32
        %dma_wait3A_235 = tpu.memref_slice %arg6[%dma_wait3A_233, %dma_wait3A_234] : memref<8x128xi32, #tpu.memory_space<vmem>> -> memref<1x128xi32, #tpu.memory_space<vmem>>
        %dma_wait3A_236 = tpu.memref_squeeze %dma_wait3A_235 : memref<1x128xi32, #tpu.memory_space<vmem>> -> memref<128xi32, #tpu.memory_space<vmem>>
        %dma_wait3A_237 = arith.constant 0 : i32
        %dma_wait3A_238 = arith.constant 0 : i32
        %dma_wait3A_239 = tpu.memref_slice %arg2[%dma_wait3A_237, %dma_wait3A_238] : memref<10000x128xf32, #tpu.memory_space<hbm>> -> memref<10000x128xf32, #tpu.memory_space<hbm>>
        tpu.wait_indirect_dma semaphore(%arg10 : memref<!tpu.dma_semaphore, #tpu.memory_space<semaphore_mem>>) src(%dma_wait3A_239 : memref<10000x128xf32, #tpu.memory_space<hbm>>) dst(%arg7 : memref<128x128xf32, #tpu.memory_space<vmem>>)
        %dma_start3A_240 = arith.constant 1 : i32
        %dma_start3A_241 = arith.constant 0 : i32
        %dma_start3A_242 = tpu.memref_slice %arg6[%dma_start3A_240, %dma_start3A_241] : memref<8x128xi32, #tpu.memory_space<vmem>> -> memref<1x128xi32, #tpu.memory_space<vmem>>
        %dma_start3A_243 = tpu.memref_squeeze %dma_start3A_242 : memref<1x128xi32, #tpu.memory_space<vmem>> -> memref<128xi32, #tpu.memory_space<vmem>>
        %dma_start3A_244 = arith.constant 0 : i32
        %dma_start3A_245 = arith.constant 0 : i32
        %dma_start3A_246 = tpu.memref_slice %arg9[%dma_start3A_244, %dma_start3A_245] : memref<10112x128xf32, #tpu.memory_space<vmem_shared>> -> memref<10112x128xf32, #tpu.memory_space<vmem_shared>>
        tpu.enqueue_indirect_dma source(%arg7 : memref<128x128xf32, #tpu.memory_space<vmem>>) target(%dma_start3A_246 : memref<10112x128xf32, #tpu.memory_space<vmem_shared>>) offsets(%dma_start3A_243 : memref<128xi32, #tpu.memory_space<vmem>>) semaphore(%arg12 : memref<!tpu.dma_semaphore, #tpu.memory_space<semaphore_mem>>) {add = true}
        %dma_wait3A_247 = arith.constant 1 : i32
        %dma_wait3A_248 = arith.constant 0 : i32
        %dma_wait3A_249 = tpu.memref_slice %arg6[%dma_wait3A_247, %dma_wait3A_248] : memref<8x128xi32, #tpu.memory_space<vmem>> -> memref<1x128xi32, #tpu.memory_space<vmem>>
        %dma_wait3A_250 = tpu.memref_squeeze %dma_wait3A_249 : memref<1x128xi32, #tpu.memory_space<vmem>> -> memref<128xi32, #tpu.memory_space<vmem>>
        %dma_wait3A_251 = arith.constant 0 : i32
        %dma_wait3A_252 = arith.constant 0 : i32
        %dma_wait3A_253 = tpu.memref_slice %arg9[%dma_wait3A_251, %dma_wait3A_252] : memref<10112x128xf32, #tpu.memory_space<vmem_shared>> -> memref<10112x128xf32, #tpu.memory_space<vmem_shared>>
        tpu.wait_indirect_dma semaphore(%arg12 : memref<!tpu.dma_semaphore, #tpu.memory_space<semaphore_mem>>) src(%arg7 : memref<128x128xf32, #tpu.memory_space<vmem>>) dst(%dma_wait3A_253 : memref<10112x128xf32, #tpu.memory_space<vmem_shared>>)
        %dma_start3A_254 = arith.constant 4 : i32
        %dma_start3A_255 = arith.constant 0 : i32
        %dma_start3A_256 = tpu.memref_slice %arg6[%dma_start3A_254, %dma_start3A_255] : memref<8x128xi32, #tpu.memory_space<vmem>> -> memref<1x128xi32, #tpu.memory_space<vmem>>
        %dma_start3A_257 = tpu.memref_squeeze %dma_start3A_256 : memref<1x128xi32, #tpu.memory_space<vmem>> -> memref<128xi32, #tpu.memory_space<vmem>>
        %dma_start3A_258 = arith.constant 0 : i32
        %dma_start3A_259 = arith.constant 0 : i32
        %dma_start3A_260 = tpu.memref_slice %arg2[%dma_start3A_258, %dma_start3A_259] : memref<10000x128xf32, #tpu.memory_space<hbm>> -> memref<10000x128xf32, #tpu.memory_space<hbm>>
        tpu.enqueue_indirect_dma source(%dma_start3A_260 : memref<10000x128xf32, #tpu.memory_space<hbm>>) target(%arg7 : memref<128x128xf32, #tpu.memory_space<vmem>>) offsets(%dma_start3A_257 : memref<128xi32, #tpu.memory_space<vmem>>) semaphore(%arg10 : memref<!tpu.dma_semaphore, #tpu.memory_space<semaphore_mem>>)
        %dma_wait3A_261 = arith.constant 2 : i32
        %dma_wait3A_262 = arith.constant 0 : i32
        %dma_wait3A_263 = tpu.memref_slice %arg6[%dma_wait3A_261, %dma_wait3A_262] : memref<8x128xi32, #tpu.memory_space<vmem>> -> memref<1x128xi32, #tpu.memory_space<vmem>>
        %dma_wait3A_264 = tpu.memref_squeeze %dma_wait3A_263 : memref<1x128xi32, #tpu.memory_space<vmem>> -> memref<128xi32, #tpu.memory_space<vmem>>
        %dma_wait3A_265 = arith.constant 0 : i32
        %dma_wait3A_266 = arith.constant 0 : i32
        %dma_wait3A_267 = tpu.memref_slice %arg2[%dma_wait3A_265, %dma_wait3A_266] : memref<10000x128xf32, #tpu.memory_space<hbm>> -> memref<10000x128xf32, #tpu.memory_space<hbm>>
        tpu.wait_indirect_dma semaphore(%arg11 : memref<!tpu.dma_semaphore, #tpu.memory_space<semaphore_mem>>) src(%dma_wait3A_267 : memref<10000x128xf32, #tpu.memory_space<hbm>>) dst(%arg8 : memref<128x128xf32, #tpu.memory_space<vmem>>)
        %dma_start3A_268 = arith.constant 3 : i32
        %dma_start3A_269 = arith.constant 0 : i32
        %dma_start3A_270 = tpu.memref_slice %arg6[%dma_start3A_268, %dma_start3A_269] : memref<8x128xi32, #tpu.memory_space<vmem>> -> memref<1x128xi32, #tpu.memory_space<vmem>>
        %dma_start3A_271 = tpu.memref_squeeze %dma_start3A_270 : memref<1x128xi32, #tpu.memory_space<vmem>> -> memref<128xi32, #tpu.memory_space<vmem>>
        %dma_start3A_272 = arith.constant 0 : i32
        %dma_start3A_273 = arith.constant 0 : i32
        %dma_start3A_274 = tpu.memref_slice %arg9[%dma_start3A_272, %dma_start3A_273] : memref<10112x128xf32, #tpu.memory_space<vmem_shared>> -> memref<10112x128xf32, #tpu.memory_space<vmem_shared>>
        tpu.enqueue_indirect_dma source(%arg8 : memref<128x128xf32, #tpu.memory_space<vmem>>) target(%dma_start3A_274 : memref<10112x128xf32, #tpu.memory_space<vmem_shared>>) offsets(%dma_start3A_271 : memref<128xi32, #tpu.memory_space<vmem>>) semaphore(%arg13 : memref<!tpu.dma_semaphore, #tpu.memory_space<semaphore_mem>>) {add = true}
        %dma_wait3A_275 = arith.constant 3 : i32
        %dma_wait3A_276 = arith.constant 0 : i32
        %dma_wait3A_277 = tpu.memref_slice %arg6[%dma_wait3A_275, %dma_wait3A_276] : memref<8x128xi32, #tpu.memory_space<vmem>> -> memref<1x128xi32, #tpu.memory_space<vmem>>
        %dma_wait3A_278 = tpu.memref_squeeze %dma_wait3A_277 : memref<1x128xi32, #tpu.memory_space<vmem>> -> memref<128xi32, #tpu.memory_space<vmem>>
        %dma_wait3A_279 = arith.constant 0 : i32
        %dma_wait3A_280 = arith.constant 0 : i32
        %dma_wait3A_281 = tpu.memref_slice %arg9[%dma_wait3A_279, %dma_wait3A_280] : memref<10112x128xf32, #tpu.memory_space<vmem_shared>> -> memref<10112x128xf32, #tpu.memory_space<vmem_shared>>
        tpu.wait_indirect_dma semaphore(%arg13 : memref<!tpu.dma_semaphore, #tpu.memory_space<semaphore_mem>>) src(%arg8 : memref<128x128xf32, #tpu.memory_space<vmem>>) dst(%dma_wait3A_281 : memref<10112x128xf32, #tpu.memory_space<vmem_shared>>)
        %dma_start3A_282 = arith.constant 6 : i32
        %dma_start3A_283 = arith.constant 0 : i32
        %dma_start3A_284 = tpu.memref_slice %arg6[%dma_start3A_282, %dma_start3A_283] : memref<8x128xi32, #tpu.memory_space<vmem>> -> memref<1x128xi32, #tpu.memory_space<vmem>>
        %dma_start3A_285 = tpu.memref_squeeze %dma_start3A_284 : memref<1x128xi32, #tpu.memory_space<vmem>> -> memref<128xi32, #tpu.memory_space<vmem>>
        %dma_start3A_286 = arith.constant 0 : i32
        %dma_start3A_287 = arith.constant 0 : i32
        %dma_start3A_288 = tpu.memref_slice %arg2[%dma_start3A_286, %dma_start3A_287] : memref<10000x128xf32, #tpu.memory_space<hbm>> -> memref<10000x128xf32, #tpu.memory_space<hbm>>
        tpu.enqueue_indirect_dma source(%dma_start3A_288 : memref<10000x128xf32, #tpu.memory_space<hbm>>) target(%arg8 : memref<128x128xf32, #tpu.memory_space<vmem>>) offsets(%dma_start3A_285 : memref<128xi32, #tpu.memory_space<vmem>>) semaphore(%arg11 : memref<!tpu.dma_semaphore, #tpu.memory_space<semaphore_mem>>)
        %dma_wait3A_289 = arith.constant 4 : i32
        %dma_wait3A_290 = arith.constant 0 : i32
        %dma_wait3A_291 = tpu.memref_slice %arg6[%dma_wait3A_289, %dma_wait3A_290] : memref<8x128xi32, #tpu.memory_space<vmem>> -> memref<1x128xi32, #tpu.memory_space<vmem>>
        %dma_wait3A_292 = tpu.memref_squeeze %dma_wait3A_291 : memref<1x128xi32, #tpu.memory_space<vmem>> -> memref<128xi32, #tpu.memory_space<vmem>>
        %dma_wait3A_293 = arith.constant 0 : i32
        %dma_wait3A_294 = arith.constant 0 : i32
        %dma_wait3A_295 = tpu.memref_slice %arg2[%dma_wait3A_293, %dma_wait3A_294] : memref<10000x128xf32, #tpu.memory_space<hbm>> -> memref<10000x128xf32, #tpu.memory_space<hbm>>
        tpu.wait_indirect_dma semaphore(%arg10 : memref<!tpu.dma_semaphore, #tpu.memory_space<semaphore_mem>>) src(%dma_wait3A_295 : memref<10000x128xf32, #tpu.memory_space<hbm>>) dst(%arg7 : memref<128x128xf32, #tpu.memory_space<vmem>>)
        %dma_start3A_296 = arith.constant 5 : i32
        %dma_start3A_297 = arith.constant 0 : i32
        %dma_start3A_298 = tpu.memref_slice %arg6[%dma_start3A_296, %dma_start3A_297] : memref<8x128xi32, #tpu.memory_space<vmem>> -> memref<1x128xi32, #tpu.memory_space<vmem>>
        %dma_start3A_299 = tpu.memref_squeeze %dma_start3A_298 : memref<1x128xi32, #tpu.memory_space<vmem>> -> memref<128xi32, #tpu.memory_space<vmem>>
        %dma_start3A_300 = arith.constant 0 : i32
        %dma_start3A_301 = arith.constant 0 : i32
        %dma_start3A_302 = tpu.memref_slice %arg9[%dma_start3A_300, %dma_start3A_301] : memref<10112x128xf32, #tpu.memory_space<vmem_shared>> -> memref<10112x128xf32, #tpu.memory_space<vmem_shared>>
        tpu.enqueue_indirect_dma source(%arg7 : memref<128x128xf32, #tpu.memory_space<vmem>>) target(%dma_start3A_302 : memref<10112x128xf32, #tpu.memory_space<vmem_shared>>) offsets(%dma_start3A_299 : memref<128xi32, #tpu.memory_space<vmem>>) semaphore(%arg12 : memref<!tpu.dma_semaphore, #tpu.memory_space<semaphore_mem>>) {add = true}
        %dma_wait3A_303 = arith.constant 5 : i32
        %dma_wait3A_304 = arith.constant 0 : i32
        %dma_wait3A_305 = tpu.memref_slice %arg6[%dma_wait3A_303, %dma_wait3A_304] : memref<8x128xi32, #tpu.memory_space<vmem>> -> memref<1x128xi32, #tpu.memory_space<vmem>>
        %dma_wait3A_306 = tpu.memref_squeeze %dma_wait3A_305 : memref<1x128xi32, #tpu.memory_space<vmem>> -> memref<128xi32, #tpu.memory_space<vmem>>
        %dma_wait3A_307 = arith.constant 0 : i32
        %dma_wait3A_308 = arith.constant 0 : i32
        %dma_wait3A_309 = tpu.memref_slice %arg9[%dma_wait3A_307, %dma_wait3A_308] : memref<10112x128xf32, #tpu.memory_space<vmem_shared>> -> memref<10112x128xf32, #tpu.memory_space<vmem_shared>>
        tpu.wait_indirect_dma semaphore(%arg12 : memref<!tpu.dma_semaphore, #tpu.memory_space<semaphore_mem>>) src(%arg7 : memref<128x128xf32, #tpu.memory_space<vmem>>) dst(%dma_wait3A_309 : memref<10112x128xf32, #tpu.memory_space<vmem_shared>>)
        %convert_element_type3A_310 = arith.extui %lt3A_217 : i1 to i32
        %cond3A_311 = arith.constant 0 : i32
        %cond3A_312 = arith.cmpi ne, %convert_element_type3A_310, %cond3A_311 : i32
        scf.if %cond3A_312 {
          %add3A_327 = arith.addi %select_n3A_25, %add3A_214 : i32
          %add3A_328 = arith.constant 1 : i32
          %add3A_329 = arith.addi %add3A_327, %add3A_328 : i32
          %dma_wait3A_330 = arith.constant 0 : i32
          %dma_wait3A_331 = arith.constant 0 : i32
          %dma_wait3A_332 = tpu.memref_slice %arg3[%add3A_329, %dma_wait3A_330, %dma_wait3A_331] : memref<640x8x128xi32, #tpu.memory_space<hbm>> -> memref<1x8x128xi32, #tpu.memory_space<hbm>>
          %dma_wait3A_333 = tpu.memref_squeeze %dma_wait3A_332 : memref<1x8x128xi32, #tpu.memory_space<hbm>> -> memref<8x128xi32, #tpu.memory_space<hbm>>
          %dma_wait3A_334 = arith.constant 0 : i32
          %dma_wait3A_335 = arith.constant 0 : i32
          %dma_wait3A_336 = tpu.memref_slice %arg3[%add3A_329, %dma_wait3A_334, %dma_wait3A_335] : memref<640x8x128xi32, #tpu.memory_space<hbm>> -> memref<1x8x128xi32, #tpu.memory_space<hbm>>
          %dma_wait3A_337 = tpu.memref_squeeze %dma_wait3A_336 : memref<1x8x128xi32, #tpu.memory_space<hbm>> -> memref<8x128xi32, #tpu.memory_space<hbm>>
          tpu.wait_dma2 semaphore(%arg14 : memref<!tpu.dma_semaphore, #tpu.memory_space<semaphore_mem>>) src(%dma_wait3A_337 : memref<8x128xi32, #tpu.memory_space<hbm>>) dst(%arg5 : memref<8x128xi32, #tpu.memory_space<vmem>>)
          %dma_start3A_338 = arith.constant 0 : i32
          %dma_start3A_339 = arith.constant 0 : i32
          %dma_start3A_340 = tpu.memref_slice %arg5[%dma_start3A_338, %dma_start3A_339] : memref<8x128xi32, #tpu.memory_space<vmem>> -> memref<1x128xi32, #tpu.memory_space<vmem>>
          %dma_start3A_341 = tpu.memref_squeeze %dma_start3A_340 : memref<1x128xi32, #tpu.memory_space<vmem>> -> memref<128xi32, #tpu.memory_space<vmem>>
          %dma_start3A_342 = arith.constant 0 : i32
          %dma_start3A_343 = arith.constant 0 : i32
          %dma_start3A_344 = tpu.memref_slice %arg2[%dma_start3A_342, %dma_start3A_343] : memref<10000x128xf32, #tpu.memory_space<hbm>> -> memref<10000x128xf32, #tpu.memory_space<hbm>>
          tpu.enqueue_indirect_dma source(%dma_start3A_344 : memref<10000x128xf32, #tpu.memory_space<hbm>>) target(%arg7 : memref<128x128xf32, #tpu.memory_space<vmem>>) offsets(%dma_start3A_341 : memref<128xi32, #tpu.memory_space<vmem>>) semaphore(%arg10 : memref<!tpu.dma_semaphore, #tpu.memory_space<semaphore_mem>>)
        } else {
        }
        %dma_wait3A_313 = arith.constant 6 : i32
        %dma_wait3A_314 = arith.constant 0 : i32
        %dma_wait3A_315 = tpu.memref_slice %arg6[%dma_wait3A_313, %dma_wait3A_314] : memref<8x128xi32, #tpu.memory_space<vmem>> -> memref<1x128xi32, #tpu.memory_space<vmem>>
        %dma_wait3A_316 = tpu.memref_squeeze %dma_wait3A_315 : memref<1x128xi32, #tpu.memory_space<vmem>> -> memref<128xi32, #tpu.memory_space<vmem>>
        %dma_wait3A_317 = arith.constant 0 : i32
        %dma_wait3A_318 = arith.constant 0 : i32
        %dma_wait3A_319 = tpu.memref_slice %arg2[%dma_wait3A_317, %dma_wait3A_318] : memref<10000x128xf32, #tpu.memory_space<hbm>> -> memref<10000x128xf32, #tpu.memory_space<hbm>>
        tpu.wait_indirect_dma semaphore(%arg11 : memref<!tpu.dma_semaphore, #tpu.memory_space<semaphore_mem>>) src(%dma_wait3A_319 : memref<10000x128xf32, #tpu.memory_space<hbm>>) dst(%arg8 : memref<128x128xf32, #tpu.memory_space<vmem>>)
        %dma_start3A_320 = arith.constant 7 : i32
        %dma_start3A_321 = arith.constant 0 : i32
        %dma_start3A_322 = tpu.memref_slice %arg6[%dma_start3A_320, %dma_start3A_321] : memref<8x128xi32, #tpu.memory_space<vmem>> -> memref<1x128xi32, #tpu.memory_space<vmem>>
        %dma_start3A_323 = tpu.memref_squeeze %dma_start3A_322 : memref<1x128xi32, #tpu.memory_space<vmem>> -> memref<128xi32, #tpu.memory_space<vmem>>
        %dma_start3A_324 = arith.constant 0 : i32
        %dma_start3A_325 = arith.constant 0 : i32
        %dma_start3A_326 = tpu.memref_slice %arg9[%dma_start3A_324, %dma_start3A_325] : memref<10112x128xf32, #tpu.memory_space<vmem_shared>> -> memref<10112x128xf32, #tpu.memory_space<vmem_shared>>
        tpu.enqueue_indirect_dma source(%arg8 : memref<128x128xf32, #tpu.memory_space<vmem>>) target(%dma_start3A_326 : memref<10112x128xf32, #tpu.memory_space<vmem_shared>>) offsets(%dma_start3A_323 : memref<128xi32, #tpu.memory_space<vmem>>) semaphore(%arg13 : memref<!tpu.dma_semaphore, #tpu.memory_space<semaphore_mem>>) {add = true}
      } else {
      }
    }
    %while3A_60 = arith.constant 1 : i32
    scf.for %while3A_90 = %while3A_58 to %while3A_54 step %while3A_60  : i32 {
      %mul3A_91 = arith.constant 2 : i32
      %mul3A_92 = arith.muli %mul3A_91, %while3A_90 : i32
      %sub3A_93 = arith.constant 1 : i32
      %sub3A_94 = arith.subi %select_n3A, %sub3A_93 : i32
      %lt3A_95 = arith.cmpi slt, %mul3A_92, %sub3A_94 : i32
      %gt3A = arith.constant 0 : i32
      %gt3A_96 = arith.cmpi sgt, %mul3A_92, %gt3A : i32
      %convert_element_type3A_97 = arith.extui %gt3A_96 : i1 to i32
      %cond3A_98 = arith.constant 0 : i32
      %cond3A_99 = arith.cmpi ne, %convert_element_type3A_97, %cond3A_98 : i32
      scf.if %cond3A_99 {
        %dma_wait3A_211 = arith.constant 7 : i32
        %dma_wait3A_212 = arith.constant 0 : i32
        %dma_wait3A_213 = tpu.memref_slice %arg5[%dma_wait3A_211, %dma_wait3A_212] : memref<8x128xi32, #tpu.memory_space<vmem>> -> memref<1x128xi32, #tpu.memory_space<vmem>>
        %dma_wait3A_214 = tpu.memref_squeeze %dma_wait3A_213 : memref<1x128xi32, #tpu.memory_space<vmem>> -> memref<128xi32, #tpu.memory_space<vmem>>
        %dma_wait3A_215 = arith.constant 0 : i32
        %dma_wait3A_216 = arith.constant 0 : i32
        %dma_wait3A_217 = tpu.memref_slice %arg9[%dma_wait3A_215, %dma_wait3A_216] : memref<10112x128xf32, #tpu.memory_space<vmem_shared>> -> memref<10112x128xf32, #tpu.memory_space<vmem_shared>>
        tpu.wait_indirect_dma semaphore(%arg13 : memref<!tpu.dma_semaphore, #tpu.memory_space<semaphore_mem>>) src(%arg8 : memref<128x128xf32, #tpu.memory_space<vmem>>) dst(%dma_wait3A_217 : memref<10112x128xf32, #tpu.memory_space<vmem_shared>>)
      } else {
      }
      %convert_element_type3A_100 = arith.extui %lt3A_95 : i1 to i32
      %cond3A_101 = arith.constant 0 : i32
      %cond3A_102 = arith.cmpi ne, %convert_element_type3A_100, %cond3A_101 : i32
      scf.if %cond3A_102 {
        %add3A_211 = arith.addi %select_n3A_25, %mul3A_92 : i32
        %add3A_212 = arith.constant 1 : i32
        %add3A_213 = arith.addi %add3A_211, %add3A_212 : i32
        %dma_start3A_214 = arith.constant 0 : i32
        %dma_start3A_215 = arith.constant 0 : i32
        %dma_start3A_216 = tpu.memref_slice %arg3[%add3A_213, %dma_start3A_214, %dma_start3A_215] : memref<640x8x128xi32, #tpu.memory_space<hbm>> -> memref<1x8x128xi32, #tpu.memory_space<hbm>>
        %dma_start3A_217 = tpu.memref_squeeze %dma_start3A_216 : memref<1x8x128xi32, #tpu.memory_space<hbm>> -> memref<8x128xi32, #tpu.memory_space<hbm>>
        %dma_start3A_218 = arith.constant 0 : i32
        %dma_start3A_219 = arith.constant 0 : i32
        %dma_start3A_220 = tpu.memref_slice %arg3[%add3A_213, %dma_start3A_218, %dma_start3A_219] : memref<640x8x128xi32, #tpu.memory_space<hbm>> -> memref<1x8x128xi32, #tpu.memory_space<hbm>>
        %dma_start3A_221 = tpu.memref_squeeze %dma_start3A_220 : memref<1x8x128xi32, #tpu.memory_space<hbm>> -> memref<8x128xi32, #tpu.memory_space<hbm>>
        tpu.enqueue_dma source(%dma_start3A_221 : memref<8x128xi32, #tpu.memory_space<hbm>>) target(%arg6 : memref<8x128xi32, #tpu.memory_space<vmem>>) target_semaphore(%arg15 : memref<!tpu.dma_semaphore, #tpu.memory_space<semaphore_mem>>)
      } else {
      }
      %dma_start3A_103 = arith.constant 2 : i32
      %dma_start3A_104 = arith.constant 0 : i32
      %dma_start3A_105 = tpu.memref_slice %arg5[%dma_start3A_103, %dma_start3A_104] : memref<8x128xi32, #tpu.memory_space<vmem>> -> memref<1x128xi32, #tpu.memory_space<vmem>>
      %dma_start3A_106 = tpu.memref_squeeze %dma_start3A_105 : memref<1x128xi32, #tpu.memory_space<vmem>> -> memref<128xi32, #tpu.memory_space<vmem>>
      %dma_start3A_107 = arith.constant 0 : i32
      %dma_start3A_108 = arith.constant 0 : i32
      %dma_start3A_109 = tpu.memref_slice %arg2[%dma_start3A_107, %dma_start3A_108] : memref<10000x128xf32, #tpu.memory_space<hbm>> -> memref<10000x128xf32, #tpu.memory_space<hbm>>
      tpu.enqueue_indirect_dma source(%dma_start3A_109 : memref<10000x128xf32, #tpu.memory_space<hbm>>) target(%arg8 : memref<128x128xf32, #tpu.memory_space<vmem>>) offsets(%dma_start3A_106 : memref<128xi32, #tpu.memory_space<vmem>>) semaphore(%arg11 : memref<!tpu.dma_semaphore, #tpu.memory_space<semaphore_mem>>)
      %dma_wait3A = arith.constant 0 : i32
      %dma_wait3A_110 = arith.constant 0 : i32
      %dma_wait3A_111 = tpu.memref_slice %arg5[%dma_wait3A, %dma_wait3A_110] : memref<8x128xi32, #tpu.memory_space<vmem>> -> memref<1x128xi32, #tpu.memory_space<vmem>>
      %dma_wait3A_112 = tpu.memref_squeeze %dma_wait3A_111 : memref<1x128xi32, #tpu.memory_space<vmem>> -> memref<128xi32, #tpu.memory_space<vmem>>
      %dma_wait3A_113 = arith.constant 0 : i32
      %dma_wait3A_114 = arith.constant 0 : i32
      %dma_wait3A_115 = tpu.memref_slice %arg2[%dma_wait3A_113, %dma_wait3A_114] : memref<10000x128xf32, #tpu.memory_space<hbm>> -> memref<10000x128xf32, #tpu.memory_space<hbm>>
      tpu.wait_indirect_dma semaphore(%arg10 : memref<!tpu.dma_semaphore, #tpu.memory_space<semaphore_mem>>) src(%dma_wait3A_115 : memref<10000x128xf32, #tpu.memory_space<hbm>>) dst(%arg7 : memref<128x128xf32, #tpu.memory_space<vmem>>)
      %dma_start3A_116 = arith.constant 1 : i32
      %dma_start3A_117 = arith.constant 0 : i32
      %dma_start3A_118 = tpu.memref_slice %arg5[%dma_start3A_116, %dma_start3A_117] : memref<8x128xi32, #tpu.memory_space<vmem>> -> memref<1x128xi32, #tpu.memory_space<vmem>>
      %dma_start3A_119 = tpu.memref_squeeze %dma_start3A_118 : memref<1x128xi32, #tpu.memory_space<vmem>> -> memref<128xi32, #tpu.memory_space<vmem>>
      %dma_start3A_120 = arith.constant 0 : i32
      %dma_start3A_121 = arith.constant 0 : i32
      %dma_start3A_122 = tpu.memref_slice %arg9[%dma_start3A_120, %dma_start3A_121] : memref<10112x128xf32, #tpu.memory_space<vmem_shared>> -> memref<10112x128xf32, #tpu.memory_space<vmem_shared>>
      tpu.enqueue_indirect_dma source(%arg7 : memref<128x128xf32, #tpu.memory_space<vmem>>) target(%dma_start3A_122 : memref<10112x128xf32, #tpu.memory_space<vmem_shared>>) offsets(%dma_start3A_119 : memref<128xi32, #tpu.memory_space<vmem>>) semaphore(%arg12 : memref<!tpu.dma_semaphore, #tpu.memory_space<semaphore_mem>>) {add = true}
      %dma_wait3A_123 = arith.constant 1 : i32
      %dma_wait3A_124 = arith.constant 0 : i32
      %dma_wait3A_125 = tpu.memref_slice %arg5[%dma_wait3A_123, %dma_wait3A_124] : memref<8x128xi32, #tpu.memory_space<vmem>> -> memref<1x128xi32, #tpu.memory_space<vmem>>
      %dma_wait3A_126 = tpu.memref_squeeze %dma_wait3A_125 : memref<1x128xi32, #tpu.memory_space<vmem>> -> memref<128xi32, #tpu.memory_space<vmem>>
      %dma_wait3A_127 = arith.constant 0 : i32
      %dma_wait3A_128 = arith.constant 0 : i32
      %dma_wait3A_129 = tpu.memref_slice %arg9[%dma_wait3A_127, %dma_wait3A_128] : memref<10112x128xf32, #tpu.memory_space<vmem_shared>> -> memref<10112x128xf32, #tpu.memory_space<vmem_shared>>
      tpu.wait_indirect_dma semaphore(%arg12 : memref<!tpu.dma_semaphore, #tpu.memory_space<semaphore_mem>>) src(%arg7 : memref<128x128xf32, #tpu.memory_space<vmem>>) dst(%dma_wait3A_129 : memref<10112x128xf32, #tpu.memory_space<vmem_shared>>)
      %dma_start3A_130 = arith.constant 4 : i32
      %dma_start3A_131 = arith.constant 0 : i32
      %dma_start3A_132 = tpu.memref_slice %arg5[%dma_start3A_130, %dma_start3A_131] : memref<8x128xi32, #tpu.memory_space<vmem>> -> memref<1x128xi32, #tpu.memory_space<vmem>>
      %dma_start3A_133 = tpu.memref_squeeze %dma_start3A_132 : memref<1x128xi32, #tpu.memory_space<vmem>> -> memref<128xi32, #tpu.memory_space<vmem>>
      %dma_start3A_134 = arith.constant 0 : i32
      %dma_start3A_135 = arith.constant 0 : i32
      %dma_start3A_136 = tpu.memref_slice %arg2[%dma_start3A_134, %dma_start3A_135] : memref<10000x128xf32, #tpu.memory_space<hbm>> -> memref<10000x128xf32, #tpu.memory_space<hbm>>
      tpu.enqueue_indirect_dma source(%dma_start3A_136 : memref<10000x128xf32, #tpu.memory_space<hbm>>) target(%arg7 : memref<128x128xf32, #tpu.memory_space<vmem>>) offsets(%dma_start3A_133 : memref<128xi32, #tpu.memory_space<vmem>>) semaphore(%arg10 : memref<!tpu.dma_semaphore, #tpu.memory_space<semaphore_mem>>)
      %dma_wait3A_137 = arith.constant 2 : i32
      %dma_wait3A_138 = arith.constant 0 : i32
      %dma_wait3A_139 = tpu.memref_slice %arg5[%dma_wait3A_137, %dma_wait3A_138] : memref<8x128xi32, #tpu.memory_space<vmem>> -> memref<1x128xi32, #tpu.memory_space<vmem>>
      %dma_wait3A_140 = tpu.memref_squeeze %dma_wait3A_139 : memref<1x128xi32, #tpu.memory_space<vmem>> -> memref<128xi32, #tpu.memory_space<vmem>>
      %dma_wait3A_141 = arith.constant 0 : i32
      %dma_wait3A_142 = arith.constant 0 : i32
      %dma_wait3A_143 = tpu.memref_slice %arg2[%dma_wait3A_141, %dma_wait3A_142] : memref<10000x128xf32, #tpu.memory_space<hbm>> -> memref<10000x128xf32, #tpu.memory_space<hbm>>
      tpu.wait_indirect_dma semaphore(%arg11 : memref<!tpu.dma_semaphore, #tpu.memory_space<semaphore_mem>>) src(%dma_wait3A_143 : memref<10000x128xf32, #tpu.memory_space<hbm>>) dst(%arg8 : memref<128x128xf32, #tpu.memory_space<vmem>>)
      %dma_start3A_144 = arith.constant 3 : i32
      %dma_start3A_145 = arith.constant 0 : i32
      %dma_start3A_146 = tpu.memref_slice %arg5[%dma_start3A_144, %dma_start3A_145] : memref<8x128xi32, #tpu.memory_space<vmem>> -> memref<1x128xi32, #tpu.memory_space<vmem>>
      %dma_start3A_147 = tpu.memref_squeeze %dma_start3A_146 : memref<1x128xi32, #tpu.memory_space<vmem>> -> memref<128xi32, #tpu.memory_space<vmem>>
      %dma_start3A_148 = arith.constant 0 : i32
      %dma_start3A_149 = arith.constant 0 : i32
      %dma_start3A_150 = tpu.memref_slice %arg9[%dma_start3A_148, %dma_start3A_149] : memref<10112x128xf32, #tpu.memory_space<vmem_shared>> -> memref<10112x128xf32, #tpu.memory_space<vmem_shared>>
      tpu.enqueue_indirect_dma source(%arg8 : memref<128x128xf32, #tpu.memory_space<vmem>>) target(%dma_start3A_150 : memref<10112x128xf32, #tpu.memory_space<vmem_shared>>) offsets(%dma_start3A_147 : memref<128xi32, #tpu.memory_space<vmem>>) semaphore(%arg13 : memref<!tpu.dma_semaphore, #tpu.memory_space<semaphore_mem>>) {add = true}
      %dma_wait3A_151 = arith.constant 3 : i32
      %dma_wait3A_152 = arith.constant 0 : i32
      %dma_wait3A_153 = tpu.memref_slice %arg5[%dma_wait3A_151, %dma_wait3A_152] : memref<8x128xi32, #tpu.memory_space<vmem>> -> memref<1x128xi32, #tpu.memory_space<vmem>>
      %dma_wait3A_154 = tpu.memref_squeeze %dma_wait3A_153 : memref<1x128xi32, #tpu.memory_space<vmem>> -> memref<128xi32, #tpu.memory_space<vmem>>
      %dma_wait3A_155 = arith.constant 0 : i32
      %dma_wait3A_156 = arith.constant 0 : i32
      %dma_wait3A_157 = tpu.memref_slice %arg9[%dma_wait3A_155, %dma_wait3A_156] : memref<10112x128xf32, #tpu.memory_space<vmem_shared>> -> memref<10112x128xf32, #tpu.memory_space<vmem_shared>>
      tpu.wait_indirect_dma semaphore(%arg13 : memref<!tpu.dma_semaphore, #tpu.memory_space<semaphore_mem>>) src(%arg8 : memref<128x128xf32, #tpu.memory_space<vmem>>) dst(%dma_wait3A_157 : memref<10112x128xf32, #tpu.memory_space<vmem_shared>>)
      %dma_start3A_158 = arith.constant 6 : i32
      %dma_start3A_159 = arith.constant 0 : i32
      %dma_start3A_160 = tpu.memref_slice %arg5[%dma_start3A_158, %dma_start3A_159] : memref<8x128xi32, #tpu.memory_space<vmem>> -> memref<1x128xi32, #tpu.memory_space<vmem>>
      %dma_start3A_161 = tpu.memref_squeeze %dma_start3A_160 : memref<1x128xi32, #tpu.memory_space<vmem>> -> memref<128xi32, #tpu.memory_space<vmem>>
      %dma_start3A_162 = arith.constant 0 : i32
      %dma_start3A_163 = arith.constant 0 : i32
      %dma_start3A_164 = tpu.memref_slice %arg2[%dma_start3A_162, %dma_start3A_163] : memref<10000x128xf32, #tpu.memory_space<hbm>> -> memref<10000x128xf32, #tpu.memory_space<hbm>>
      tpu.enqueue_indirect_dma source(%dma_start3A_164 : memref<10000x128xf32, #tpu.memory_space<hbm>>) target(%arg8 : memref<128x128xf32, #tpu.memory_space<vmem>>) offsets(%dma_start3A_161 : memref<128xi32, #tpu.memory_space<vmem>>) semaphore(%arg11 : memref<!tpu.dma_semaphore, #tpu.memory_space<semaphore_mem>>)
      %dma_wait3A_165 = arith.constant 4 : i32
      %dma_wait3A_166 = arith.constant 0 : i32
      %dma_wait3A_167 = tpu.memref_slice %arg5[%dma_wait3A_165, %dma_wait3A_166] : memref<8x128xi32, #tpu.memory_space<vmem>> -> memref<1x128xi32, #tpu.memory_space<vmem>>
      %dma_wait3A_168 = tpu.memref_squeeze %dma_wait3A_167 : memref<1x128xi32, #tpu.memory_space<vmem>> -> memref<128xi32, #tpu.memory_space<vmem>>
      %dma_wait3A_169 = arith.constant 0 : i32
      %dma_wait3A_170 = arith.constant 0 : i32
      %dma_wait3A_171 = tpu.memref_slice %arg2[%dma_wait3A_169, %dma_wait3A_170] : memref<10000x128xf32, #tpu.memory_space<hbm>> -> memref<10000x128xf32, #tpu.memory_space<hbm>>
      tpu.wait_indirect_dma semaphore(%arg10 : memref<!tpu.dma_semaphore, #tpu.memory_space<semaphore_mem>>) src(%dma_wait3A_171 : memref<10000x128xf32, #tpu.memory_space<hbm>>) dst(%arg7 : memref<128x128xf32, #tpu.memory_space<vmem>>)
      %dma_start3A_172 = arith.constant 5 : i32
      %dma_start3A_173 = arith.constant 0 : i32
      %dma_start3A_174 = tpu.memref_slice %arg5[%dma_start3A_172, %dma_start3A_173] : memref<8x128xi32, #tpu.memory_space<vmem>> -> memref<1x128xi32, #tpu.memory_space<vmem>>
      %dma_start3A_175 = tpu.memref_squeeze %dma_start3A_174 : memref<1x128xi32, #tpu.memory_space<vmem>> -> memref<128xi32, #tpu.memory_space<vmem>>
      %dma_start3A_176 = arith.constant 0 : i32
      %dma_start3A_177 = arith.constant 0 : i32
      %dma_start3A_178 = tpu.memref_slice %arg9[%dma_start3A_176, %dma_start3A_177] : memref<10112x128xf32, #tpu.memory_space<vmem_shared>> -> memref<10112x128xf32, #tpu.memory_space<vmem_shared>>
      tpu.enqueue_indirect_dma source(%arg7 : memref<128x128xf32, #tpu.memory_space<vmem>>) target(%dma_start3A_178 : memref<10112x128xf32, #tpu.memory_space<vmem_shared>>) offsets(%dma_start3A_175 : memref<128xi32, #tpu.memory_space<vmem>>) semaphore(%arg12 : memref<!tpu.dma_semaphore, #tpu.memory_space<semaphore_mem>>) {add = true}
      %dma_wait3A_179 = arith.constant 5 : i32
      %dma_wait3A_180 = arith.constant 0 : i32
      %dma_wait3A_181 = tpu.memref_slice %arg5[%dma_wait3A_179, %dma_wait3A_180] : memref<8x128xi32, #tpu.memory_space<vmem>> -> memref<1x128xi32, #tpu.memory_space<vmem>>
      %dma_wait3A_182 = tpu.memref_squeeze %dma_wait3A_181 : memref<1x128xi32, #tpu.memory_space<vmem>> -> memref<128xi32, #tpu.memory_space<vmem>>
      %dma_wait3A_183 = arith.constant 0 : i32
      %dma_wait3A_184 = arith.constant 0 : i32
      %dma_wait3A_185 = tpu.memref_slice %arg9[%dma_wait3A_183, %dma_wait3A_184] : memref<10112x128xf32, #tpu.memory_space<vmem_shared>> -> memref<10112x128xf32, #tpu.memory_space<vmem_shared>>
      tpu.wait_indirect_dma semaphore(%arg12 : memref<!tpu.dma_semaphore, #tpu.memory_space<semaphore_mem>>) src(%arg7 : memref<128x128xf32, #tpu.memory_space<vmem>>) dst(%dma_wait3A_185 : memref<10112x128xf32, #tpu.memory_space<vmem_shared>>)
      %convert_element_type3A_186 = arith.extui %lt3A_95 : i1 to i32
      %cond3A_187 = arith.constant 0 : i32
      %cond3A_188 = arith.cmpi ne, %convert_element_type3A_186, %cond3A_187 : i32
      scf.if %cond3A_188 {
        %add3A_211 = arith.addi %select_n3A_25, %mul3A_92 : i32
        %add3A_212 = arith.constant 1 : i32
        %add3A_213 = arith.addi %add3A_211, %add3A_212 : i32
        %dma_wait3A_214 = arith.constant 0 : i32
        %dma_wait3A_215 = arith.constant 0 : i32
        %dma_wait3A_216 = tpu.memref_slice %arg3[%add3A_213, %dma_wait3A_214, %dma_wait3A_215] : memref<640x8x128xi32, #tpu.memory_space<hbm>> -> memref<1x8x128xi32, #tpu.memory_space<hbm>>
        %dma_wait3A_217 = tpu.memref_squeeze %dma_wait3A_216 : memref<1x8x128xi32, #tpu.memory_space<hbm>> -> memref<8x128xi32, #tpu.memory_space<hbm>>
        %dma_wait3A_218 = arith.constant 0 : i32
        %dma_wait3A_219 = arith.constant 0 : i32
        %dma_wait3A_220 = tpu.memref_slice %arg3[%add3A_213, %dma_wait3A_218, %dma_wait3A_219] : memref<640x8x128xi32, #tpu.memory_space<hbm>> -> memref<1x8x128xi32, #tpu.memory_space<hbm>>
        %dma_wait3A_221 = tpu.memref_squeeze %dma_wait3A_220 : memref<1x8x128xi32, #tpu.memory_space<hbm>> -> memref<8x128xi32, #tpu.memory_space<hbm>>
        tpu.wait_dma2 semaphore(%arg15 : memref<!tpu.dma_semaphore, #tpu.memory_space<semaphore_mem>>) src(%dma_wait3A_221 : memref<8x128xi32, #tpu.memory_space<hbm>>) dst(%arg6 : memref<8x128xi32, #tpu.memory_space<vmem>>)
        %dma_start3A_222 = arith.constant 0 : i32
        %dma_start3A_223 = arith.constant 0 : i32
        %dma_start3A_224 = tpu.memref_slice %arg6[%dma_start3A_222, %dma_start3A_223] : memref<8x128xi32, #tpu.memory_space<vmem>> -> memref<1x128xi32, #tpu.memory_space<vmem>>
        %dma_start3A_225 = tpu.memref_squeeze %dma_start3A_224 : memref<1x128xi32, #tpu.memory_space<vmem>> -> memref<128xi32, #tpu.memory_space<vmem>>
        %dma_start3A_226 = arith.constant 0 : i32
        %dma_start3A_227 = arith.constant 0 : i32
        %dma_start3A_228 = tpu.memref_slice %arg2[%dma_start3A_226, %dma_start3A_227] : memref<10000x128xf32, #tpu.memory_space<hbm>> -> memref<10000x128xf32, #tpu.memory_space<hbm>>
        tpu.enqueue_indirect_dma source(%dma_start3A_228 : memref<10000x128xf32, #tpu.memory_space<hbm>>) target(%arg7 : memref<128x128xf32, #tpu.memory_space<vmem>>) offsets(%dma_start3A_225 : memref<128xi32, #tpu.memory_space<vmem>>) semaphore(%arg10 : memref<!tpu.dma_semaphore, #tpu.memory_space<semaphore_mem>>)
      } else {
      }
      %dma_wait3A_189 = arith.constant 6 : i32
      %dma_wait3A_190 = arith.constant 0 : i32
      %dma_wait3A_191 = tpu.memref_slice %arg5[%dma_wait3A_189, %dma_wait3A_190] : memref<8x128xi32, #tpu.memory_space<vmem>> -> memref<1x128xi32, #tpu.memory_space<vmem>>
      %dma_wait3A_192 = tpu.memref_squeeze %dma_wait3A_191 : memref<1x128xi32, #tpu.memory_space<vmem>> -> memref<128xi32, #tpu.memory_space<vmem>>
      %dma_wait3A_193 = arith.constant 0 : i32
      %dma_wait3A_194 = arith.constant 0 : i32
      %dma_wait3A_195 = tpu.memref_slice %arg2[%dma_wait3A_193, %dma_wait3A_194] : memref<10000x128xf32, #tpu.memory_space<hbm>> -> memref<10000x128xf32, #tpu.memory_space<hbm>>
      tpu.wait_indirect_dma semaphore(%arg11 : memref<!tpu.dma_semaphore, #tpu.memory_space<semaphore_mem>>) src(%dma_wait3A_195 : memref<10000x128xf32, #tpu.memory_space<hbm>>) dst(%arg8 : memref<128x128xf32, #tpu.memory_space<vmem>>)
      %dma_start3A_196 = arith.constant 7 : i32
      %dma_start3A_197 = arith.constant 0 : i32
      %dma_start3A_198 = tpu.memref_slice %arg5[%dma_start3A_196, %dma_start3A_197] : memref<8x128xi32, #tpu.memory_space<vmem>> -> memref<1x128xi32, #tpu.memory_space<vmem>>
      %dma_start3A_199 = tpu.memref_squeeze %dma_start3A_198 : memref<1x128xi32, #tpu.memory_space<vmem>> -> memref<128xi32, #tpu.memory_space<vmem>>
      %dma_start3A_200 = arith.constant 0 : i32
      %dma_start3A_201 = arith.constant 0 : i32
      %dma_start3A_202 = tpu.memref_slice %arg9[%dma_start3A_200, %dma_start3A_201] : memref<10112x128xf32, #tpu.memory_space<vmem_shared>> -> memref<10112x128xf32, #tpu.memory_space<vmem_shared>>
      tpu.enqueue_indirect_dma source(%arg8 : memref<128x128xf32, #tpu.memory_space<vmem>>) target(%dma_start3A_202 : memref<10112x128xf32, #tpu.memory_space<vmem_shared>>) offsets(%dma_start3A_199 : memref<128xi32, #tpu.memory_space<vmem>>) semaphore(%arg13 : memref<!tpu.dma_semaphore, #tpu.memory_space<semaphore_mem>>) {add = true}
      %mul3A_203 = arith.constant 2 : i32
      %mul3A_204 = arith.muli %mul3A_203, %while3A_90 : i32
      %add3A_205 = arith.constant 1 : i32
      %add3A_206 = arith.addi %mul3A_204, %add3A_205 : i32
      %lt3A_207 = arith.cmpi slt, %add3A_206, %select_n3A : i32
      %convert_element_type3A_208 = arith.extui %lt3A_207 : i1 to i32
      %cond3A_209 = arith.constant 0 : i32
      %cond3A_210 = arith.cmpi ne, %convert_element_type3A_208, %cond3A_209 : i32
      scf.if %cond3A_210 {
        %mul3A_211 = arith.constant 2 : i32
        %mul3A_212 = arith.muli %mul3A_211, %while3A_90 : i32
        %add3A_213 = arith.constant 1 : i32
        %add3A_214 = arith.addi %mul3A_212, %add3A_213 : i32
        %sub3A_215 = arith.constant 1 : i32
        %sub3A_216 = arith.subi %select_n3A, %sub3A_215 : i32
        %lt3A_217 = arith.cmpi slt, %add3A_214, %sub3A_216 : i32
        %gt3A_218 = arith.constant 0 : i32
        %gt3A_219 = arith.cmpi sgt, %add3A_214, %gt3A_218 : i32
        %convert_element_type3A_220 = arith.extui %gt3A_219 : i1 to i32
        %cond3A_221 = arith.constant 0 : i32
        %cond3A_222 = arith.cmpi ne, %convert_element_type3A_220, %cond3A_221 : i32
        scf.if %cond3A_222 {
          %dma_wait3A_327 = arith.constant 7 : i32
          %dma_wait3A_328 = arith.constant 0 : i32
          %dma_wait3A_329 = tpu.memref_slice %arg6[%dma_wait3A_327, %dma_wait3A_328] : memref<8x128xi32, #tpu.memory_space<vmem>> -> memref<1x128xi32, #tpu.memory_space<vmem>>
          %dma_wait3A_330 = tpu.memref_squeeze %dma_wait3A_329 : memref<1x128xi32, #tpu.memory_space<vmem>> -> memref<128xi32, #tpu.memory_space<vmem>>
          %dma_wait3A_331 = arith.constant 0 : i32
          %dma_wait3A_332 = arith.constant 0 : i32
          %dma_wait3A_333 = tpu.memref_slice %arg9[%dma_wait3A_331, %dma_wait3A_332] : memref<10112x128xf32, #tpu.memory_space<vmem_shared>> -> memref<10112x128xf32, #tpu.memory_space<vmem_shared>>
          tpu.wait_indirect_dma semaphore(%arg13 : memref<!tpu.dma_semaphore, #tpu.memory_space<semaphore_mem>>) src(%arg8 : memref<128x128xf32, #tpu.memory_space<vmem>>) dst(%dma_wait3A_333 : memref<10112x128xf32, #tpu.memory_space<vmem_shared>>)
        } else {
        }
        %convert_element_type3A_223 = arith.extui %lt3A_217 : i1 to i32
        %cond3A_224 = arith.constant 0 : i32
        %cond3A_225 = arith.cmpi ne, %convert_element_type3A_223, %cond3A_224 : i32
        scf.if %cond3A_225 {
          %add3A_327 = arith.addi %select_n3A_25, %add3A_214 : i32
          %add3A_328 = arith.constant 1 : i32
          %add3A_329 = arith.addi %add3A_327, %add3A_328 : i32
          %dma_start3A_330 = arith.constant 0 : i32
          %dma_start3A_331 = arith.constant 0 : i32
          %dma_start3A_332 = tpu.memref_slice %arg3[%add3A_329, %dma_start3A_330, %dma_start3A_331] : memref<640x8x128xi32, #tpu.memory_space<hbm>> -> memref<1x8x128xi32, #tpu.memory_space<hbm>>
          %dma_start3A_333 = tpu.memref_squeeze %dma_start3A_332 : memref<1x8x128xi32, #tpu.memory_space<hbm>> -> memref<8x128xi32, #tpu.memory_space<hbm>>
          %dma_start3A_334 = arith.constant 0 : i32
          %dma_start3A_335 = arith.constant 0 : i32
          %dma_start3A_336 = tpu.memref_slice %arg3[%add3A_329, %dma_start3A_334, %dma_start3A_335] : memref<640x8x128xi32, #tpu.memory_space<hbm>> -> memref<1x8x128xi32, #tpu.memory_space<hbm>>
          %dma_start3A_337 = tpu.memref_squeeze %dma_start3A_336 : memref<1x8x128xi32, #tpu.memory_space<hbm>> -> memref<8x128xi32, #tpu.memory_space<hbm>>
          tpu.enqueue_dma source(%dma_start3A_337 : memref<8x128xi32, #tpu.memory_space<hbm>>) target(%arg5 : memref<8x128xi32, #tpu.memory_space<vmem>>) target_semaphore(%arg14 : memref<!tpu.dma_semaphore, #tpu.memory_space<semaphore_mem>>)
        } else {
        }
        %dma_start3A_226 = arith.constant 2 : i32
        %dma_start3A_227 = arith.constant 0 : i32
        %dma_start3A_228 = tpu.memref_slice %arg6[%dma_start3A_226, %dma_start3A_227] : memref<8x128xi32, #tpu.memory_space<vmem>> -> memref<1x128xi32, #tpu.memory_space<vmem>>
        %dma_start3A_229 = tpu.memref_squeeze %dma_start3A_228 : memref<1x128xi32, #tpu.memory_space<vmem>> -> memref<128xi32, #tpu.memory_space<vmem>>
        %dma_start3A_230 = arith.constant 0 : i32
        %dma_start3A_231 = arith.constant 0 : i32
        %dma_start3A_232 = tpu.memref_slice %arg2[%dma_start3A_230, %dma_start3A_231] : memref<10000x128xf32, #tpu.memory_space<hbm>> -> memref<10000x128xf32, #tpu.memory_space<hbm>>
        tpu.enqueue_indirect_dma source(%dma_start3A_232 : memref<10000x128xf32, #tpu.memory_space<hbm>>) target(%arg8 : memref<128x128xf32, #tpu.memory_space<vmem>>) offsets(%dma_start3A_229 : memref<128xi32, #tpu.memory_space<vmem>>) semaphore(%arg11 : memref<!tpu.dma_semaphore, #tpu.memory_space<semaphore_mem>>)
        %dma_wait3A_233 = arith.constant 0 : i32
        %dma_wait3A_234 = arith.constant 0 : i32
        %dma_wait3A_235 = tpu.memref_slice %arg6[%dma_wait3A_233, %dma_wait3A_234] : memref<8x128xi32, #tpu.memory_space<vmem>> -> memref<1x128xi32, #tpu.memory_space<vmem>>
        %dma_wait3A_236 = tpu.memref_squeeze %dma_wait3A_235 : memref<1x128xi32, #tpu.memory_space<vmem>> -> memref<128xi32, #tpu.memory_space<vmem>>
        %dma_wait3A_237 = arith.constant 0 : i32
        %dma_wait3A_238 = arith.constant 0 : i32
        %dma_wait3A_239 = tpu.memref_slice %arg2[%dma_wait3A_237, %dma_wait3A_238] : memref<10000x128xf32, #tpu.memory_space<hbm>> -> memref<10000x128xf32, #tpu.memory_space<hbm>>
        tpu.wait_indirect_dma semaphore(%arg10 : memref<!tpu.dma_semaphore, #tpu.memory_space<semaphore_mem>>) src(%dma_wait3A_239 : memref<10000x128xf32, #tpu.memory_space<hbm>>) dst(%arg7 : memref<128x128xf32, #tpu.memory_space<vmem>>)
        %dma_start3A_240 = arith.constant 1 : i32
        %dma_start3A_241 = arith.constant 0 : i32
        %dma_start3A_242 = tpu.memref_slice %arg6[%dma_start3A_240, %dma_start3A_241] : memref<8x128xi32, #tpu.memory_space<vmem>> -> memref<1x128xi32, #tpu.memory_space<vmem>>
        %dma_start3A_243 = tpu.memref_squeeze %dma_start3A_242 : memref<1x128xi32, #tpu.memory_space<vmem>> -> memref<128xi32, #tpu.memory_space<vmem>>
        %dma_start3A_244 = arith.constant 0 : i32
        %dma_start3A_245 = arith.constant 0 : i32
        %dma_start3A_246 = tpu.memref_slice %arg9[%dma_start3A_244, %dma_start3A_245] : memref<10112x128xf32, #tpu.memory_space<vmem_shared>> -> memref<10112x128xf32, #tpu.memory_space<vmem_shared>>
        tpu.enqueue_indirect_dma source(%arg7 : memref<128x128xf32, #tpu.memory_space<vmem>>) target(%dma_start3A_246 : memref<10112x128xf32, #tpu.memory_space<vmem_shared>>) offsets(%dma_start3A_243 : memref<128xi32, #tpu.memory_space<vmem>>) semaphore(%arg12 : memref<!tpu.dma_semaphore, #tpu.memory_space<semaphore_mem>>) {add = true}
        %dma_wait3A_247 = arith.constant 1 : i32
        %dma_wait3A_248 = arith.constant 0 : i32
        %dma_wait3A_249 = tpu.memref_slice %arg6[%dma_wait3A_247, %dma_wait3A_248] : memref<8x128xi32, #tpu.memory_space<vmem>> -> memref<1x128xi32, #tpu.memory_space<vmem>>
        %dma_wait3A_250 = tpu.memref_squeeze %dma_wait3A_249 : memref<1x128xi32, #tpu.memory_space<vmem>> -> memref<128xi32, #tpu.memory_space<vmem>>
        %dma_wait3A_251 = arith.constant 0 : i32
        %dma_wait3A_252 = arith.constant 0 : i32
        %dma_wait3A_253 = tpu.memref_slice %arg9[%dma_wait3A_251, %dma_wait3A_252] : memref<10112x128xf32, #tpu.memory_space<vmem_shared>> -> memref<10112x128xf32, #tpu.memory_space<vmem_shared>>
        tpu.wait_indirect_dma semaphore(%arg12 : memref<!tpu.dma_semaphore, #tpu.memory_space<semaphore_mem>>) src(%arg7 : memref<128x128xf32, #tpu.memory_space<vmem>>) dst(%dma_wait3A_253 : memref<10112x128xf32, #tpu.memory_space<vmem_shared>>)
        %dma_start3A_254 = arith.constant 4 : i32
        %dma_start3A_255 = arith.constant 0 : i32
        %dma_start3A_256 = tpu.memref_slice %arg6[%dma_start3A_254, %dma_start3A_255] : memref<8x128xi32, #tpu.memory_space<vmem>> -> memref<1x128xi32, #tpu.memory_space<vmem>>
        %dma_start3A_257 = tpu.memref_squeeze %dma_start3A_256 : memref<1x128xi32, #tpu.memory_space<vmem>> -> memref<128xi32, #tpu.memory_space<vmem>>
        %dma_start3A_258 = arith.constant 0 : i32
        %dma_start3A_259 = arith.constant 0 : i32
        %dma_start3A_260 = tpu.memref_slice %arg2[%dma_start3A_258, %dma_start3A_259] : memref<10000x128xf32, #tpu.memory_space<hbm>> -> memref<10000x128xf32, #tpu.memory_space<hbm>>
        tpu.enqueue_indirect_dma source(%dma_start3A_260 : memref<10000x128xf32, #tpu.memory_space<hbm>>) target(%arg7 : memref<128x128xf32, #tpu.memory_space<vmem>>) offsets(%dma_start3A_257 : memref<128xi32, #tpu.memory_space<vmem>>) semaphore(%arg10 : memref<!tpu.dma_semaphore, #tpu.memory_space<semaphore_mem>>)
        %dma_wait3A_261 = arith.constant 2 : i32
        %dma_wait3A_262 = arith.constant 0 : i32
        %dma_wait3A_263 = tpu.memref_slice %arg6[%dma_wait3A_261, %dma_wait3A_262] : memref<8x128xi32, #tpu.memory_space<vmem>> -> memref<1x128xi32, #tpu.memory_space<vmem>>
        %dma_wait3A_264 = tpu.memref_squeeze %dma_wait3A_263 : memref<1x128xi32, #tpu.memory_space<vmem>> -> memref<128xi32, #tpu.memory_space<vmem>>
        %dma_wait3A_265 = arith.constant 0 : i32
        %dma_wait3A_266 = arith.constant 0 : i32
        %dma_wait3A_267 = tpu.memref_slice %arg2[%dma_wait3A_265, %dma_wait3A_266] : memref<10000x128xf32, #tpu.memory_space<hbm>> -> memref<10000x128xf32, #tpu.memory_space<hbm>>
        tpu.wait_indirect_dma semaphore(%arg11 : memref<!tpu.dma_semaphore, #tpu.memory_space<semaphore_mem>>) src(%dma_wait3A_267 : memref<10000x128xf32, #tpu.memory_space<hbm>>) dst(%arg8 : memref<128x128xf32, #tpu.memory_space<vmem>>)
        %dma_start3A_268 = arith.constant 3 : i32
        %dma_start3A_269 = arith.constant 0 : i32
        %dma_start3A_270 = tpu.memref_slice %arg6[%dma_start3A_268, %dma_start3A_269] : memref<8x128xi32, #tpu.memory_space<vmem>> -> memref<1x128xi32, #tpu.memory_space<vmem>>
        %dma_start3A_271 = tpu.memref_squeeze %dma_start3A_270 : memref<1x128xi32, #tpu.memory_space<vmem>> -> memref<128xi32, #tpu.memory_space<vmem>>
        %dma_start3A_272 = arith.constant 0 : i32
        %dma_start3A_273 = arith.constant 0 : i32
        %dma_start3A_274 = tpu.memref_slice %arg9[%dma_start3A_272, %dma_start3A_273] : memref<10112x128xf32, #tpu.memory_space<vmem_shared>> -> memref<10112x128xf32, #tpu.memory_space<vmem_shared>>
        tpu.enqueue_indirect_dma source(%arg8 : memref<128x128xf32, #tpu.memory_space<vmem>>) target(%dma_start3A_274 : memref<10112x128xf32, #tpu.memory_space<vmem_shared>>) offsets(%dma_start3A_271 : memref<128xi32, #tpu.memory_space<vmem>>) semaphore(%arg13 : memref<!tpu.dma_semaphore, #tpu.memory_space<semaphore_mem>>) {add = true}
        %dma_wait3A_275 = arith.constant 3 : i32
        %dma_wait3A_276 = arith.constant 0 : i32
        %dma_wait3A_277 = tpu.memref_slice %arg6[%dma_wait3A_275, %dma_wait3A_276] : memref<8x128xi32, #tpu.memory_space<vmem>> -> memref<1x128xi32, #tpu.memory_space<vmem>>
        %dma_wait3A_278 = tpu.memref_squeeze %dma_wait3A_277 : memref<1x128xi32, #tpu.memory_space<vmem>> -> memref<128xi32, #tpu.memory_space<vmem>>
        %dma_wait3A_279 = arith.constant 0 : i32
        %dma_wait3A_280 = arith.constant 0 : i32
        %dma_wait3A_281 = tpu.memref_slice %arg9[%dma_wait3A_279, %dma_wait3A_280] : memref<10112x128xf32, #tpu.memory_space<vmem_shared>> -> memref<10112x128xf32, #tpu.memory_space<vmem_shared>>
        tpu.wait_indirect_dma semaphore(%arg13 : memref<!tpu.dma_semaphore, #tpu.memory_space<semaphore_mem>>) src(%arg8 : memref<128x128xf32, #tpu.memory_space<vmem>>) dst(%dma_wait3A_281 : memref<10112x128xf32, #tpu.memory_space<vmem_shared>>)
        %dma_start3A_282 = arith.constant 6 : i32
        %dma_start3A_283 = arith.constant 0 : i32
        %dma_start3A_284 = tpu.memref_slice %arg6[%dma_start3A_282, %dma_start3A_283] : memref<8x128xi32, #tpu.memory_space<vmem>> -> memref<1x128xi32, #tpu.memory_space<vmem>>
        %dma_start3A_285 = tpu.memref_squeeze %dma_start3A_284 : memref<1x128xi32, #tpu.memory_space<vmem>> -> memref<128xi32, #tpu.memory_space<vmem>>
        %dma_start3A_286 = arith.constant 0 : i32
        %dma_start3A_287 = arith.constant 0 : i32
        %dma_start3A_288 = tpu.memref_slice %arg2[%dma_start3A_286, %dma_start3A_287] : memref<10000x128xf32, #tpu.memory_space<hbm>> -> memref<10000x128xf32, #tpu.memory_space<hbm>>
        tpu.enqueue_indirect_dma source(%dma_start3A_288 : memref<10000x128xf32, #tpu.memory_space<hbm>>) target(%arg8 : memref<128x128xf32, #tpu.memory_space<vmem>>) offsets(%dma_start3A_285 : memref<128xi32, #tpu.memory_space<vmem>>) semaphore(%arg11 : memref<!tpu.dma_semaphore, #tpu.memory_space<semaphore_mem>>)
        %dma_wait3A_289 = arith.constant 4 : i32
        %dma_wait3A_290 = arith.constant 0 : i32
        %dma_wait3A_291 = tpu.memref_slice %arg6[%dma_wait3A_289, %dma_wait3A_290] : memref<8x128xi32, #tpu.memory_space<vmem>> -> memref<1x128xi32, #tpu.memory_space<vmem>>
        %dma_wait3A_292 = tpu.memref_squeeze %dma_wait3A_291 : memref<1x128xi32, #tpu.memory_space<vmem>> -> memref<128xi32, #tpu.memory_space<vmem>>
        %dma_wait3A_293 = arith.constant 0 : i32
        %dma_wait3A_294 = arith.constant 0 : i32
        %dma_wait3A_295 = tpu.memref_slice %arg2[%dma_wait3A_293, %dma_wait3A_294] : memref<10000x128xf32, #tpu.memory_space<hbm>> -> memref<10000x128xf32, #tpu.memory_space<hbm>>
        tpu.wait_indirect_dma semaphore(%arg10 : memref<!tpu.dma_semaphore, #tpu.memory_space<semaphore_mem>>) src(%dma_wait3A_295 : memref<10000x128xf32, #tpu.memory_space<hbm>>) dst(%arg7 : memref<128x128xf32, #tpu.memory_space<vmem>>)
        %dma_start3A_296 = arith.constant 5 : i32
        %dma_start3A_297 = arith.constant 0 : i32
        %dma_start3A_298 = tpu.memref_slice %arg6[%dma_start3A_296, %dma_start3A_297] : memref<8x128xi32, #tpu.memory_space<vmem>> -> memref<1x128xi32, #tpu.memory_space<vmem>>
        %dma_start3A_299 = tpu.memref_squeeze %dma_start3A_298 : memref<1x128xi32, #tpu.memory_space<vmem>> -> memref<128xi32, #tpu.memory_space<vmem>>
        %dma_start3A_300 = arith.constant 0 : i32
        %dma_start3A_301 = arith.constant 0 : i32
        %dma_start3A_302 = tpu.memref_slice %arg9[%dma_start3A_300, %dma_start3A_301] : memref<10112x128xf32, #tpu.memory_space<vmem_shared>> -> memref<10112x128xf32, #tpu.memory_space<vmem_shared>>
        tpu.enqueue_indirect_dma source(%arg7 : memref<128x128xf32, #tpu.memory_space<vmem>>) target(%dma_start3A_302 : memref<10112x128xf32, #tpu.memory_space<vmem_shared>>) offsets(%dma_start3A_299 : memref<128xi32, #tpu.memory_space<vmem>>) semaphore(%arg12 : memref<!tpu.dma_semaphore, #tpu.memory_space<semaphore_mem>>) {add = true}
        %dma_wait3A_303 = arith.constant 5 : i32
        %dma_wait3A_304 = arith.constant 0 : i32
        %dma_wait3A_305 = tpu.memref_slice %arg6[%dma_wait3A_303, %dma_wait3A_304] : memref<8x128xi32, #tpu.memory_space<vmem>> -> memref<1x128xi32, #tpu.memory_space<vmem>>
        %dma_wait3A_306 = tpu.memref_squeeze %dma_wait3A_305 : memref<1x128xi32, #tpu.memory_space<vmem>> -> memref<128xi32, #tpu.memory_space<vmem>>
        %dma_wait3A_307 = arith.constant 0 : i32
        %dma_wait3A_308 = arith.constant 0 : i32
        %dma_wait3A_309 = tpu.memref_slice %arg9[%dma_wait3A_307, %dma_wait3A_308] : memref<10112x128xf32, #tpu.memory_space<vmem_shared>> -> memref<10112x128xf32, #tpu.memory_space<vmem_shared>>
        tpu.wait_indirect_dma semaphore(%arg12 : memref<!tpu.dma_semaphore, #tpu.memory_space<semaphore_mem>>) src(%arg7 : memref<128x128xf32, #tpu.memory_space<vmem>>) dst(%dma_wait3A_309 : memref<10112x128xf32, #tpu.memory_space<vmem_shared>>)
        %convert_element_type3A_310 = arith.extui %lt3A_217 : i1 to i32
        %cond3A_311 = arith.constant 0 : i32
        %cond3A_312 = arith.cmpi ne, %convert_element_type3A_310, %cond3A_311 : i32
        scf.if %cond3A_312 {
          %add3A_327 = arith.addi %select_n3A_25, %add3A_214 : i32
          %add3A_328 = arith.constant 1 : i32
          %add3A_329 = arith.addi %add3A_327, %add3A_328 : i32
          %dma_wait3A_330 = arith.constant 0 : i32
          %dma_wait3A_331 = arith.constant 0 : i32
          %dma_wait3A_332 = tpu.memref_slice %arg3[%add3A_329, %dma_wait3A_330, %dma_wait3A_331] : memref<640x8x128xi32, #tpu.memory_space<hbm>> -> memref<1x8x128xi32, #tpu.memory_space<hbm>>
          %dma_wait3A_333 = tpu.memref_squeeze %dma_wait3A_332 : memref<1x8x128xi32, #tpu.memory_space<hbm>> -> memref<8x128xi32, #tpu.memory_space<hbm>>
          %dma_wait3A_334 = arith.constant 0 : i32
          %dma_wait3A_335 = arith.constant 0 : i32
          %dma_wait3A_336 = tpu.memref_slice %arg3[%add3A_329, %dma_wait3A_334, %dma_wait3A_335] : memref<640x8x128xi32, #tpu.memory_space<hbm>> -> memref<1x8x128xi32, #tpu.memory_space<hbm>>
          %dma_wait3A_337 = tpu.memref_squeeze %dma_wait3A_336 : memref<1x8x128xi32, #tpu.memory_space<hbm>> -> memref<8x128xi32, #tpu.memory_space<hbm>>
          tpu.wait_dma2 semaphore(%arg14 : memref<!tpu.dma_semaphore, #tpu.memory_space<semaphore_mem>>) src(%dma_wait3A_337 : memref<8x128xi32, #tpu.memory_space<hbm>>) dst(%arg5 : memref<8x128xi32, #tpu.memory_space<vmem>>)
          %dma_start3A_338 = arith.constant 0 : i32
          %dma_start3A_339 = arith.constant 0 : i32
          %dma_start3A_340 = tpu.memref_slice %arg5[%dma_start3A_338, %dma_start3A_339] : memref<8x128xi32, #tpu.memory_space<vmem>> -> memref<1x128xi32, #tpu.memory_space<vmem>>
          %dma_start3A_341 = tpu.memref_squeeze %dma_start3A_340 : memref<1x128xi32, #tpu.memory_space<vmem>> -> memref<128xi32, #tpu.memory_space<vmem>>
          %dma_start3A_342 = arith.constant 0 : i32
          %dma_start3A_343 = arith.constant 0 : i32
          %dma_start3A_344 = tpu.memref_slice %arg2[%dma_start3A_342, %dma_start3A_343] : memref<10000x128xf32, #tpu.memory_space<hbm>> -> memref<10000x128xf32, #tpu.memory_space<hbm>>
          tpu.enqueue_indirect_dma source(%dma_start3A_344 : memref<10000x128xf32, #tpu.memory_space<hbm>>) target(%arg7 : memref<128x128xf32, #tpu.memory_space<vmem>>) offsets(%dma_start3A_341 : memref<128xi32, #tpu.memory_space<vmem>>) semaphore(%arg10 : memref<!tpu.dma_semaphore, #tpu.memory_space<semaphore_mem>>)
        } else {
        }
        %dma_wait3A_313 = arith.constant 6 : i32
        %dma_wait3A_314 = arith.constant 0 : i32
        %dma_wait3A_315 = tpu.memref_slice %arg6[%dma_wait3A_313, %dma_wait3A_314] : memref<8x128xi32, #tpu.memory_space<vmem>> -> memref<1x128xi32, #tpu.memory_space<vmem>>
        %dma_wait3A_316 = tpu.memref_squeeze %dma_wait3A_315 : memref<1x128xi32, #tpu.memory_space<vmem>> -> memref<128xi32, #tpu.memory_space<vmem>>
        %dma_wait3A_317 = arith.constant 0 : i32
        %dma_wait3A_318 = arith.constant 0 : i32
        %dma_wait3A_319 = tpu.memref_slice %arg2[%dma_wait3A_317, %dma_wait3A_318] : memref<10000x128xf32, #tpu.memory_space<hbm>> -> memref<10000x128xf32, #tpu.memory_space<hbm>>
        tpu.wait_indirect_dma semaphore(%arg11 : memref<!tpu.dma_semaphore, #tpu.memory_space<semaphore_mem>>) src(%dma_wait3A_319 : memref<10000x128xf32, #tpu.memory_space<hbm>>) dst(%arg8 : memref<128x128xf32, #tpu.memory_space<vmem>>)
        %dma_start3A_320 = arith.constant 7 : i32
        %dma_start3A_321 = arith.constant 0 : i32
        %dma_start3A_322 = tpu.memref_slice %arg6[%dma_start3A_320, %dma_start3A_321] : memref<8x128xi32, #tpu.memory_space<vmem>> -> memref<1x128xi32, #tpu.memory_space<vmem>>
        %dma_start3A_323 = tpu.memref_squeeze %dma_start3A_322 : memref<1x128xi32, #tpu.memory_space<vmem>> -> memref<128xi32, #tpu.memory_space<vmem>>
        %dma_start3A_324 = arith.constant 0 : i32
        %dma_start3A_325 = arith.constant 0 : i32
        %dma_start3A_326 = tpu.memref_slice %arg9[%dma_start3A_324, %dma_start3A_325] : memref<10112x128xf32, #tpu.memory_space<vmem_shared>> -> memref<10112x128xf32, #tpu.memory_space<vmem_shared>>
        tpu.enqueue_indirect_dma source(%arg8 : memref<128x128xf32, #tpu.memory_space<vmem>>) target(%dma_start3A_326 : memref<10112x128xf32, #tpu.memory_space<vmem_shared>>) offsets(%dma_start3A_323 : memref<128xi32, #tpu.memory_space<vmem>>) semaphore(%arg13 : memref<!tpu.dma_semaphore, #tpu.memory_space<semaphore_mem>>) {add = true}
      } else {
      }
    }
    %jit3A_61 = arith.constant 2 : i32
    %eq3A_62 = arith.constant 0 : i32
    %eq3A_63 = arith.cmpi eq, %jit3A_61, %eq3A_62 : i32
    %jit3A_64 = arith.constant 1 : i32
    %select_n3A_65 = arith.select %eq3A_63, %jit3A_64, %jit3A_61 : i32
    %rem3A_66 = arith.remsi %select_n3A, %select_n3A_65 : i32
    %ne3A_67 = arith.constant 0 : i32
    %ne3A_68 = arith.cmpi ne, %rem3A_66, %ne3A_67 : i32
    %lt3A = arith.constant 0 : i32
    %lt3A_69 = arith.cmpi slt, %rem3A_66, %lt3A : i32
    %lt3A_70 = arith.constant 0 : i32
    %lt3A_71 = arith.cmpi slt, %select_n3A_65, %lt3A_70 : i32
    %ne3A_72 = arith.xori %lt3A_69, %lt3A_71 : i1
    %and3A_73 = arith.andi %ne3A_72, %ne3A_68 : i1
    %add3A_74 = arith.addi %rem3A_66, %select_n3A_65 : i32
    %select_n3A_75 = arith.select %and3A_73, %add3A_74, %rem3A_66 : i32
    %eq3A_76 = arith.constant 0 : i32
    %eq3A_77 = arith.cmpi eq, %select_n3A_75, %eq3A_76 : i32
    %jit3A_78 = arith.constant 0 : i32
    %jit3A_79 = arith.constant 1 : i32
    %select_n3A_80 = arith.select %eq3A_77, %jit3A_78, %jit3A_79 : i32
    %eq3A_81 = arith.constant 0 : i32
    %eq3A_82 = arith.cmpi eq, %select_n3A_80, %eq3A_81 : i32
    %convert_element_type3A = arith.extui %eq3A_82 : i1 to i32
    %cond3A = arith.constant 0 : i32
    %cond3A_83 = arith.cmpi ne, %convert_element_type3A, %cond3A : i32
    scf.if %cond3A_83 {
      %dma_wait3A = arith.constant 7 : i32
      %dma_wait3A_90 = arith.constant 0 : i32
      %dma_wait3A_91 = tpu.memref_slice %arg6[%dma_wait3A, %dma_wait3A_90] : memref<8x128xi32, #tpu.memory_space<vmem>> -> memref<1x128xi32, #tpu.memory_space<vmem>>
      %dma_wait3A_92 = tpu.memref_squeeze %dma_wait3A_91 : memref<1x128xi32, #tpu.memory_space<vmem>> -> memref<128xi32, #tpu.memory_space<vmem>>
      %dma_wait3A_93 = arith.constant 0 : i32
      %dma_wait3A_94 = arith.constant 0 : i32
      %dma_wait3A_95 = tpu.memref_slice %arg9[%dma_wait3A_93, %dma_wait3A_94] : memref<10112x128xf32, #tpu.memory_space<vmem_shared>> -> memref<10112x128xf32, #tpu.memory_space<vmem_shared>>
      tpu.wait_indirect_dma semaphore(%arg13 : memref<!tpu.dma_semaphore, #tpu.memory_space<semaphore_mem>>) src(%arg8 : memref<128x128xf32, #tpu.memory_space<vmem>>) dst(%dma_wait3A_95 : memref<10112x128xf32, #tpu.memory_space<vmem_shared>>)
    } else {
    }
    %eq3A_84 = arith.constant 1 : i32
    %eq3A_85 = arith.cmpi eq, %select_n3A_80, %eq3A_84 : i32
    %convert_element_type3A_86 = arith.extui %eq3A_85 : i1 to i32
    %cond3A_87 = arith.constant 0 : i32
    %cond3A_88 = arith.cmpi ne, %convert_element_type3A_86, %cond3A_87 : i32
    scf.if %cond3A_88 {
      %dma_wait3A = arith.constant 7 : i32
      %dma_wait3A_90 = arith.constant 0 : i32
      %dma_wait3A_91 = tpu.memref_slice %arg5[%dma_wait3A, %dma_wait3A_90] : memref<8x128xi32, #tpu.memory_space<vmem>> -> memref<1x128xi32, #tpu.memory_space<vmem>>
      %dma_wait3A_92 = tpu.memref_squeeze %dma_wait3A_91 : memref<1x128xi32, #tpu.memory_space<vmem>> -> memref<128xi32, #tpu.memory_space<vmem>>
      %dma_wait3A_93 = arith.constant 0 : i32
      %dma_wait3A_94 = arith.constant 0 : i32
      %dma_wait3A_95 = tpu.memref_slice %arg9[%dma_wait3A_93, %dma_wait3A_94] : memref<10112x128xf32, #tpu.memory_space<vmem_shared>> -> memref<10112x128xf32, #tpu.memory_space<vmem_shared>>
      tpu.wait_indirect_dma semaphore(%arg13 : memref<!tpu.dma_semaphore, #tpu.memory_space<semaphore_mem>>) src(%arg8 : memref<128x128xf32, #tpu.memory_space<vmem>>) dst(%dma_wait3A_95 : memref<10112x128xf32, #tpu.memory_space<vmem_shared>>)
    } else {
    }
    %barrier3A_89 = arith.constant 0 : index
    tpu.barrier barrier_id(%barrier3A_89)
    "tpu.region"() ({
      %run_scoped3A = tpu.sem_alloc : memref<!tpu.dma_semaphore, #tpu.memory_space<semaphore_mem>>
      %dma_start3A_90 = arith.constant 0 : i32
      %dma_start3A_91 = arith.constant 0 : i32
      %dma_start3A_92 = tpu.memref_slice %arg4[%arg0, %dma_start3A_90, %dma_start3A_91] : memref<2x10112x128xf32, #tpu.memory_space<hbm>> -> memref<1x10112x128xf32, #tpu.memory_space<hbm>>
      %dma_start3A_93 = tpu.memref_squeeze %dma_start3A_92 : memref<1x10112x128xf32, #tpu.memory_space<hbm>> -> memref<10112x128xf32, #tpu.memory_space<hbm>>
      %dma_start3A_94 = arith.constant 0 : i32
      %dma_start3A_95 = tpu.memref_slice %dma_start3A_93[%mul3A_0, %dma_start3A_94] : memref<10112x128xf32, #tpu.memory_space<hbm>> -> memref<632x128xf32, #tpu.memory_space<hbm>>
      %dma_start3A_96 = arith.constant 0 : i32
      %dma_start3A_97 = tpu.memref_slice %arg9[%mul3A_0, %dma_start3A_96] : memref<10112x128xf32, #tpu.memory_space<vmem_shared>> -> memref<632x128xf32, #tpu.memory_space<vmem_shared>>
      tpu.enqueue_dma source(%dma_start3A_97 : memref<632x128xf32, #tpu.memory_space<vmem_shared>>) target(%dma_start3A_95 : memref<632x128xf32, #tpu.memory_space<hbm>>) target_semaphore(%run_scoped3A : memref<!tpu.dma_semaphore, #tpu.memory_space<semaphore_mem>>)
      %dma_wait3A = arith.constant 0 : i32
      %dma_wait3A_98 = arith.constant 0 : i32
      %dma_wait3A_99 = tpu.memref_slice %arg4[%arg0, %dma_wait3A, %dma_wait3A_98] : memref<2x10112x128xf32, #tpu.memory_space<hbm>> -> memref<1x10112x128xf32, #tpu.memory_space<hbm>>
      %dma_wait3A_100 = tpu.memref_squeeze %dma_wait3A_99 : memref<1x10112x128xf32, #tpu.memory_space<hbm>> -> memref<10112x128xf32, #tpu.memory_space<hbm>>
      %dma_wait3A_101 = arith.constant 0 : i32
      %dma_wait3A_102 = tpu.memref_slice %dma_wait3A_100[%mul3A_0, %dma_wait3A_101] : memref<10112x128xf32, #tpu.memory_space<hbm>> -> memref<632x128xf32, #tpu.memory_space<hbm>>
      %dma_wait3A_103 = arith.constant 0 : i32
      %dma_wait3A_104 = tpu.memref_slice %arg9[%mul3A_0, %dma_wait3A_103] : memref<10112x128xf32, #tpu.memory_space<vmem_shared>> -> memref<632x128xf32, #tpu.memory_space<vmem_shared>>
      tpu.wait_dma2 semaphore(%run_scoped3A : memref<!tpu.dma_semaphore, #tpu.memory_space<semaphore_mem>>) src(%dma_wait3A_104 : memref<632x128xf32, #tpu.memory_space<vmem_shared>>) dst(%dma_wait3A_102 : memref<632x128xf32, #tpu.memory_space<hbm>>)
      tpu.yield
    }) : () -> ()
    return
  }
}

#map = affine_map<(d0, d1) -> (0)>
#map1 = affine_map<(d0, d1) -> (0, 0, 0)>
module attributes {stable_mosaic.version = 14 : i64} {
  func.func @_sc_count_body(%arg0: i32, %arg1: i32, %arg2: memref<327680xi32, #tpu.memory_space<hbm>>, %arg3: memref<2x10112x128xf32, #tpu.memory_space<hbm>>, %arg4: memref<128xi32, #tpu.memory_space<vmem>>, %arg5: memref<128xi32, #tpu.memory_space<vmem>>, %arg6: memref<128x128xf32, #tpu.memory_space<vmem>>, %arg7: memref<10112x128xf32, #tpu.memory_space<vmem_shared>>, %arg8: memref<!tpu.dma_semaphore, #tpu.memory_space<semaphore_mem>>, %arg9: memref<!tpu.dma_semaphore, #tpu.memory_space<semaphore_mem>>, %arg10: memref<!tpu.dma_semaphore, #tpu.memory_space<semaphore_mem>>, %arg11: memref<!tpu.dma_semaphore, #tpu.memory_space<semaphore_mem>>) attributes {dimension_semantics = [#tpu.dimension_semantics<core_parallel>, #tpu.dimension_semantics<subcore_parallel>], iteration_bounds = array<i64: 2, 16>, scalar_prefetch = 0 : i64, scratch_operands = 8 : i64, tpu.core_type = #tpu.core_type<sc_vector_subcore>, window_params = [{transform_indices = #map}, {transform_indices = #map1}]} {
    %mul3A = arith.constant 16 : i32
    %mul3A_0 = arith.muli %arg0, %mul3A : i32
    %add3A = arith.addi %mul3A_0, %arg1 : i32
    %mul3A_1 = arith.constant 632 : i32
    %mul3A_2 = arith.muli %arg1, %mul3A_1 : i32
    %scan3A = arith.constant 0 : i32
    %scan3A_3 = arith.constant 0 : i32
    %scan3A_4 = arith.constant 1024 : i32
    %scan3A_5 = arith.addi %scan3A_3, %scan3A_4 : i32
    %scan3A_6 = arith.constant 1 : i32
    scf.for %scan3A_36 = %scan3A_3 to %scan3A_5 step %scan3A_6  : i32 {
      %broadcast_in_dim3A = arith.constant 0.000000e+00 : f32
      %broadcast_in_dim3A_37 = vector.broadcast %broadcast_in_dim3A : f32 to vector<16xf32>
      %jit3A = arith.constant 8 : i32
      %div3A = arith.divsi %scan3A_36, %jit3A : i32
      %sign3A = arith.constant 0 : i32
      %sign3A_38 = arith.cmpi sgt, %scan3A_36, %sign3A : i32
      %sign3A_39 = arith.extui %sign3A_38 : i1 to i32
      %sign3A_40 = arith.constant 0 : i32
      %sign3A_41 = arith.cmpi slt, %scan3A_36, %sign3A_40 : i32
      %sign3A_42 = arith.extui %sign3A_41 : i1 to i32
      %sign3A_43 = arith.subi %sign3A_39, %sign3A_42 : i32
      %sign3A_44 = arith.constant 0 : i32
      %sign3A_45 = arith.cmpi sgt, %jit3A, %sign3A_44 : i32
      %sign3A_46 = arith.extui %sign3A_45 : i1 to i32
      %sign3A_47 = arith.constant 0 : i32
      %sign3A_48 = arith.cmpi slt, %jit3A, %sign3A_47 : i32
      %sign3A_49 = arith.extui %sign3A_48 : i1 to i32
      %sign3A_50 = arith.subi %sign3A_46, %sign3A_49 : i32
      %ne3A = arith.cmpi ne, %sign3A_43, %sign3A_50 : i32
      %rem3A = arith.remsi %scan3A_36, %jit3A : i32
      %ne3A_51 = arith.constant 0 : i32
      %ne3A_52 = arith.cmpi ne, %rem3A, %ne3A_51 : i32
      %and3A = arith.andi %ne3A, %ne3A_52 : i1
      %sub3A = arith.constant 1 : i32
      %sub3A_53 = arith.subi %div3A, %sub3A : i32
      %select_n3A = arith.select %and3A, %sub3A_53, %div3A : i32
      %jit3A_54 = arith.constant 8 : i32
      %eq3A = arith.constant 0 : i32
      %eq3A_55 = arith.cmpi eq, %jit3A_54, %eq3A : i32
      %jit3A_56 = arith.constant 1 : i32
      %select_n3A_57 = arith.select %eq3A_55, %jit3A_56, %jit3A_54 : i32
      %rem3A_58 = arith.remsi %scan3A_36, %select_n3A_57 : i32
      %ne3A_59 = arith.constant 0 : i32
      %ne3A_60 = arith.cmpi ne, %rem3A_58, %ne3A_59 : i32
      %lt3A = arith.constant 0 : i32
      %lt3A_61 = arith.cmpi slt, %rem3A_58, %lt3A : i32
      %lt3A_62 = arith.constant 0 : i32
      %lt3A_63 = arith.cmpi slt, %select_n3A_57, %lt3A_62 : i32
      %ne3A_64 = arith.xori %lt3A_61, %lt3A_63 : i1
      %and3A_65 = arith.andi %ne3A_64, %ne3A_60 : i1
      %add3A_66 = arith.addi %rem3A_58, %select_n3A_57 : i32
      %select_n3A_67 = arith.select %and3A_65, %add3A_66, %rem3A_58 : i32
      %mul3A_68 = arith.constant 16 : i32
      %mul3A_69 = arith.muli %select_n3A_67, %mul3A_68 : i32
      %swap3A = arith.index_cast %select_n3A : i32 to index
      %swap3A_70 = arith.index_cast %mul3A_69 : i32 to index
      %swap3A_71 = tpu.vector_load %arg6[%swap3A, %swap3A_70] {strides = array<i32>} : memref<128x128xf32, #tpu.memory_space<vmem>>, vector<1x16xf32>,
      %swap3A_72 = vector.shape_cast %swap3A_71 : vector<1x16xf32> to vector<16xf32>
      %swap3A_73 = vector.shape_cast %broadcast_in_dim3A_37 : vector<16xf32> to vector<1x16xf32>
      tpu.vector_store %arg6[%swap3A, %swap3A_70], %swap3A_73 {strides = array<i32>} : memref<128x128xf32, #tpu.memory_space<vmem>>, vector<1x16xf32>,
    }
    %scan3A_7 = arith.constant 1024 : i32
    %add3A_8 = arith.constant 0 : i32
    %add3A_9 = arith.addi %mul3A_2, %add3A_8 : i32
    "tpu.region"() ({
      %run_scoped3A = tpu.sem_alloc : memref<!tpu.dma_semaphore, #tpu.memory_space<semaphore_mem>>
      %dma_start3A_36 = arith.constant 0 : i32
      %dma_start3A_37 = tpu.memref_slice %arg7[%add3A_9, %dma_start3A_36] : memref<10112x128xf32, #tpu.memory_space<vmem_shared>> -> memref<128x128xf32, #tpu.memory_space<vmem_shared>>
      %dma_start3A_38 = arith.constant 0 : i32
      %dma_start3A_39 = tpu.memref_slice %arg7[%add3A_9, %dma_start3A_38] : memref<10112x128xf32, #tpu.memory_space<vmem_shared>> -> memref<128x128xf32, #tpu.memory_space<vmem_shared>>
      tpu.enqueue_dma source(%arg6 : memref<128x128xf32, #tpu.memory_space<vmem>>) target(%dma_start3A_39 : memref<128x128xf32, #tpu.memory_space<vmem_shared>>) target_semaphore(%run_scoped3A : memref<!tpu.dma_semaphore, #tpu.memory_space<semaphore_mem>>)
      %dma_wait3A_40 = arith.constant 0 : i32
      %dma_wait3A_41 = tpu.memref_slice %arg7[%add3A_9, %dma_wait3A_40] : memref<10112x128xf32, #tpu.memory_space<vmem_shared>> -> memref<128x128xf32, #tpu.memory_space<vmem_shared>>
      %dma_wait3A_42 = arith.constant 0 : i32
      %dma_wait3A_43 = tpu.memref_slice %arg7[%add3A_9, %dma_wait3A_42] : memref<10112x128xf32, #tpu.memory_space<vmem_shared>> -> memref<128x128xf32, #tpu.memory_space<vmem_shared>>
      tpu.wait_dma2 semaphore(%run_scoped3A : memref<!tpu.dma_semaphore, #tpu.memory_space<semaphore_mem>>) src(%arg6 : memref<128x128xf32, #tpu.memory_space<vmem>>) dst(%dma_wait3A_43 : memref<128x128xf32, #tpu.memory_space<vmem_shared>>)
      tpu.yield
    }) : () -> ()
    %add3A_10 = arith.constant 128 : i32
    %add3A_11 = arith.addi %mul3A_2, %add3A_10 : i32
    "tpu.region"() ({
      %run_scoped3A = tpu.sem_alloc : memref<!tpu.dma_semaphore, #tpu.memory_space<semaphore_mem>>
      %dma_start3A_36 = arith.constant 0 : i32
      %dma_start3A_37 = tpu.memref_slice %arg7[%add3A_11, %dma_start3A_36] : memref<10112x128xf32, #tpu.memory_space<vmem_shared>> -> memref<128x128xf32, #tpu.memory_space<vmem_shared>>
      %dma_start3A_38 = arith.constant 0 : i32
      %dma_start3A_39 = tpu.memref_slice %arg7[%add3A_11, %dma_start3A_38] : memref<10112x128xf32, #tpu.memory_space<vmem_shared>> -> memref<128x128xf32, #tpu.memory_space<vmem_shared>>
      tpu.enqueue_dma source(%arg6 : memref<128x128xf32, #tpu.memory_space<vmem>>) target(%dma_start3A_39 : memref<128x128xf32, #tpu.memory_space<vmem_shared>>) target_semaphore(%run_scoped3A : memref<!tpu.dma_semaphore, #tpu.memory_space<semaphore_mem>>)
      %dma_wait3A_40 = arith.constant 0 : i32
      %dma_wait3A_41 = tpu.memref_slice %arg7[%add3A_11, %dma_wait3A_40] : memref<10112x128xf32, #tpu.memory_space<vmem_shared>> -> memref<128x128xf32, #tpu.memory_space<vmem_shared>>
      %dma_wait3A_42 = arith.constant 0 : i32
      %dma_wait3A_43 = tpu.memref_slice %arg7[%add3A_11, %dma_wait3A_42] : memref<10112x128xf32, #tpu.memory_space<vmem_shared>> -> memref<128x128xf32, #tpu.memory_space<vmem_shared>>
      tpu.wait_dma2 semaphore(%run_scoped3A : memref<!tpu.dma_semaphore, #tpu.memory_space<semaphore_mem>>) src(%arg6 : memref<128x128xf32, #tpu.memory_space<vmem>>) dst(%dma_wait3A_43 : memref<128x128xf32, #tpu.memory_space<vmem_shared>>)
      tpu.yield
    }) : () -> ()
    %add3A_12 = arith.constant 256 : i32
    %add3A_13 = arith.addi %mul3A_2, %add3A_12 : i32
    "tpu.region"() ({
      %run_scoped3A = tpu.sem_alloc : memref<!tpu.dma_semaphore, #tpu.memory_space<semaphore_mem>>
      %dma_start3A_36 = arith.constant 0 : i32
      %dma_start3A_37 = tpu.memref_slice %arg7[%add3A_13, %dma_start3A_36] : memref<10112x128xf32, #tpu.memory_space<vmem_shared>> -> memref<128x128xf32, #tpu.memory_space<vmem_shared>>
      %dma_start3A_38 = arith.constant 0 : i32
      %dma_start3A_39 = tpu.memref_slice %arg7[%add3A_13, %dma_start3A_38] : memref<10112x128xf32, #tpu.memory_space<vmem_shared>> -> memref<128x128xf32, #tpu.memory_space<vmem_shared>>
      tpu.enqueue_dma source(%arg6 : memref<128x128xf32, #tpu.memory_space<vmem>>) target(%dma_start3A_39 : memref<128x128xf32, #tpu.memory_space<vmem_shared>>) target_semaphore(%run_scoped3A : memref<!tpu.dma_semaphore, #tpu.memory_space<semaphore_mem>>)
      %dma_wait3A_40 = arith.constant 0 : i32
      %dma_wait3A_41 = tpu.memref_slice %arg7[%add3A_13, %dma_wait3A_40] : memref<10112x128xf32, #tpu.memory_space<vmem_shared>> -> memref<128x128xf32, #tpu.memory_space<vmem_shared>>
      %dma_wait3A_42 = arith.constant 0 : i32
      %dma_wait3A_43 = tpu.memref_slice %arg7[%add3A_13, %dma_wait3A_42] : memref<10112x128xf32, #tpu.memory_space<vmem_shared>> -> memref<128x128xf32, #tpu.memory_space<vmem_shared>>
      tpu.wait_dma2 semaphore(%run_scoped3A : memref<!tpu.dma_semaphore, #tpu.memory_space<semaphore_mem>>) src(%arg6 : memref<128x128xf32, #tpu.memory_space<vmem>>) dst(%dma_wait3A_43 : memref<128x128xf32, #tpu.memory_space<vmem_shared>>)
      tpu.yield
    }) : () -> ()
    %add3A_14 = arith.constant 384 : i32
    %add3A_15 = arith.addi %mul3A_2, %add3A_14 : i32
    "tpu.region"() ({
      %run_scoped3A = tpu.sem_alloc : memref<!tpu.dma_semaphore, #tpu.memory_space<semaphore_mem>>
      %dma_start3A_36 = arith.constant 0 : i32
      %dma_start3A_37 = tpu.memref_slice %arg7[%add3A_15, %dma_start3A_36] : memref<10112x128xf32, #tpu.memory_space<vmem_shared>> -> memref<128x128xf32, #tpu.memory_space<vmem_shared>>
      %dma_start3A_38 = arith.constant 0 : i32
      %dma_start3A_39 = tpu.memref_slice %arg7[%add3A_15, %dma_start3A_38] : memref<10112x128xf32, #tpu.memory_space<vmem_shared>> -> memref<128x128xf32, #tpu.memory_space<vmem_shared>>
      tpu.enqueue_dma source(%arg6 : memref<128x128xf32, #tpu.memory_space<vmem>>) target(%dma_start3A_39 : memref<128x128xf32, #tpu.memory_space<vmem_shared>>) target_semaphore(%run_scoped3A : memref<!tpu.dma_semaphore, #tpu.memory_space<semaphore_mem>>)
      %dma_wait3A_40 = arith.constant 0 : i32
      %dma_wait3A_41 = tpu.memref_slice %arg7[%add3A_15, %dma_wait3A_40] : memref<10112x128xf32, #tpu.memory_space<vmem_shared>> -> memref<128x128xf32, #tpu.memory_space<vmem_shared>>
      %dma_wait3A_42 = arith.constant 0 : i32
      %dma_wait3A_43 = tpu.memref_slice %arg7[%add3A_15, %dma_wait3A_42] : memref<10112x128xf32, #tpu.memory_space<vmem_shared>> -> memref<128x128xf32, #tpu.memory_space<vmem_shared>>
      tpu.wait_dma2 semaphore(%run_scoped3A : memref<!tpu.dma_semaphore, #tpu.memory_space<semaphore_mem>>) src(%arg6 : memref<128x128xf32, #tpu.memory_space<vmem>>) dst(%dma_wait3A_43 : memref<128x128xf32, #tpu.memory_space<vmem_shared>>)
      tpu.yield
    }) : () -> ()
    %add3A_16 = arith.constant 512 : i32
    %add3A_17 = arith.addi %mul3A_2, %add3A_16 : i32
    "tpu.region"() ({
      %run_scoped3A = tpu.sem_alloc : memref<!tpu.dma_semaphore, #tpu.memory_space<semaphore_mem>>
      %dma_start3A_36 = arith.constant 0 : i32
      %dma_start3A_37 = arith.constant 0 : i32
      %dma_start3A_38 = tpu.memref_slice %arg6[%dma_start3A_36, %dma_start3A_37] : memref<128x128xf32, #tpu.memory_space<vmem>> -> memref<120x128xf32, #tpu.memory_space<vmem>>
      %dma_start3A_39 = arith.constant 0 : i32
      %dma_start3A_40 = tpu.memref_slice %arg7[%add3A_17, %dma_start3A_39] : memref<10112x128xf32, #tpu.memory_space<vmem_shared>> -> memref<120x128xf32, #tpu.memory_space<vmem_shared>>
      %dma_start3A_41 = arith.constant 0 : i32
      %dma_start3A_42 = tpu.memref_slice %arg7[%add3A_17, %dma_start3A_41] : memref<10112x128xf32, #tpu.memory_space<vmem_shared>> -> memref<120x128xf32, #tpu.memory_space<vmem_shared>>
      %dma_start3A_43 = arith.constant 0 : i32
      %dma_start3A_44 = arith.constant 0 : i32
      %dma_start3A_45 = tpu.memref_slice %arg6[%dma_start3A_43, %dma_start3A_44] : memref<128x128xf32, #tpu.memory_space<vmem>> -> memref<120x128xf32, #tpu.memory_space<vmem>>
      tpu.enqueue_dma source(%dma_start3A_45 : memref<120x128xf32, #tpu.memory_space<vmem>>) target(%dma_start3A_42 : memref<120x128xf32, #tpu.memory_space<vmem_shared>>) target_semaphore(%run_scoped3A : memref<!tpu.dma_semaphore, #tpu.memory_space<semaphore_mem>>)
      %dma_wait3A_46 = arith.constant 0 : i32
      %dma_wait3A_47 = arith.constant 0 : i32
      %dma_wait3A_48 = tpu.memref_slice %arg6[%dma_wait3A_46, %dma_wait3A_47] : memref<128x128xf32, #tpu.memory_space<vmem>> -> memref<120x128xf32, #tpu.memory_space<vmem>>
      %dma_wait3A_49 = arith.constant 0 : i32
      %dma_wait3A_50 = tpu.memref_slice %arg7[%add3A_17, %dma_wait3A_49] : memref<10112x128xf32, #tpu.memory_space<vmem_shared>> -> memref<120x128xf32, #tpu.memory_space<vmem_shared>>
      %dma_wait3A_51 = arith.constant 0 : i32
      %dma_wait3A_52 = tpu.memref_slice %arg7[%add3A_17, %dma_wait3A_51] : memref<10112x128xf32, #tpu.memory_space<vmem_shared>> -> memref<120x128xf32, #tpu.memory_space<vmem_shared>>
      %dma_wait3A_53 = arith.constant 0 : i32
      %dma_wait3A_54 = arith.constant 0 : i32
      %dma_wait3A_55 = tpu.memref_slice %arg6[%dma_wait3A_53, %dma_wait3A_54] : memref<128x128xf32, #tpu.memory_space<vmem>> -> memref<120x128xf32, #tpu.memory_space<vmem>>
      tpu.wait_dma2 semaphore(%run_scoped3A : memref<!tpu.dma_semaphore, #tpu.memory_space<semaphore_mem>>) src(%dma_wait3A_55 : memref<120x128xf32, #tpu.memory_space<vmem>>) dst(%dma_wait3A_52 : memref<120x128xf32, #tpu.memory_space<vmem_shared>>)
      tpu.yield
    }) : () -> ()
    %scan3A_18 = arith.constant 0 : i32
    %scan3A_19 = arith.constant 0 : i32
    %scan3A_20 = arith.constant 1024 : i32
    %scan3A_21 = arith.addi %scan3A_19, %scan3A_20 : i32
    %scan3A_22 = arith.constant 1 : i32
    scf.for %scan3A_36 = %scan3A_19 to %scan3A_21 step %scan3A_22  : i32 {
      %broadcast_in_dim3A = arith.constant 1.000000e+00 : f32
      %broadcast_in_dim3A_37 = vector.broadcast %broadcast_in_dim3A : f32 to vector<16xf32>
      %jit3A = arith.constant 8 : i32
      %div3A = arith.divsi %scan3A_36, %jit3A : i32
      %sign3A = arith.constant 0 : i32
      %sign3A_38 = arith.cmpi sgt, %scan3A_36, %sign3A : i32
      %sign3A_39 = arith.extui %sign3A_38 : i1 to i32
      %sign3A_40 = arith.constant 0 : i32
      %sign3A_41 = arith.cmpi slt, %scan3A_36, %sign3A_40 : i32
      %sign3A_42 = arith.extui %sign3A_41 : i1 to i32
      %sign3A_43 = arith.subi %sign3A_39, %sign3A_42 : i32
      %sign3A_44 = arith.constant 0 : i32
      %sign3A_45 = arith.cmpi sgt, %jit3A, %sign3A_44 : i32
      %sign3A_46 = arith.extui %sign3A_45 : i1 to i32
      %sign3A_47 = arith.constant 0 : i32
      %sign3A_48 = arith.cmpi slt, %jit3A, %sign3A_47 : i32
      %sign3A_49 = arith.extui %sign3A_48 : i1 to i32
      %sign3A_50 = arith.subi %sign3A_46, %sign3A_49 : i32
      %ne3A = arith.cmpi ne, %sign3A_43, %sign3A_50 : i32
      %rem3A = arith.remsi %scan3A_36, %jit3A : i32
      %ne3A_51 = arith.constant 0 : i32
      %ne3A_52 = arith.cmpi ne, %rem3A, %ne3A_51 : i32
      %and3A = arith.andi %ne3A, %ne3A_52 : i1
      %sub3A = arith.constant 1 : i32
      %sub3A_53 = arith.subi %div3A, %sub3A : i32
      %select_n3A = arith.select %and3A, %sub3A_53, %div3A : i32
      %jit3A_54 = arith.constant 8 : i32
      %eq3A = arith.constant 0 : i32
      %eq3A_55 = arith.cmpi eq, %jit3A_54, %eq3A : i32
      %jit3A_56 = arith.constant 1 : i32
      %select_n3A_57 = arith.select %eq3A_55, %jit3A_56, %jit3A_54 : i32
      %rem3A_58 = arith.remsi %scan3A_36, %select_n3A_57 : i32
      %ne3A_59 = arith.constant 0 : i32
      %ne3A_60 = arith.cmpi ne, %rem3A_58, %ne3A_59 : i32
      %lt3A = arith.constant 0 : i32
      %lt3A_61 = arith.cmpi slt, %rem3A_58, %lt3A : i32
      %lt3A_62 = arith.constant 0 : i32
      %lt3A_63 = arith.cmpi slt, %select_n3A_57, %lt3A_62 : i32
      %ne3A_64 = arith.xori %lt3A_61, %lt3A_63 : i1
      %and3A_65 = arith.andi %ne3A_64, %ne3A_60 : i1
      %add3A_66 = arith.addi %rem3A_58, %select_n3A_57 : i32
      %select_n3A_67 = arith.select %and3A_65, %add3A_66, %rem3A_58 : i32
      %mul3A_68 = arith.constant 16 : i32
      %mul3A_69 = arith.muli %select_n3A_67, %mul3A_68 : i32
      %swap3A = arith.index_cast %select_n3A : i32 to index
      %swap3A_70 = arith.index_cast %mul3A_69 : i32 to index
      %swap3A_71 = tpu.vector_load %arg6[%swap3A, %swap3A_70] {strides = array<i32>} : memref<128x128xf32, #tpu.memory_space<vmem>>, vector<1x16xf32>,
      %swap3A_72 = vector.shape_cast %swap3A_71 : vector<1x16xf32> to vector<16xf32>
      %swap3A_73 = vector.shape_cast %broadcast_in_dim3A_37 : vector<16xf32> to vector<1x16xf32>
      tpu.vector_store %arg6[%swap3A, %swap3A_70], %swap3A_73 {strides = array<i32>} : memref<128x128xf32, #tpu.memory_space<vmem>>, vector<1x16xf32>,
    }
    %scan3A_23 = arith.constant 1024 : i32
    %barrier3A = arith.constant 0 : index
    tpu.barrier barrier_id(%barrier3A)
    %mul3A_24 = arith.constant 10240 : i32
    %mul3A_25 = arith.muli %add3A, %mul3A_24 : i32
    %dma_start3A = tpu.memref_slice %arg2[%mul3A_25] : memref<327680xi32, #tpu.memory_space<hbm>> -> memref<128xi32, #tpu.memory_space<hbm>>
    %dma_start3A_26 = tpu.memref_slice %arg2[%mul3A_25] : memref<327680xi32, #tpu.memory_space<hbm>> -> memref<128xi32, #tpu.memory_space<hbm>>
    tpu.enqueue_dma source(%dma_start3A_26 : memref<128xi32, #tpu.memory_space<hbm>>) target(%arg4 : memref<128xi32, #tpu.memory_space<vmem>>) target_semaphore(%arg10 : memref<!tpu.dma_semaphore, #tpu.memory_space<semaphore_mem>>)
    %scan3A_27 = arith.constant 0 : i32
    %scan3A_28 = arith.constant 0 : i32
    %scan3A_29 = arith.constant 40 : i32
    %scan3A_30 = arith.addi %scan3A_28, %scan3A_29 : i32
    %scan3A_31 = arith.constant 1 : i32
    scf.for %scan3A_36 = %scan3A_28 to %scan3A_30 step %scan3A_31  : i32 {
      %gt3A = arith.constant 0 : i32
      %gt3A_37 = arith.cmpi sgt, %scan3A_36, %gt3A : i32
      %convert_element_type3A = arith.extui %gt3A_37 : i1 to i32
      %cond3A = arith.constant 0 : i32
      %cond3A_38 = arith.cmpi ne, %convert_element_type3A, %cond3A : i32
      scf.if %cond3A_38 {
        %dma_wait3A_65 = arith.constant 0 : i32
        %dma_wait3A_66 = arith.constant 0 : i32
        %dma_wait3A_67 = tpu.memref_slice %arg7[%dma_wait3A_65, %dma_wait3A_66] : memref<10112x128xf32, #tpu.memory_space<vmem_shared>> -> memref<10112x128xf32, #tpu.memory_space<vmem_shared>>
        tpu.wait_indirect_dma semaphore(%arg9 : memref<!tpu.dma_semaphore, #tpu.memory_space<semaphore_mem>>) src(%arg6 : memref<128x128xf32, #tpu.memory_space<vmem>>) dst(%dma_wait3A_67 : memref<10112x128xf32, #tpu.memory_space<vmem_shared>>)
      } else {
      }
      %mul3A_39 = arith.constant 2 : i32
      %mul3A_40 = arith.muli %mul3A_39, %scan3A_36 : i32
      %add3A_41 = arith.constant 1 : i32
      %add3A_42 = arith.addi %mul3A_40, %add3A_41 : i32
      %mul3A_43 = arith.constant 128 : i32
      %mul3A_44 = arith.muli %add3A_42, %mul3A_43 : i32
      %add3A_45 = arith.addi %mul3A_25, %mul3A_44 : i32
      %dma_start3A_46 = tpu.memref_slice %arg2[%add3A_45] : memref<327680xi32, #tpu.memory_space<hbm>> -> memref<128xi32, #tpu.memory_space<hbm>>
      %dma_start3A_47 = tpu.memref_slice %arg2[%add3A_45] : memref<327680xi32, #tpu.memory_space<hbm>> -> memref<128xi32, #tpu.memory_space<hbm>>
      tpu.enqueue_dma source(%dma_start3A_47 : memref<128xi32, #tpu.memory_space<hbm>>) target(%arg5 : memref<128xi32, #tpu.memory_space<vmem>>) target_semaphore(%arg11 : memref<!tpu.dma_semaphore, #tpu.memory_space<semaphore_mem>>)
      %dma_wait3A_48 = tpu.memref_slice %arg2[%mul3A_25] : memref<327680xi32, #tpu.memory_space<hbm>> -> memref<128xi32, #tpu.memory_space<hbm>>
      %dma_wait3A_49 = tpu.memref_slice %arg2[%mul3A_25] : memref<327680xi32, #tpu.memory_space<hbm>> -> memref<128xi32, #tpu.memory_space<hbm>>
      tpu.wait_dma2 semaphore(%arg10 : memref<!tpu.dma_semaphore, #tpu.memory_space<semaphore_mem>>) src(%dma_wait3A_49 : memref<128xi32, #tpu.memory_space<hbm>>) dst(%arg4 : memref<128xi32, #tpu.memory_space<vmem>>)
      %dma_start3A_50 = arith.constant 0 : i32
      %dma_start3A_51 = arith.constant 0 : i32
      %dma_start3A_52 = tpu.memref_slice %arg7[%dma_start3A_50, %dma_start3A_51] : memref<10112x128xf32, #tpu.memory_space<vmem_shared>> -> memref<10112x128xf32, #tpu.memory_space<vmem_shared>>
      tpu.enqueue_indirect_dma source(%arg6 : memref<128x128xf32, #tpu.memory_space<vmem>>) target(%dma_start3A_52 : memref<10112x128xf32, #tpu.memory_space<vmem_shared>>) offsets(%arg4 : memref<128xi32, #tpu.memory_space<vmem>>) semaphore(%arg8 : memref<!tpu.dma_semaphore, #tpu.memory_space<semaphore_mem>>) {add = true}
      %dma_wait3A_53 = tpu.memref_slice %arg2[%mul3A_25] : memref<327680xi32, #tpu.memory_space<hbm>> -> memref<128xi32, #tpu.memory_space<hbm>>
      %dma_wait3A_54 = tpu.memref_slice %arg2[%mul3A_25] : memref<327680xi32, #tpu.memory_space<hbm>> -> memref<128xi32, #tpu.memory_space<hbm>>
      tpu.wait_dma2 semaphore(%arg11 : memref<!tpu.dma_semaphore, #tpu.memory_space<semaphore_mem>>) src(%dma_wait3A_54 : memref<128xi32, #tpu.memory_space<hbm>>) dst(%arg5 : memref<128xi32, #tpu.memory_space<vmem>>)
      %dma_start3A_55 = arith.constant 0 : i32
      %dma_start3A_56 = arith.constant 0 : i32
      %dma_start3A_57 = tpu.memref_slice %arg7[%dma_start3A_55, %dma_start3A_56] : memref<10112x128xf32, #tpu.memory_space<vmem_shared>> -> memref<10112x128xf32, #tpu.memory_space<vmem_shared>>
      tpu.enqueue_indirect_dma source(%arg6 : memref<128x128xf32, #tpu.memory_space<vmem>>) target(%dma_start3A_57 : memref<10112x128xf32, #tpu.memory_space<vmem_shared>>) offsets(%arg5 : memref<128xi32, #tpu.memory_space<vmem>>) semaphore(%arg9 : memref<!tpu.dma_semaphore, #tpu.memory_space<semaphore_mem>>) {add = true}
      %dma_wait3A_58 = arith.constant 0 : i32
      %dma_wait3A_59 = arith.constant 0 : i32
      %dma_wait3A_60 = tpu.memref_slice %arg7[%dma_wait3A_58, %dma_wait3A_59] : memref<10112x128xf32, #tpu.memory_space<vmem_shared>> -> memref<10112x128xf32, #tpu.memory_space<vmem_shared>>
      tpu.wait_indirect_dma semaphore(%arg8 : memref<!tpu.dma_semaphore, #tpu.memory_space<semaphore_mem>>) src(%arg6 : memref<128x128xf32, #tpu.memory_space<vmem>>) dst(%dma_wait3A_60 : memref<10112x128xf32, #tpu.memory_space<vmem_shared>>)
      %lt3A = arith.constant 39 : i32
      %lt3A_61 = arith.cmpi slt, %scan3A_36, %lt3A : i32
      %convert_element_type3A_62 = arith.extui %lt3A_61 : i1 to i32
      %cond3A_63 = arith.constant 0 : i32
      %cond3A_64 = arith.cmpi ne, %convert_element_type3A_62, %cond3A_63 : i32
      scf.if %cond3A_64 {
        %mul3A_65 = arith.constant 2 : i32
        %mul3A_66 = arith.muli %mul3A_65, %scan3A_36 : i32
        %add3A_67 = arith.constant 2 : i32
        %add3A_68 = arith.addi %mul3A_66, %add3A_67 : i32
        %mul3A_69 = arith.constant 128 : i32
        %mul3A_70 = arith.muli %add3A_68, %mul3A_69 : i32
        %add3A_71 = arith.addi %mul3A_25, %mul3A_70 : i32
        %dma_start3A_72 = tpu.memref_slice %arg2[%add3A_71] : memref<327680xi32, #tpu.memory_space<hbm>> -> memref<128xi32, #tpu.memory_space<hbm>>
        %dma_start3A_73 = tpu.memref_slice %arg2[%add3A_71] : memref<327680xi32, #tpu.memory_space<hbm>> -> memref<128xi32, #tpu.memory_space<hbm>>
        tpu.enqueue_dma source(%dma_start3A_73 : memref<128xi32, #tpu.memory_space<hbm>>) target(%arg4 : memref<128xi32, #tpu.memory_space<vmem>>) target_semaphore(%arg10 : memref<!tpu.dma_semaphore, #tpu.memory_space<semaphore_mem>>)
      } else {
      }
    }
    %scan3A_32 = arith.constant 40 : i32
    %dma_wait3A = arith.constant 0 : i32
    %dma_wait3A_33 = arith.constant 0 : i32
    %dma_wait3A_34 = tpu.memref_slice %arg7[%dma_wait3A, %dma_wait3A_33] : memref<10112x128xf32, #tpu.memory_space<vmem_shared>> -> memref<10112x128xf32, #tpu.memory_space<vmem_shared>>
    tpu.wait_indirect_dma semaphore(%arg9 : memref<!tpu.dma_semaphore, #tpu.memory_space<semaphore_mem>>) src(%arg6 : memref<128x128xf32, #tpu.memory_space<vmem>>) dst(%dma_wait3A_34 : memref<10112x128xf32, #tpu.memory_space<vmem_shared>>)
    %barrier3A_35 = arith.constant 0 : index
    tpu.barrier barrier_id(%barrier3A_35)
    "tpu.region"() ({
      %run_scoped3A = tpu.sem_alloc : memref<!tpu.dma_semaphore, #tpu.memory_space<semaphore_mem>>
      %dma_start3A_36 = arith.constant 0 : i32
      %dma_start3A_37 = arith.constant 0 : i32
      %dma_start3A_38 = tpu.memref_slice %arg3[%arg0, %dma_start3A_36, %dma_start3A_37] : memref<2x10112x128xf32, #tpu.memory_space<hbm>> -> memref<1x10112x128xf32, #tpu.memory_space<hbm>>
      %dma_start3A_39 = tpu.memref_squeeze %dma_start3A_38 : memref<1x10112x128xf32, #tpu.memory_space<hbm>> -> memref<10112x128xf32, #tpu.memory_space<hbm>>
      %dma_start3A_40 = arith.constant 0 : i32
      %dma_start3A_41 = tpu.memref_slice %dma_start3A_39[%mul3A_2, %dma_start3A_40] : memref<10112x128xf32, #tpu.memory_space<hbm>> -> memref<632x128xf32, #tpu.memory_space<hbm>>
      %dma_start3A_42 = arith.constant 0 : i32
      %dma_start3A_43 = tpu.memref_slice %arg7[%mul3A_2, %dma_start3A_42] : memref<10112x128xf32, #tpu.memory_space<vmem_shared>> -> memref<632x128xf32, #tpu.memory_space<vmem_shared>>
      tpu.enqueue_dma source(%dma_start3A_43 : memref<632x128xf32, #tpu.memory_space<vmem_shared>>) target(%dma_start3A_41 : memref<632x128xf32, #tpu.memory_space<hbm>>) target_semaphore(%run_scoped3A : memref<!tpu.dma_semaphore, #tpu.memory_space<semaphore_mem>>)
      %dma_wait3A_44 = arith.constant 0 : i32
      %dma_wait3A_45 = arith.constant 0 : i32
      %dma_wait3A_46 = tpu.memref_slice %arg3[%arg0, %dma_wait3A_44, %dma_wait3A_45] : memref<2x10112x128xf32, #tpu.memory_space<hbm>> -> memref<1x10112x128xf32, #tpu.memory_space<hbm>>
      %dma_wait3A_47 = tpu.memref_squeeze %dma_wait3A_46 : memref<1x10112x128xf32, #tpu.memory_space<hbm>> -> memref<10112x128xf32, #tpu.memory_space<hbm>>
      %dma_wait3A_48 = arith.constant 0 : i32
      %dma_wait3A_49 = tpu.memref_slice %dma_wait3A_47[%mul3A_2, %dma_wait3A_48] : memref<10112x128xf32, #tpu.memory_space<hbm>> -> memref<632x128xf32, #tpu.memory_space<hbm>>
      %dma_wait3A_50 = arith.constant 0 : i32
      %dma_wait3A_51 = tpu.memref_slice %arg7[%mul3A_2, %dma_wait3A_50] : memref<10112x128xf32, #tpu.memory_space<vmem_shared>> -> memref<632x128xf32, #tpu.memory_space<vmem_shared>>
      tpu.wait_dma2 semaphore(%run_scoped3A : memref<!tpu.dma_semaphore, #tpu.memory_space<semaphore_mem>>) src(%dma_wait3A_51 : memref<632x128xf32, #tpu.memory_space<vmem_shared>>) dst(%dma_wait3A_49 : memref<632x128xf32, #tpu.memory_space<hbm>>)
      tpu.yield
    }) : () -> ()
    return
  }
}

module attributes {stable_mosaic.version = 14 : i64} {
  func.func @tc_body(%arg0: i32, %arg1: memref<2x1000x128xf32, #tpu.memory_space<vmem>>, %arg2: memref<2x1000x128xf32, #tpu.memory_space<vmem>>, %arg3: memref<1000x128xf32, #tpu.memory_space<vmem>>, %arg4: memref<128x128xf32, #tpu.memory_space<vmem>>, %arg5: memref<128x128xf32, #tpu.memory_space<vmem>>, %arg6: memref<1x128xf32, #tpu.memory_space<vmem>>, %arg7: memref<1000x128xf32, #tpu.memory_space<vmem>>) attributes {dimension_semantics = [#tpu.dimension_semantics<arbitrary>], iteration_bounds = array<i64: 10>, scalar_prefetch = 0 : i64, scratch_operands = 0 : i64, tpu.core_type = #tpu.core_type<tc>, window_params = [{transform_indices = @transform_0, window_bounds = array<i64: 2, 1000, 128>}, {transform_indices = @transform_1, window_bounds = array<i64: 2, 1000, 128>}, {transform_indices = @transform_2, window_bounds = array<i64: 1000, 128>}, {pipeline_mode = #tpu.pipeline_mode<synchronous>, transform_indices = @transform_3, window_bounds = array<i64: 128, 128>}, {pipeline_mode = #tpu.pipeline_mode<synchronous>, transform_indices = @transform_4, window_bounds = array<i64: 128, 128>}, {pipeline_mode = #tpu.pipeline_mode<synchronous>, transform_indices = @transform_5, window_bounds = array<i64: 1, 128>}, {transform_indices = @transform_6, window_bounds = array<i64: 1000, 128>}]} {
    %get3A = arith.constant 0 : index
    %get3A_0 = arith.constant 0 : index
    %get3A_1 = arith.constant 0 : index
    %get3A_2 = vector.load %arg1[%get3A, %get3A_0, %get3A_1] : memref<2x1000x128xf32, #tpu.memory_space<vmem>>, vector<1x1000x128xf32>
    %get3A_3 = vector.shape_cast %get3A_2 : vector<1x1000x128xf32> to vector<1000x128xf32>
    %get3A_4 = arith.constant 1 : index
    %get3A_5 = arith.constant 0 : index
    %get3A_6 = arith.constant 0 : index
    %get3A_7 = vector.load %arg1[%get3A_4, %get3A_5, %get3A_6] : memref<2x1000x128xf32, #tpu.memory_space<vmem>>, vector<1x1000x128xf32>
    %get3A_8 = vector.shape_cast %get3A_7 : vector<1x1000x128xf32> to vector<1000x128xf32>
    %add3A = arith.addf %get3A_3, %get3A_8 : vector<1000x128xf32>
    %get3A_9 = arith.constant 0 : index
    %get3A_10 = arith.constant 0 : index
    %get3A_11 = arith.constant 0 : index
    %get3A_12 = vector.load %arg2[%get3A_9, %get3A_10, %get3A_11] : memref<2x1000x128xf32, #tpu.memory_space<vmem>>, vector<1x1000x1xf32>
    %get3A_13 = vector.shape_cast %get3A_12 : vector<1x1000x1xf32> to vector<1000x1xf32>
    %get3A_14 = arith.constant 1 : index
    %get3A_15 = arith.constant 0 : index
    %get3A_16 = arith.constant 0 : index
    %get3A_17 = vector.load %arg2[%get3A_14, %get3A_15, %get3A_16] : memref<2x1000x128xf32, #tpu.memory_space<vmem>>, vector<1x1000x1xf32>
    %get3A_18 = vector.shape_cast %get3A_17 : vector<1x1000x1xf32> to vector<1000x1xf32>
    %add3A_19 = arith.addf %get3A_13, %get3A_18 : vector<1000x1xf32>
    %max3A = arith.constant 1.000000e+00 : f32
    %max3A_20 = vector.broadcast %max3A : f32 to vector<1000x1xf32>
    %max3A_21 = arith.maximumf %add3A_19, %max3A_20 : vector<1000x1xf32>
    %div3A = arith.constant 1.000000e+00 : f32
    %div3A_22 = vector.broadcast %div3A : f32 to vector<1000x1xf32>
    %div3A_23 = arith.divf %div3A_22, %max3A_21 : vector<1000x1xf32>
    %mul3A = vector.broadcast %div3A_23 : vector<1000x1xf32> to vector<1000x128xf32>
    %mul3A_24 = arith.mulf %add3A, %mul3A : vector<1000x128xf32>
    %get3A_25 = arith.constant 0 : index
    %get3A_26 = arith.constant 0 : index
    %get3A_27 = vector.load %arg4[%get3A_25, %get3A_26] : memref<128x128xf32, #tpu.memory_space<vmem>>, vector<128x128xf32>
    %dot_general3A = arith.constant dense<0.000000e+00> : vector<1000x128xf32>
    %dot_general3A_28 = tpu.matmul %mul3A_24, %get3A_27, %dot_general3A {dimension_numbers = #tpu.dot_dimension_numbers<[1], [0], [0], [1], [0, 0, 1, 1], [], []>, transpose_lhs_hint = false} : vector<1000x128xf32>, vector<128x128xf32>, vector<1000x128xf32> -> vector<1000x128xf32>
    %get3A_29 = arith.constant 0 : index
    %get3A_30 = arith.constant 0 : index
    %get3A_31 = vector.load %arg3[%get3A_29, %get3A_30] : memref<1000x128xf32, #tpu.memory_space<vmem>>, vector<1000x128xf32>
    %get3A_32 = arith.constant 0 : index
    %get3A_33 = arith.constant 0 : index
    %get3A_34 = vector.load %arg5[%get3A_32, %get3A_33] : memref<128x128xf32, #tpu.memory_space<vmem>>, vector<128x128xf32>
    %dot_general3A_35 = arith.constant dense<0.000000e+00> : vector<1000x128xf32>
    %dot_general3A_36 = tpu.matmul %get3A_31, %get3A_34, %dot_general3A_35 {dimension_numbers = #tpu.dot_dimension_numbers<[1], [0], [0], [1], [0, 0, 1, 1], [], []>, transpose_lhs_hint = false} : vector<1000x128xf32>, vector<128x128xf32>, vector<1000x128xf32> -> vector<1000x128xf32>
    %add3A_37 = arith.addf %dot_general3A_28, %dot_general3A_36 : vector<1000x128xf32>
    %get3A_38 = arith.constant 0 : index
    %get3A_39 = arith.constant 0 : index
    %get3A_40 = vector.load %arg6[%get3A_38, %get3A_39] : memref<1x128xf32, #tpu.memory_space<vmem>>, vector<1x128xf32>
    %add3A_41 = vector.broadcast %get3A_40 : vector<1x128xf32> to vector<1000x128xf32>
    %add3A_42 = arith.addf %add3A_37, %add3A_41 : vector<1000x128xf32>
    %max3A_43 = arith.constant 0.000000e+00 : f32
    %max3A_44 = vector.broadcast %max3A_43 : f32 to vector<1000x128xf32>
    %max3A_45 = arith.maximumf %add3A_42, %max3A_44 : vector<1000x128xf32>
    %swap3A = arith.constant 0 : index
    %swap3A_46 = arith.constant 0 : index
    %swap3A_47 = vector.load %arg7[%swap3A, %swap3A_46] : memref<1000x128xf32, #tpu.memory_space<vmem>>, vector<1000x128xf32>
    tpu.vector_store %arg7[%swap3A, %swap3A_46], %max3A_45 {strides = array<i32>} : memref<1000x128xf32, #tpu.memory_space<vmem>>, vector<1000x128xf32>,
    return
  }
  func.func @transform_0(%arg0: i32) -> (i32, i32, i32) {
    %c0_i32 = arith.constant 0 : i32
    %c0_i32_0 = arith.constant 0 : i32
    %c0_i32_1 = arith.constant 0 : i32
    return %c0_i32, %arg0, %c0_i32_0 : i32, i32, i32
  }
  func.func @transform_1(%arg0: i32) -> (i32, i32, i32) {
    %c0_i32 = arith.constant 0 : i32
    %c0_i32_0 = arith.constant 0 : i32
    %c0_i32_1 = arith.constant 0 : i32
    return %c0_i32, %arg0, %c0_i32_0 : i32, i32, i32
  }
  func.func @transform_2(%arg0: i32) -> (i32, i32) {
    %c0_i32 = arith.constant 0 : i32
    %c0_i32_0 = arith.constant 0 : i32
    return %arg0, %c0_i32 : i32, i32
  }
  func.func @transform_3(%arg0: i32) -> (i32, i32) {
    %c0_i32 = arith.constant 0 : i32
    %c0_i32_0 = arith.constant 0 : i32
    %c0_i32_1 = arith.constant 0 : i32
    return %c0_i32, %c0_i32_0 : i32, i32
  }
  func.func @transform_4(%arg0: i32) -> (i32, i32) {
    %c0_i32 = arith.constant 0 : i32
    %c0_i32_0 = arith.constant 0 : i32
    %c0_i32_1 = arith.constant 0 : i32
    return %c0_i32, %c0_i32_0 : i32, i32
  }
  func.func @transform_5(%arg0: i32) -> (i32, i32) {
    %c0_i32 = arith.constant 0 : i32
    %c0_i32_0 = arith.constant 0 : i32
    %c0_i32_1 = arith.constant 0 : i32
    return %c0_i32, %c0_i32_0 : i32, i32
  }
  func.func @transform_6(%arg0: i32) -> (i32, i32) {
    %c0_i32 = arith.constant 0 : i32
    %c0_i32_0 = arith.constant 0 : i32
    return %arg0, %c0_i32 : i32, i32
  }
}

module attributes {stable_mosaic.version = 14 : i64} {
  func.func @tc_body(%arg0: i32, %arg1: memref<2x1000x128xf32, #tpu.memory_space<vmem>>, %arg2: memref<2x1000x128xf32, #tpu.memory_space<vmem>>, %arg3: memref<1000x128xf32, #tpu.memory_space<vmem>>, %arg4: memref<128x128xf32, #tpu.memory_space<vmem>>, %arg5: memref<128x128xf32, #tpu.memory_space<vmem>>, %arg6: memref<1x128xf32, #tpu.memory_space<vmem>>, %arg7: memref<1000x128xf32, #tpu.memory_space<vmem>>) attributes {dimension_semantics = [#tpu.dimension_semantics<arbitrary>], iteration_bounds = array<i64: 10>, scalar_prefetch = 0 : i64, scratch_operands = 0 : i64, tpu.core_type = #tpu.core_type<tc>, window_params = [{transform_indices = @transform_0, window_bounds = array<i64: 2, 1000, 128>}, {transform_indices = @transform_1, window_bounds = array<i64: 2, 1000, 128>}, {transform_indices = @transform_2, window_bounds = array<i64: 1000, 128>}, {pipeline_mode = #tpu.pipeline_mode<synchronous>, transform_indices = @transform_3, window_bounds = array<i64: 128, 128>}, {pipeline_mode = #tpu.pipeline_mode<synchronous>, transform_indices = @transform_4, window_bounds = array<i64: 128, 128>}, {pipeline_mode = #tpu.pipeline_mode<synchronous>, transform_indices = @transform_5, window_bounds = array<i64: 1, 128>}, {transform_indices = @transform_6, window_bounds = array<i64: 1000, 128>}]} {
    %get3A = arith.constant 0 : index
    %get3A_0 = arith.constant 0 : index
    %get3A_1 = arith.constant 0 : index
    %get3A_2 = vector.load %arg1[%get3A, %get3A_0, %get3A_1] : memref<2x1000x128xf32, #tpu.memory_space<vmem>>, vector<1x1000x128xf32>
    %get3A_3 = vector.shape_cast %get3A_2 : vector<1x1000x128xf32> to vector<1000x128xf32>
    %get3A_4 = arith.constant 1 : index
    %get3A_5 = arith.constant 0 : index
    %get3A_6 = arith.constant 0 : index
    %get3A_7 = vector.load %arg1[%get3A_4, %get3A_5, %get3A_6] : memref<2x1000x128xf32, #tpu.memory_space<vmem>>, vector<1x1000x128xf32>
    %get3A_8 = vector.shape_cast %get3A_7 : vector<1x1000x128xf32> to vector<1000x128xf32>
    %add3A = arith.addf %get3A_3, %get3A_8 : vector<1000x128xf32>
    %get3A_9 = arith.constant 0 : index
    %get3A_10 = arith.constant 0 : index
    %get3A_11 = arith.constant 0 : index
    %get3A_12 = vector.load %arg2[%get3A_9, %get3A_10, %get3A_11] : memref<2x1000x128xf32, #tpu.memory_space<vmem>>, vector<1x1000x1xf32>
    %get3A_13 = vector.shape_cast %get3A_12 : vector<1x1000x1xf32> to vector<1000x1xf32>
    %get3A_14 = arith.constant 1 : index
    %get3A_15 = arith.constant 0 : index
    %get3A_16 = arith.constant 0 : index
    %get3A_17 = vector.load %arg2[%get3A_14, %get3A_15, %get3A_16] : memref<2x1000x128xf32, #tpu.memory_space<vmem>>, vector<1x1000x1xf32>
    %get3A_18 = vector.shape_cast %get3A_17 : vector<1x1000x1xf32> to vector<1000x1xf32>
    %add3A_19 = arith.addf %get3A_13, %get3A_18 : vector<1000x1xf32>
    %max3A = arith.constant 1.000000e+00 : f32
    %max3A_20 = vector.broadcast %max3A : f32 to vector<1000x1xf32>
    %max3A_21 = arith.maximumf %add3A_19, %max3A_20 : vector<1000x1xf32>
    %div3A = arith.constant 1.000000e+00 : f32
    %div3A_22 = vector.broadcast %div3A : f32 to vector<1000x1xf32>
    %div3A_23 = arith.divf %div3A_22, %max3A_21 : vector<1000x1xf32>
    %mul3A = vector.broadcast %div3A_23 : vector<1000x1xf32> to vector<1000x128xf32>
    %mul3A_24 = arith.mulf %add3A, %mul3A : vector<1000x128xf32>
    %get3A_25 = arith.constant 0 : index
    %get3A_26 = arith.constant 0 : index
    %get3A_27 = vector.load %arg4[%get3A_25, %get3A_26] : memref<128x128xf32, #tpu.memory_space<vmem>>, vector<128x128xf32>
    %dot_general3A = arith.constant dense<0.000000e+00> : vector<1000x128xf32>
    %dot_general3A_28 = tpu.matmul %mul3A_24, %get3A_27, %dot_general3A {dimension_numbers = #tpu.dot_dimension_numbers<[1], [0], [0], [1], [0, 0, 1, 1], [], []>, transpose_lhs_hint = false} : vector<1000x128xf32>, vector<128x128xf32>, vector<1000x128xf32> -> vector<1000x128xf32>
    %get3A_29 = arith.constant 0 : index
    %get3A_30 = arith.constant 0 : index
    %get3A_31 = vector.load %arg3[%get3A_29, %get3A_30] : memref<1000x128xf32, #tpu.memory_space<vmem>>, vector<1000x128xf32>
    %get3A_32 = arith.constant 0 : index
    %get3A_33 = arith.constant 0 : index
    %get3A_34 = vector.load %arg5[%get3A_32, %get3A_33] : memref<128x128xf32, #tpu.memory_space<vmem>>, vector<128x128xf32>
    %dot_general3A_35 = arith.constant dense<0.000000e+00> : vector<1000x128xf32>
    %dot_general3A_36 = tpu.matmul %get3A_31, %get3A_34, %dot_general3A_35 {dimension_numbers = #tpu.dot_dimension_numbers<[1], [0], [0], [1], [0, 0, 1, 1], [], []>, transpose_lhs_hint = false} : vector<1000x128xf32>, vector<128x128xf32>, vector<1000x128xf32> -> vector<1000x128xf32>
    %add3A_37 = arith.addf %dot_general3A_28, %dot_general3A_36 : vector<1000x128xf32>
    %get3A_38 = arith.constant 0 : index
    %get3A_39 = arith.constant 0 : index
    %get3A_40 = vector.load %arg6[%get3A_38, %get3A_39] : memref<1x128xf32, #tpu.memory_space<vmem>>, vector<1x128xf32>
    %add3A_41 = vector.broadcast %get3A_40 : vector<1x128xf32> to vector<1000x128xf32>
    %add3A_42 = arith.addf %add3A_37, %add3A_41 : vector<1000x128xf32>
    %swap3A = arith.constant 0 : index
    %swap3A_43 = arith.constant 0 : index
    %swap3A_44 = vector.load %arg7[%swap3A, %swap3A_43] : memref<1000x128xf32, #tpu.memory_space<vmem>>, vector<1000x128xf32>
    tpu.vector_store %arg7[%swap3A, %swap3A_43], %add3A_42 {strides = array<i32>} : memref<1000x128xf32, #tpu.memory_space<vmem>>, vector<1000x128xf32>,
    return
  }
  func.func @transform_0(%arg0: i32) -> (i32, i32, i32) {
    %c0_i32 = arith.constant 0 : i32
    %c0_i32_0 = arith.constant 0 : i32
    %c0_i32_1 = arith.constant 0 : i32
    return %c0_i32, %arg0, %c0_i32_0 : i32, i32, i32
  }
  func.func @transform_1(%arg0: i32) -> (i32, i32, i32) {
    %c0_i32 = arith.constant 0 : i32
    %c0_i32_0 = arith.constant 0 : i32
    %c0_i32_1 = arith.constant 0 : i32
    return %c0_i32, %arg0, %c0_i32_0 : i32, i32, i32
  }
  func.func @transform_2(%arg0: i32) -> (i32, i32) {
    %c0_i32 = arith.constant 0 : i32
    %c0_i32_0 = arith.constant 0 : i32
    return %arg0, %c0_i32 : i32, i32
  }
  func.func @transform_3(%arg0: i32) -> (i32, i32) {
    %c0_i32 = arith.constant 0 : i32
    %c0_i32_0 = arith.constant 0 : i32
    %c0_i32_1 = arith.constant 0 : i32
    return %c0_i32, %c0_i32_0 : i32, i32
  }
  func.func @transform_4(%arg0: i32) -> (i32, i32) {
    %c0_i32 = arith.constant 0 : i32
    %c0_i32_0 = arith.constant 0 : i32
    %c0_i32_1 = arith.constant 0 : i32
    return %c0_i32, %c0_i32_0 : i32, i32
  }
  func.func @transform_5(%arg0: i32) -> (i32, i32) {
    %c0_i32 = arith.constant 0 : i32
    %c0_i32_0 = arith.constant 0 : i32
    %c0_i32_1 = arith.constant 0 : i32
    return %c0_i32, %c0_i32_0 : i32, i32
  }
  func.func @transform_6(%arg0: i32) -> (i32, i32) {
    %c0_i32 = arith.constant 0 : i32
    %c0_i32_0 = arith.constant 0 : i32
    return %arg0, %c0_i32 : i32, i32
  }
}

</mosaic_0001>

<sc_bundles>
// kernel: kernel.10.cloned.1.call-start
scs
__scs_entry_jumppad:
0x0: {  	(pc) =	sbr.rel $0x88, $3  }
0x1: {  	(tag) =	ssettag $0x0;
	lr =	simm.s32 $0x1  }
0x2: {  	[smem:$0x3F99] =	sst lr;
	_ =	strace $0xD0000000  }
0x3: {  	_ = 	snop  }
0x4: {  	_ = 	snop  }
0x5: {  	_ = 	snop  }
0x6: {  	_ = 	snop  }
0x7: {  	_ = 	snop  }
__scs_overlays_trampoline_lowered:
0x8: {  	[smem:$0x3FA8] =	sst s0  }
0x9: {  	[smem:$0x3FA9] =	sst s1  }
0xa: {  	[smem:$0x3FAA] =	sst s2  }
0xb: {  	[smem:$0x3FAB] =	sst s3  }
0xc: {  	[smem:$0x3FAC] =	sst s4  }
0xd: {  	[smem:$0x3FAD] =	sst s5  }
0xe: {  	[smem:$0x3FAE] =	sst s6  }
0xf: {  	[smem:$0x3FAF] =	sst s7  }
0x10: {  	[smem:$0x3FB0] =	sst s8  }
0x11: {  	[smem:$0x3FB1] =	sst s9;
	s0 =	simm.s32 @!p0 $0x0  }
0x12: {  	s1 =	sld [smem:$0x3F97];
	s0 =	simm.s32 @p0 $0x1  }
0x13: {  	[smem:$0x3FB2] =	sst s0;
	s0 =	simm.s32 @!p1 $0x0  }
0x14: {  	s2 =	sld [smem:$0x3F96];
	s0 =	simm.s32 @p1 $0x1  }
0x15: {  	[smem:$0x3FB3] =	sst s0;
	s0 =	simm.s32 @!p2 $0x0  }
0x16: {  	s3 =	sld [smem:$0x3FDB];
	s0 =	simm.s32 @p2 $0x1  }
0x17: {  	s4 =	simm.s32 $0x1BF5;
	[smem:$0x3FB5] =	sst s0  }
0x18: {  	s0 =	sld [smem:$0x3F98];
	_ =	swait.ge [sflag:s4], $0x0  }
0x19: {  	s7 =	sld [smem:$0x3F99]  }
0x1a: {  	s8 =	sadd.s32 $0xFFFFE003, lr  }
0x1b: {  	s9 =	sadd.s32 $0xFFFFFEF7, lr;
	s5 =	simm.s32 $0xFFFFFFFF;
	p2 =	slt.u32 s8, $0xFFFFF086  }
0x1c: {  	p1 =	slt.u32 s9, $0xF7A;
	s5 =	simm.s32 @!p2 $0x0  }
0x1d: {  	s5 =	simm.s32 @p1 $0x1;
	p0 =	seq.s32 s7, s2  }
0x1e: {  	s7 =	smul.u32 @!p0 $0xF7A, s2;
	p2 =	seq.s32 @!p0 s5, $0x0  }
0x1f: {  	s9 =	smul.u32 $0xF7A, s1;
	s8 =	simm.s32 @!p0 $0x1BF5;
	p2 =	por !p2, p0  }
0x20: {  	[sflag:s8] =	ssyncset.s32 @!p0 $0xFFFFF086;
	s6 =	sadd.s32 @!p0 s3, s7;
	s7 =	simm.s32 @!p0 $0x108  }
0x21: {  	s3 =	sadd.s32 s3, s9;
	s6 =	sadd.s32 @!p0 $0x88, s6;
	s7 =	simm.s32 @p2 $0x1082  }
0x22: {  	[simem:s7], [sflag:s8] =	dma.local @!p0 [hbm:s6], $0xF7A  }
0x23: {  	s9 =	sor.u32 $0xD0000000, s2;
	s6 =	simm.s32 $0x108;
	_ =	swait.ge @!p0 [sflag:s8], $0x0  }
0x24: {  	s3 =	sadd.s32 $0x88, s3;
	s6 =	simm.s32 @!p1 $0x1082;
	[sflag:s4] =	ssyncset.s32 $0xFFFFF086  }
0x25: {  	[simem:s6], [sflag:s4] =	dma.local [hbm:s3], $0xF7A  }
0x26: {  	[smem:$0x3F99] =	sst s1;
	(tag) =	ssettag s2;
	_ =	strace s9  }
0x27: {  	s1 =	sld [smem:$0x3FA9]  }
0x28: {  	s2 =	sld [smem:$0x3FAA]  }
0x29: {  	s4 =	sld [smem:$0x3FAC]  }
0x2a: {  	p0 =	seq.s32 s5, $0x0;
	s5 =	sld [smem:$0x3FAD]  }
0x2b: {  	s6 =	sld [smem:$0x3FAE]  }
0x2c: {  	s7 =	sld [smem:$0x3FAF]  }
0x2d: {  	s3 =	simm.s32 $0x108;
	s8 =	sld [smem:$0x3FB0]  }
0x2e: {  	s3 =	simm.s32 @!p0 $0x1082;
	s9 =	sld [smem:$0x3FB1]  }
0x2f: {  	lr =	sadd.s32 s0, s3;
	s0 =	sld [smem:$0x3FA8]  }
0x30: {  	s3 =	sld [smem:$0x3FAB]  }
0x31: {  	[smem:$0x3FB4] =	sst s10  }
0x32: {  	s10 =	sld [smem:$0x3FB2];
	_ =	sdelay $0x3  }
0x33: {  	p0 =	seq.s32 s10, $0x1;
	s10 =	sld [smem:$0x3FB4];
	_ =	sdelay $0x3  }
0x34: {  	[smem:$0x3FB4] =	sst s10  }
0x35: {  	s10 =	sld [smem:$0x3FB3];
	_ =	sdelay $0x3  }
0x36: {  	p1 =	seq.s32 s10, $0x1;
	s10 =	sld [smem:$0x3FB4];
	_ =	sdelay $0x3  }
0x37: {  	[smem:$0x3FB4] =	sst s10  }
0x38: {  	s10 =	sld [smem:$0x3FB5]  }
0x39: {  	_ = 	snop;
	(pc) =	sbr.ind lr, $3  }
0x3a: {  	_ = 	snop  }
0x3b: {  	_ = 	snop  }
0x3c: {  	p2 =	seq.s32 s10, $0x1;
	s10 =	sld [smem:$0x3FB4]  }
0x3d: {  	_ =	shalt  }
0x3e: {  	_ =	shalt  }
0x3f: {  	_ =	shalt  }
0x40: {  	_ =	shalt  }
0x41: {  	_ =	shalt  }
0x42: {  	_ =	shalt  }
0x43: {  	_ =	shalt  }
0x44: {  	_ =	shalt  }
0x45: {  	_ =	shalt  }
0x46: {  	_ =	shalt  }
0x47: {  	_ =	shalt  }
0x48: {  	_ =	shalt  }
0x49: {  	_ =	shalt  }
0x4a: {  	_ =	shalt  }
0x4b: {  	_ =	shalt  }
0x4c: {  	_ =	shalt  }
0x4d: {  	_ =	shalt  }
0x4e: {  	_ =	shalt  }
0x4f: {  	_ =	shalt  }
0x50: {  	_ =	shalt  }
0x51: {  	_ =	shalt  }
0x52: {  	_ =	shalt  }
0x53: {  	_ =	shalt  }
0x54: {  	_ =	shalt  }
0x55: {  	_ =	shalt  }
0x56: {  	_ =	shalt  }
0x57: {  	_ =	shalt  }
0x58: {  	_ =	shalt  }
0x59: {  	_ =	shalt  }
0x5a: {  	_ =	shalt  }
0x5b: {  	_ =	shalt  }
0x5c: {  	_ =	shalt  }
0x5d: {  	_ =	shalt  }
0x5e: {  	_ =	shalt  }
0x5f: {  	_ =	shalt  }
0x60: {  	_ =	shalt  }
0x61: {  	_ =	shalt  }
0x62: {  	_ =	shalt  }
0x63: {  	_ =	shalt  }
0x64: {  	_ =	shalt  }
0x65: {  	_ =	shalt  }
0x66: {  	_ =	shalt  }
0x67: {  	_ =	shalt  }
0x68: {  	_ =	shalt  }
0x69: {  	_ =	shalt  }
0x6a: {  	_ =	shalt  }
0x6b: {  	_ =	shalt  }
0x6c: {  	_ =	shalt  }
0x6d: {  	_ =	shalt  }
0x6e: {  	_ =	shalt  }
0x6f: {  	_ =	shalt  }
0x70: {  	_ =	shalt  }
0x71: {  	_ =	shalt  }
0x72: {  	_ =	shalt  }
0x73: {  	_ =	shalt  }
0x74: {  	_ =	shalt  }
0x75: {  	_ =	shalt  }
0x76: {  	_ =	shalt  }
0x77: {  	_ =	shalt  }
0x78: {  	_ =	shalt  }
0x79: {  	_ =	shalt  }
0x7a: {  	_ =	shalt  }
0x7b: {  	_ =	shalt  }
0x7c: {  	_ =	shalt  }
0x7d: {  	_ =	shalt  }
0x7e: {  	_ =	shalt  }
0x7f: {  	_ =	shalt  }
0x80: {  	_ =	shalt  }
0x81: {  	_ =	shalt  }
0x82: {  	_ =	shalt  }
0x83: {  	_ =	shalt  }
0x84: {  	_ =	shalt  }
0x85: {  	_ =	shalt  }
0x86: {  	_ =	shalt  }
0x87: {  	_ =	shalt  }
.Lfunc_end0:
.L_simem_size_0:
called_computation.1_lowered:
.L_overlay_start_0:
0x88: {  	s2 =	sld [smem:$0x3FD9]  }
0x89: {  	s3 =	sld [smem:$0x3FFE];
	_ =	sdelay $0x1  }
0x8a: {  	s1 =	srdreg.scid  }
0x8b: {  	s0 =	sand.u32 $0x1, s1  }
0x8c: {  	s17 =	sshll.u32 s0, $0xA;
	s2 =	sadd.s32 s3, s2  }
0x8d: {  	s2 =	sadd.s32 s2, s17  }
0x8e: {  	[smem:$0x3FC0] =	sst s2  }
0x8f: {  	_ = 	snop  }
0x90: {  	s2 =	sld [smem:$0x3FC9];
	(tm) =	ssettm $0x1  }
0x91: {  	s18 =	sld [smem:$0x3FFB];
	_ =	sdelay $0x3  }
0x92: {  	_ =	strace s18  }
0x93: {  	s3 =	sld [smem:$0x3FFC];
	_ =	sdelay $0x3  }
0x94: {  	_ =	strace s3  }
0x95: {  	s3 =	sld [smem:$0x3FFD];
	_ =	sdelay $0x3  }
0x96: {  	_ =	strace s3  }
0x97: {  	_ =	strace $0x8FFFFFFF  }
0x98: {  	s19 =	sld [smem:$0x3FDB];
	_ =	sdelay $0x1  }
0x99: {  	s4 =	simm.s32 $_scs_section_size  }
0x9a: {  	s5 =	simm.s32 $_size__tile_overlayer_lowered;
	s6 =	simm.s32 $_tile_overlayer_lowered  }
0x9b: {  	s22 =	simm.s32 $0x1BFF;
	s21 =	sshll.u32 s6, $0x1;
	s3 =	sadd.s32 s4, s19  }
0x9c: {  	s7 =	simm.s32 $0x0;
	s20 =	sshll.u32 s5, $0x1;
	s5 =	sadd.s32 s21, s3  }
0x9d: {  	[timem:s7], [sflag:s22] =	dma.local [hbm:s5], s20  }
0x9e: {  	_ =	swait.ge [sflag:s22], s20  }
0x9f: {  	s4 =	ssub.s32 $0x0, s20;
	[sflag:s22] =	ssyncset.done $0x0  }
0xa0: {  	[sflag:s22] =	ssyncadd.s32 s4;
	_ =	sdelay $0x1  }
0xa1: {  	s23 =	simm.s32 $0x1B8B  }
0xa2: {  	_ =	swait.ge [sflag:s23], $0x1  }
0xa3: {  	[sflag:s23] =	ssyncset.done $0x0  }
0xa4: {  	s25 =	simm.s32 $0x1B8E;
	s24 =	sld [smem:$0x3FFE];
	[sflag:s23] =	ssyncadd.s32 $0xFFFFFFFF  }
0xa5: {  	s26 =	simm.s32 $execute0_lowered;
	[smem:$0x3FD2] =	sst s25  }
0xa6: {  	s5 =	sshll.u32 s26, $0x1;
	_ =	strace $0x80000046;
	[dreg:$0x1] =	wrdreg $0xFFFFFFFF  }
0xa7: {  	s28 =	simm.s32 $_size_execute0_lowered;
	s3 =	sadd.s32 s3, s5;
	[dreg:$0x0] =	wrdreg $0x0  }
0xa8: {  	s5 =	sshll.u32 s28, $0x1;
	[dreg:$0x2] =	wrdreg s3  }
0xa9: {  	[dreg:$0x3] =	wrdreg s5  }
0xaa: {  	[dreg:$0x4] =	wrdreg $0xC0  }
0xab: {  	_ =	task [dreg:s7], $0x5FFFF  }
0xac: {  	[dreg:$0x1] =	wrdreg $0xFFFFFFFF  }
0xad: {  	[dreg:$0x0] =	wrdreg $0x60  }
0xae: {  	[dreg:$0x2] =	wrdreg s2  }
0xaf: {  	[dreg:$0x3] =	wrdreg s24  }
0xb0: {  	[dreg:$0x4] =	wrdreg $0x88000  }
0xb1: {  	[dreg:$0x5] =	wrdreg $0xA  }
0xb2: {  	_ =	task.clear_ibuf [dreg:s7], $0x6FFFF;
	_ =	strace $0x90000046  }
0xb3: {  	s29 =	simm.s32 $0xA;
	_ =	strace $0x80000048  }
0xb4: {  	_ =	swait.ge [sflag:s29], $0x1  }
0xb5: {  	[sflag:s29] =	ssyncadd.s32 $0xFFFFFFFF  }
0xb6: {  	_ =	strace $0x90000048  }
0xb7: {  	_ =	sfence  }
0xb8: {  	s30 =	sld [smem:$0x0];
	_ =	sdelay $0x2  }
0xb9: {  	s31 =	sshll.u32 s1, $0xD;
	s1 =	sshrl.u32 s1, $0x2  }
0xba: {  	s3 =	sand.u32 $0x4000, s31;
	s1 =	sadd.s32 s1, s30  }
0xbb: {  	s0 =	sor.u32 s3, s0;
	s1 =	sshll.u32 s1, $0x11  }
0xbc: {  	s0 =	sor.u32 s1, s0  }
0xbd: {  	s0 =	sadd.s32 $0x8F2B, s0  }
0xbe: {  	[sflag:s0] =	ssyncadd.remote.s32 $0x1  }
0xbf: {  	_ =	sfence.sel $0xFFFF  }
0xc0: {  	[dreg:$0x0] =	wrdreg $0xFFFFFFFF;
	(pc) =	sbr.abs _section_cstart, $3  }
0xc1: {  	[dreg:$0x1] =	wrdreg $0xFFFFFFFF  }
0xc2: {  	_ =	task.clear_ibuf [dreg:s7], $0x2FFFF;
	_ =	strace $0x9FFFFFFF  }
0xc3: {  	(tm) =	ssettm $0x7FFFFFFF  }
tec
execute0_lowered:
.L_overlay_start_1:
0x0: {  	(tag) =	ssettag $0x1  }
0x1: {  	s2 =	rddreg [dreg:$0x0]  }
0x2: {  	s0 =	rddreg [dreg:$0x1]  }
0x3: {  	s3 =	rddreg [dreg:$0x2];
	s9 =	stileid.u32  }
0x4: {  	s1 =	srdreg.scid;
	s6 =	simm.s32 $0x0;
	s8 =	simm.s32 $0x1A  }
0x5: {  	s25 =	simm.s32 $0x100;
	s26 =	simm.s32 $0x200;
	s28 =	simm.s32 $0x180  }
0x6: {  	s29 =	simm.s32 $0x300;
	s30 =	simm.s32 $0x280;
	[smem:$0x7FF] =	sst s6  }
0x7: {  	s4 =	smul.u32 $0xE, s9;
	_ =	strace $0x80000047;
	[dreg:$0x4] =	wrdreg s25  }
0x8: {  	s31 =	simm.s32 $0x380;
	s5 =	smul.u32 $0x1A, s9;
	[dreg:$0x5] =	wrdreg s26  }
0x9: {  	s1 =	sand.u32 $0x1, s1;
	s16 =	smul.u32 $0x4F000, s9;
	[dreg:$0x6] =	wrdreg s28  }
0xa: {  	s24 =	smul.u32 $0x2780, s9;
	p0 =	seq.s32 s1, $0x0;
	[dreg:$0x7] =	wrdreg s29  }
0xb: {  	s17 =	smul.u32 $0x27800, s1;
	s1 =	ssub.s32 $0x2, s1;
	[dreg:$0x8] =	wrdreg s30  }
0xc: {  	[dreg:$0x9] =	wrdreg s31;
	s25 =	simm.s32 $0x4;
	s26 =	simm.s32 $0x0  }
0xd: {  	s4 =	sadd.s32 $0x1A0, s4;
	s7 =	sshrl.u32 s1, $0x1;
	s8 =	simm.s32 @!p0 $0xE  }
0xe: {  	s4 =	smov.u32 @p0 s5;
	s5 =	sshrl.u32 s16, $0x2;
	s1 =	ssub.s32 s1, s7  }
0xf: {  	s23 =	sshrl.u32 s8, $0x1;
	s13 =	sadd.s32 $0xFFFFFFFF, s8;
	s4 =	sshll.u32 s4, $0x7  }
0x10: {  	s5 =	sadd.s32 s5, s3;
	[dreg:$0xf] =	wrdreg s23;
	s1 =	smax.u32 s1, $0x1  }
0x11: {  	s23 =	simm.s32 $0x2;
	s18 =	sadd.s32 $0x4000, s5;
	[dreg:$0x10] =	wrdreg s1  }
0x12: {  	s4 =	sadd.s32 s4, s0;
	s19 =	sadd.s32 $0x8000, s5;
	[dreg:$0xa] =	wrdreg s18  }
0x13: {  	s0 =	sadd.s32 s17, s0;
	s20 =	sadd.s32 $0xC000, s5;
	[dreg:$0xb] =	wrdreg s19  }
0x14: {  	s21 =	sadd.s32 $0x10000, s5;
	s17 =	simm.s32 $0x800;
	[dreg:$0xc] =	wrdreg s20  }
0x15: {  	[dreg:$0xd] =	wrdreg s21;
	s22 =	sadd.s32 $0x2400, s4;
	s0 =	sadd.s32 $0x16400, s0  }
0x16: {  	s15 =	sadd.s32 $0x2480, s4;
	s16 =	sadd.s32 $0x2500, s4;
	s18 =	simm.s32 $0x7  }
0x17: {  	s19 =	simm.s32 $0x80;
	s20 =	simm.s32 $0x4800;
	s21 =	simm.s32 $0x1  }
0x18: {  	v0 =	vimm.f32 $0.0e+00;
	[dreg:$0xe] =	wrdreg s22;
	s22 =	simm.s32 $0x3;
	s24 =	sadd.s32 s24, s0  }
.LBB2_1:
0x19: {  	s1 =	simm.s32 $0x0  }
0x1a: {  	s0 =	sand.u32 $0xFE00, s1  }
0x1b: {  	s1 =	sand.u32 $0x70, s1;
	s4 =	sshrl.u32 s0, $0x2  }
0x1c: {  	s0 =	simm.s32 $0x40;
	s4 =	sor.u32 s1, s4;
	s1 =	simm.s32 $0x0  }
.LBB2_2:
0x1d: {  	p0 =	sne.s32 s0, $0xFFC0  }
0x1e: {  	[tilespmem:s4+$0x800] =	vst v0;
	s1 =	sadd.s32 $0x10, s1;
	s4 =	smov.u32 s0;
	s0 =	sadd.s32 $0x40, s0  }
.Ltmp0:
0x1f: {  	(pc) =	sbr.rel @p0 .LBB2_2-.Ltmp0, $4  }
0x20: {  	_ = 	snop  }
0x21: {  	s4 =	sand.u32 $0xFE00, s4  }
0x22: {  	s6 =	sand.u32 $0x70, s1;
	s4 =	sshrl.u32 s4, $0x2  }
0x23: {  	s4 =	sor.u32 s6, s4  }
0x24: {  	[tilespmem:s4+$0x800] =	vst v0  }
0x25: {  	[spmem:s5] =	stream.linear.scatter [tilespmem:s17], [sflag:$0x7], $0x4000, $0x38;
	[tilespmem:$0x1C400] =	vst v63  }
0x26: {  	_ =	swait.ge [sflag:s18], $0x4000  }
0x27: {  	[sflag:s18] =	ssyncset.done $0x0  }
0x28: {  	s0 =	rddreg [dreg:$0xa];
	[sflag:s18] =	ssyncadd.s32 $0xFFFFC000  }
0x29: {  	[spmem:s0] =	stream.linear.scatter [tilespmem:s17], [sflag:$0x7], $0x4000, $0x38;
	[tilespmem:$0x1C400] =	vst v63  }
0x2a: {  	_ =	swait.ge [sflag:s18], $0x4000  }
0x2b: {  	[sflag:s18] =	ssyncset.done $0x0  }
0x2c: {  	s12 =	rddreg [dreg:$0xb];
	[sflag:s18] =	ssyncadd.s32 $0xFFFFC000  }
0x2d: {  	[spmem:s12] =	stream.linear.scatter [tilespmem:s17], [sflag:$0x7], $0x4000, $0x38;
	[tilespmem:$0x1C400] =	vst v63  }
0x2e: {  	_ =	swait.ge [sflag:s18], $0x4000  }
0x2f: {  	[sflag:s18] =	ssyncset.done $0x0  }
0x30: {  	s14 =	rddreg [dreg:$0xc];
	[sflag:s18] =	ssyncadd.s32 $0xFFFFC000  }
0x31: {  	[spmem:s14] =	stream.linear.scatter [tilespmem:s17], [sflag:$0x7], $0x4000, $0x38;
	[tilespmem:$0x1C400] =	vst v63  }
0x32: {  	_ =	swait.ge [sflag:s18], $0x4000  }
0x33: {  	[sflag:s18] =	ssyncset.done $0x0  }
0x34: {  	s29 =	rddreg [dreg:$0xd];
	[sflag:s18] =	ssyncadd.s32 $0xFFFFC000  }
0x35: {  	[spmem:s29] =	stream.linear.scatter [tilespmem:s17], [sflag:$0x7], $0x3C00, $0x38;
	[tilespmem:$0x1C400] =	vst v63  }
0x36: {  	_ =	swait.ge [sflag:s18], $0x3C00  }
0x37: {  	[sflag:s18] =	ssyncset.done $0x0  }
0x38: {  	[sflag:s18] =	ssyncadd.s32 $0xFFFFC400  }
0x39: {  	[bflag:$0x0] =	sbarrier.arrive $0xFFFF  }
0x3a: {  	s28 =	simm.s32 $0x0;
	s30 =	rddreg [dreg:$0xe]  }
0x3b: {  	[tilespmem:s28], [sflag:$0x7] =	stream.linear.gather [hbm4b:s30+s28], $0x400, $0x38;
	[tilespmem:$0x1C400] =	vst v63  }
0x3c: {  	_ =	swait.ge [sflag:s18], $0x400  }
0x3d: {  	s31 =	rddreg [dreg:$0xf]  }
0x3e: {  	s4 =	sadd.s32 $0xFFFFFFFF, s31  }
0x3f: {  	p1 =	sne.s32 s4, $0x0  }
.Ltmp1:
0x40: {  	_ = 	snop;
	(pc) =	sbr.rel @!p1 .LBB2_4-.Ltmp1, $4  }
0x41: {  	_ = 	snop  }
0x42: {  	[sflag:s18] =	ssyncset.done $0x0  }
0x43: {  	p3 =	por $0x1, $0x1;
	p0 =	por $0x0, $0x0;
	[sflag:s18] =	ssyncadd.s32 $0xFFFFFC00  }
0x44: {  	[tilespmem:s17], [sflag:$0x1] =	stream.indirect.gather [hbm4b:s2+s19], $0x80, s28, s19, $0xb8;
	[tilespmem:$0x1C400] =	vst v63  }
0x45: {  	s0 =	simm.s32 @!p3 $0x4  }
0x46: {  	_ =	swait.ge @!p3 [sflag:s0], $0x4000  }
0x47: {  	p0 =	sle.u32 s13, $0x0;
	[sflag:s0] =	ssyncset.done @!p3 $0x0  }
0x48: {  	s1 =	simm.s32 @!p0 $0x0;
	[sflag:s0] =	ssyncadd.s32 @!p3 $0xFFFFC000;
	s0 =	simm.s32 @!p0 $0x400  }
0x49: {  	[tilespmem:s0], [sflag:$0x6] =	stream.linear.gather @!p0 [hbm4b:s15+s1], $0x400, $0x38;
	[tilespmem:$0x1C400] =	vst v63  }
0x4a: {  	s6 =	rddreg [dreg:$0x4]  }
0x4b: {  	[tilespmem:s20], [sflag:$0x2] =	stream.indirect.gather [hbm4b:s2+s19], $0x80, s6, s19, $0xb8;
	[tilespmem:$0x1C400] =	vst v63  }
0x4c: {  	_ =	swait.ge [sflag:s21], $0x4000  }
0x4d: {  	[sflag:s21] =	ssyncset.done $0x0  }
0x4e: {  	[sflag:s21] =	ssyncadd.s32 $0xFFFFC000  }
0x4f: {  	[spmem:s3] =	stream.indirect.scatter.add.f32 [tilespmem:s17], [sflag:$0x3], $0x80, s19, s19, $0xb8;
	[tilespmem:$0x1C400] =	vst v63  }
0x50: {  	_ =	swait.ge [sflag:s22], $0x4000  }
0x51: {  	[sflag:s22] =	ssyncset.done $0x0  }
0x52: {  	s9 =	rddreg [dreg:$0x5];
	[sflag:s22] =	ssyncadd.s32 $0xFFFFC000  }
0x53: {  	[tilespmem:s17], [sflag:$0x1] =	stream.indirect.gather [hbm4b:s2+s19], $0x80, s9, s19, $0xb8;
	[tilespmem:$0x1C400] =	vst v63  }
0x54: {  	_ =	swait.ge [sflag:s23], $0x4000  }
0x55: {  	[sflag:s23] =	ssyncset.done $0x0  }
0x56: {  	s10 =	rddreg [dreg:$0x6];
	[sflag:s23] =	ssyncadd.s32 $0xFFFFC000  }
0x57: {  	[spmem:s3] =	stream.indirect.scatter.add.f32 [tilespmem:s20], [sflag:$0x4], $0x80, s10, s19, $0xb8;
	[tilespmem:$0x1C400] =	vst v63  }
0x58: {  	_ =	swait.ge [sflag:s25], $0x4000  }
0x59: {  	[sflag:s25] =	ssyncset.done $0x0  }
0x5a: {  	s11 =	rddreg [dreg:$0x7];
	[sflag:s25] =	ssyncadd.s32 $0xFFFFC000  }
0x5b: {  	[tilespmem:s20], [sflag:$0x2] =	stream.indirect.gather [hbm4b:s2+s19], $0x80, s11, s19, $0xb8;
	[tilespmem:$0x1C400] =	vst v63  }
0x5c: {  	_ =	swait.ge [sflag:s21], $0x4000  }
0x5d: {  	[sflag:s21] =	ssyncset.done $0x0  }
0x5e: {  	s12 =	rddreg [dreg:$0x8];
	[sflag:s21] =	ssyncadd.s32 $0xFFFFC000  }
0x5f: {  	[spmem:s3] =	stream.indirect.scatter.add.f32 [tilespmem:s17], [sflag:$0x3], $0x80, s12, s19, $0xb8;
	[tilespmem:$0x1C400] =	vst v63  }
0x60: {  	_ =	swait.ge [sflag:s22], $0x4000  }
0x61: {  	[sflag:s22] =	ssyncset.done $0x0  }
0x62: {  	s1 =	simm.s32 @!p0 $0x6;
	[sflag:s22] =	ssyncadd.s32 $0xFFFFC000  }
0x63: {  	_ =	swait.ge @!p0 [sflag:s1], $0x400  }
0x64: {  	[sflag:s1] =	ssyncset.done @!p0 $0x0  }
0x65: {  	s7 =	simm.s32 @!p0 $0x800;
	s6 =	simm.s32 @!p0 $0x80;
	[sflag:s1] =	ssyncadd.s32 @!p0 $0xFFFFFC00  }
0x66: {  	[tilespmem:s7], [sflag:$0x1] =	stream.indirect.gather @!p0 [hbm4b:s2+s6], $0x80, s0, s6, $0xb8;
	[tilespmem:$0x1C400] =	vst v63  }
0x67: {  	_ =	swait.ge [sflag:s23], $0x4000  }
0x68: {  	p2 =	sle.u32 s8, $0x1;
	[sflag:s23] =	ssyncset.done $0x0  }
0x69: {  	s7 =	simm.s32 @!p2 $0x4;
	s14 =	rddreg [dreg:$0x9];
	[sflag:s23] =	ssyncadd.s32 $0xFFFFC000  }
0x6a: {  	[spmem:s3] =	stream.indirect.scatter.add.f32 [tilespmem:s20], [sflag:$0x4], $0x80, s14, s19, $0xb8;
	[tilespmem:$0x1C400] =	vst v63  }
0x6b: {  	p0 =	sle.u32 @!p2 s13, $0x1;
	_ =	swait.ge @!p2 [sflag:s7], $0x4000  }
0x6c: {  	p0 =	por p0, p2;
	[sflag:s7] =	ssyncset.done @!p2 $0x0  }
0x6d: {  	s29 =	simm.s32 @!p2 $0x1;
	s28 =	simm.s32 @!p0 $0x0;
	[sflag:s7] =	ssyncadd.s32 @!p2 $0xFFFFC000  }
0x6e: {  	[tilespmem:s28], [sflag:$0x5] =	stream.linear.gather @!p0 [hbm4b:s16+s28], $0x400, $0x38;
	[tilespmem:$0x1C400] =	vst v63  }
0x6f: {  	s1 =	simm.s32 @!p2 $0x80;
	s0 =	simm.s32 @!p2 $0x4800;
	s6 =	simm.s32 @!p2 $0x500  }
0x70: {  	[tilespmem:s0], [sflag:$0x2] =	stream.indirect.gather @!p2 [hbm4b:s2+s1], $0x80, s6, s1, $0xb8;
	[tilespmem:$0x1C400] =	vst v63  }
0x71: {  	_ =	swait.ge @!p2 [sflag:s29], $0x4000  }
0x72: {  	s30 =	simm.s32 @!p2 $0x800;
	[sflag:s29] =	ssyncset.done @!p2 $0x0  }
0x73: {  	s31 =	simm.s32 @!p2 $0x3;
	s6 =	simm.s32 @!p2 $0x480;
	[sflag:s29] =	ssyncadd.s32 @!p2 $0xFFFFC000  }
0x74: {  	[spmem:s3] =	stream.indirect.scatter.add.f32 @!p2 [tilespmem:s30], [sflag:$0x3], $0x80, s6, s1, $0xb8;
	[tilespmem:$0x1C400] =	vst v63  }
0x75: {  	_ =	swait.ge @!p2 [sflag:s31], $0x4000  }
0x76: {  	[sflag:s31] =	ssyncset.done @!p2 $0x0  }
0x77: {  	s9 =	simm.s32 @!p2 $0x600;
	s6 =	simm.s32 @!p2 $0x2;
	[sflag:s31] =	ssyncadd.s32 @!p2 $0xFFFFC000  }
0x78: {  	[tilespmem:s30], [sflag:$0x1] =	stream.indirect.gather @!p2 [hbm4b:s2+s1], $0x80, s9, s1, $0xb8;
	[tilespmem:$0x1C400] =	vst v63  }
0x79: {  	_ =	swait.ge @!p2 [sflag:s6], $0x4000  }
0x7a: {  	[sflag:s6] =	ssyncset.done @!p2 $0x0  }
0x7b: {  	s9 =	simm.s32 @!p2 $0x580;
	[sflag:s6] =	ssyncadd.s32 @!p2 $0xFFFFC000  }
0x7c: {  	[spmem:s3] =	stream.indirect.scatter.add.f32 @!p2 [tilespmem:s0], [sflag:$0x4], $0x80, s9, s1, $0xb8;
	[tilespmem:$0x1C400] =	vst v63  }
0x7d: {  	_ =	swait.ge @!p2 [sflag:s7], $0x4000  }
0x7e: {  	[sflag:s7] =	ssyncset.done @!p2 $0x0  }
0x7f: {  	s9 =	simm.s32 @!p2 $0x700;
	[sflag:s7] =	ssyncadd.s32 @!p2 $0xFFFFC000  }
0x80: {  	[tilespmem:s0], [sflag:$0x2] =	stream.indirect.gather @!p2 [hbm4b:s2+s1], $0x80, s9, s1, $0xb8;
	[tilespmem:$0x1C400] =	vst v63  }
0x81: {  	_ =	swait.ge @!p2 [sflag:s29], $0x4000  }
0x82: {  	[sflag:s29] =	ssyncset.done @!p2 $0x0  }
0x83: {  	s7 =	simm.s32 @!p2 $0x680;
	[sflag:s29] =	ssyncadd.s32 @!p2 $0xFFFFC000  }
0x84: {  	[spmem:s3] =	stream.indirect.scatter.add.f32 @!p2 [tilespmem:s30], [sflag:$0x3], $0x80, s7, s1, $0xb8;
	[tilespmem:$0x1C400] =	vst v63  }
0x85: {  	_ =	swait.ge @!p2 [sflag:s31], $0x4000  }
0x86: {  	[sflag:s31] =	ssyncset.done @!p2 $0x0  }
0x87: {  	s7 =	simm.s32 @!p0 $0x5;
	[sflag:s31] =	ssyncadd.s32 @!p2 $0xFFFFC000;
	s31 =	sadd.s32 $0xFFFFFFFF, s4  }
0x88: {  	_ =	swait.ge @!p0 [sflag:s7], $0x400;
	p1 =	sne.s32 s31, $0x0  }
.Ltmp2:
0x89: {  	p3 =	por $0x0, $0x0;
	[sflag:s7] =	ssyncset.done @!p0 $0x0;
	(pc) =	sbr.rel @!p1 .LBB2_7-.Ltmp2, $4  }
0x8a: {  	s9 =	simm.s32 @!p0 $0x80;
	s29 =	simm.s32 @!p0 $0x800;
	[sflag:s7] =	ssyncadd.s32 @!p0 $0xFFFFFC00  }
0x8b: {  	[tilespmem:s29], [sflag:$0x1] =	stream.indirect.gather @!p0 [hbm4b:s2+s9], $0x80, s28, s9, $0xb8;
	[tilespmem:$0x1C400] =	vst v63  }
0x8c: {  	s30 =	sadd.s32 $0x100, s15;
	s4 =	simm.s32 @!p2 $0x780;
	s28 =	simm.s32 $0x2  }
0x8d: {  	s29 =	sadd.s32 $0x100, s16;
	p0 =	por $0x1, $0x1;
	_ =	swait.ge @!p2 [sflag:s6], $0x4000  }
.LBB2_6:
0x8e: {  	[sflag:s6] =	ssyncset.done @!p2 $0x0  }
0x8f: {  	s7 =	simm.s32 @!p3 $0x4;
	[sflag:s6] =	ssyncadd.s32 @!p2 $0xFFFFC000  }
0x90: {  	[spmem:s3] =	stream.indirect.scatter.add.f32 @!p2 [tilespmem:s0], [sflag:$0x4], $0x80, s4, s1, $0xb8;
	[tilespmem:$0x1C400] =	vst v63  }
0x91: {  	_ =	swait.ge @!p3 [sflag:s7], $0x4000  }
0x92: {  	p2 =	sge.u32 s28, s13;
	[sflag:s7] =	ssyncset.done @!p3 $0x0  }
0x93: {  	s1 =	simm.s32 @!p2 $0x0;
	s0 =	simm.s32 @!p2 $0x400;
	[sflag:s7] =	ssyncadd.s32 @!p3 $0xFFFFC000  }
0x94: {  	[tilespmem:s0], [sflag:$0x6] =	stream.linear.gather @!p2 [hbm4b:s30+s1], $0x400, $0x38;
	[tilespmem:$0x1C400] =	vst v63  }
0x95: {  	s6 =	rddreg [dreg:$0x4]  }
0x96: {  	[tilespmem:s20], [sflag:$0x2] =	stream.indirect.gather [hbm4b:s2+s19], $0x80, s6, s19, $0xb8;
	[tilespmem:$0x1C400] =	vst v63  }
0x97: {  	_ =	swait.ge [sflag:s21], $0x4000  }
0x98: {  	[sflag:s21] =	ssyncset.done $0x0  }
0x99: {  	[sflag:s21] =	ssyncadd.s32 $0xFFFFC000  }
0x9a: {  	[spmem:s3] =	stream.indirect.scatter.add.f32 [tilespmem:s17], [sflag:$0x3], $0x80, s19, s19, $0xb8;
	[tilespmem:$0x1C400] =	vst v63  }
0x9b: {  	_ =	swait.ge [sflag:s22], $0x4000  }
0x9c: {  	[sflag:s22] =	ssyncset.done $0x0  }
0x9d: {  	s9 =	rddreg [dreg:$0x5];
	[sflag:s22] =	ssyncadd.s32 $0xFFFFC000  }
0x9e: {  	[tilespmem:s17], [sflag:$0x1] =	stream.indirect.gather [hbm4b:s2+s19], $0x80, s9, s19, $0xb8;
	[tilespmem:$0x1C400] =	vst v63  }
0x9f: {  	_ =	swait.ge [sflag:s23], $0x4000  }
0xa0: {  	[sflag:s23] =	ssyncset.done $0x0  }
0xa1: {  	s10 =	rddreg [dreg:$0x6];
	[sflag:s23] =	ssyncadd.s32 $0xFFFFC000  }
0xa2: {  	[spmem:s3] =	stream.indirect.scatter.add.f32 [tilespmem:s20], [sflag:$0x4], $0x80, s10, s19, $0xb8;
	[tilespmem:$0x1C400] =	vst v63  }
0xa3: {  	_ =	swait.ge [sflag:s25], $0x4000  }
0xa4: {  	[sflag:s25] =	ssyncset.done $0x0  }
0xa5: {  	s11 =	rddreg [dreg:$0x7];
	[sflag:s25] =	ssyncadd.s32 $0xFFFFC000  }
0xa6: {  	[tilespmem:s20], [sflag:$0x2] =	stream.indirect.gather [hbm4b:s2+s19], $0x80, s11, s19, $0xb8;
	[tilespmem:$0x1C400] =	vst v63  }
0xa7: {  	_ =	swait.ge [sflag:s21], $0x4000  }
0xa8: {  	[sflag:s21] =	ssyncset.done $0x0  }
0xa9: {  	s12 =	rddreg [dreg:$0x8];
	[sflag:s21] =	ssyncadd.s32 $0xFFFFC000  }
0xaa: {  	[spmem:s3] =	stream.indirect.scatter.add.f32 [tilespmem:s17], [sflag:$0x3], $0x80, s12, s19, $0xb8;
	[tilespmem:$0x1C400] =	vst v63  }
0xab: {  	_ =	swait.ge [sflag:s22], $0x4000  }
0xac: {  	[sflag:s22] =	ssyncset.done $0x0  }
0xad: {  	s1 =	simm.s32 @!p2 $0x6;
	[sflag:s22] =	ssyncadd.s32 $0xFFFFC000  }
0xae: {  	_ =	swait.ge @!p2 [sflag:s1], $0x400  }
0xaf: {  	[sflag:s1] =	ssyncset.done @!p2 $0x0  }
0xb0: {  	s4 =	simm.s32 @!p2 $0x80;
	s6 =	simm.s32 @!p2 $0x800;
	[sflag:s1] =	ssyncadd.s32 @!p2 $0xFFFFFC00  }
0xb1: {  	[tilespmem:s6], [sflag:$0x1] =	stream.indirect.gather @!p2 [hbm4b:s2+s4], $0x80, s0, s4, $0xb8;
	[tilespmem:$0x1C400] =	vst v63  }
0xb2: {  	s1 =	sadd.s32 $0x1, s28;
	_ =	swait.ge [sflag:s23], $0x4000  }
0xb3: {  	p2 =	sge.u32 s1, s8;
	[sflag:s23] =	ssyncset.done $0x0  }
0xb4: {  	s9 =	simm.s32 @!p2 $0x4;
	s14 =	rddreg [dreg:$0x9];
	[sflag:s23] =	ssyncadd.s32 $0xFFFFC000  }
0xb5: {  	[spmem:s3] =	stream.indirect.scatter.add.f32 [tilespmem:s20], [sflag:$0x4], $0x80, s14, s19, $0xb8;
	[tilespmem:$0x1C400] =	vst v63  }
0xb6: {  	p3 =	sge.u32 @!p2 s1, s13;
	_ =	swait.ge @!p2 [sflag:s9], $0x4000  }
0xb7: {  	p3 =	por p3, p2;
	[sflag:s9] =	ssyncset.done @!p2 $0x0  }
0xb8: {  	s0 =	simm.s32 @!p2 $0x4800;
	s7 =	simm.s32 @!p3 $0x0;
	[sflag:s9] =	ssyncadd.s32 @!p2 $0xFFFFC000  }
0xb9: {  	[tilespmem:s7], [sflag:$0x5] =	stream.linear.gather @!p3 [hbm4b:s29+s7], $0x400, $0x38;
	[tilespmem:$0x1C400] =	vst v63  }
0xba: {  	s1 =	simm.s32 @!p2 $0x80;
	s6 =	simm.s32 @!p2 $0x500;
	s10 =	simm.s32 @!p2 $0x1  }
0xbb: {  	[tilespmem:s0], [sflag:$0x2] =	stream.indirect.gather @!p2 [hbm4b:s2+s1], $0x80, s6, s1, $0xb8;
	[tilespmem:$0x1C400] =	vst v63  }
0xbc: {  	_ =	swait.ge @!p2 [sflag:s10], $0x4000  }
0xbd: {  	s11 =	simm.s32 @!p2 $0x800;
	[sflag:s10] =	ssyncset.done @!p2 $0x0  }
0xbe: {  	s12 =	simm.s32 @!p2 $0x3;
	s6 =	simm.s32 @!p2 $0x480;
	[sflag:s10] =	ssyncadd.s32 @!p2 $0xFFFFC000  }
0xbf: {  	[spmem:s3] =	stream.indirect.scatter.add.f32 @!p2 [tilespmem:s11], [sflag:$0x3], $0x80, s6, s1, $0xb8;
	[tilespmem:$0x1C400] =	vst v63  }
0xc0: {  	_ =	swait.ge @!p2 [sflag:s12], $0x4000  }
0xc1: {  	[sflag:s12] =	ssyncset.done @!p2 $0x0  }
0xc2: {  	s14 =	simm.s32 @!p2 $0x600;
	s6 =	simm.s32 @!p2 $0x2;
	[sflag:s12] =	ssyncadd.s32 @!p2 $0xFFFFC000  }
0xc3: {  	[tilespmem:s11], [sflag:$0x1] =	stream.indirect.gather @!p2 [hbm4b:s2+s1], $0x80, s14, s1, $0xb8;
	[tilespmem:$0x1C400] =	vst v63  }
0xc4: {  	_ =	swait.ge @!p2 [sflag:s6], $0x4000  }
0xc5: {  	[sflag:s6] =	ssyncset.done @!p2 $0x0  }
0xc6: {  	s14 =	simm.s32 @!p2 $0x580;
	[sflag:s6] =	ssyncadd.s32 @!p2 $0xFFFFC000  }
0xc7: {  	[spmem:s3] =	stream.indirect.scatter.add.f32 @!p2 [tilespmem:s0], [sflag:$0x4], $0x80, s14, s1, $0xb8;
	[tilespmem:$0x1C400] =	vst v63  }
0xc8: {  	_ =	swait.ge @!p2 [sflag:s9], $0x4000  }
0xc9: {  	[sflag:s9] =	ssyncset.done @!p2 $0x0  }
0xca: {  	s14 =	simm.s32 @!p2 $0x700;
	[sflag:s9] =	ssyncadd.s32 @!p2 $0xFFFFC000  }
0xcb: {  	[tilespmem:s0], [sflag:$0x2] =	stream.indirect.gather @!p2 [hbm4b:s2+s1], $0x80, s14, s1, $0xb8;
	[tilespmem:$0x1C400] =	vst v63  }
0xcc: {  	_ =	swait.ge @!p2 [sflag:s10], $0x4000  }
0xcd: {  	[sflag:s10] =	ssyncset.done @!p2 $0x0  }
0xce: {  	s9 =	simm.s32 @!p2 $0x680;
	[sflag:s10] =	ssyncadd.s32 @!p2 $0xFFFFC000  }
0xcf: {  	[spmem:s3] =	stream.indirect.scatter.add.f32 @!p2 [tilespmem:s11], [sflag:$0x3], $0x80, s9, s1, $0xb8;
	[tilespmem:$0x1C400] =	vst v63  }
0xd0: {  	_ =	swait.ge @!p2 [sflag:s12], $0x4000  }
0xd1: {  	s31 =	sadd.s32 $0xFFFFFFFF, s31;
	[sflag:s12] =	ssyncset.done @!p2 $0x0  }
0xd2: {  	p1 =	sne.s32 s31, $0x0;
	s9 =	simm.s32 @!p3 $0x5;
	[sflag:s12] =	ssyncadd.s32 @!p2 $0xFFFFC000  }
.Ltmp3:
0xd3: {  	s30 =	sadd.s32 $0x100, s30;
	_ =	swait.ge @!p3 [sflag:s9], $0x400;
	(pc) =	sbr.rel @p1 .LBB2_6-.Ltmp3, $4  }
0xd4: {  	s28 =	sadd.s32 $0x2, s28;
	s4 =	simm.s32 @!p2 $0x780;
	[sflag:s9] =	ssyncset.done @!p3 $0x0  }
0xd5: {  	s10 =	simm.s32 @!p3 $0x80;
	s11 =	simm.s32 @!p3 $0x800;
	[sflag:s9] =	ssyncadd.s32 @!p3 $0xFFFFFC00  }
0xd6: {  	[tilespmem:s11], [sflag:$0x1] =	stream.indirect.gather @!p3 [hbm4b:s2+s10], $0x80, s7, s10, $0xb8;
	[tilespmem:$0x1C400] =	vst v63  }
0xd7: {  	s29 =	sadd.s32 $0x100, s29;
	p3 =	seq.s32 s28, $0x0;
	_ =	swait.ge @!p2 [sflag:s6], $0x4000  }
.LBB2_7:
0xd8: {  	p0 =	por p2, !p0  }
0xd9: {  	[sflag:s6] =	ssyncset.done @!p0 $0x0  }
0xda: {  	s7 =	simm.s32 @!p3 $0x4;
	[sflag:s6] =	ssyncadd.s32 @!p0 $0xFFFFC000  }
0xdb: {  	[spmem:s3] =	stream.indirect.scatter.add.f32 @!p0 [tilespmem:s0], [sflag:$0x4], $0x80, s4, s1, $0xb8;
	[tilespmem:$0x1C400] =	vst v63  }
0xdc: {  	_ =	swait.ge @!p3 [sflag:s7], $0x4000  }
0xdd: {  	p0 =	sge.u32 s28, s13;
	[sflag:s7] =	ssyncset.done @!p3 $0x0  }
0xde: {  	s0 =	simm.s32 @!p0 $0x0;
	s4 =	simm.s32 @!p0 $0x400;
	[sflag:s7] =	ssyncadd.s32 @!p3 $0xFFFFC000  }
0xdf: {  	[tilespmem:s4], [sflag:$0x6] =	stream.linear.gather @!p0 [hbm4b:s30+s0], $0x400, $0x38;
	[tilespmem:$0x1C400] =	vst v63  }
0xe0: {  	s6 =	rddreg [dreg:$0x4]  }
0xe1: {  	[tilespmem:s20], [sflag:$0x2] =	stream.indirect.gather [hbm4b:s2+s19], $0x80, s6, s19, $0xb8;
	[tilespmem:$0x1C400] =	vst v63  }
0xe2: {  	_ =	swait.ge [sflag:s21], $0x4000  }
0xe3: {  	[sflag:s21] =	ssyncset.done $0x0  }
0xe4: {  	[sflag:s21] =	ssyncadd.s32 $0xFFFFC000  }
0xe5: {  	[spmem:s3] =	stream.indirect.scatter.add.f32 [tilespmem:s17], [sflag:$0x3], $0x80, s19, s19, $0xb8;
	[tilespmem:$0x1C400] =	vst v63  }
0xe6: {  	_ =	swait.ge [sflag:s22], $0x4000  }
0xe7: {  	[sflag:s22] =	ssyncset.done $0x0  }
0xe8: {  	s9 =	rddreg [dreg:$0x5];
	[sflag:s22] =	ssyncadd.s32 $0xFFFFC000  }
0xe9: {  	[tilespmem:s17], [sflag:$0x1] =	stream.indirect.gather [hbm4b:s2+s19], $0x80, s9, s19, $0xb8;
	[tilespmem:$0x1C400] =	vst v63  }
0xea: {  	_ =	swait.ge [sflag:s23], $0x4000  }
0xeb: {  	[sflag:s23] =	ssyncset.done $0x0  }
0xec: {  	s10 =	rddreg [dreg:$0x6];
	[sflag:s23] =	ssyncadd.s32 $0xFFFFC000  }
0xed: {  	[spmem:s3] =	stream.indirect.scatter.add.f32 [tilespmem:s20], [sflag:$0x4], $0x80, s10, s19, $0xb8;
	[tilespmem:$0x1C400] =	vst v63  }
0xee: {  	_ =	swait.ge [sflag:s25], $0x4000  }
0xef: {  	[sflag:s25] =	ssyncset.done $0x0  }
0xf0: {  	s11 =	rddreg [dreg:$0x7];
	[sflag:s25] =	ssyncadd.s32 $0xFFFFC000  }
0xf1: {  	[tilespmem:s20], [sflag:$0x2] =	stream.indirect.gather [hbm4b:s2+s19], $0x80, s11, s19, $0xb8;
	[tilespmem:$0x1C400] =	vst v63  }
0xf2: {  	_ =	swait.ge [sflag:s21], $0x4000  }
0xf3: {  	[sflag:s21] =	ssyncset.done $0x0  }
0xf4: {  	s12 =	rddreg [dreg:$0x8];
	[sflag:s21] =	ssyncadd.s32 $0xFFFFC000  }
0xf5: {  	[spmem:s3] =	stream.indirect.scatter.add.f32 [tilespmem:s17], [sflag:$0x3], $0x80, s12, s19, $0xb8;
	[tilespmem:$0x1C400] =	vst v63  }
0xf6: {  	_ =	swait.ge [sflag:s22], $0x4000  }
0xf7: {  	[sflag:s22] =	ssyncset.done $0x0  }
0xf8: {  	s0 =	simm.s32 @!p0 $0x6;
	[sflag:s22] =	ssyncadd.s32 $0xFFFFC000  }
0xf9: {  	_ =	swait.ge @!p0 [sflag:s0], $0x400  }
0xfa: {  	[sflag:s0] =	ssyncset.done @!p0 $0x0  }
0xfb: {  	s1 =	simm.s32 @!p0 $0x80;
	s6 =	simm.s32 @!p0 $0x800;
	[sflag:s0] =	ssyncadd.s32 @!p0 $0xFFFFFC00  }
0xfc: {  	[tilespmem:s6], [sflag:$0x1] =	stream.indirect.gather @!p0 [hbm4b:s2+s1], $0x80, s4, s1, $0xb8;
	[tilespmem:$0x1C400] =	vst v63  }
0xfd: {  	s1 =	sadd.s32 $0x1, s28;
	_ =	swait.ge [sflag:s23], $0x4000  }
0xfe: {  	p0 =	sge.u32 s1, s8;
	[sflag:s23] =	ssyncset.done $0x0  }
0xff: {  	s14 =	rddreg [dreg:$0x9];
	s4 =	simm.s32 @!p0 $0x4;
	[sflag:s23] =	ssyncadd.s32 $0xFFFFC000  }
0x100: {  	[spmem:s3] =	stream.indirect.scatter.add.f32 [tilespmem:s20], [sflag:$0x4], $0x80, s14, s19, $0xb8;
	[tilespmem:$0x1C400] =	vst v63  }
0x101: {  	p1 =	sge.u32 @!p0 s1, s13;
	_ =	swait.ge @!p0 [sflag:s4], $0x4000  }
0x102: {  	p1 =	por p1, p0;
	[sflag:s4] =	ssyncset.done @!p0 $0x0  }
0x103: {  	s1 =	simm.s32 @!p0 $0x4800;
	s0 =	simm.s32 @!p1 $0x0;
	[sflag:s4] =	ssyncadd.s32 @!p0 $0xFFFFC000  }
0x104: {  	[tilespmem:s0], [sflag:$0x5] =	stream.linear.gather @!p1 [hbm4b:s29+s0], $0x400, $0x38;
	[tilespmem:$0x1C400] =	vst v63  }
0x105: {  	s6 =	simm.s32 @!p0 $0x80;
	s7 =	simm.s32 @!p0 $0x500;
	s9 =	simm.s32 @!p0 $0x1  }
0x106: {  	[tilespmem:s1], [sflag:$0x2] =	stream.indirect.gather @!p0 [hbm4b:s2+s6], $0x80, s7, s6, $0xb8;
	[tilespmem:$0x1C400] =	vst v63  }
0x107: {  	_ =	swait.ge @!p0 [sflag:s9], $0x4000  }
0x108: {  	s10 =	simm.s32 @!p0 $0x800;
	[sflag:s9] =	ssyncset.done @!p0 $0x0  }
0x109: {  	s11 =	simm.s32 @!p0 $0x3;
	s7 =	simm.s32 @!p0 $0x480;
	[sflag:s9] =	ssyncadd.s32 @!p0 $0xFFFFC000  }
0x10a: {  	[spmem:s3] =	stream.indirect.scatter.add.f32 @!p0 [tilespmem:s10], [sflag:$0x3], $0x80, s7, s6, $0xb8;
	[tilespmem:$0x1C400] =	vst v63  }
0x10b: {  	_ =	swait.ge @!p0 [sflag:s11], $0x4000  }
0x10c: {  	[sflag:s11] =	ssyncset.done @!p0 $0x0  }
0x10d: {  	s12 =	simm.s32 @!p0 $0x2;
	s7 =	simm.s32 @!p0 $0x600;
	[sflag:s11] =	ssyncadd.s32 @!p0 $0xFFFFC000  }
0x10e: {  	[tilespmem:s10], [sflag:$0x1] =	stream.indirect.gather @!p0 [hbm4b:s2+s6], $0x80, s7, s6, $0xb8;
	[tilespmem:$0x1C400] =	vst v63  }
0x10f: {  	_ =	swait.ge @!p0 [sflag:s12], $0x4000  }
0x110: {  	[sflag:s12] =	ssyncset.done @!p0 $0x0  }
0x111: {  	s7 =	simm.s32 @!p0 $0x580;
	[sflag:s12] =	ssyncadd.s32 @!p0 $0xFFFFC000  }
0x112: {  	[spmem:s3] =	stream.indirect.scatter.add.f32 @!p0 [tilespmem:s1], [sflag:$0x4], $0x80, s7, s6, $0xb8;
	[tilespmem:$0x1C400] =	vst v63  }
0x113: {  	_ =	swait.ge @!p0 [sflag:s4], $0x4000  }
0x114: {  	[sflag:s4] =	ssyncset.done @!p0 $0x0  }
0x115: {  	[sflag:s4] =	ssyncadd.s32 @!p0 $0xFFFFC000;
	s4 =	simm.s32 @!p0 $0x700  }
0x116: {  	[tilespmem:s1], [sflag:$0x2] =	stream.indirect.gather @!p0 [hbm4b:s2+s6], $0x80, s4, s6, $0xb8;
	[tilespmem:$0x1C400] =	vst v63  }
0x117: {  	_ =	swait.ge @!p0 [sflag:s9], $0x4000  }
0x118: {  	[sflag:s9] =	ssyncset.done @!p0 $0x0  }
0x119: {  	s4 =	simm.s32 @!p0 $0x680;
	[sflag:s9] =	ssyncadd.s32 @!p0 $0xFFFFC000  }
0x11a: {  	[spmem:s3] =	stream.indirect.scatter.add.f32 @!p0 [tilespmem:s10], [sflag:$0x3], $0x80, s4, s6, $0xb8;
	[tilespmem:$0x1C400] =	vst v63  }
0x11b: {  	_ =	swait.ge @!p0 [sflag:s11], $0x4000  }
0x11c: {  	[sflag:s11] =	ssyncset.done @!p0 $0x0  }
0x11d: {  	s4 =	simm.s32 @!p1 $0x5;
	[sflag:s11] =	ssyncadd.s32 @!p0 $0xFFFFC000  }
0x11e: {  	_ =	swait.ge @!p1 [sflag:s4], $0x400  }
0x11f: {  	[sflag:s4] =	ssyncset.done @!p1 $0x0  }
0x120: {  	s7 =	simm.s32 @!p1 $0x80;
	[sflag:s4] =	ssyncadd.s32 @!p1 $0xFFFFFC00;
	s4 =	simm.s32 @!p1 $0x800  }
0x121: {  	[tilespmem:s4], [sflag:$0x1] =	stream.indirect.gather @!p1 [hbm4b:s2+s7], $0x80, s0, s7, $0xb8;
	[tilespmem:$0x1C400] =	vst v63  }
0x122: {  	_ =	swait.ge @!p0 [sflag:s12], $0x4000  }
0x123: {  	[sflag:s12] =	ssyncset.done @!p0 $0x0  }
0x124: {  	s0 =	simm.s32 @!p0 $0x780;
	[sflag:s12] =	ssyncadd.s32 @!p0 $0xFFFFC000  }
0x125: {  	[spmem:s3] =	stream.indirect.scatter.add.f32 @!p0 [tilespmem:s1], [sflag:$0x4], $0x80, s0, s6, $0xb8;
	[tilespmem:$0x1C400] =	vst v63  }
0x126: {  	_ =	swait.ge [sflag:s25], $0x4000  }
0x127: {  	s29 =	stileid.u32;
	[sflag:s25] =	ssyncset.done $0x0  }
0x128: {  	s0 =	sshll.u32 s29, $0x6;
	[sflag:s25] =	ssyncadd.s32 $0xFFFFC000  }
0x129: {  	s30 =	sshrl.u32 s5, $0x3;
	s0 =	sor.u32 $0x1C07, s0;
	[bflag:$0x0] =	sbarrier.arrive $0xFFFF  }
0x12a: {  	[hbm:s24], [sflag:s0] =	dma.local [spmem:s30], $0x2780  }
0x12b: {  	_ =	swait.ge [sflag:s18], $0x2780  }
0x12c: {  	s26 =	sadd.s32 $0x1, s26;
	s31 =	rddreg [dreg:$0x10]  }
0x12d: {  	p0 =	sne.s32 s26, s31  }
.Ltmp4:
0x12e: {  	_ = 	snop;
	(pc) =	sbr.rel @p0 .LBB2_1-.Ltmp4, $4  }
.Ltmp5:
0x12f: {  	_ = 	snop;
	(pc) =	sbr.rel @!p0 .LBB2_8-.Ltmp5, $4  }
0x130: {  	_ = 	snop  }
0x131: {  	[sflag:s18] =	ssyncset.done $0x0  }
0x132: {  	[sflag:s18] =	ssyncadd.s32 $0xFFFFD880  }
0x133: {  	_ = 	snop  }
.LBB2_4:
.Ltmp6:
0x134: {  	(pc) =	sbr.rel .LBB2_7-.Ltmp6, $2  }
0x135: {  	_ =	sdelay $0x2  }
0x136: {  	s30 =	smov.u32 s15;
	s29 =	smov.u32 s16  }
.LBB2_8:
0x137: {  	_ =	sfence.sel $0x180000  }
0x138: {  	[bflag:$0x0] =	sbarrier.arrive $0xFFFF  }
0x139: {  	_ =	strace $0x90000047  }
0x13a: {  	s0 =	stileid.u32;
	[bflag:$0x2] =	sbarrier.arrive $0xFFFF  }
0x13b: {  	p0 =	sne.s32 s0, $0x0;
	s0 =	rddreg [dreg:$0x3]  }
0x13c: {  	s0 =	sadd.s32 @!p0 $0x100000, s0  }
0x13d: {  	[sflag:s0] =	ssyncadd.tile.s32 @!p0 $0x1;
	_ =	shalt  }
.Lfunc_end2:
_tile_overlayer_lowered:
.L_overlay_start_2:
0x13e: {  	(tag) =	ssettag $0x2  }
0x13f: {  	s0 =	rddreg [dreg:$0x0];
	s2 =	stileid.u32  }
0x140: {  	s1 =	rddreg [dreg:$0x1];
	p0 =	sne.s32 s2, $0x0  }
0x141: {  	s3 =	rddreg [dreg:$0x2];
	[bflag:$0x3] =	sbarrier.arrive $0xFFFF;
	s2 =	simm.s32 @!p0 $0x1C07  }
0x142: {  	[timem:s3], [sflag:s2] =	dma.local @!p0 [hbm:s0], s1  }
0x143: {  	s0 =	simm.s32 @!p0 $0x7  }
0x144: {  	_ =	swait.ge @!p0 [sflag:s0], s1  }
0x145: {  	s1 =	ssub.s32 @!p0 $0x0, s1;
	[sflag:s0] =	ssyncset.done @!p0 $0x0  }
0x146: {  	[sflag:s0] =	ssyncadd.s32 @!p0 s1  }
0x147: {  	[bflag:$0x3] =	sbarrier.arrive $0xFFFF  }
0x148: {  	_ =	shalt  }

// kernel: kernel.13.cloned.1.call-start
scs
__scs_entry_jumppad:
0x0: {  	(pc) =	sbr.rel $0x88, $3  }
0x1: {  	(tag) =	ssettag $0x0;
	lr =	simm.s32 $0x1  }
0x2: {  	[smem:$0x3F99] =	sst lr;
	_ =	strace $0xD0000000  }
0x3: {  	_ = 	snop  }
0x4: {  	_ = 	snop  }
0x5: {  	_ = 	snop  }
0x6: {  	_ = 	snop  }
0x7: {  	_ = 	snop  }
__scs_overlays_trampoline_lowered:
0x8: {  	[smem:$0x3FA8] =	sst s0  }
0x9: {  	[smem:$0x3FA9] =	sst s1  }
0xa: {  	[smem:$0x3FAA] =	sst s2  }
0xb: {  	[smem:$0x3FAB] =	sst s3  }
0xc: {  	[smem:$0x3FAC] =	sst s4  }
0xd: {  	[smem:$0x3FAD] =	sst s5  }
0xe: {  	[smem:$0x3FAE] =	sst s6  }
0xf: {  	[smem:$0x3FAF] =	sst s7  }
0x10: {  	[smem:$0x3FB0] =	sst s8  }
0x11: {  	[smem:$0x3FB1] =	sst s9;
	s0 =	simm.s32 @!p0 $0x0  }
0x12: {  	s1 =	sld [smem:$0x3F97];
	s0 =	simm.s32 @p0 $0x1  }
0x13: {  	[smem:$0x3FB2] =	sst s0;
	s0 =	simm.s32 @!p1 $0x0  }
0x14: {  	s2 =	sld [smem:$0x3F96];
	s0 =	simm.s32 @p1 $0x1  }
0x15: {  	[smem:$0x3FB3] =	sst s0;
	s0 =	simm.s32 @!p2 $0x0  }
0x16: {  	s3 =	sld [smem:$0x3FDB];
	s0 =	simm.s32 @p2 $0x1  }
0x17: {  	s4 =	simm.s32 $0x1BF5;
	[smem:$0x3FB5] =	sst s0  }
0x18: {  	s0 =	sld [smem:$0x3F98];
	_ =	swait.ge [sflag:s4], $0x0  }
0x19: {  	s7 =	sld [smem:$0x3F99]  }
0x1a: {  	s8 =	sadd.s32 $0xFFFFE003, lr  }
0x1b: {  	s9 =	sadd.s32 $0xFFFFFEF7, lr;
	s5 =	simm.s32 $0xFFFFFFFF;
	p2 =	slt.u32 s8, $0xFFFFF086  }
0x1c: {  	p1 =	slt.u32 s9, $0xF7A;
	s5 =	simm.s32 @!p2 $0x0  }
0x1d: {  	s5 =	simm.s32 @p1 $0x1;
	p0 =	seq.s32 s7, s2  }
0x1e: {  	s7 =	smul.u32 @!p0 $0xF7A, s2;
	p2 =	seq.s32 @!p0 s5, $0x0  }
0x1f: {  	s9 =	smul.u32 $0xF7A, s1;
	s8 =	simm.s32 @!p0 $0x1BF5;
	p2 =	por !p2, p0  }
0x20: {  	[sflag:s8] =	ssyncset.s32 @!p0 $0xFFFFF086;
	s6 =	sadd.s32 @!p0 s3, s7;
	s7 =	simm.s32 @!p0 $0x108  }
0x21: {  	s3 =	sadd.s32 s3, s9;
	s6 =	sadd.s32 @!p0 $0x88, s6;
	s7 =	simm.s32 @p2 $0x1082  }
0x22: {  	[simem:s7], [sflag:s8] =	dma.local @!p0 [hbm:s6], $0xF7A  }
0x23: {  	s9 =	sor.u32 $0xD0000000, s2;
	s6 =	simm.s32 $0x108;
	_ =	swait.ge @!p0 [sflag:s8], $0x0  }
0x24: {  	s3 =	sadd.s32 $0x88, s3;
	s6 =	simm.s32 @!p1 $0x1082;
	[sflag:s4] =	ssyncset.s32 $0xFFFFF086  }
0x25: {  	[simem:s6], [sflag:s4] =	dma.local [hbm:s3], $0xF7A  }
0x26: {  	[smem:$0x3F99] =	sst s1;
	(tag) =	ssettag s2;
	_ =	strace s9  }
0x27: {  	s1 =	sld [smem:$0x3FA9]  }
0x28: {  	s2 =	sld [smem:$0x3FAA]  }
0x29: {  	s4 =	sld [smem:$0x3FAC]  }
0x2a: {  	p0 =	seq.s32 s5, $0x0;
	s5 =	sld [smem:$0x3FAD]  }
0x2b: {  	s6 =	sld [smem:$0x3FAE]  }
0x2c: {  	s7 =	sld [smem:$0x3FAF]  }
0x2d: {  	s3 =	simm.s32 $0x108;
	s8 =	sld [smem:$0x3FB0]  }
0x2e: {  	s3 =	simm.s32 @!p0 $0x1082;
	s9 =	sld [smem:$0x3FB1]  }
0x2f: {  	lr =	sadd.s32 s0, s3;
	s0 =	sld [smem:$0x3FA8]  }
0x30: {  	s3 =	sld [smem:$0x3FAB]  }
0x31: {  	[smem:$0x3FB4] =	sst s10  }
0x32: {  	s10 =	sld [smem:$0x3FB2];
	_ =	sdelay $0x3  }
0x33: {  	p0 =	seq.s32 s10, $0x1;
	s10 =	sld [smem:$0x3FB4];
	_ =	sdelay $0x3  }
0x34: {  	[smem:$0x3FB4] =	sst s10  }
0x35: {  	s10 =	sld [smem:$0x3FB3];
	_ =	sdelay $0x3  }
0x36: {  	p1 =	seq.s32 s10, $0x1;
	s10 =	sld [smem:$0x3FB4];
	_ =	sdelay $0x3  }
0x37: {  	[smem:$0x3FB4] =	sst s10  }
0x38: {  	s10 =	sld [smem:$0x3FB5]  }
0x39: {  	_ = 	snop;
	(pc) =	sbr.ind lr, $3  }
0x3a: {  	_ = 	snop  }
0x3b: {  	_ = 	snop  }
0x3c: {  	p2 =	seq.s32 s10, $0x1;
	s10 =	sld [smem:$0x3FB4]  }
0x3d: {  	_ =	shalt  }
0x3e: {  	_ =	shalt  }
0x3f: {  	_ =	shalt  }
0x40: {  	_ =	shalt  }
0x41: {  	_ =	shalt  }
0x42: {  	_ =	shalt  }
0x43: {  	_ =	shalt  }
0x44: {  	_ =	shalt  }
0x45: {  	_ =	shalt  }
0x46: {  	_ =	shalt  }
0x47: {  	_ =	shalt  }
0x48: {  	_ =	shalt  }
0x49: {  	_ =	shalt  }
0x4a: {  	_ =	shalt  }
0x4b: {  	_ =	shalt  }
0x4c: {  	_ =	shalt  }
0x4d: {  	_ =	shalt  }
0x4e: {  	_ =	shalt  }
0x4f: {  	_ =	shalt  }
0x50: {  	_ =	shalt  }
0x51: {  	_ =	shalt  }
0x52: {  	_ =	shalt  }
0x53: {  	_ =	shalt  }
0x54: {  	_ =	shalt  }
0x55: {  	_ =	shalt  }
0x56: {  	_ =	shalt  }
0x57: {  	_ =	shalt  }
0x58: {  	_ =	shalt  }
0x59: {  	_ =	shalt  }
0x5a: {  	_ =	shalt  }
0x5b: {  	_ =	shalt  }
0x5c: {  	_ =	shalt  }
0x5d: {  	_ =	shalt  }
0x5e: {  	_ =	shalt  }
0x5f: {  	_ =	shalt  }
0x60: {  	_ =	shalt  }
0x61: {  	_ =	shalt  }
0x62: {  	_ =	shalt  }
0x63: {  	_ =	shalt  }
0x64: {  	_ =	shalt  }
0x65: {  	_ =	shalt  }
0x66: {  	_ =	shalt  }
0x67: {  	_ =	shalt  }
0x68: {  	_ =	shalt  }
0x69: {  	_ =	shalt  }
0x6a: {  	_ =	shalt  }
0x6b: {  	_ =	shalt  }
0x6c: {  	_ =	shalt  }
0x6d: {  	_ =	shalt  }
0x6e: {  	_ =	shalt  }
0x6f: {  	_ =	shalt  }
0x70: {  	_ =	shalt  }
0x71: {  	_ =	shalt  }
0x72: {  	_ =	shalt  }
0x73: {  	_ =	shalt  }
0x74: {  	_ =	shalt  }
0x75: {  	_ =	shalt  }
0x76: {  	_ =	shalt  }
0x77: {  	_ =	shalt  }
0x78: {  	_ =	shalt  }
0x79: {  	_ =	shalt  }
0x7a: {  	_ =	shalt  }
0x7b: {  	_ =	shalt  }
0x7c: {  	_ =	shalt  }
0x7d: {  	_ =	shalt  }
0x7e: {  	_ =	shalt  }
0x7f: {  	_ =	shalt  }
0x80: {  	_ =	shalt  }
0x81: {  	_ =	shalt  }
0x82: {  	_ =	shalt  }
0x83: {  	_ =	shalt  }
0x84: {  	_ =	shalt  }
0x85: {  	_ =	shalt  }
0x86: {  	_ =	shalt  }
0x87: {  	_ =	shalt  }
.Lfunc_end0:
.L_simem_size_0:
called_computation.2_lowered:
.L_overlay_start_0:
0x88: {  	s2 =	sld [smem:$0x3FD9]  }
0x89: {  	s3 =	sld [smem:$0x3FFE];
	_ =	sdelay $0x1  }
0x8a: {  	s1 =	srdreg.scid  }
0x8b: {  	s0 =	sand.u32 $0x1, s1  }
0x8c: {  	s17 =	sshll.u32 s0, $0xA;
	s2 =	sadd.s32 s3, s2  }
0x8d: {  	s2 =	sadd.s32 s2, s17  }
0x8e: {  	[smem:$0x3FC0] =	sst s2  }
0x8f: {  	_ = 	snop  }
0x90: {  	s2 =	sld [smem:$0x3FD0];
	(tm) =	ssettm $0x1  }
0x91: {  	s18 =	sld [smem:$0x3FFB];
	_ =	sdelay $0x3  }
0x92: {  	_ =	strace s18  }
0x93: {  	s3 =	sld [smem:$0x3FFC];
	_ =	sdelay $0x3  }
0x94: {  	_ =	strace s3  }
0x95: {  	s3 =	sld [smem:$0x3FFD];
	_ =	sdelay $0x3  }
0x96: {  	_ =	strace s3  }
0x97: {  	_ =	strace $0x8FFFFFFF  }
0x98: {  	s19 =	sld [smem:$0x3FDB];
	_ =	sdelay $0x1  }
0x99: {  	s4 =	simm.s32 $_scs_section_size  }
0x9a: {  	s5 =	simm.s32 $_size__tile_overlayer_lowered;
	s6 =	simm.s32 $_tile_overlayer_lowered  }
0x9b: {  	s22 =	simm.s32 $0x1BFF;
	s21 =	sshll.u32 s6, $0x1;
	s3 =	sadd.s32 s4, s19  }
0x9c: {  	s7 =	simm.s32 $0x0;
	s20 =	sshll.u32 s5, $0x1;
	s5 =	sadd.s32 s21, s3  }
0x9d: {  	[timem:s7], [sflag:s22] =	dma.local [hbm:s5], s20  }
0x9e: {  	_ =	swait.ge [sflag:s22], s20  }
0x9f: {  	s4 =	ssub.s32 $0x0, s20;
	[sflag:s22] =	ssyncset.done $0x0  }
0xa0: {  	[sflag:s22] =	ssyncadd.s32 s4;
	_ =	sdelay $0x1  }
0xa1: {  	s23 =	simm.s32 $0x1B8B  }
0xa2: {  	_ =	swait.ge [sflag:s23], $0x1  }
0xa3: {  	[sflag:s23] =	ssyncset.done $0x0  }
0xa4: {  	s25 =	simm.s32 $0x1B8E;
	s24 =	sld [smem:$0x3FFE];
	[sflag:s23] =	ssyncadd.s32 $0xFFFFFFFF  }
0xa5: {  	s26 =	simm.s32 $execute0_lowered;
	[smem:$0x3FD2] =	sst s25  }
0xa6: {  	s5 =	sshll.u32 s26, $0x1;
	_ =	strace $0x8000004C;
	[dreg:$0x1] =	wrdreg $0xFFFFFFFF  }
0xa7: {  	s28 =	simm.s32 $_size_execute0_lowered;
	s3 =	sadd.s32 s3, s5;
	[dreg:$0x0] =	wrdreg $0x0  }
0xa8: {  	s5 =	sshll.u32 s28, $0x1;
	[dreg:$0x2] =	wrdreg s3  }
0xa9: {  	[dreg:$0x3] =	wrdreg s5  }
0xaa: {  	[dreg:$0x4] =	wrdreg $0xC0  }
0xab: {  	_ =	task [dreg:s7], $0x5FFFF  }
0xac: {  	[dreg:$0x1] =	wrdreg $0xFFFFFFFF  }
0xad: {  	[dreg:$0x0] =	wrdreg $0x60  }
0xae: {  	[dreg:$0x2] =	wrdreg s2  }
0xaf: {  	[dreg:$0x3] =	wrdreg s24  }
0xb0: {  	[dreg:$0x4] =	wrdreg $0x88000  }
0xb1: {  	[dreg:$0x5] =	wrdreg $0x9  }
0xb2: {  	_ =	task.clear_ibuf [dreg:s7], $0x6FFFF;
	_ =	strace $0x9000004C  }
0xb3: {  	s29 =	simm.s32 $0x9;
	_ =	strace $0x8000004E  }
0xb4: {  	_ =	swait.ge [sflag:s29], $0x1  }
0xb5: {  	[sflag:s29] =	ssyncadd.s32 $0xFFFFFFFF  }
0xb6: {  	_ =	strace $0x9000004E  }
0xb7: {  	_ =	sfence  }
0xb8: {  	s30 =	sld [smem:$0x0];
	_ =	sdelay $0x2  }
0xb9: {  	s31 =	sshll.u32 s1, $0xD;
	s1 =	sshrl.u32 s1, $0x2  }
0xba: {  	s3 =	sand.u32 $0x4000, s31;
	s1 =	sadd.s32 s1, s30  }
0xbb: {  	s0 =	sor.u32 s3, s0;
	s1 =	sshll.u32 s1, $0x11  }
0xbc: {  	s0 =	sor.u32 s1, s0  }
0xbd: {  	s0 =	sadd.s32 $0x8F2B, s0  }
0xbe: {  	[sflag:s0] =	ssyncadd.remote.s32 $0x1  }
0xbf: {  	_ =	sfence.sel $0xFFFF  }
0xc0: {  	[dreg:$0x0] =	wrdreg $0xFFFFFFFF;
	(pc) =	sbr.abs _section_cstart, $3  }
0xc1: {  	[dreg:$0x1] =	wrdreg $0xFFFFFFFF  }
0xc2: {  	_ =	task.clear_ibuf [dreg:s7], $0x2FFFF;
	_ =	strace $0x9FFFFFFF  }
0xc3: {  	(tm) =	ssettm $0x7FFFFFFF  }
tec
execute0_lowered:
.L_overlay_start_1:
0x0: {  	(tag) =	ssettag $0x1  }
0x1: {  	s2 =	rddreg [dreg:$0x0]  }
0x2: {  	s0 =	rddreg [dreg:$0x1]  }
0x3: {  	s3 =	rddreg [dreg:$0x2];
	s9 =	stileid.u32  }
0x4: {  	s1 =	srdreg.scid;
	s6 =	simm.s32 $0x0;
	s8 =	simm.s32 $0x1A  }
0x5: {  	s25 =	simm.s32 $0x100;
	s26 =	simm.s32 $0x200;
	s28 =	simm.s32 $0x180  }
0x6: {  	s29 =	simm.s32 $0x300;
	s30 =	simm.s32 $0x280;
	[smem:$0x7FF] =	sst s6  }
0x7: {  	s4 =	smul.u32 $0xE, s9;
	_ =	strace $0x8000004D;
	[dreg:$0x4] =	wrdreg s25  }
0x8: {  	s31 =	simm.s32 $0x380;
	s5 =	smul.u32 $0x1A, s9;
	[dreg:$0x5] =	wrdreg s26  }
0x9: {  	s1 =	sand.u32 $0x1, s1;
	s16 =	smul.u32 $0x4F000, s9;
	[dreg:$0x6] =	wrdreg s28  }
0xa: {  	s24 =	smul.u32 $0x2780, s9;
	p0 =	seq.s32 s1, $0x0;
	[dreg:$0x7] =	wrdreg s29  }
0xb: {  	s17 =	smul.u32 $0x27800, s1;
	s1 =	ssub.s32 $0x2, s1;
	[dreg:$0x8] =	wrdreg s30  }
0xc: {  	[dreg:$0x9] =	wrdreg s31;
	s25 =	simm.s32 $0x4;
	s26 =	simm.s32 $0x0  }
0xd: {  	s4 =	sadd.s32 $0x1A0, s4;
	s7 =	sshrl.u32 s1, $0x1;
	s8 =	simm.s32 @!p0 $0xE  }
0xe: {  	s4 =	smov.u32 @p0 s5;
	s5 =	sshrl.u32 s16, $0x2;
	s1 =	ssub.s32 s1, s7  }
0xf: {  	s23 =	sshrl.u32 s8, $0x1;
	s13 =	sadd.s32 $0xFFFFFFFF, s8;
	s4 =	sshll.u32 s4, $0x7  }
0x10: {  	s5 =	sadd.s32 s5, s3;
	[dreg:$0xf] =	wrdreg s23;
	s1 =	smax.u32 s1, $0x1  }
0x11: {  	s23 =	simm.s32 $0x2;
	s18 =	sadd.s32 $0x4000, s5;
	[dreg:$0x10] =	wrdreg s1  }
0x12: {  	s4 =	sadd.s32 s4, s0;
	s19 =	sadd.s32 $0x8000, s5;
	[dreg:$0xa] =	wrdreg s18  }
0x13: {  	s0 =	sadd.s32 s17, s0;
	s20 =	sadd.s32 $0xC000, s5;
	[dreg:$0xb] =	wrdreg s19  }
0x14: {  	s21 =	sadd.s32 $0x10000, s5;
	s17 =	simm.s32 $0x800;
	[dreg:$0xc] =	wrdreg s20  }
0x15: {  	[dreg:$0xd] =	wrdreg s21;
	s22 =	sadd.s32 $0x2400, s4;
	s0 =	sadd.s32 $0x16400, s0  }
0x16: {  	s15 =	sadd.s32 $0x2480, s4;
	s16 =	sadd.s32 $0x2500, s4;
	s18 =	simm.s32 $0x7  }
0x17: {  	s19 =	simm.s32 $0x80;
	s20 =	simm.s32 $0x4800;
	s21 =	simm.s32 $0x1  }
0x18: {  	v0 =	vimm.f32 $0.0e+00;
	[dreg:$0xe] =	wrdreg s22;
	s22 =	simm.s32 $0x3;
	s24 =	sadd.s32 s24, s0  }
.LBB2_1:
0x19: {  	s1 =	simm.s32 $0x0  }
0x1a: {  	s0 =	sand.u32 $0xFE00, s1  }
0x1b: {  	s1 =	sand.u32 $0x70, s1;
	s4 =	sshrl.u32 s0, $0x2  }
0x1c: {  	s0 =	simm.s32 $0x40;
	s4 =	sor.u32 s1, s4;
	s1 =	simm.s32 $0x0  }
.LBB2_2:
0x1d: {  	p0 =	sne.s32 s0, $0xFFC0  }
0x1e: {  	[tilespmem:s4+$0x800] =	vst v0;
	s1 =	sadd.s32 $0x10, s1;
	s4 =	smov.u32 s0;
	s0 =	sadd.s32 $0x40, s0  }
.Ltmp0:
0x1f: {  	(pc) =	sbr.rel @p0 .LBB2_2-.Ltmp0, $4  }
0x20: {  	_ = 	snop  }
0x21: {  	s4 =	sand.u32 $0xFE00, s4  }
0x22: {  	s6 =	sand.u32 $0x70, s1;
	s4 =	sshrl.u32 s4, $0x2  }
0x23: {  	s4 =	sor.u32 s6, s4  }
0x24: {  	[tilespmem:s4+$0x800] =	vst v0  }
0x25: {  	[spmem:s5] =	stream.linear.scatter [tilespmem:s17], [sflag:$0x7], $0x4000, $0x38;
	[tilespmem:$0x1C400] =	vst v63  }
0x26: {  	_ =	swait.ge [sflag:s18], $0x4000  }
0x27: {  	[sflag:s18] =	ssyncset.done $0x0  }
0x28: {  	s0 =	rddreg [dreg:$0xa];
	[sflag:s18] =	ssyncadd.s32 $0xFFFFC000  }
0x29: {  	[spmem:s0] =	stream.linear.scatter [tilespmem:s17], [sflag:$0x7], $0x4000, $0x38;
	[tilespmem:$0x1C400] =	vst v63  }
0x2a: {  	_ =	swait.ge [sflag:s18], $0x4000  }
0x2b: {  	[sflag:s18] =	ssyncset.done $0x0  }
0x2c: {  	s12 =	rddreg [dreg:$0xb];
	[sflag:s18] =	ssyncadd.s32 $0xFFFFC000  }
0x2d: {  	[spmem:s12] =	stream.linear.scatter [tilespmem:s17], [sflag:$0x7], $0x4000, $0x38;
	[tilespmem:$0x1C400] =	vst v63  }
0x2e: {  	_ =	swait.ge [sflag:s18], $0x4000  }
0x2f: {  	[sflag:s18] =	ssyncset.done $0x0  }
0x30: {  	s14 =	rddreg [dreg:$0xc];
	[sflag:s18] =	ssyncadd.s32 $0xFFFFC000  }
0x31: {  	[spmem:s14] =	stream.linear.scatter [tilespmem:s17], [sflag:$0x7], $0x4000, $0x38;
	[tilespmem:$0x1C400] =	vst v63  }
0x32: {  	_ =	swait.ge [sflag:s18], $0x4000  }
0x33: {  	[sflag:s18] =	ssyncset.done $0x0  }
0x34: {  	s29 =	rddreg [dreg:$0xd];
	[sflag:s18] =	ssyncadd.s32 $0xFFFFC000  }
0x35: {  	[spmem:s29] =	stream.linear.scatter [tilespmem:s17], [sflag:$0x7], $0x3C00, $0x38;
	[tilespmem:$0x1C400] =	vst v63  }
0x36: {  	_ =	swait.ge [sflag:s18], $0x3C00  }
0x37: {  	[sflag:s18] =	ssyncset.done $0x0  }
0x38: {  	[sflag:s18] =	ssyncadd.s32 $0xFFFFC400  }
0x39: {  	[bflag:$0x0] =	sbarrier.arrive $0xFFFF  }
0x3a: {  	s28 =	simm.s32 $0x0;
	s30 =	rddreg [dreg:$0xe]  }
0x3b: {  	[tilespmem:s28], [sflag:$0x7] =	stream.linear.gather [hbm4b:s30+s28], $0x400, $0x38;
	[tilespmem:$0x1C400] =	vst v63  }
0x3c: {  	_ =	swait.ge [sflag:s18], $0x400  }
0x3d: {  	s31 =	rddreg [dreg:$0xf]  }
0x3e: {  	s4 =	sadd.s32 $0xFFFFFFFF, s31  }
0x3f: {  	p1 =	sne.s32 s4, $0x0  }
.Ltmp1:
0x40: {  	_ = 	snop;
	(pc) =	sbr.rel @!p1 .LBB2_4-.Ltmp1, $4  }
0x41: {  	_ = 	snop  }
0x42: {  	[sflag:s18] =	ssyncset.done $0x0  }
0x43: {  	p3 =	por $0x1, $0x1;
	p0 =	por $0x0, $0x0;
	[sflag:s18] =	ssyncadd.s32 $0xFFFFFC00  }
0x44: {  	[tilespmem:s17], [sflag:$0x1] =	stream.indirect.gather [hbm4b:s2+s19], $0x80, s28, s19, $0xb8;
	[tilespmem:$0x1C400] =	vst v63  }
0x45: {  	s0 =	simm.s32 @!p3 $0x4  }
0x46: {  	_ =	swait.ge @!p3 [sflag:s0], $0x4000  }
0x47: {  	p0 =	sle.u32 s13, $0x0;
	[sflag:s0] =	ssyncset.done @!p3 $0x0  }
0x48: {  	s1 =	simm.s32 @!p0 $0x0;
	[sflag:s0] =	ssyncadd.s32 @!p3 $0xFFFFC000;
	s0 =	simm.s32 @!p0 $0x400  }
0x49: {  	[tilespmem:s0], [sflag:$0x6] =	stream.linear.gather @!p0 [hbm4b:s15+s1], $0x400, $0x38;
	[tilespmem:$0x1C400] =	vst v63  }
0x4a: {  	s6 =	rddreg [dreg:$0x4]  }
0x4b: {  	[tilespmem:s20], [sflag:$0x2] =	stream.indirect.gather [hbm4b:s2+s19], $0x80, s6, s19, $0xb8;
	[tilespmem:$0x1C400] =	vst v63  }
0x4c: {  	_ =	swait.ge [sflag:s21], $0x4000  }
0x4d: {  	[sflag:s21] =	ssyncset.done $0x0  }
0x4e: {  	[sflag:s21] =	ssyncadd.s32 $0xFFFFC000  }
0x4f: {  	[spmem:s3] =	stream.indirect.scatter.add.f32 [tilespmem:s17], [sflag:$0x3], $0x80, s19, s19, $0xb8;
	[tilespmem:$0x1C400] =	vst v63  }
0x50: {  	_ =	swait.ge [sflag:s22], $0x4000  }
0x51: {  	[sflag:s22] =	ssyncset.done $0x0  }
0x52: {  	s9 =	rddreg [dreg:$0x5];
	[sflag:s22] =	ssyncadd.s32 $0xFFFFC000  }
0x53: {  	[tilespmem:s17], [sflag:$0x1] =	stream.indirect.gather [hbm4b:s2+s19], $0x80, s9, s19, $0xb8;
	[tilespmem:$0x1C400] =	vst v63  }
0x54: {  	_ =	swait.ge [sflag:s23], $0x4000  }
0x55: {  	[sflag:s23] =	ssyncset.done $0x0  }
0x56: {  	s10 =	rddreg [dreg:$0x6];
	[sflag:s23] =	ssyncadd.s32 $0xFFFFC000  }
0x57: {  	[spmem:s3] =	stream.indirect.scatter.add.f32 [tilespmem:s20], [sflag:$0x4], $0x80, s10, s19, $0xb8;
	[tilespmem:$0x1C400] =	vst v63  }
0x58: {  	_ =	swait.ge [sflag:s25], $0x4000  }
0x59: {  	[sflag:s25] =	ssyncset.done $0x0  }
0x5a: {  	s11 =	rddreg [dreg:$0x7];
	[sflag:s25] =	ssyncadd.s32 $0xFFFFC000  }
0x5b: {  	[tilespmem:s20], [sflag:$0x2] =	stream.indirect.gather [hbm4b:s2+s19], $0x80, s11, s19, $0xb8;
	[tilespmem:$0x1C400] =	vst v63  }
0x5c: {  	_ =	swait.ge [sflag:s21], $0x4000  }
0x5d: {  	[sflag:s21] =	ssyncset.done $0x0  }
0x5e: {  	s12 =	rddreg [dreg:$0x8];
	[sflag:s21] =	ssyncadd.s32 $0xFFFFC000  }
0x5f: {  	[spmem:s3] =	stream.indirect.scatter.add.f32 [tilespmem:s17], [sflag:$0x3], $0x80, s12, s19, $0xb8;
	[tilespmem:$0x1C400] =	vst v63  }
0x60: {  	_ =	swait.ge [sflag:s22], $0x4000  }
0x61: {  	[sflag:s22] =	ssyncset.done $0x0  }
0x62: {  	s1 =	simm.s32 @!p0 $0x6;
	[sflag:s22] =	ssyncadd.s32 $0xFFFFC000  }
0x63: {  	_ =	swait.ge @!p0 [sflag:s1], $0x400  }
0x64: {  	[sflag:s1] =	ssyncset.done @!p0 $0x0  }
0x65: {  	s7 =	simm.s32 @!p0 $0x800;
	s6 =	simm.s32 @!p0 $0x80;
	[sflag:s1] =	ssyncadd.s32 @!p0 $0xFFFFFC00  }
0x66: {  	[tilespmem:s7], [sflag:$0x1] =	stream.indirect.gather @!p0 [hbm4b:s2+s6], $0x80, s0, s6, $0xb8;
	[tilespmem:$0x1C400] =	vst v63  }
0x67: {  	_ =	swait.ge [sflag:s23], $0x4000  }
0x68: {  	p2 =	sle.u32 s8, $0x1;
	[sflag:s23] =	ssyncset.done $0x0  }
0x69: {  	s7 =	simm.s32 @!p2 $0x4;
	s14 =	rddreg [dreg:$0x9];
	[sflag:s23] =	ssyncadd.s32 $0xFFFFC000  }
0x6a: {  	[spmem:s3] =	stream.indirect.scatter.add.f32 [tilespmem:s20], [sflag:$0x4], $0x80, s14, s19, $0xb8;
	[tilespmem:$0x1C400] =	vst v63  }
0x6b: {  	p0 =	sle.u32 @!p2 s13, $0x1;
	_ =	swait.ge @!p2 [sflag:s7], $0x4000  }
0x6c: {  	p0 =	por p0, p2;
	[sflag:s7] =	ssyncset.done @!p2 $0x0  }
0x6d: {  	s29 =	simm.s32 @!p2 $0x1;
	s28 =	simm.s32 @!p0 $0x0;
	[sflag:s7] =	ssyncadd.s32 @!p2 $0xFFFFC000  }
0x6e: {  	[tilespmem:s28], [sflag:$0x5] =	stream.linear.gather @!p0 [hbm4b:s16+s28], $0x400, $0x38;
	[tilespmem:$0x1C400] =	vst v63  }
0x6f: {  	s1 =	simm.s32 @!p2 $0x80;
	s0 =	simm.s32 @!p2 $0x4800;
	s6 =	simm.s32 @!p2 $0x500  }
0x70: {  	[tilespmem:s0], [sflag:$0x2] =	stream.indirect.gather @!p2 [hbm4b:s2+s1], $0x80, s6, s1, $0xb8;
	[tilespmem:$0x1C400] =	vst v63  }
0x71: {  	_ =	swait.ge @!p2 [sflag:s29], $0x4000  }
0x72: {  	s30 =	simm.s32 @!p2 $0x800;
	[sflag:s29] =	ssyncset.done @!p2 $0x0  }
0x73: {  	s31 =	simm.s32 @!p2 $0x3;
	s6 =	simm.s32 @!p2 $0x480;
	[sflag:s29] =	ssyncadd.s32 @!p2 $0xFFFFC000  }
0x74: {  	[spmem:s3] =	stream.indirect.scatter.add.f32 @!p2 [tilespmem:s30], [sflag:$0x3], $0x80, s6, s1, $0xb8;
	[tilespmem:$0x1C400] =	vst v63  }
0x75: {  	_ =	swait.ge @!p2 [sflag:s31], $0x4000  }
0x76: {  	[sflag:s31] =	ssyncset.done @!p2 $0x0  }
0x77: {  	s9 =	simm.s32 @!p2 $0x600;
	s6 =	simm.s32 @!p2 $0x2;
	[sflag:s31] =	ssyncadd.s32 @!p2 $0xFFFFC000  }
0x78: {  	[tilespmem:s30], [sflag:$0x1] =	stream.indirect.gather @!p2 [hbm4b:s2+s1], $0x80, s9, s1, $0xb8;
	[tilespmem:$0x1C400] =	vst v63  }
0x79: {  	_ =	swait.ge @!p2 [sflag:s6], $0x4000  }
0x7a: {  	[sflag:s6] =	ssyncset.done @!p2 $0x0  }
0x7b: {  	s9 =	simm.s32 @!p2 $0x580;
	[sflag:s6] =	ssyncadd.s32 @!p2 $0xFFFFC000  }
0x7c: {  	[spmem:s3] =	stream.indirect.scatter.add.f32 @!p2 [tilespmem:s0], [sflag:$0x4], $0x80, s9, s1, $0xb8;
	[tilespmem:$0x1C400] =	vst v63  }
0x7d: {  	_ =	swait.ge @!p2 [sflag:s7], $0x4000  }
0x7e: {  	[sflag:s7] =	ssyncset.done @!p2 $0x0  }
0x7f: {  	s9 =	simm.s32 @!p2 $0x700;
	[sflag:s7] =	ssyncadd.s32 @!p2 $0xFFFFC000  }
0x80: {  	[tilespmem:s0], [sflag:$0x2] =	stream.indirect.gather @!p2 [hbm4b:s2+s1], $0x80, s9, s1, $0xb8;
	[tilespmem:$0x1C400] =	vst v63  }
0x81: {  	_ =	swait.ge @!p2 [sflag:s29], $0x4000  }
0x82: {  	[sflag:s29] =	ssyncset.done @!p2 $0x0  }
0x83: {  	s7 =	simm.s32 @!p2 $0x680;
	[sflag:s29] =	ssyncadd.s32 @!p2 $0xFFFFC000  }
0x84: {  	[spmem:s3] =	stream.indirect.scatter.add.f32 @!p2 [tilespmem:s30], [sflag:$0x3], $0x80, s7, s1, $0xb8;
	[tilespmem:$0x1C400] =	vst v63  }
0x85: {  	_ =	swait.ge @!p2 [sflag:s31], $0x4000  }
0x86: {  	[sflag:s31] =	ssyncset.done @!p2 $0x0  }
0x87: {  	s7 =	simm.s32 @!p0 $0x5;
	[sflag:s31] =	ssyncadd.s32 @!p2 $0xFFFFC000;
	s31 =	sadd.s32 $0xFFFFFFFF, s4  }
0x88: {  	_ =	swait.ge @!p0 [sflag:s7], $0x400;
	p1 =	sne.s32 s31, $0x0  }
.Ltmp2:
0x89: {  	p3 =	por $0x0, $0x0;
	[sflag:s7] =	ssyncset.done @!p0 $0x0;
	(pc) =	sbr.rel @!p1 .LBB2_7-.Ltmp2, $4  }
0x8a: {  	s9 =	simm.s32 @!p0 $0x80;
	s29 =	simm.s32 @!p0 $0x800;
	[sflag:s7] =	ssyncadd.s32 @!p0 $0xFFFFFC00  }
0x8b: {  	[tilespmem:s29], [sflag:$0x1] =	stream.indirect.gather @!p0 [hbm4b:s2+s9], $0x80, s28, s9, $0xb8;
	[tilespmem:$0x1C400] =	vst v63  }
0x8c: {  	s30 =	sadd.s32 $0x100, s15;
	s4 =	simm.s32 @!p2 $0x780;
	s28 =	simm.s32 $0x2  }
0x8d: {  	s29 =	sadd.s32 $0x100, s16;
	p0 =	por $0x1, $0x1;
	_ =	swait.ge @!p2 [sflag:s6], $0x4000  }
.LBB2_6:
0x8e: {  	[sflag:s6] =	ssyncset.done @!p2 $0x0  }
0x8f: {  	s7 =	simm.s32 @!p3 $0x4;
	[sflag:s6] =	ssyncadd.s32 @!p2 $0xFFFFC000  }
0x90: {  	[spmem:s3] =	stream.indirect.scatter.add.f32 @!p2 [tilespmem:s0], [sflag:$0x4], $0x80, s4, s1, $0xb8;
	[tilespmem:$0x1C400] =	vst v63  }
0x91: {  	_ =	swait.ge @!p3 [sflag:s7], $0x4000  }
0x92: {  	p2 =	sge.u32 s28, s13;
	[sflag:s7] =	ssyncset.done @!p3 $0x0  }
0x93: {  	s1 =	simm.s32 @!p2 $0x0;
	s0 =	simm.s32 @!p2 $0x400;
	[sflag:s7] =	ssyncadd.s32 @!p3 $0xFFFFC000  }
0x94: {  	[tilespmem:s0], [sflag:$0x6] =	stream.linear.gather @!p2 [hbm4b:s30+s1], $0x400, $0x38;
	[tilespmem:$0x1C400] =	vst v63  }
0x95: {  	s6 =	rddreg [dreg:$0x4]  }
0x96: {  	[tilespmem:s20], [sflag:$0x2] =	stream.indirect.gather [hbm4b:s2+s19], $0x80, s6, s19, $0xb8;
	[tilespmem:$0x1C400] =	vst v63  }
0x97: {  	_ =	swait.ge [sflag:s21], $0x4000  }
0x98: {  	[sflag:s21] =	ssyncset.done $0x0  }
0x99: {  	[sflag:s21] =	ssyncadd.s32 $0xFFFFC000  }
0x9a: {  	[spmem:s3] =	stream.indirect.scatter.add.f32 [tilespmem:s17], [sflag:$0x3], $0x80, s19, s19, $0xb8;
	[tilespmem:$0x1C400] =	vst v63  }
0x9b: {  	_ =	swait.ge [sflag:s22], $0x4000  }
0x9c: {  	[sflag:s22] =	ssyncset.done $0x0  }
0x9d: {  	s9 =	rddreg [dreg:$0x5];
	[sflag:s22] =	ssyncadd.s32 $0xFFFFC000  }
0x9e: {  	[tilespmem:s17], [sflag:$0x1] =	stream.indirect.gather [hbm4b:s2+s19], $0x80, s9, s19, $0xb8;
	[tilespmem:$0x1C400] =	vst v63  }
0x9f: {  	_ =	swait.ge [sflag:s23], $0x4000  }
0xa0: {  	[sflag:s23] =	ssyncset.done $0x0  }
0xa1: {  	s10 =	rddreg [dreg:$0x6];
	[sflag:s23] =	ssyncadd.s32 $0xFFFFC000  }
0xa2: {  	[spmem:s3] =	stream.indirect.scatter.add.f32 [tilespmem:s20], [sflag:$0x4], $0x80, s10, s19, $0xb8;
	[tilespmem:$0x1C400] =	vst v63  }
0xa3: {  	_ =	swait.ge [sflag:s25], $0x4000  }
0xa4: {  	[sflag:s25] =	ssyncset.done $0x0  }
0xa5: {  	s11 =	rddreg [dreg:$0x7];
	[sflag:s25] =	ssyncadd.s32 $0xFFFFC000  }
0xa6: {  	[tilespmem:s20], [sflag:$0x2] =	stream.indirect.gather [hbm4b:s2+s19], $0x80, s11, s19, $0xb8;
	[tilespmem:$0x1C400] =	vst v63  }
0xa7: {  	_ =	swait.ge [sflag:s21], $0x4000  }
0xa8: {  	[sflag:s21] =	ssyncset.done $0x0  }
0xa9: {  	s12 =	rddreg [dreg:$0x8];
	[sflag:s21] =	ssyncadd.s32 $0xFFFFC000  }
0xaa: {  	[spmem:s3] =	stream.indirect.scatter.add.f32 [tilespmem:s17], [sflag:$0x3], $0x80, s12, s19, $0xb8;
	[tilespmem:$0x1C400] =	vst v63  }
0xab: {  	_ =	swait.ge [sflag:s22], $0x4000  }
0xac: {  	[sflag:s22] =	ssyncset.done $0x0  }
0xad: {  	s1 =	simm.s32 @!p2 $0x6;
	[sflag:s22] =	ssyncadd.s32 $0xFFFFC000  }
0xae: {  	_ =	swait.ge @!p2 [sflag:s1], $0x400  }
0xaf: {  	[sflag:s1] =	ssyncset.done @!p2 $0x0  }
0xb0: {  	s4 =	simm.s32 @!p2 $0x80;
	s6 =	simm.s32 @!p2 $0x800;
	[sflag:s1] =	ssyncadd.s32 @!p2 $0xFFFFFC00  }
0xb1: {  	[tilespmem:s6], [sflag:$0x1] =	stream.indirect.gather @!p2 [hbm4b:s2+s4], $0x80, s0, s4, $0xb8;
	[tilespmem:$0x1C400] =	vst v63  }
0xb2: {  	s1 =	sadd.s32 $0x1, s28;
	_ =	swait.ge [sflag:s23], $0x4000  }
0xb3: {  	p2 =	sge.u32 s1, s8;
	[sflag:s23] =	ssyncset.done $0x0  }
0xb4: {  	s9 =	simm.s32 @!p2 $0x4;
	s14 =	rddreg [dreg:$0x9];
	[sflag:s23] =	ssyncadd.s32 $0xFFFFC000  }
0xb5: {  	[spmem:s3] =	stream.indirect.scatter.add.f32 [tilespmem:s20], [sflag:$0x4], $0x80, s14, s19, $0xb8;
	[tilespmem:$0x1C400] =	vst v63  }
0xb6: {  	p3 =	sge.u32 @!p2 s1, s13;
	_ =	swait.ge @!p2 [sflag:s9], $0x4000  }
0xb7: {  	p3 =	por p3, p2;
	[sflag:s9] =	ssyncset.done @!p2 $0x0  }
0xb8: {  	s0 =	simm.s32 @!p2 $0x4800;
	s7 =	simm.s32 @!p3 $0x0;
	[sflag:s9] =	ssyncadd.s32 @!p2 $0xFFFFC000  }
0xb9: {  	[tilespmem:s7], [sflag:$0x5] =	stream.linear.gather @!p3 [hbm4b:s29+s7], $0x400, $0x38;
	[tilespmem:$0x1C400] =	vst v63  }
0xba: {  	s1 =	simm.s32 @!p2 $0x80;
	s6 =	simm.s32 @!p2 $0x500;
	s10 =	simm.s32 @!p2 $0x1  }
0xbb: {  	[tilespmem:s0], [sflag:$0x2] =	stream.indirect.gather @!p2 [hbm4b:s2+s1], $0x80, s6, s1, $0xb8;
	[tilespmem:$0x1C400] =	vst v63  }
0xbc: {  	_ =	swait.ge @!p2 [sflag:s10], $0x4000  }
0xbd: {  	s11 =	simm.s32 @!p2 $0x800;
	[sflag:s10] =	ssyncset.done @!p2 $0x0  }
0xbe: {  	s12 =	simm.s32 @!p2 $0x3;
	s6 =	simm.s32 @!p2 $0x480;
	[sflag:s10] =	ssyncadd.s32 @!p2 $0xFFFFC000  }
0xbf: {  	[spmem:s3] =	stream.indirect.scatter.add.f32 @!p2 [tilespmem:s11], [sflag:$0x3], $0x80, s6, s1, $0xb8;
	[tilespmem:$0x1C400] =	vst v63  }
0xc0: {  	_ =	swait.ge @!p2 [sflag:s12], $0x4000  }
0xc1: {  	[sflag:s12] =	ssyncset.done @!p2 $0x0  }
0xc2: {  	s14 =	simm.s32 @!p2 $0x600;
	s6 =	simm.s32 @!p2 $0x2;
	[sflag:s12] =	ssyncadd.s32 @!p2 $0xFFFFC000  }
0xc3: {  	[tilespmem:s11], [sflag:$0x1] =	stream.indirect.gather @!p2 [hbm4b:s2+s1], $0x80, s14, s1, $0xb8;
	[tilespmem:$0x1C400] =	vst v63  }
0xc4: {  	_ =	swait.ge @!p2 [sflag:s6], $0x4000  }
0xc5: {  	[sflag:s6] =	ssyncset.done @!p2 $0x0  }
0xc6: {  	s14 =	simm.s32 @!p2 $0x580;
	[sflag:s6] =	ssyncadd.s32 @!p2 $0xFFFFC000  }
0xc7: {  	[spmem:s3] =	stream.indirect.scatter.add.f32 @!p2 [tilespmem:s0], [sflag:$0x4], $0x80, s14, s1, $0xb8;
	[tilespmem:$0x1C400] =	vst v63  }
0xc8: {  	_ =	swait.ge @!p2 [sflag:s9], $0x4000  }
0xc9: {  	[sflag:s9] =	ssyncset.done @!p2 $0x0  }
0xca: {  	s14 =	simm.s32 @!p2 $0x700;
	[sflag:s9] =	ssyncadd.s32 @!p2 $0xFFFFC000  }
0xcb: {  	[tilespmem:s0], [sflag:$0x2] =	stream.indirect.gather @!p2 [hbm4b:s2+s1], $0x80, s14, s1, $0xb8;
	[tilespmem:$0x1C400] =	vst v63  }
0xcc: {  	_ =	swait.ge @!p2 [sflag:s10], $0x4000  }
0xcd: {  	[sflag:s10] =	ssyncset.done @!p2 $0x0  }
0xce: {  	s9 =	simm.s32 @!p2 $0x680;
	[sflag:s10] =	ssyncadd.s32 @!p2 $0xFFFFC000  }
0xcf: {  	[spmem:s3] =	stream.indirect.scatter.add.f32 @!p2 [tilespmem:s11], [sflag:$0x3], $0x80, s9, s1, $0xb8;
	[tilespmem:$0x1C400] =	vst v63  }
0xd0: {  	_ =	swait.ge @!p2 [sflag:s12], $0x4000  }
0xd1: {  	s31 =	sadd.s32 $0xFFFFFFFF, s31;
	[sflag:s12] =	ssyncset.done @!p2 $0x0  }
0xd2: {  	p1 =	sne.s32 s31, $0x0;
	s9 =	simm.s32 @!p3 $0x5;
	[sflag:s12] =	ssyncadd.s32 @!p2 $0xFFFFC000  }
.Ltmp3:
0xd3: {  	s30 =	sadd.s32 $0x100, s30;
	_ =	swait.ge @!p3 [sflag:s9], $0x400;
	(pc) =	sbr.rel @p1 .LBB2_6-.Ltmp3, $4  }
0xd4: {  	s28 =	sadd.s32 $0x2, s28;
	s4 =	simm.s32 @!p2 $0x780;
	[sflag:s9] =	ssyncset.done @!p3 $0x0  }
0xd5: {  	s10 =	simm.s32 @!p3 $0x80;
	s11 =	simm.s32 @!p3 $0x800;
	[sflag:s9] =	ssyncadd.s32 @!p3 $0xFFFFFC00  }
0xd6: {  	[tilespmem:s11], [sflag:$0x1] =	stream.indirect.gather @!p3 [hbm4b:s2+s10], $0x80, s7, s10, $0xb8;
	[tilespmem:$0x1C400] =	vst v63  }
0xd7: {  	s29 =	sadd.s32 $0x100, s29;
	p3 =	seq.s32 s28, $0x0;
	_ =	swait.ge @!p2 [sflag:s6], $0x4000  }
.LBB2_7:
0xd8: {  	p0 =	por p2, !p0  }
0xd9: {  	[sflag:s6] =	ssyncset.done @!p0 $0x0  }
0xda: {  	s7 =	simm.s32 @!p3 $0x4;
	[sflag:s6] =	ssyncadd.s32 @!p0 $0xFFFFC000  }
0xdb: {  	[spmem:s3] =	stream.indirect.scatter.add.f32 @!p0 [tilespmem:s0], [sflag:$0x4], $0x80, s4, s1, $0xb8;
	[tilespmem:$0x1C400] =	vst v63  }
0xdc: {  	_ =	swait.ge @!p3 [sflag:s7], $0x4000  }
0xdd: {  	p0 =	sge.u32 s28, s13;
	[sflag:s7] =	ssyncset.done @!p3 $0x0  }
0xde: {  	s0 =	simm.s32 @!p0 $0x0;
	s4 =	simm.s32 @!p0 $0x400;
	[sflag:s7] =	ssyncadd.s32 @!p3 $0xFFFFC000  }
0xdf: {  	[tilespmem:s4], [sflag:$0x6] =	stream.linear.gather @!p0 [hbm4b:s30+s0], $0x400, $0x38;
	[tilespmem:$0x1C400] =	vst v63  }
0xe0: {  	s6 =	rddreg [dreg:$0x4]  }
0xe1: {  	[tilespmem:s20], [sflag:$0x2] =	stream.indirect.gather [hbm4b:s2+s19], $0x80, s6, s19, $0xb8;
	[tilespmem:$0x1C400] =	vst v63  }
0xe2: {  	_ =	swait.ge [sflag:s21], $0x4000  }
0xe3: {  	[sflag:s21] =	ssyncset.done $0x0  }
0xe4: {  	[sflag:s21] =	ssyncadd.s32 $0xFFFFC000  }
0xe5: {  	[spmem:s3] =	stream.indirect.scatter.add.f32 [tilespmem:s17], [sflag:$0x3], $0x80, s19, s19, $0xb8;
	[tilespmem:$0x1C400] =	vst v63  }
0xe6: {  	_ =	swait.ge [sflag:s22], $0x4000  }
0xe7: {  	[sflag:s22] =	ssyncset.done $0x0  }
0xe8: {  	s9 =	rddreg [dreg:$0x5];
	[sflag:s22] =	ssyncadd.s32 $0xFFFFC000  }
0xe9: {  	[tilespmem:s17], [sflag:$0x1] =	stream.indirect.gather [hbm4b:s2+s19], $0x80, s9, s19, $0xb8;
	[tilespmem:$0x1C400] =	vst v63  }
0xea: {  	_ =	swait.ge [sflag:s23], $0x4000  }
0xeb: {  	[sflag:s23] =	ssyncset.done $0x0  }
0xec: {  	s10 =	rddreg [dreg:$0x6];
	[sflag:s23] =	ssyncadd.s32 $0xFFFFC000  }
0xed: {  	[spmem:s3] =	stream.indirect.scatter.add.f32 [tilespmem:s20], [sflag:$0x4], $0x80, s10, s19, $0xb8;
	[tilespmem:$0x1C400] =	vst v63  }
0xee: {  	_ =	swait.ge [sflag:s25], $0x4000  }
0xef: {  	[sflag:s25] =	ssyncset.done $0x0  }
0xf0: {  	s11 =	rddreg [dreg:$0x7];
	[sflag:s25] =	ssyncadd.s32 $0xFFFFC000  }
0xf1: {  	[tilespmem:s20], [sflag:$0x2] =	stream.indirect.gather [hbm4b:s2+s19], $0x80, s11, s19, $0xb8;
	[tilespmem:$0x1C400] =	vst v63  }
0xf2: {  	_ =	swait.ge [sflag:s21], $0x4000  }
0xf3: {  	[sflag:s21] =	ssyncset.done $0x0  }
0xf4: {  	s12 =	rddreg [dreg:$0x8];
	[sflag:s21] =	ssyncadd.s32 $0xFFFFC000  }
0xf5: {  	[spmem:s3] =	stream.indirect.scatter.add.f32 [tilespmem:s17], [sflag:$0x3], $0x80, s12, s19, $0xb8;
	[tilespmem:$0x1C400] =	vst v63  }
0xf6: {  	_ =	swait.ge [sflag:s22], $0x4000  }
0xf7: {  	[sflag:s22] =	ssyncset.done $0x0  }
0xf8: {  	s0 =	simm.s32 @!p0 $0x6;
	[sflag:s22] =	ssyncadd.s32 $0xFFFFC000  }
0xf9: {  	_ =	swait.ge @!p0 [sflag:s0], $0x400  }
0xfa: {  	[sflag:s0] =	ssyncset.done @!p0 $0x0  }
0xfb: {  	s1 =	simm.s32 @!p0 $0x80;
	s6 =	simm.s32 @!p0 $0x800;
	[sflag:s0] =	ssyncadd.s32 @!p0 $0xFFFFFC00  }
0xfc: {  	[tilespmem:s6], [sflag:$0x1] =	stream.indirect.gather @!p0 [hbm4b:s2+s1], $0x80, s4, s1, $0xb8;
	[tilespmem:$0x1C400] =	vst v63  }
0xfd: {  	s1 =	sadd.s32 $0x1, s28;
	_ =	swait.ge [sflag:s23], $0x4000  }
0xfe: {  	p0 =	sge.u32 s1, s8;
	[sflag:s23] =	ssyncset.done $0x0  }
0xff: {  	s14 =	rddreg [dreg:$0x9];
	s4 =	simm.s32 @!p0 $0x4;
	[sflag:s23] =	ssyncadd.s32 $0xFFFFC000  }
0x100: {  	[spmem:s3] =	stream.indirect.scatter.add.f32 [tilespmem:s20], [sflag:$0x4], $0x80, s14, s19, $0xb8;
	[tilespmem:$0x1C400] =	vst v63  }
0x101: {  	p1 =	sge.u32 @!p0 s1, s13;
	_ =	swait.ge @!p0 [sflag:s4], $0x4000  }
0x102: {  	p1 =	por p1, p0;
	[sflag:s4] =	ssyncset.done @!p0 $0x0  }
0x103: {  	s1 =	simm.s32 @!p0 $0x4800;
	s0 =	simm.s32 @!p1 $0x0;
	[sflag:s4] =	ssyncadd.s32 @!p0 $0xFFFFC000  }
0x104: {  	[tilespmem:s0], [sflag:$0x5] =	stream.linear.gather @!p1 [hbm4b:s29+s0], $0x400, $0x38;
	[tilespmem:$0x1C400] =	vst v63  }
0x105: {  	s6 =	simm.s32 @!p0 $0x80;
	s7 =	simm.s32 @!p0 $0x500;
	s9 =	simm.s32 @!p0 $0x1  }
0x106: {  	[tilespmem:s1], [sflag:$0x2] =	stream.indirect.gather @!p0 [hbm4b:s2+s6], $0x80, s7, s6, $0xb8;
	[tilespmem:$0x1C400] =	vst v63  }
0x107: {  	_ =	swait.ge @!p0 [sflag:s9], $0x4000  }
0x108: {  	s10 =	simm.s32 @!p0 $0x800;
	[sflag:s9] =	ssyncset.done @!p0 $0x0  }
0x109: {  	s11 =	simm.s32 @!p0 $0x3;
	s7 =	simm.s32 @!p0 $0x480;
	[sflag:s9] =	ssyncadd.s32 @!p0 $0xFFFFC000  }
0x10a: {  	[spmem:s3] =	stream.indirect.scatter.add.f32 @!p0 [tilespmem:s10], [sflag:$0x3], $0x80, s7, s6, $0xb8;
	[tilespmem:$0x1C400] =	vst v63  }
0x10b: {  	_ =	swait.ge @!p0 [sflag:s11], $0x4000  }
0x10c: {  	[sflag:s11] =	ssyncset.done @!p0 $0x0  }
0x10d: {  	s12 =	simm.s32 @!p0 $0x2;
	s7 =	simm.s32 @!p0 $0x600;
	[sflag:s11] =	ssyncadd.s32 @!p0 $0xFFFFC000  }
0x10e: {  	[tilespmem:s10], [sflag:$0x1] =	stream.indirect.gather @!p0 [hbm4b:s2+s6], $0x80, s7, s6, $0xb8;
	[tilespmem:$0x1C400] =	vst v63  }
0x10f: {  	_ =	swait.ge @!p0 [sflag:s12], $0x4000  }
0x110: {  	[sflag:s12] =	ssyncset.done @!p0 $0x0  }
0x111: {  	s7 =	simm.s32 @!p0 $0x580;
	[sflag:s12] =	ssyncadd.s32 @!p0 $0xFFFFC000  }
0x112: {  	[spmem:s3] =	stream.indirect.scatter.add.f32 @!p0 [tilespmem:s1], [sflag:$0x4], $0x80, s7, s6, $0xb8;
	[tilespmem:$0x1C400] =	vst v63  }
0x113: {  	_ =	swait.ge @!p0 [sflag:s4], $0x4000  }
0x114: {  	[sflag:s4] =	ssyncset.done @!p0 $0x0  }
0x115: {  	[sflag:s4] =	ssyncadd.s32 @!p0 $0xFFFFC000;
	s4 =	simm.s32 @!p0 $0x700  }
0x116: {  	[tilespmem:s1], [sflag:$0x2] =	stream.indirect.gather @!p0 [hbm4b:s2+s6], $0x80, s4, s6, $0xb8;
	[tilespmem:$0x1C400] =	vst v63  }
0x117: {  	_ =	swait.ge @!p0 [sflag:s9], $0x4000  }
0x118: {  	[sflag:s9] =	ssyncset.done @!p0 $0x0  }
0x119: {  	s4 =	simm.s32 @!p0 $0x680;
	[sflag:s9] =	ssyncadd.s32 @!p0 $0xFFFFC000  }
0x11a: {  	[spmem:s3] =	stream.indirect.scatter.add.f32 @!p0 [tilespmem:s10], [sflag:$0x3], $0x80, s4, s6, $0xb8;
	[tilespmem:$0x1C400] =	vst v63  }
0x11b: {  	_ =	swait.ge @!p0 [sflag:s11], $0x4000  }
0x11c: {  	[sflag:s11] =	ssyncset.done @!p0 $0x0  }
0x11d: {  	s4 =	simm.s32 @!p1 $0x5;
	[sflag:s11] =	ssyncadd.s32 @!p0 $0xFFFFC000  }
0x11e: {  	_ =	swait.ge @!p1 [sflag:s4], $0x400  }
0x11f: {  	[sflag:s4] =	ssyncset.done @!p1 $0x0  }
0x120: {  	s7 =	simm.s32 @!p1 $0x80;
	[sflag:s4] =	ssyncadd.s32 @!p1 $0xFFFFFC00;
	s4 =	simm.s32 @!p1 $0x800  }
0x121: {  	[tilespmem:s4], [sflag:$0x1] =	stream.indirect.gather @!p1 [hbm4b:s2+s7], $0x80, s0, s7, $0xb8;
	[tilespmem:$0x1C400] =	vst v63  }
0x122: {  	_ =	swait.ge @!p0 [sflag:s12], $0x4000  }
0x123: {  	[sflag:s12] =	ssyncset.done @!p0 $0x0  }
0x124: {  	s0 =	simm.s32 @!p0 $0x780;
	[sflag:s12] =	ssyncadd.s32 @!p0 $0xFFFFC000  }
0x125: {  	[spmem:s3] =	stream.indirect.scatter.add.f32 @!p0 [tilespmem:s1], [sflag:$0x4], $0x80, s0, s6, $0xb8;
	[tilespmem:$0x1C400] =	vst v63  }
0x126: {  	_ =	swait.ge [sflag:s25], $0x4000  }
0x127: {  	s29 =	stileid.u32;
	[sflag:s25] =	ssyncset.done $0x0  }
0x128: {  	s0 =	sshll.u32 s29, $0x6;
	[sflag:s25] =	ssyncadd.s32 $0xFFFFC000  }
0x129: {  	s30 =	sshrl.u32 s5, $0x3;
	s0 =	sor.u32 $0x1C07, s0;
	[bflag:$0x0] =	sbarrier.arrive $0xFFFF  }
0x12a: {  	[hbm:s24], [sflag:s0] =	dma.local [spmem:s30], $0x2780  }
0x12b: {  	_ =	swait.ge [sflag:s18], $0x2780  }
0x12c: {  	s26 =	sadd.s32 $0x1, s26;
	s31 =	rddreg [dreg:$0x10]  }
0x12d: {  	p0 =	sne.s32 s26, s31  }
.Ltmp4:
0x12e: {  	_ = 	snop;
	(pc) =	sbr.rel @p0 .LBB2_1-.Ltmp4, $4  }
.Ltmp5:
0x12f: {  	_ = 	snop;
	(pc) =	sbr.rel @!p0 .LBB2_8-.Ltmp5, $4  }
0x130: {  	_ = 	snop  }
0x131: {  	[sflag:s18] =	ssyncset.done $0x0  }
0x132: {  	[sflag:s18] =	ssyncadd.s32 $0xFFFFD880  }
0x133: {  	_ = 	snop  }
.LBB2_4:
.Ltmp6:
0x134: {  	(pc) =	sbr.rel .LBB2_7-.Ltmp6, $2  }
0x135: {  	_ =	sdelay $0x2  }
0x136: {  	s30 =	smov.u32 s15;
	s29 =	smov.u32 s16  }
.LBB2_8:
0x137: {  	_ =	sfence.sel $0x180000  }
0x138: {  	[bflag:$0x0] =	sbarrier.arrive $0xFFFF  }
0x139: {  	_ =	strace $0x9000004D  }
0x13a: {  	s0 =	stileid.u32;
	[bflag:$0x2] =	sbarrier.arrive $0xFFFF  }
0x13b: {  	p0 =	sne.s32 s0, $0x0;
	s0 =	rddreg [dreg:$0x3]  }
0x13c: {  	s0 =	sadd.s32 @!p0 $0x100000, s0  }
0x13d: {  	[sflag:s0] =	ssyncadd.tile.s32 @!p0 $0x1;
	_ =	shalt  }
.Lfunc_end2:
_tile_overlayer_lowered:
.L_overlay_start_2:
0x13e: {  	(tag) =	ssettag $0x2  }
0x13f: {  	s0 =	rddreg [dreg:$0x0];
	s2 =	stileid.u32  }
0x140: {  	s1 =	rddreg [dreg:$0x1];
	p0 =	sne.s32 s2, $0x0  }
0x141: {  	s3 =	rddreg [dreg:$0x2];
	[bflag:$0x3] =	sbarrier.arrive $0xFFFF;
	s2 =	simm.s32 @!p0 $0x1C07  }
0x142: {  	[timem:s3], [sflag:s2] =	dma.local @!p0 [hbm:s0], s1  }
0x143: {  	s0 =	simm.s32 @!p0 $0x7  }
0x144: {  	_ =	swait.ge @!p0 [sflag:s0], s1  }
0x145: {  	s1 =	ssub.s32 @!p0 $0x0, s1;
	[sflag:s0] =	ssyncset.done @!p0 $0x0  }
0x146: {  	[sflag:s0] =	ssyncadd.s32 @!p0 s1  }
0x147: {  	[bflag:$0x3] =	sbarrier.arrive $0xFFFF  }
0x148: {  	_ =	shalt  }

// kernel: kernel.7.cloned.1.call-start
scs
__scs_entry_jumppad:
0x0: {  	(pc) =	sbr.rel $0x88, $3  }
0x1: {  	(tag) =	ssettag $0x0;
	lr =	simm.s32 $0x1  }
0x2: {  	[smem:$0x3F99] =	sst lr;
	_ =	strace $0xD0000000  }
0x3: {  	_ = 	snop  }
0x4: {  	_ = 	snop  }
0x5: {  	_ = 	snop  }
0x6: {  	_ = 	snop  }
0x7: {  	_ = 	snop  }
__scs_overlays_trampoline_lowered:
0x8: {  	[smem:$0x3FA8] =	sst s0  }
0x9: {  	[smem:$0x3FA9] =	sst s1  }
0xa: {  	[smem:$0x3FAA] =	sst s2  }
0xb: {  	[smem:$0x3FAB] =	sst s3  }
0xc: {  	[smem:$0x3FAC] =	sst s4  }
0xd: {  	[smem:$0x3FAD] =	sst s5  }
0xe: {  	[smem:$0x3FAE] =	sst s6  }
0xf: {  	[smem:$0x3FAF] =	sst s7  }
0x10: {  	[smem:$0x3FB0] =	sst s8  }
0x11: {  	[smem:$0x3FB1] =	sst s9;
	s0 =	simm.s32 @!p0 $0x0  }
0x12: {  	s1 =	sld [smem:$0x3F97];
	s0 =	simm.s32 @p0 $0x1  }
0x13: {  	[smem:$0x3FB2] =	sst s0;
	s0 =	simm.s32 @!p1 $0x0  }
0x14: {  	s2 =	sld [smem:$0x3F96];
	s0 =	simm.s32 @p1 $0x1  }
0x15: {  	[smem:$0x3FB3] =	sst s0;
	s0 =	simm.s32 @!p2 $0x0  }
0x16: {  	s3 =	sld [smem:$0x3FDB];
	s0 =	simm.s32 @p2 $0x1  }
0x17: {  	s4 =	simm.s32 $0x1BF5;
	[smem:$0x3FB5] =	sst s0  }
0x18: {  	s0 =	sld [smem:$0x3F98];
	_ =	swait.ge [sflag:s4], $0x0  }
0x19: {  	s7 =	sld [smem:$0x3F99]  }
0x1a: {  	s8 =	sadd.s32 $0xFFFFE003, lr  }
0x1b: {  	s9 =	sadd.s32 $0xFFFFFEF7, lr;
	s5 =	simm.s32 $0xFFFFFFFF;
	p2 =	slt.u32 s8, $0xFFFFF086  }
0x1c: {  	p1 =	slt.u32 s9, $0xF7A;
	s5 =	simm.s32 @!p2 $0x0  }
0x1d: {  	s5 =	simm.s32 @p1 $0x1;
	p0 =	seq.s32 s7, s2  }
0x1e: {  	s7 =	smul.u32 @!p0 $0xF7A, s2;
	p2 =	seq.s32 @!p0 s5, $0x0  }
0x1f: {  	s9 =	smul.u32 $0xF7A, s1;
	s8 =	simm.s32 @!p0 $0x1BF5;
	p2 =	por !p2, p0  }
0x20: {  	[sflag:s8] =	ssyncset.s32 @!p0 $0xFFFFF086;
	s6 =	sadd.s32 @!p0 s3, s7;
	s7 =	simm.s32 @!p0 $0x108  }
0x21: {  	s3 =	sadd.s32 s3, s9;
	s6 =	sadd.s32 @!p0 $0x88, s6;
	s7 =	simm.s32 @p2 $0x1082  }
0x22: {  	[simem:s7], [sflag:s8] =	dma.local @!p0 [hbm:s6], $0xF7A  }
0x23: {  	s9 =	sor.u32 $0xD0000000, s2;
	s6 =	simm.s32 $0x108;
	_ =	swait.ge @!p0 [sflag:s8], $0x0  }
0x24: {  	s3 =	sadd.s32 $0x88, s3;
	s6 =	simm.s32 @!p1 $0x1082;
	[sflag:s4] =	ssyncset.s32 $0xFFFFF086  }
0x25: {  	[simem:s6], [sflag:s4] =	dma.local [hbm:s3], $0xF7A  }
0x26: {  	[smem:$0x3F99] =	sst s1;
	(tag) =	ssettag s2;
	_ =	strace s9  }
0x27: {  	s1 =	sld [smem:$0x3FA9]  }
0x28: {  	s2 =	sld [smem:$0x3FAA]  }
0x29: {  	s4 =	sld [smem:$0x3FAC]  }
0x2a: {  	p0 =	seq.s32 s5, $0x0;
	s5 =	sld [smem:$0x3FAD]  }
0x2b: {  	s6 =	sld [smem:$0x3FAE]  }
0x2c: {  	s7 =	sld [smem:$0x3FAF]  }
0x2d: {  	s3 =	simm.s32 $0x108;
	s8 =	sld [smem:$0x3FB0]  }
0x2e: {  	s3 =	simm.s32 @!p0 $0x1082;
	s9 =	sld [smem:$0x3FB1]  }
0x2f: {  	lr =	sadd.s32 s0, s3;
	s0 =	sld [smem:$0x3FA8]  }
0x30: {  	s3 =	sld [smem:$0x3FAB]  }
0x31: {  	[smem:$0x3FB4] =	sst s10  }
0x32: {  	s10 =	sld [smem:$0x3FB2];
	_ =	sdelay $0x3  }
0x33: {  	p0 =	seq.s32 s10, $0x1;
	s10 =	sld [smem:$0x3FB4];
	_ =	sdelay $0x3  }
0x34: {  	[smem:$0x3FB4] =	sst s10  }
0x35: {  	s10 =	sld [smem:$0x3FB3];
	_ =	sdelay $0x3  }
0x36: {  	p1 =	seq.s32 s10, $0x1;
	s10 =	sld [smem:$0x3FB4];
	_ =	sdelay $0x3  }
0x37: {  	[smem:$0x3FB4] =	sst s10  }
0x38: {  	s10 =	sld [smem:$0x3FB5]  }
0x39: {  	_ = 	snop;
	(pc) =	sbr.ind lr, $3  }
0x3a: {  	_ = 	snop  }
0x3b: {  	_ = 	snop  }
0x3c: {  	p2 =	seq.s32 s10, $0x1;
	s10 =	sld [smem:$0x3FB4]  }
0x3d: {  	_ =	shalt  }
0x3e: {  	_ =	shalt  }
0x3f: {  	_ =	shalt  }
0x40: {  	_ =	shalt  }
0x41: {  	_ =	shalt  }
0x42: {  	_ =	shalt  }
0x43: {  	_ =	shalt  }
0x44: {  	_ =	shalt  }
0x45: {  	_ =	shalt  }
0x46: {  	_ =	shalt  }
0x47: {  	_ =	shalt  }
0x48: {  	_ =	shalt  }
0x49: {  	_ =	shalt  }
0x4a: {  	_ =	shalt  }
0x4b: {  	_ =	shalt  }
0x4c: {  	_ =	shalt  }
0x4d: {  	_ =	shalt  }
0x4e: {  	_ =	shalt  }
0x4f: {  	_ =	shalt  }
0x50: {  	_ =	shalt  }
0x51: {  	_ =	shalt  }
0x52: {  	_ =	shalt  }
0x53: {  	_ =	shalt  }
0x54: {  	_ =	shalt  }
0x55: {  	_ =	shalt  }
0x56: {  	_ =	shalt  }
0x57: {  	_ =	shalt  }
0x58: {  	_ =	shalt  }
0x59: {  	_ =	shalt  }
0x5a: {  	_ =	shalt  }
0x5b: {  	_ =	shalt  }
0x5c: {  	_ =	shalt  }
0x5d: {  	_ =	shalt  }
0x5e: {  	_ =	shalt  }
0x5f: {  	_ =	shalt  }
0x60: {  	_ =	shalt  }
0x61: {  	_ =	shalt  }
0x62: {  	_ =	shalt  }
0x63: {  	_ =	shalt  }
0x64: {  	_ =	shalt  }
0x65: {  	_ =	shalt  }
0x66: {  	_ =	shalt  }
0x67: {  	_ =	shalt  }
0x68: {  	_ =	shalt  }
0x69: {  	_ =	shalt  }
0x6a: {  	_ =	shalt  }
0x6b: {  	_ =	shalt  }
0x6c: {  	_ =	shalt  }
0x6d: {  	_ =	shalt  }
0x6e: {  	_ =	shalt  }
0x6f: {  	_ =	shalt  }
0x70: {  	_ =	shalt  }
0x71: {  	_ =	shalt  }
0x72: {  	_ =	shalt  }
0x73: {  	_ =	shalt  }
0x74: {  	_ =	shalt  }
0x75: {  	_ =	shalt  }
0x76: {  	_ =	shalt  }
0x77: {  	_ =	shalt  }
0x78: {  	_ =	shalt  }
0x79: {  	_ =	shalt  }
0x7a: {  	_ =	shalt  }
0x7b: {  	_ =	shalt  }
0x7c: {  	_ =	shalt  }
0x7d: {  	_ =	shalt  }
0x7e: {  	_ =	shalt  }
0x7f: {  	_ =	shalt  }
0x80: {  	_ =	shalt  }
0x81: {  	_ =	shalt  }
0x82: {  	_ =	shalt  }
0x83: {  	_ =	shalt  }
0x84: {  	_ =	shalt  }
0x85: {  	_ =	shalt  }
0x86: {  	_ =	shalt  }
0x87: {  	_ =	shalt  }
.Lfunc_end0:
.L_simem_size_0:
called_computation_lowered:
.L_overlay_start_0:
0x88: {  	s2 =	sld [smem:$0x3FD9]  }
0x89: {  	s3 =	sld [smem:$0x3FFE];
	_ =	sdelay $0x1  }
0x8a: {  	s1 =	srdreg.scid  }
0x8b: {  	s0 =	sand.u32 $0x1, s1  }
0x8c: {  	s17 =	sshll.u32 s0, $0xA;
	s2 =	sadd.s32 s3, s2  }
0x8d: {  	s2 =	sadd.s32 s2, s17  }
0x8e: {  	[smem:$0x3FC0] =	sst s2  }
0x8f: {  	_ = 	snop  }
0x90: {  	s18 =	sld [smem:$0x3FD0];
	(tm) =	ssettm $0x1  }
0x91: {  	s19 =	sld [smem:$0x3FFB];
	_ =	sdelay $0x3  }
0x92: {  	_ =	strace s19  }
0x93: {  	s2 =	sld [smem:$0x3FFC];
	_ =	sdelay $0x3  }
0x94: {  	_ =	strace s2  }
0x95: {  	s2 =	sld [smem:$0x3FFD];
	_ =	sdelay $0x3  }
0x96: {  	_ =	strace s2  }
0x97: {  	_ =	strace $0x8FFFFFFF  }
0x98: {  	s20 =	sld [smem:$0x3FDB];
	_ =	sdelay $0x1  }
0x99: {  	s4 =	simm.s32 $_scs_section_size  }
0x9a: {  	s5 =	simm.s32 $_size__tile_overlayer_lowered;
	s6 =	simm.s32 $_tile_overlayer_lowered  }
0x9b: {  	s7 =	simm.s32 $0x1BFF;
	s21 =	sshll.u32 s6, $0x1;
	s4 =	sadd.s32 s4, s20  }
0x9c: {  	s22 =	simm.s32 $0x0;
	s5 =	sshll.u32 s5, $0x1;
	s6 =	sadd.s32 s21, s4  }
0x9d: {  	[timem:s22], [sflag:s7] =	dma.local [hbm:s6], s5  }
0x9e: {  	_ =	swait.ge [sflag:s7], s5  }
0x9f: {  	s5 =	ssub.s32 $0x0, s5;
	[sflag:s7] =	ssyncset.done $0x0  }
0xa0: {  	[sflag:s7] =	ssyncadd.s32 s5;
	_ =	sdelay $0x1  }
0xa1: {  	s23 =	simm.s32 $0x1B8B  }
0xa2: {  	_ =	swait.ge [sflag:s23], $0x1  }
0xa3: {  	[sflag:s23] =	ssyncset.done $0x0  }
0xa4: {  	[sflag:s23] =	ssyncadd.s32 $0xFFFFFFFF  }
0xa5: {  	s5 =	sld [smem:$0x0]  }
0xa6: {  	s6 =	sand.u32 $0xFFFFFFFE, s1  }
0xa7: {  	p0 =	sne.s32 s1, s6  }
0xa8: {  	s6 =	sshll.u32 @p0 s6, $0xE  }
0xa9: {  	s6 =	sadd.s32 @p0 $0x11B8D, s6;
	s7 =	sshll.u32 @p0 s5, $0x11  }
0xaa: {  	s6 =	sor.u32 @p0 s7, s6  }
0xab: {  	[sflag:s6] =	ssyncadd.remote.s32 @p0 $0x1;
	_ =	sdelay $0x1  }
0xac: {  	s6 =	simm.s32 @p0 $0x1B8D  }
0xad: {  	_ =	swait.eq @p0 [sflag:s6], $0x1  }
0xae: {  	[sflag:s6] =	ssyncadd.s32 @p0 $0xFFFFFFFF  }
0xaf: {  	s7 =	sshll.u32 @!p0 s1, $0xE  }
0xb0: {  	s7 =	sor.u32 @!p0 $0x4000, s7;
	s6 =	simm.s32 @!p0 $0x1B8D  }
0xb1: {  	s5 =	sshll.u32 @!p0 s5, $0x11;
	s7 =	sadd.s32 @!p0 $0x11B8D, s7;
	_ =	swait.eq @!p0 [sflag:s6], $0x1  }
0xb2: {  	s5 =	sor.u32 @!p0 s5, s7;
	[sflag:s6] =	ssyncadd.s32 @!p0 $0xFFFFFFFF  }
0xb3: {  	s25 =	simm.s32 $0x1B8E;
	s24 =	sld [smem:$0x3FFE];
	[sflag:s5] =	ssyncadd.remote.s32 @!p0 $0x1  }
0xb4: {  	s26 =	simm.s32 $execute0_lowered;
	[smem:$0x3FD2] =	sst s25  }
0xb5: {  	s6 =	sshll.u32 s26, $0x1;
	_ =	strace $0x80000049;
	[dreg:$0x1] =	wrdreg $0xFFFFFFFF  }
0xb6: {  	s28 =	simm.s32 $_size_execute0_lowered;
	s4 =	sadd.s32 s4, s6;
	[dreg:$0x0] =	wrdreg $0x0  }
0xb7: {  	s6 =	sshll.u32 s28, $0x1;
	[dreg:$0x2] =	wrdreg s4  }
0xb8: {  	[dreg:$0x3] =	wrdreg s6  }
0xb9: {  	[dreg:$0x4] =	wrdreg $0xC0  }
0xba: {  	_ =	task [dreg:s22], $0x5FFFF  }
0xbb: {  	[dreg:$0x1] =	wrdreg $0xFFFFFFFF  }
0xbc: {  	[dreg:$0x0] =	wrdreg $0x60  }
0xbd: {  	[dreg:$0x2] =	wrdreg s18  }
0xbe: {  	[dreg:$0x3] =	wrdreg s24  }
0xbf: {  	[dreg:$0x4] =	wrdreg $0x41000  }
0xc0: {  	[dreg:$0x5] =	wrdreg $0x9  }
0xc1: {  	_ =	task.clear_ibuf [dreg:s22], $0x6FFFF;
	_ =	strace $0x90000049  }
0xc2: {  	s29 =	simm.s32 $0x9;
	_ =	strace $0x8000004B  }
0xc3: {  	_ =	swait.ge [sflag:s29], $0x1  }
0xc4: {  	[sflag:s29] =	ssyncadd.s32 $0xFFFFFFFF  }
0xc5: {  	_ =	strace $0x9000004B  }
0xc6: {  	_ =	sfence  }
0xc7: {  	s30 =	sld [smem:$0x0];
	_ =	sdelay $0x2  }
0xc8: {  	s31 =	sshll.u32 s1, $0xD;
	s1 =	sshrl.u32 s1, $0x2  }
0xc9: {  	s4 =	sand.u32 $0x4000, s31;
	s1 =	sadd.s32 s1, s30  }
0xca: {  	s0 =	sor.u32 s4, s0;
	s1 =	sshll.u32 s1, $0x11  }
0xcb: {  	s0 =	sor.u32 s1, s0  }
0xcc: {  	s0 =	sadd.s32 $0x8F2B, s0  }
0xcd: {  	[sflag:s0] =	ssyncadd.remote.s32 $0x1  }
0xce: {  	_ =	sfence.sel $0xFFFF  }
0xcf: {  	[dreg:$0x0] =	wrdreg $0xFFFFFFFF;
	(pc) =	sbr.abs _section_cstart, $3  }
0xd0: {  	[dreg:$0x1] =	wrdreg $0xFFFFFFFF  }
0xd1: {  	_ =	task.clear_ibuf [dreg:s22], $0x2FFFF;
	_ =	strace $0x9FFFFFFF  }
0xd2: {  	(tm) =	ssettm $0x7FFFFFFF  }
0xd3: {  	_ =	shalt  }
tec
execute0_lowered:
.L_overlay_start_1:
0x0: {  	(tag) =	ssettag $0x1  }
0x1: {  	s14 =	rddreg [dreg:$0x0]  }
0x2: {  	s4 =	rddreg [dreg:$0x1]  }
0x3: {  	s1 =	rddreg [dreg:$0x2];
	s3 =	srdreg.scid  }
0x4: {  	s0 =	rddreg [dreg:$0x3];
	s2 =	simm.s32 $0x0;
	s9 =	sand.u32 $0x1, s3  }
0x5: {  	s17 =	simm.s32 $0x80;
	s3 =	stileid.u32;
	s5 =	smul.u32 $0x27800, s9  }
0x6: {  	s18 =	simm.s32 $0x3;
	s19 =	simm.s32 $0x4;
	s6 =	smul.u32 $0x4F000, s3  }
0x7: {  	s20 =	simm.s32 $0x1;
	[smem:$0x7FF] =	sst s2;
	s15 =	smul.u32 $0x28000, s9  }
0x8: {  	s21 =	simm.s32 $0x2;
	_ =	strace $0x8000004A;
	s16 =	smul.u32 $0x2800, s3  }
0x9: {  	s25 =	ssub.s32 $0x2, s9;
	s26 =	sshll.u32 s9, $0x4;
	s23 =	smul.u32 $0x2780, s3  }
0xa: {  	s7 =	sshrl.u32 s25, $0x1;
	s10 =	sadd.s32 s5, s4;
	s5 =	sor.u32 s3, s26  }
0xb: {  	s6 =	sshrl.u32 s6, $0x2;
	s11 =	ssub.s32 s25, s7;
	s30 =	sadd.s32 s16, s15  }
0xc: {  	s16 =	simm.s32 $0x5;
	s4 =	sadd.s32 s6, s1;
	s12 =	smul.u32 $0x2800, s5  }
0xd: {  	s22 =	sadd.s32 $0x65400, s10;
	s10 =	smax.u32 s11, $0x1;
	s15 =	sor.u32 $0x200, s30  }
0xe: {  	s5 =	sadd.s32 $0x4000, s4;
	s6 =	sadd.s32 $0x8000, s4;
	s7 =	sadd.s32 $0xC000, s4  }
0xf: {  	s8 =	sadd.s32 $0x10000, s4;
	s15 =	sshrl.u32 s15, $0x3;
	s22 =	sadd.s32 s23, s22  }
.Ltmp0:
0x10: {  	s23 =	simm.s32 $0x0;
	s13 =	sshrl.u32 s12, $0x3;
	(pc) =	sbr.rel .LBB2_1-.Ltmp0, $4  }
0x11: {  	s28 =	sor.u32 $0x80, s12;
	s12 =	sor.u32 $0x100, s12;
	s9 =	sadd.s32 s14, s13  }
0x12: {  	s29 =	sshrl.u32 s28, $0x3;
	s13 =	sor.u32 $0x180, s30;
	s12 =	sshrl.u32 s12, $0x3  }
0x13: {  	s11 =	sadd.s32 s14, s29;
	s31 =	sshrl.u32 s13, $0x3;
	s12 =	sadd.s32 s14, s12  }
0x14: {  	v0 =	vimm.f32 $0.0e+00;
	v1 =	vimm.f32 $1.000000000e+00;
	s13 =	sadd.s32 s15, s14;
	s15 =	simm.s32 $0x100;
	s14 =	sadd.s32 s31, s14  }
.LBB2_8:
0x15: {  	_ =	swait.ge [sflag:s21], $0x4000  }
0x16: {  	s24 =	sshll.u32 s3, $0x6;
	s23 =	sadd.s32 $0x1, s23;
	[sflag:s21] =	ssyncset.done $0x0  }
0x17: {  	s25 =	sshrl.u32 s4, $0x3;
	p0 =	sne.s32 s23, s10;
	[sflag:s21] =	ssyncadd.s32 $0xFFFFC000  }
.Ltmp1:
0x18: {  	s24 =	sor.u32 $0x1C05, s24;
	[bflag:$0x0] =	sbarrier.arrive $0xFFFF;
	(pc) =	sbr.rel @!p0 .LBB2_9-.Ltmp1, $4  }
0x19: {  	[hbm:s22], [sflag:s24] =	dma.local [spmem:s25], $0x2780  }
0x1a: {  	_ =	swait.ge [sflag:s16], $0x2780  }
0x1b: {  	[sflag:s16] =	ssyncset.done $0x0  }
0x1c: {  	[sflag:s16] =	ssyncadd.s32 $0xFFFFD880  }
.LBB2_1:
0x1d: {  	s24 =	sand.u32 $0xFE00, s2  }
0x1e: {  	s25 =	sand.u32 $0x70, s2;
	s26 =	sshrl.u32 s24, $0x2  }
0x1f: {  	s24 =	simm.s32 $0x40;
	s26 =	sor.u32 s25, s26;
	s25 =	simm.s32 $0x0  }
.LBB2_2:
0x20: {  	p0 =	sne.s32 s24, $0xFFC0  }
0x21: {  	[tilespmem:s26+$0x100] =	vst v0;
	s25 =	sadd.s32 $0x10, s25;
	s26 =	smov.u32 s24;
	s24 =	sadd.s32 $0x40, s24  }
.Ltmp2:
0x22: {  	(pc) =	sbr.rel @p0 .LBB2_2-.Ltmp2, $4  }
0x23: {  	_ = 	snop  }
0x24: {  	s26 =	sand.u32 $0xFE00, s26  }
0x25: {  	s28 =	sand.u32 $0x70, s25;
	s26 =	sshrl.u32 s26, $0x2  }
0x26: {  	s26 =	sor.u32 s28, s26  }
0x27: {  	[tilespmem:s26+$0x100] =	vst v0  }
0x28: {  	[spmem:s4] =	stream.linear.scatter [tilespmem:s15], [sflag:$0x5], $0x4000, $0x38;
	[tilespmem:$0x17D00] =	vst v63  }
0x29: {  	_ =	swait.ge [sflag:s16], $0x4000  }
0x2a: {  	[sflag:s16] =	ssyncset.done $0x0  }
0x2b: {  	[sflag:s16] =	ssyncadd.s32 $0xFFFFC000  }
0x2c: {  	[spmem:s5] =	stream.linear.scatter [tilespmem:s15], [sflag:$0x5], $0x4000, $0x38;
	[tilespmem:$0x17D00] =	vst v63  }
0x2d: {  	_ =	swait.ge [sflag:s16], $0x4000  }
0x2e: {  	[sflag:s16] =	ssyncset.done $0x0  }
0x2f: {  	[sflag:s16] =	ssyncadd.s32 $0xFFFFC000  }
0x30: {  	[spmem:s6] =	stream.linear.scatter [tilespmem:s15], [sflag:$0x5], $0x4000, $0x38;
	[tilespmem:$0x17D00] =	vst v63  }
0x31: {  	_ =	swait.ge [sflag:s16], $0x4000  }
0x32: {  	[sflag:s16] =	ssyncset.done $0x0  }
0x33: {  	[sflag:s16] =	ssyncadd.s32 $0xFFFFC000  }
0x34: {  	[spmem:s7] =	stream.linear.scatter [tilespmem:s15], [sflag:$0x5], $0x4000, $0x38;
	[tilespmem:$0x17D00] =	vst v63  }
0x35: {  	_ =	swait.ge [sflag:s16], $0x4000  }
0x36: {  	[sflag:s16] =	ssyncset.done $0x0  }
0x37: {  	s24 =	simm.s32 $0x0;
	[sflag:s16] =	ssyncadd.s32 $0xFFFFC000  }
0x38: {  	[spmem:s8] =	stream.linear.scatter [tilespmem:s15], [sflag:$0x5], $0x3C00, $0x38;
	[tilespmem:$0x17D00] =	vst v63  }
0x39: {  	s25 =	sand.u32 $0xFE00, s24;
	_ =	swait.ge [sflag:s16], $0x3C00  }
0x3a: {  	s31 =	sand.u32 $0x70, s24;
	s28 =	sshrl.u32 s25, $0x2;
	[sflag:s16] =	ssyncset.done $0x0  }
0x3b: {  	s25 =	simm.s32 $0x40;
	s26 =	sor.u32 s31, s28;
	[sflag:s16] =	ssyncadd.s32 $0xFFFFC400  }
.LBB2_4:
0x3c: {  	p0 =	sne.s32 s25, $0xFFC0  }
0x3d: {  	[tilespmem:s26+$0x100] =	vst v1;
	s24 =	sadd.s32 $0x10, s24;
	s26 =	smov.u32 s25;
	s25 =	sadd.s32 $0x40, s25  }
.Ltmp3:
0x3e: {  	(pc) =	sbr.rel @p0 .LBB2_4-.Ltmp3, $4  }
0x3f: {  	_ = 	snop  }
0x40: {  	s26 =	sand.u32 $0xFE00, s26  }
0x41: {  	s28 =	sand.u32 $0x70, s24;
	s26 =	sshrl.u32 s26, $0x2  }
0x42: {  	s26 =	sor.u32 s28, s26  }
0x43: {  	[tilespmem:s26+$0x100] =	vst v1  }
0x44: {  	s24 =	simm.s32 $0x0;
	[bflag:$0x0] =	sbarrier.arrive $0xFFFF  }
0x45: {  	[tilespmem:s24], [sflag:$0x3] =	stream.linear.gather [hbm4b:s9+s24], $0x80, $0x38;
	[tilespmem:$0x17D00] =	vst v63  }
0x46: {  	_ = 	snop  }
0x47: {  	[tilespmem:s17], [sflag:$0x4] =	stream.linear.gather [hbm4b:s11+s24], $0x80, $0x38;
	[tilespmem:$0x17D00] =	vst v63  }
0x48: {  	_ =	swait.ge [sflag:s18], $0x80  }
0x49: {  	[sflag:s18] =	ssyncset.done $0x0  }
0x4a: {  	[sflag:s18] =	ssyncadd.s32 $0xFFFFFF80  }
0x4b: {  	[spmem:s1] =	stream.indirect.scatter.add.f32 [tilespmem:s15], [sflag:$0x1], $0x80, s24, s17, $0xb8;
	[tilespmem:$0x17D00] =	vst v63  }
0x4c: {  	_ =	swait.ge [sflag:s19], $0x80  }
0x4d: {  	[sflag:s19] =	ssyncset.done $0x0  }
0x4e: {  	[sflag:s19] =	ssyncadd.s32 $0xFFFFFF80  }
0x4f: {  	[spmem:s1] =	stream.indirect.scatter.add.f32 [tilespmem:s15], [sflag:$0x2], $0x80, s17, s17, $0xb8;
	[tilespmem:$0x17D00] =	vst v63  }
0x50: {  	_ =	swait.ge [sflag:s20], $0x4000  }
0x51: {  	[sflag:s20] =	ssyncset.done $0x0  }
0x52: {  	[sflag:s20] =	ssyncadd.s32 $0xFFFFC000  }
0x53: {  	[tilespmem:s24], [sflag:$0x3] =	stream.linear.gather [hbm4b:s12+s24], $0x80, $0x38;
	[tilespmem:$0x17D00] =	vst v63  }
.LBB2_6:
0x54: {  	_ =	swait.ge [sflag:s21], $0x4000  }
0x55: {  	[sflag:s21] =	ssyncset.done $0x0  }
0x56: {  	s25 =	sadd.s32 s24, s14;
	[sflag:s21] =	ssyncadd.s32 $0xFFFFC000  }
0x57: {  	[tilespmem:s17], [sflag:$0x4] =	stream.linear.gather [hbm4b:s25+s2], $0x80, $0x38;
	[tilespmem:$0x17D00] =	vst v63  }
0x58: {  	_ =	swait.ge [sflag:s18], $0x80  }
0x59: {  	[sflag:s18] =	ssyncset.done $0x0  }
0x5a: {  	[sflag:s18] =	ssyncadd.s32 $0xFFFFFF80  }
0x5b: {  	[spmem:s1] =	stream.indirect.scatter.add.f32 [tilespmem:s15], [sflag:$0x1], $0x80, s2, s17, $0xb8;
	[tilespmem:$0x17D00] =	vst v63  }
0x5c: {  	_ =	swait.ge [sflag:s19], $0x80  }
0x5d: {  	p0 =	seq.s32 s24, $0x4C0;
	[sflag:s19] =	ssyncset.done $0x0  }
.Ltmp4:
0x5e: {  	[sflag:s19] =	ssyncadd.s32 $0xFFFFFF80;
	(pc) =	sbr.rel @p0 .LBB2_8-.Ltmp4, $4  }
0x5f: {  	[spmem:s1] =	stream.indirect.scatter.add.f32 [tilespmem:s15], [sflag:$0x2], $0x80, s17, s17, $0xb8;
	[tilespmem:$0x17D00] =	vst v63  }
0x60: {  	_ =	swait.ge [sflag:s20], $0x4000  }
0x61: {  	[sflag:s20] =	ssyncset.done $0x0  }
0x62: {  	[sflag:s20] =	ssyncadd.s32 $0xFFFFC000  }
.Ltmp5:
0x63: {  	(pc) =	sbr.rel .LBB2_6-.Ltmp5, $3  }
0x64: {  	_ =	sdelay $0x1  }
0x65: {  	s25 =	sadd.s32 s24, s13;
	s24 =	sadd.s32 $0x20, s24  }
0x66: {  	[tilespmem:s2], [sflag:$0x3] =	stream.linear.gather [hbm4b:s25+s2], $0x80, $0x38;
	[tilespmem:$0x17D00] =	vst v63  }
.LBB2_9:
0x67: {  	_ =	sfence.sel $0x180000  }
0x68: {  	[bflag:$0x0] =	sbarrier.arrive $0xFFFF  }
0x69: {  	p0 =	sne.s32 s3, $0x0;
	_ =	strace $0x9000004A  }
0x6a: {  	s0 =	sadd.s32 @!p0 $0x100000, s0;
	[bflag:$0x2] =	sbarrier.arrive $0xFFFF  }
0x6b: {  	[sflag:s0] =	ssyncadd.tile.s32 @!p0 $0x1;
	_ =	shalt  }
.Lfunc_end2:
_tile_overlayer_lowered:
.L_overlay_start_2:
0x6c: {  	(tag) =	ssettag $0x2  }
0x6d: {  	s0 =	rddreg [dreg:$0x0];
	s2 =	stileid.u32  }
0x6e: {  	s1 =	rddreg [dreg:$0x1];
	p0 =	sne.s32 s2, $0x0  }
0x6f: {  	s3 =	rddreg [dreg:$0x2];
	[bflag:$0x3] =	sbarrier.arrive $0xFFFF;
	s2 =	simm.s32 @!p0 $0x1C05  }
0x70: {  	[timem:s3], [sflag:s2] =	dma.local @!p0 [hbm:s0], s1  }
0x71: {  	s0 =	simm.s32 @!p0 $0x5  }
0x72: {  	_ =	swait.ge @!p0 [sflag:s0], s1  }
0x73: {  	s1 =	ssub.s32 @!p0 $0x0, s1;
	[sflag:s0] =	ssyncset.done @!p0 $0x0  }
0x74: {  	[sflag:s0] =	ssyncadd.s32 @!p0 s1  }
0x75: {  	[bflag:$0x3] =	sbarrier.arrive $0xFFFF  }
0x76: {  	_ =	shalt  }

</sc_bundles>
